<compile_context>
chip_gen: v7x
topology: tpu7x:2x2x1
jax: 0.10.2.dev20260603
libtpu: 0.0.44.dev20260713+nightly
codegen_flags: <defaults>
</compile_context>

<pallas_src>
import functools

import jax
import jax.numpy as jnp
from jax import lax
from jax.experimental import pallas as pl
from jax.experimental.pallas import tpu as pltpu
from jax.experimental.pallas import tpu_sc as plsc

N_OUT = 10000
HALF = N_OUT // 2
N_CORES = 2
N_SUB = 16
CB = 80
NBUF = 8
ZZ = 16
DB = 40
TRASH = 8


def _sc_scatter(inputs, idx3, earr):
    E, D = inputs.shape
    nchunks = E // CB
    spt = nchunks // N_SUB
    max_rounds = -(-spt // NBUF)

    mesh = plsc.VectorSubcoreMesh(core_axis_name="c", subcore_axis_name="s")

    @functools.partial(
        pl.kernel,
        out_type=jax.ShapeDtypeStruct((N_CORES, HALF, D), jnp.float32),
        scratch_types=[
            pltpu.VMEM_SHARED((HALF + TRASH, D), jnp.float32),
            pltpu.VMEM((NBUF, 1, CB), jnp.int32),
            pltpu.VMEM((NBUF, CB, D), jnp.float32),
            pltpu.VMEM((ZZ, D), jnp.float32),
            pltpu.VMEM((16,), jnp.int32),
        ] + [pltpu.SemaphoreType.DMA] * (2 * NBUF + 1),
        mesh=mesh,
    )
    def k(inp_hbm, idx_hbm, earr_hbm, out_hbm, acc, idx_v, rows_v,
          zbuf, esc_v, *sems):
        si = sems[:NBUF]
        ss = sems[NBUF:2 * NBUF]
        sz = sems[2 * NBUF]
        c = lax.axis_index("c")
        s = lax.axis_index("s")
        is0 = c == 0

        pltpu.sync_copy(earr_hbm, esc_v)
        e_star = esc_v[...][0]
        hi0 = (e_star + CB - 1) // CB
        lo1 = e_star // CB

        def cid_of(t):
            return jnp.where(is0, s + N_SUB * t, s + N_SUB * (spt - 1 - t))

        def valid(t):
            cid = cid_of(t)
            return jnp.where(is0, cid < hi0, cid >= lo1)

        def start_in(t, b):
            cid = cid_of(t)
            pltpu.async_copy(idx_hbm.at[cid], idx_v.at[b], si[b])
            pltpu.async_copy(inp_hbm.at[pl.ds(cid * CB, CB)], rows_v.at[b],
                             si[b])

        def wait_in(b):
            pltpu.make_async_copy(idx_hbm.at[0], idx_v.at[b], si[b]).wait()
            pltpu.make_async_copy(
                inp_hbm.at[pl.ds(0, CB)], rows_v.at[b], si[b]).wait()

        def start_scat(b):
            pltpu.async_copy(rows_v.at[b], acc.at[idx_v.at[b, 0]], ss[b],
                             add=True)

        def wait_scat(b):
            pltpu.make_async_copy(
                rows_v.at[b], acc.at[idx_v.at[0, 0]], ss[b]).wait()

        def rebase(b):
            base = jnp.full((16,), c * HALF, jnp.int32)
            for jj in range(CB // 16):
                v = idx_v[b, 0, pl.ds(jj * 16, 16)] - base
                v = jnp.where(v < 0, HALF, v)
                v = jnp.minimum(v, HALF)
                idx_v[b, 0, pl.ds(jj * 16, 16)] = v

        for b in range(NBUF):
            @pl.when(valid(b))
            def _():
                start_in(b, b)

        def zrow(i, carry):
            for jj in range(D // 16):
                zbuf[i, pl.ds(jj * 16, 16)] = jnp.zeros((16,), jnp.float32)
            return carry

        lax.fori_loop(0, ZZ, zrow, 0)
        nzblk = (HALF + TRASH) // ZZ
        zpt = -(-nzblk // N_SUB)
        nz_full = 0

        for b in range(zpt):
            bid = s + b * N_SUB
            if b * N_SUB + N_SUB <= nzblk:
                pltpu.async_copy(zbuf, acc.at[pl.ds(bid * ZZ, ZZ)], sz)
                nz_full += 1
            else:
                @pl.when(bid < nzblk)
                def _():
                    pltpu.async_copy(zbuf, acc.at[pl.ds(bid * ZZ, ZZ)], sz)

        def zwait(_, carry):
            pltpu.make_async_copy(zbuf, acc.at[pl.ds(0, ZZ)], sz).wait()
            return carry

        lax.fori_loop(0, nz_full, zwait, 0)
        if zpt * N_SUB != nzblk:
            @pl.when(s + (zpt - 1) * N_SUB < nzblk)
            def _():
                pltpu.make_async_copy(zbuf, acc.at[pl.ds(0, ZZ)], sz).wait()
        plsc.subcore_barrier()

        def w_body(r, carry):
            for b in range(NBUF):
                t = r * NBUF + b

                @pl.when(valid(t))
                def _():
                    wait_in(b)
                    rebase(b)
                    start_scat(b)
            for b in range(NBUF):
                tn = (r + 1) * NBUF + b

                @pl.when(valid(tn))
                def _():
                    wait_scat(b)
                    start_in(tn, b)
            return carry

        lax.fori_loop(0, max_rounds, w_body, 0)
        for b in range(NBUF):
            @pl.when(valid(b))
            def _():
                wait_scat(b)
        plsc.subcore_barrier()

        ndblk = HALF // DB
        dpt = -(-ndblk // N_SUB)
        nd_full = 0
        for b in range(dpt):
            bid = s + b * N_SUB
            if b * N_SUB + N_SUB <= ndblk:
                pltpu.async_copy(acc.at[pl.ds(bid * DB, DB)],
                                 out_hbm.at[c, pl.ds(bid * DB, DB)], sz)
                nd_full += 1
            else:
                @pl.when(bid < ndblk)
                def _():
                    pltpu.async_copy(acc.at[pl.ds(bid * DB, DB)],
                                     out_hbm.at[c, pl.ds(bid * DB, DB)], sz)

        def dwait(_, carry):
            pltpu.make_async_copy(acc.at[pl.ds(0, DB)],
                                  out_hbm.at[0, pl.ds(0, DB)], sz).wait()
            return carry

        lax.fori_loop(0, nd_full, dwait, 0)
        if dpt * N_SUB != ndblk:
            @pl.when(s + (dpt - 1) * N_SUB < ndblk)
            def _():
                pltpu.make_async_copy(acc.at[pl.ds(0, DB)],
                                      out_hbm.at[0, pl.ds(0, DB)], sz).wait()

    return k(inputs, idx3, earr)


def kernel(inputs, index, dim_size):
    del dim_size
    idx = index.astype(jnp.int32)
    e_star = jnp.sum((idx < HALF).astype(jnp.int32))
    earr = jnp.full((16,), e_star, jnp.int32)
    idx3 = idx.reshape(-1, 1, CB)
    halves = _sc_scatter(inputs, idx3, earr)
    return halves.reshape(N_OUT, -1)

# --- scband reference (transcript-rebuilt; emitter-appended) ---
"""Pipeline reference for scband-message-passing-29575144800265 (READ-ONLY COPY).

The authoritative reference and input builder live on the scoring server;
editing this copy changes nothing except your own understanding.
"""

import jax, jax.numpy as jnp
import numpy as np


def setup_inputs(seed: int = 0) -> dict:
    key = jax.random.key(seed)
    k1, k2 = jax.random.split(key)
    inputs = jax.random.normal(k1, (320000, 128), dtype=jnp.float32)
    index = jnp.sort(jax.random.randint(k2, (320000,), 0, 10000, dtype=jnp.int64))
    return {"inputs": inputs, "index": index, "dim_size": 10000}


def reference(inputs, index, dim_size):
    # MessagePassing.aggregate with aggr='add' delegates to SumAggregation,
    # which performs scatter(inputs, index, dim=-2, dim_size, reduce='sum').
    # Equivalent jax primitive: segment_sum over the node dimension.
    out = jax.ops.segment_sum(inputs, index, num_segments=10000)
    out = out + jnp.zeros((), out.dtype) * dim_size
    return out

if __name__ == "__main__":
    import jax
    _d = setup_inputs()
    print(jax.jit(kernel)(*tuple(_d.values())))

</pallas_src>

<mosaic_0001>
#map = affine_map<(d0, d1) -> (0, 0)>
#map1 = affine_map<(d0, d1) -> (0, 0, 0)>
#map2 = affine_map<(d0, d1) -> (0)>
module attributes {stable_mosaic.version = 14 : i64} {
  func.func @k(%arg0: i32, %arg1: i32, %arg2: memref<320000x128xf32, #tpu.memory_space<hbm>>, %arg3: memref<4000x1x80xi32, #tpu.memory_space<hbm>>, %arg4: memref<16xi32, #tpu.memory_space<hbm>>, %arg5: memref<2x5000x128xf32, #tpu.memory_space<hbm>>, %arg6: memref<5008x128xf32, #tpu.memory_space<vmem_shared>>, %arg7: memref<8x1x80xi32, #tpu.memory_space<vmem>>, %arg8: memref<8x80x128xf32, #tpu.memory_space<vmem>>, %arg9: memref<16x128xf32, #tpu.memory_space<vmem>>, %arg10: memref<16xi32, #tpu.memory_space<vmem>>, %arg11: memref<!tpu.dma_semaphore, #tpu.memory_space<semaphore_mem>>, %arg12: memref<!tpu.dma_semaphore, #tpu.memory_space<semaphore_mem>>, %arg13: memref<!tpu.dma_semaphore, #tpu.memory_space<semaphore_mem>>, %arg14: memref<!tpu.dma_semaphore, #tpu.memory_space<semaphore_mem>>, %arg15: memref<!tpu.dma_semaphore, #tpu.memory_space<semaphore_mem>>, %arg16: memref<!tpu.dma_semaphore, #tpu.memory_space<semaphore_mem>>, %arg17: memref<!tpu.dma_semaphore, #tpu.memory_space<semaphore_mem>>, %arg18: memref<!tpu.dma_semaphore, #tpu.memory_space<semaphore_mem>>, %arg19: memref<!tpu.dma_semaphore, #tpu.memory_space<semaphore_mem>>, %arg20: memref<!tpu.dma_semaphore, #tpu.memory_space<semaphore_mem>>, %arg21: memref<!tpu.dma_semaphore, #tpu.memory_space<semaphore_mem>>, %arg22: memref<!tpu.dma_semaphore, #tpu.memory_space<semaphore_mem>>, %arg23: memref<!tpu.dma_semaphore, #tpu.memory_space<semaphore_mem>>, %arg24: memref<!tpu.dma_semaphore, #tpu.memory_space<semaphore_mem>>, %arg25: memref<!tpu.dma_semaphore, #tpu.memory_space<semaphore_mem>>, %arg26: memref<!tpu.dma_semaphore, #tpu.memory_space<semaphore_mem>>, %arg27: memref<!tpu.dma_semaphore, #tpu.memory_space<semaphore_mem>>) attributes {dimension_semantics = [#tpu.dimension_semantics<core_parallel>, #tpu.dimension_semantics<subcore_parallel>], iteration_bounds = array<i64: 2, 16>, scalar_prefetch = 0 : i64, scratch_operands = 22 : i64, tpu.core_type = #tpu.core_type<sc_vector_subcore>, window_params = [{transform_indices = #map}, {transform_indices = #map1}, {transform_indices = #map2}, {transform_indices = #map1}]} {
    %eq3A = arith.constant 0 : i32
    %eq3A_0 = arith.cmpi eq, %arg0, %eq3A : i32
    "tpu.region"() ({
      %run_scoped3A = tpu.sem_alloc : memref<!tpu.dma_semaphore, #tpu.memory_space<semaphore_mem>>
      tpu.enqueue_dma source(%arg4 : memref<16xi32, #tpu.memory_space<hbm>>) target(%arg10 : memref<16xi32, #tpu.memory_space<vmem>>) target_semaphore(%run_scoped3A : memref<!tpu.dma_semaphore, #tpu.memory_space<semaphore_mem>>)
      tpu.wait_dma2 semaphore(%run_scoped3A : memref<!tpu.dma_semaphore, #tpu.memory_space<semaphore_mem>>) src(%arg4 : memref<16xi32, #tpu.memory_space<hbm>>) dst(%arg10 : memref<16xi32, #tpu.memory_space<vmem>>)
      tpu.yield
    }) : () -> ()
    %get3A = arith.constant 0 : index
    %get3A_1 = tpu.vector_load %arg10[%get3A] {strides = array<i32>} : memref<16xi32, #tpu.memory_space<vmem>>, vector<16xi32>,
    %get3A_2 = vector.shape_cast %get3A_1 : vector<16xi32> to vector<16xi32>
    %slice3A = vector.extract_strided_slice %get3A_2 {offsets = [0], sizes = [1], strides = [1]} : vector<16xi32> to vector<1xi32>
    %squeeze3A = vector.extract %slice3A[0] : i32 from vector<1xi32>
    %add3A = arith.constant 80 : i32
    %add3A_3 = arith.addi %squeeze3A, %add3A : i32
    %sub3A = arith.constant 1 : i32
    %sub3A_4 = arith.subi %add3A_3, %sub3A : i32
    %jit3A = arith.constant 80 : i32
    %div3A = arith.divsi %sub3A_4, %jit3A : i32
    %sign3A = arith.constant 0 : i32
    %sign3A_5 = arith.cmpi sgt, %sub3A_4, %sign3A : i32
    %sign3A_6 = arith.extui %sign3A_5 : i1 to i32
    %sign3A_7 = arith.constant 0 : i32
    %sign3A_8 = arith.cmpi slt, %sub3A_4, %sign3A_7 : i32
    %sign3A_9 = arith.extui %sign3A_8 : i1 to i32
    %sign3A_10 = arith.subi %sign3A_6, %sign3A_9 : i32
    %sign3A_11 = arith.constant 0 : i32
    %sign3A_12 = arith.cmpi sgt, %jit3A, %sign3A_11 : i32
    %sign3A_13 = arith.extui %sign3A_12 : i1 to i32
    %sign3A_14 = arith.constant 0 : i32
    %sign3A_15 = arith.cmpi slt, %jit3A, %sign3A_14 : i32
    %sign3A_16 = arith.extui %sign3A_15 : i1 to i32
    %sign3A_17 = arith.subi %sign3A_13, %sign3A_16 : i32
    %ne3A = arith.cmpi ne, %sign3A_10, %sign3A_17 : i32
    %rem3A = arith.remsi %sub3A_4, %jit3A : i32
    %ne3A_18 = arith.constant 0 : i32
    %ne3A_19 = arith.cmpi ne, %rem3A, %ne3A_18 : i32
    %and3A = arith.andi %ne3A, %ne3A_19 : i1
    %sub3A_20 = arith.constant 1 : i32
    %sub3A_21 = arith.subi %div3A, %sub3A_20 : i32
    %select_n3A = arith.select %and3A, %sub3A_21, %div3A : i32
    %jit3A_22 = arith.constant 80 : i32
    %div3A_23 = arith.divsi %squeeze3A, %jit3A_22 : i32
    %sign3A_24 = arith.constant 0 : i32
    %sign3A_25 = arith.cmpi sgt, %squeeze3A, %sign3A_24 : i32
    %sign3A_26 = arith.extui %sign3A_25 : i1 to i32
    %sign3A_27 = arith.constant 0 : i32
    %sign3A_28 = arith.cmpi slt, %squeeze3A, %sign3A_27 : i32
    %sign3A_29 = arith.extui %sign3A_28 : i1 to i32
    %sign3A_30 = arith.subi %sign3A_26, %sign3A_29 : i32
    %sign3A_31 = arith.constant 0 : i32
    %sign3A_32 = arith.cmpi sgt, %jit3A_22, %sign3A_31 : i32
    %sign3A_33 = arith.extui %sign3A_32 : i1 to i32
    %sign3A_34 = arith.constant 0 : i32
    %sign3A_35 = arith.cmpi slt, %jit3A_22, %sign3A_34 : i32
    %sign3A_36 = arith.extui %sign3A_35 : i1 to i32
    %sign3A_37 = arith.subi %sign3A_33, %sign3A_36 : i32
    %ne3A_38 = arith.cmpi ne, %sign3A_30, %sign3A_37 : i32
    %rem3A_39 = arith.remsi %squeeze3A, %jit3A_22 : i32
    %ne3A_40 = arith.constant 0 : i32
    %ne3A_41 = arith.cmpi ne, %rem3A_39, %ne3A_40 : i32
    %and3A_42 = arith.andi %ne3A_38, %ne3A_41 : i1
    %sub3A_43 = arith.constant 1 : i32
    %sub3A_44 = arith.subi %div3A_23, %sub3A_43 : i32
    %select_n3A_45 = arith.select %and3A_42, %sub3A_44, %div3A_23 : i32
    %add3A_46 = arith.constant 0 : i32
    %add3A_47 = arith.addi %arg1, %add3A_46 : i32
    %add3A_48 = arith.constant 3984 : i32
    %add3A_49 = arith.addi %arg1, %add3A_48 : i32
    %select_n3A_50 = arith.select %eq3A_0, %add3A_47, %add3A_49 : i32
    %lt3A = arith.cmpi slt, %select_n3A_50, %select_n3A : i32
    %ge3A = arith.cmpi sge, %select_n3A_50, %select_n3A_45 : i32
    %select_n3A_51 = arith.select %eq3A_0, %lt3A, %ge3A : i1
    %convert_element_type3A = arith.extui %select_n3A_51 : i1 to i32
    %cond3A = arith.constant 0 : i32
    %cond3A_52 = arith.cmpi ne, %convert_element_type3A, %cond3A : i32
    scf.if %cond3A_52 {
      %add3A_497 = arith.constant 0 : i32
      %add3A_498 = arith.addi %arg1, %add3A_497 : i32
      %add3A_499 = arith.constant 3984 : i32
      %add3A_500 = arith.addi %arg1, %add3A_499 : i32
      %select_n3A_501 = arith.select %eq3A_0, %add3A_498, %add3A_500 : i32
      %dma_start3A_502 = arith.constant 0 : i32
      %dma_start3A_503 = arith.constant 0 : i32
      %dma_start3A_504 = arith.constant 0 : i32
      %dma_start3A_505 = tpu.memref_slice %arg7[%dma_start3A_502, %dma_start3A_503, %dma_start3A_504] : memref<8x1x80xi32, #tpu.memory_space<vmem>> -> memref<1x1x80xi32, #tpu.memory_space<vmem>>
      %dma_start3A_506 = tpu.memref_squeeze %dma_start3A_505 : memref<1x1x80xi32, #tpu.memory_space<vmem>> -> memref<1x80xi32, #tpu.memory_space<vmem>>
      %dma_start3A_507 = arith.constant 0 : i32
      %dma_start3A_508 = arith.constant 0 : i32
      %dma_start3A_509 = tpu.memref_slice %arg3[%select_n3A_501, %dma_start3A_507, %dma_start3A_508] : memref<4000x1x80xi32, #tpu.memory_space<hbm>> -> memref<1x1x80xi32, #tpu.memory_space<hbm>>
      %dma_start3A_510 = tpu.memref_squeeze %dma_start3A_509 : memref<1x1x80xi32, #tpu.memory_space<hbm>> -> memref<1x80xi32, #tpu.memory_space<hbm>>
      %dma_start3A_511 = arith.constant 0 : i32
      %dma_start3A_512 = arith.constant 0 : i32
      %dma_start3A_513 = tpu.memref_slice %arg7[%dma_start3A_502, %dma_start3A_511, %dma_start3A_512] : memref<8x1x80xi32, #tpu.memory_space<vmem>> -> memref<1x1x80xi32, #tpu.memory_space<vmem>>
      %dma_start3A_514 = tpu.memref_squeeze %dma_start3A_513 : memref<1x1x80xi32, #tpu.memory_space<vmem>> -> memref<1x80xi32, #tpu.memory_space<vmem>>
      %dma_start3A_515 = arith.constant 0 : i32
      %dma_start3A_516 = arith.constant 0 : i32
      %dma_start3A_517 = tpu.memref_slice %arg3[%select_n3A_501, %dma_start3A_515, %dma_start3A_516] : memref<4000x1x80xi32, #tpu.memory_space<hbm>> -> memref<1x1x80xi32, #tpu.memory_space<hbm>>
      %dma_start3A_518 = tpu.memref_squeeze %dma_start3A_517 : memref<1x1x80xi32, #tpu.memory_space<hbm>> -> memref<1x80xi32, #tpu.memory_space<hbm>>
      tpu.enqueue_dma source(%dma_start3A_518 : memref<1x80xi32, #tpu.memory_space<hbm>>) target(%dma_start3A_514 : memref<1x80xi32, #tpu.memory_space<vmem>>) target_semaphore(%arg11 : memref<!tpu.dma_semaphore, #tpu.memory_space<semaphore_mem>>)
      %mul3A_519 = arith.constant 80 : i32
      %mul3A_520 = arith.muli %select_n3A_501, %mul3A_519 : i32
      %dma_start3A_521 = arith.constant 0 : i32
      %dma_start3A_522 = arith.constant 0 : i32
      %dma_start3A_523 = arith.constant 0 : i32
      %dma_start3A_524 = tpu.memref_slice %arg8[%dma_start3A_521, %dma_start3A_522, %dma_start3A_523] : memref<8x80x128xf32, #tpu.memory_space<vmem>> -> memref<1x80x128xf32, #tpu.memory_space<vmem>>
      %dma_start3A_525 = tpu.memref_squeeze %dma_start3A_524 : memref<1x80x128xf32, #tpu.memory_space<vmem>> -> memref<80x128xf32, #tpu.memory_space<vmem>>
      %dma_start3A_526 = arith.constant 0 : i32
      %dma_start3A_527 = tpu.memref_slice %arg2[%mul3A_520, %dma_start3A_526] : memref<320000x128xf32, #tpu.memory_space<hbm>> -> memref<80x128xf32, #tpu.memory_space<hbm>>
      %dma_start3A_528 = arith.constant 0 : i32
      %dma_start3A_529 = arith.constant 0 : i32
      %dma_start3A_530 = tpu.memref_slice %arg8[%dma_start3A_521, %dma_start3A_528, %dma_start3A_529] : memref<8x80x128xf32, #tpu.memory_space<vmem>> -> memref<1x80x128xf32, #tpu.memory_space<vmem>>
      %dma_start3A_531 = tpu.memref_squeeze %dma_start3A_530 : memref<1x80x128xf32, #tpu.memory_space<vmem>> -> memref<80x128xf32, #tpu.memory_space<vmem>>
      %dma_start3A_532 = arith.constant 0 : i32
      %dma_start3A_533 = tpu.memref_slice %arg2[%mul3A_520, %dma_start3A_532] : memref<320000x128xf32, #tpu.memory_space<hbm>> -> memref<80x128xf32, #tpu.memory_space<hbm>>
      tpu.enqueue_dma source(%dma_start3A_533 : memref<80x128xf32, #tpu.memory_space<hbm>>) target(%dma_start3A_531 : memref<80x128xf32, #tpu.memory_space<vmem>>) target_semaphore(%arg11 : memref<!tpu.dma_semaphore, #tpu.memory_space<semaphore_mem>>)
    } else {
    }
    %add3A_53 = arith.constant 16 : i32
    %add3A_54 = arith.addi %arg1, %add3A_53 : i32
    %add3A_55 = arith.constant 3968 : i32
    %add3A_56 = arith.addi %arg1, %add3A_55 : i32
    %select_n3A_57 = arith.select %eq3A_0, %add3A_54, %add3A_56 : i32
    %lt3A_58 = arith.cmpi slt, %select_n3A_57, %select_n3A : i32
    %ge3A_59 = arith.cmpi sge, %select_n3A_57, %select_n3A_45 : i32
    %select_n3A_60 = arith.select %eq3A_0, %lt3A_58, %ge3A_59 : i1
    %convert_element_type3A_61 = arith.extui %select_n3A_60 : i1 to i32
    %cond3A_62 = arith.constant 0 : i32
    %cond3A_63 = arith.cmpi ne, %convert_element_type3A_61, %cond3A_62 : i32
    scf.if %cond3A_63 {
      %add3A_497 = arith.constant 16 : i32
      %add3A_498 = arith.addi %arg1, %add3A_497 : i32
      %add3A_499 = arith.constant 3968 : i32
      %add3A_500 = arith.addi %arg1, %add3A_499 : i32
      %select_n3A_501 = arith.select %eq3A_0, %add3A_498, %add3A_500 : i32
      %dma_start3A_502 = arith.constant 1 : i32
      %dma_start3A_503 = arith.constant 0 : i32
      %dma_start3A_504 = arith.constant 0 : i32
      %dma_start3A_505 = tpu.memref_slice %arg7[%dma_start3A_502, %dma_start3A_503, %dma_start3A_504] : memref<8x1x80xi32, #tpu.memory_space<vmem>> -> memref<1x1x80xi32, #tpu.memory_space<vmem>>
      %dma_start3A_506 = tpu.memref_squeeze %dma_start3A_505 : memref<1x1x80xi32, #tpu.memory_space<vmem>> -> memref<1x80xi32, #tpu.memory_space<vmem>>
      %dma_start3A_507 = arith.constant 0 : i32
      %dma_start3A_508 = arith.constant 0 : i32
      %dma_start3A_509 = tpu.memref_slice %arg3[%select_n3A_501, %dma_start3A_507, %dma_start3A_508] : memref<4000x1x80xi32, #tpu.memory_space<hbm>> -> memref<1x1x80xi32, #tpu.memory_space<hbm>>
      %dma_start3A_510 = tpu.memref_squeeze %dma_start3A_509 : memref<1x1x80xi32, #tpu.memory_space<hbm>> -> memref<1x80xi32, #tpu.memory_space<hbm>>
      %dma_start3A_511 = arith.constant 0 : i32
      %dma_start3A_512 = arith.constant 0 : i32
      %dma_start3A_513 = tpu.memref_slice %arg7[%dma_start3A_502, %dma_start3A_511, %dma_start3A_512] : memref<8x1x80xi32, #tpu.memory_space<vmem>> -> memref<1x1x80xi32, #tpu.memory_space<vmem>>
      %dma_start3A_514 = tpu.memref_squeeze %dma_start3A_513 : memref<1x1x80xi32, #tpu.memory_space<vmem>> -> memref<1x80xi32, #tpu.memory_space<vmem>>
      %dma_start3A_515 = arith.constant 0 : i32
      %dma_start3A_516 = arith.constant 0 : i32
      %dma_start3A_517 = tpu.memref_slice %arg3[%select_n3A_501, %dma_start3A_515, %dma_start3A_516] : memref<4000x1x80xi32, #tpu.memory_space<hbm>> -> memref<1x1x80xi32, #tpu.memory_space<hbm>>
      %dma_start3A_518 = tpu.memref_squeeze %dma_start3A_517 : memref<1x1x80xi32, #tpu.memory_space<hbm>> -> memref<1x80xi32, #tpu.memory_space<hbm>>
      tpu.enqueue_dma source(%dma_start3A_518 : memref<1x80xi32, #tpu.memory_space<hbm>>) target(%dma_start3A_514 : memref<1x80xi32, #tpu.memory_space<vmem>>) target_semaphore(%arg12 : memref<!tpu.dma_semaphore, #tpu.memory_space<semaphore_mem>>)
      %mul3A_519 = arith.constant 80 : i32
      %mul3A_520 = arith.muli %select_n3A_501, %mul3A_519 : i32
      %dma_start3A_521 = arith.constant 1 : i32
      %dma_start3A_522 = arith.constant 0 : i32
      %dma_start3A_523 = arith.constant 0 : i32
      %dma_start3A_524 = tpu.memref_slice %arg8[%dma_start3A_521, %dma_start3A_522, %dma_start3A_523] : memref<8x80x128xf32, #tpu.memory_space<vmem>> -> memref<1x80x128xf32, #tpu.memory_space<vmem>>
      %dma_start3A_525 = tpu.memref_squeeze %dma_start3A_524 : memref<1x80x128xf32, #tpu.memory_space<vmem>> -> memref<80x128xf32, #tpu.memory_space<vmem>>
      %dma_start3A_526 = arith.constant 0 : i32
      %dma_start3A_527 = tpu.memref_slice %arg2[%mul3A_520, %dma_start3A_526] : memref<320000x128xf32, #tpu.memory_space<hbm>> -> memref<80x128xf32, #tpu.memory_space<hbm>>
      %dma_start3A_528 = arith.constant 0 : i32
      %dma_start3A_529 = arith.constant 0 : i32
      %dma_start3A_530 = tpu.memref_slice %arg8[%dma_start3A_521, %dma_start3A_528, %dma_start3A_529] : memref<8x80x128xf32, #tpu.memory_space<vmem>> -> memref<1x80x128xf32, #tpu.memory_space<vmem>>
      %dma_start3A_531 = tpu.memref_squeeze %dma_start3A_530 : memref<1x80x128xf32, #tpu.memory_space<vmem>> -> memref<80x128xf32, #tpu.memory_space<vmem>>
      %dma_start3A_532 = arith.constant 0 : i32
      %dma_start3A_533 = tpu.memref_slice %arg2[%mul3A_520, %dma_start3A_532] : memref<320000x128xf32, #tpu.memory_space<hbm>> -> memref<80x128xf32, #tpu.memory_space<hbm>>
      tpu.enqueue_dma source(%dma_start3A_533 : memref<80x128xf32, #tpu.memory_space<hbm>>) target(%dma_start3A_531 : memref<80x128xf32, #tpu.memory_space<vmem>>) target_semaphore(%arg12 : memref<!tpu.dma_semaphore, #tpu.memory_space<semaphore_mem>>)
    } else {
    }
    %add3A_64 = arith.constant 32 : i32
    %add3A_65 = arith.addi %arg1, %add3A_64 : i32
    %add3A_66 = arith.constant 3952 : i32
    %add3A_67 = arith.addi %arg1, %add3A_66 : i32
    %select_n3A_68 = arith.select %eq3A_0, %add3A_65, %add3A_67 : i32
    %lt3A_69 = arith.cmpi slt, %select_n3A_68, %select_n3A : i32
    %ge3A_70 = arith.cmpi sge, %select_n3A_68, %select_n3A_45 : i32
    %select_n3A_71 = arith.select %eq3A_0, %lt3A_69, %ge3A_70 : i1
    %convert_element_type3A_72 = arith.extui %select_n3A_71 : i1 to i32
    %cond3A_73 = arith.constant 0 : i32
    %cond3A_74 = arith.cmpi ne, %convert_element_type3A_72, %cond3A_73 : i32
    scf.if %cond3A_74 {
      %add3A_497 = arith.constant 32 : i32
      %add3A_498 = arith.addi %arg1, %add3A_497 : i32
      %add3A_499 = arith.constant 3952 : i32
      %add3A_500 = arith.addi %arg1, %add3A_499 : i32
      %select_n3A_501 = arith.select %eq3A_0, %add3A_498, %add3A_500 : i32
      %dma_start3A_502 = arith.constant 2 : i32
      %dma_start3A_503 = arith.constant 0 : i32
      %dma_start3A_504 = arith.constant 0 : i32
      %dma_start3A_505 = tpu.memref_slice %arg7[%dma_start3A_502, %dma_start3A_503, %dma_start3A_504] : memref<8x1x80xi32, #tpu.memory_space<vmem>> -> memref<1x1x80xi32, #tpu.memory_space<vmem>>
      %dma_start3A_506 = tpu.memref_squeeze %dma_start3A_505 : memref<1x1x80xi32, #tpu.memory_space<vmem>> -> memref<1x80xi32, #tpu.memory_space<vmem>>
      %dma_start3A_507 = arith.constant 0 : i32
      %dma_start3A_508 = arith.constant 0 : i32
      %dma_start3A_509 = tpu.memref_slice %arg3[%select_n3A_501, %dma_start3A_507, %dma_start3A_508] : memref<4000x1x80xi32, #tpu.memory_space<hbm>> -> memref<1x1x80xi32, #tpu.memory_space<hbm>>
      %dma_start3A_510 = tpu.memref_squeeze %dma_start3A_509 : memref<1x1x80xi32, #tpu.memory_space<hbm>> -> memref<1x80xi32, #tpu.memory_space<hbm>>
      %dma_start3A_511 = arith.constant 0 : i32
      %dma_start3A_512 = arith.constant 0 : i32
      %dma_start3A_513 = tpu.memref_slice %arg7[%dma_start3A_502, %dma_start3A_511, %dma_start3A_512] : memref<8x1x80xi32, #tpu.memory_space<vmem>> -> memref<1x1x80xi32, #tpu.memory_space<vmem>>
      %dma_start3A_514 = tpu.memref_squeeze %dma_start3A_513 : memref<1x1x80xi32, #tpu.memory_space<vmem>> -> memref<1x80xi32, #tpu.memory_space<vmem>>
      %dma_start3A_515 = arith.constant 0 : i32
      %dma_start3A_516 = arith.constant 0 : i32
      %dma_start3A_517 = tpu.memref_slice %arg3[%select_n3A_501, %dma_start3A_515, %dma_start3A_516] : memref<4000x1x80xi32, #tpu.memory_space<hbm>> -> memref<1x1x80xi32, #tpu.memory_space<hbm>>
      %dma_start3A_518 = tpu.memref_squeeze %dma_start3A_517 : memref<1x1x80xi32, #tpu.memory_space<hbm>> -> memref<1x80xi32, #tpu.memory_space<hbm>>
      tpu.enqueue_dma source(%dma_start3A_518 : memref<1x80xi32, #tpu.memory_space<hbm>>) target(%dma_start3A_514 : memref<1x80xi32, #tpu.memory_space<vmem>>) target_semaphore(%arg13 : memref<!tpu.dma_semaphore, #tpu.memory_space<semaphore_mem>>)
      %mul3A_519 = arith.constant 80 : i32
      %mul3A_520 = arith.muli %select_n3A_501, %mul3A_519 : i32
      %dma_start3A_521 = arith.constant 2 : i32
      %dma_start3A_522 = arith.constant 0 : i32
      %dma_start3A_523 = arith.constant 0 : i32
      %dma_start3A_524 = tpu.memref_slice %arg8[%dma_start3A_521, %dma_start3A_522, %dma_start3A_523] : memref<8x80x128xf32, #tpu.memory_space<vmem>> -> memref<1x80x128xf32, #tpu.memory_space<vmem>>
      %dma_start3A_525 = tpu.memref_squeeze %dma_start3A_524 : memref<1x80x128xf32, #tpu.memory_space<vmem>> -> memref<80x128xf32, #tpu.memory_space<vmem>>
      %dma_start3A_526 = arith.constant 0 : i32
      %dma_start3A_527 = tpu.memref_slice %arg2[%mul3A_520, %dma_start3A_526] : memref<320000x128xf32, #tpu.memory_space<hbm>> -> memref<80x128xf32, #tpu.memory_space<hbm>>
      %dma_start3A_528 = arith.constant 0 : i32
      %dma_start3A_529 = arith.constant 0 : i32
      %dma_start3A_530 = tpu.memref_slice %arg8[%dma_start3A_521, %dma_start3A_528, %dma_start3A_529] : memref<8x80x128xf32, #tpu.memory_space<vmem>> -> memref<1x80x128xf32, #tpu.memory_space<vmem>>
      %dma_start3A_531 = tpu.memref_squeeze %dma_start3A_530 : memref<1x80x128xf32, #tpu.memory_space<vmem>> -> memref<80x128xf32, #tpu.memory_space<vmem>>
      %dma_start3A_532 = arith.constant 0 : i32
      %dma_start3A_533 = tpu.memref_slice %arg2[%mul3A_520, %dma_start3A_532] : memref<320000x128xf32, #tpu.memory_space<hbm>> -> memref<80x128xf32, #tpu.memory_space<hbm>>
      tpu.enqueue_dma source(%dma_start3A_533 : memref<80x128xf32, #tpu.memory_space<hbm>>) target(%dma_start3A_531 : memref<80x128xf32, #tpu.memory_space<vmem>>) target_semaphore(%arg13 : memref<!tpu.dma_semaphore, #tpu.memory_space<semaphore_mem>>)
    } else {
    }
    %add3A_75 = arith.constant 48 : i32
    %add3A_76 = arith.addi %arg1, %add3A_75 : i32
    %add3A_77 = arith.constant 3936 : i32
    %add3A_78 = arith.addi %arg1, %add3A_77 : i32
    %select_n3A_79 = arith.select %eq3A_0, %add3A_76, %add3A_78 : i32
    %lt3A_80 = arith.cmpi slt, %select_n3A_79, %select_n3A : i32
    %ge3A_81 = arith.cmpi sge, %select_n3A_79, %select_n3A_45 : i32
    %select_n3A_82 = arith.select %eq3A_0, %lt3A_80, %ge3A_81 : i1
    %convert_element_type3A_83 = arith.extui %select_n3A_82 : i1 to i32
    %cond3A_84 = arith.constant 0 : i32
    %cond3A_85 = arith.cmpi ne, %convert_element_type3A_83, %cond3A_84 : i32
    scf.if %cond3A_85 {
      %add3A_497 = arith.constant 48 : i32
      %add3A_498 = arith.addi %arg1, %add3A_497 : i32
      %add3A_499 = arith.constant 3936 : i32
      %add3A_500 = arith.addi %arg1, %add3A_499 : i32
      %select_n3A_501 = arith.select %eq3A_0, %add3A_498, %add3A_500 : i32
      %dma_start3A_502 = arith.constant 3 : i32
      %dma_start3A_503 = arith.constant 0 : i32
      %dma_start3A_504 = arith.constant 0 : i32
      %dma_start3A_505 = tpu.memref_slice %arg7[%dma_start3A_502, %dma_start3A_503, %dma_start3A_504] : memref<8x1x80xi32, #tpu.memory_space<vmem>> -> memref<1x1x80xi32, #tpu.memory_space<vmem>>
      %dma_start3A_506 = tpu.memref_squeeze %dma_start3A_505 : memref<1x1x80xi32, #tpu.memory_space<vmem>> -> memref<1x80xi32, #tpu.memory_space<vmem>>
      %dma_start3A_507 = arith.constant 0 : i32
      %dma_start3A_508 = arith.constant 0 : i32
      %dma_start3A_509 = tpu.memref_slice %arg3[%select_n3A_501, %dma_start3A_507, %dma_start3A_508] : memref<4000x1x80xi32, #tpu.memory_space<hbm>> -> memref<1x1x80xi32, #tpu.memory_space<hbm>>
      %dma_start3A_510 = tpu.memref_squeeze %dma_start3A_509 : memref<1x1x80xi32, #tpu.memory_space<hbm>> -> memref<1x80xi32, #tpu.memory_space<hbm>>
      %dma_start3A_511 = arith.constant 0 : i32
      %dma_start3A_512 = arith.constant 0 : i32
      %dma_start3A_513 = tpu.memref_slice %arg7[%dma_start3A_502, %dma_start3A_511, %dma_start3A_512] : memref<8x1x80xi32, #tpu.memory_space<vmem>> -> memref<1x1x80xi32, #tpu.memory_space<vmem>>
      %dma_start3A_514 = tpu.memref_squeeze %dma_start3A_513 : memref<1x1x80xi32, #tpu.memory_space<vmem>> -> memref<1x80xi32, #tpu.memory_space<vmem>>
      %dma_start3A_515 = arith.constant 0 : i32
      %dma_start3A_516 = arith.constant 0 : i32
      %dma_start3A_517 = tpu.memref_slice %arg3[%select_n3A_501, %dma_start3A_515, %dma_start3A_516] : memref<4000x1x80xi32, #tpu.memory_space<hbm>> -> memref<1x1x80xi32, #tpu.memory_space<hbm>>
      %dma_start3A_518 = tpu.memref_squeeze %dma_start3A_517 : memref<1x1x80xi32, #tpu.memory_space<hbm>> -> memref<1x80xi32, #tpu.memory_space<hbm>>
      tpu.enqueue_dma source(%dma_start3A_518 : memref<1x80xi32, #tpu.memory_space<hbm>>) target(%dma_start3A_514 : memref<1x80xi32, #tpu.memory_space<vmem>>) target_semaphore(%arg14 : memref<!tpu.dma_semaphore, #tpu.memory_space<semaphore_mem>>)
      %mul3A_519 = arith.constant 80 : i32
      %mul3A_520 = arith.muli %select_n3A_501, %mul3A_519 : i32
      %dma_start3A_521 = arith.constant 3 : i32
      %dma_start3A_522 = arith.constant 0 : i32
      %dma_start3A_523 = arith.constant 0 : i32
      %dma_start3A_524 = tpu.memref_slice %arg8[%dma_start3A_521, %dma_start3A_522, %dma_start3A_523] : memref<8x80x128xf32, #tpu.memory_space<vmem>> -> memref<1x80x128xf32, #tpu.memory_space<vmem>>
      %dma_start3A_525 = tpu.memref_squeeze %dma_start3A_524 : memref<1x80x128xf32, #tpu.memory_space<vmem>> -> memref<80x128xf32, #tpu.memory_space<vmem>>
      %dma_start3A_526 = arith.constant 0 : i32
      %dma_start3A_527 = tpu.memref_slice %arg2[%mul3A_520, %dma_start3A_526] : memref<320000x128xf32, #tpu.memory_space<hbm>> -> memref<80x128xf32, #tpu.memory_space<hbm>>
      %dma_start3A_528 = arith.constant 0 : i32
      %dma_start3A_529 = arith.constant 0 : i32
      %dma_start3A_530 = tpu.memref_slice %arg8[%dma_start3A_521, %dma_start3A_528, %dma_start3A_529] : memref<8x80x128xf32, #tpu.memory_space<vmem>> -> memref<1x80x128xf32, #tpu.memory_space<vmem>>
      %dma_start3A_531 = tpu.memref_squeeze %dma_start3A_530 : memref<1x80x128xf32, #tpu.memory_space<vmem>> -> memref<80x128xf32, #tpu.memory_space<vmem>>
      %dma_start3A_532 = arith.constant 0 : i32
      %dma_start3A_533 = tpu.memref_slice %arg2[%mul3A_520, %dma_start3A_532] : memref<320000x128xf32, #tpu.memory_space<hbm>> -> memref<80x128xf32, #tpu.memory_space<hbm>>
      tpu.enqueue_dma source(%dma_start3A_533 : memref<80x128xf32, #tpu.memory_space<hbm>>) target(%dma_start3A_531 : memref<80x128xf32, #tpu.memory_space<vmem>>) target_semaphore(%arg14 : memref<!tpu.dma_semaphore, #tpu.memory_space<semaphore_mem>>)
    } else {
    }
    %add3A_86 = arith.constant 64 : i32
    %add3A_87 = arith.addi %arg1, %add3A_86 : i32
    %add3A_88 = arith.constant 3920 : i32
    %add3A_89 = arith.addi %arg1, %add3A_88 : i32
    %select_n3A_90 = arith.select %eq3A_0, %add3A_87, %add3A_89 : i32
    %lt3A_91 = arith.cmpi slt, %select_n3A_90, %select_n3A : i32
    %ge3A_92 = arith.cmpi sge, %select_n3A_90, %select_n3A_45 : i32
    %select_n3A_93 = arith.select %eq3A_0, %lt3A_91, %ge3A_92 : i1
    %convert_element_type3A_94 = arith.extui %select_n3A_93 : i1 to i32
    %cond3A_95 = arith.constant 0 : i32
    %cond3A_96 = arith.cmpi ne, %convert_element_type3A_94, %cond3A_95 : i32
    scf.if %cond3A_96 {
      %add3A_497 = arith.constant 64 : i32
      %add3A_498 = arith.addi %arg1, %add3A_497 : i32
      %add3A_499 = arith.constant 3920 : i32
      %add3A_500 = arith.addi %arg1, %add3A_499 : i32
      %select_n3A_501 = arith.select %eq3A_0, %add3A_498, %add3A_500 : i32
      %dma_start3A_502 = arith.constant 4 : i32
      %dma_start3A_503 = arith.constant 0 : i32
      %dma_start3A_504 = arith.constant 0 : i32
      %dma_start3A_505 = tpu.memref_slice %arg7[%dma_start3A_502, %dma_start3A_503, %dma_start3A_504] : memref<8x1x80xi32, #tpu.memory_space<vmem>> -> memref<1x1x80xi32, #tpu.memory_space<vmem>>
      %dma_start3A_506 = tpu.memref_squeeze %dma_start3A_505 : memref<1x1x80xi32, #tpu.memory_space<vmem>> -> memref<1x80xi32, #tpu.memory_space<vmem>>
      %dma_start3A_507 = arith.constant 0 : i32
      %dma_start3A_508 = arith.constant 0 : i32
      %dma_start3A_509 = tpu.memref_slice %arg3[%select_n3A_501, %dma_start3A_507, %dma_start3A_508] : memref<4000x1x80xi32, #tpu.memory_space<hbm>> -> memref<1x1x80xi32, #tpu.memory_space<hbm>>
      %dma_start3A_510 = tpu.memref_squeeze %dma_start3A_509 : memref<1x1x80xi32, #tpu.memory_space<hbm>> -> memref<1x80xi32, #tpu.memory_space<hbm>>
      %dma_start3A_511 = arith.constant 0 : i32
      %dma_start3A_512 = arith.constant 0 : i32
      %dma_start3A_513 = tpu.memref_slice %arg7[%dma_start3A_502, %dma_start3A_511, %dma_start3A_512] : memref<8x1x80xi32, #tpu.memory_space<vmem>> -> memref<1x1x80xi32, #tpu.memory_space<vmem>>
      %dma_start3A_514 = tpu.memref_squeeze %dma_start3A_513 : memref<1x1x80xi32, #tpu.memory_space<vmem>> -> memref<1x80xi32, #tpu.memory_space<vmem>>
      %dma_start3A_515 = arith.constant 0 : i32
      %dma_start3A_516 = arith.constant 0 : i32
      %dma_start3A_517 = tpu.memref_slice %arg3[%select_n3A_501, %dma_start3A_515, %dma_start3A_516] : memref<4000x1x80xi32, #tpu.memory_space<hbm>> -> memref<1x1x80xi32, #tpu.memory_space<hbm>>
      %dma_start3A_518 = tpu.memref_squeeze %dma_start3A_517 : memref<1x1x80xi32, #tpu.memory_space<hbm>> -> memref<1x80xi32, #tpu.memory_space<hbm>>
      tpu.enqueue_dma source(%dma_start3A_518 : memref<1x80xi32, #tpu.memory_space<hbm>>) target(%dma_start3A_514 : memref<1x80xi32, #tpu.memory_space<vmem>>) target_semaphore(%arg15 : memref<!tpu.dma_semaphore, #tpu.memory_space<semaphore_mem>>)
      %mul3A_519 = arith.constant 80 : i32
      %mul3A_520 = arith.muli %select_n3A_501, %mul3A_519 : i32
      %dma_start3A_521 = arith.constant 4 : i32
      %dma_start3A_522 = arith.constant 0 : i32
      %dma_start3A_523 = arith.constant 0 : i32
      %dma_start3A_524 = tpu.memref_slice %arg8[%dma_start3A_521, %dma_start3A_522, %dma_start3A_523] : memref<8x80x128xf32, #tpu.memory_space<vmem>> -> memref<1x80x128xf32, #tpu.memory_space<vmem>>
      %dma_start3A_525 = tpu.memref_squeeze %dma_start3A_524 : memref<1x80x128xf32, #tpu.memory_space<vmem>> -> memref<80x128xf32, #tpu.memory_space<vmem>>
      %dma_start3A_526 = arith.constant 0 : i32
      %dma_start3A_527 = tpu.memref_slice %arg2[%mul3A_520, %dma_start3A_526] : memref<320000x128xf32, #tpu.memory_space<hbm>> -> memref<80x128xf32, #tpu.memory_space<hbm>>
      %dma_start3A_528 = arith.constant 0 : i32
      %dma_start3A_529 = arith.constant 0 : i32
      %dma_start3A_530 = tpu.memref_slice %arg8[%dma_start3A_521, %dma_start3A_528, %dma_start3A_529] : memref<8x80x128xf32, #tpu.memory_space<vmem>> -> memref<1x80x128xf32, #tpu.memory_space<vmem>>
      %dma_start3A_531 = tpu.memref_squeeze %dma_start3A_530 : memref<1x80x128xf32, #tpu.memory_space<vmem>> -> memref<80x128xf32, #tpu.memory_space<vmem>>
      %dma_start3A_532 = arith.constant 0 : i32
      %dma_start3A_533 = tpu.memref_slice %arg2[%mul3A_520, %dma_start3A_532] : memref<320000x128xf32, #tpu.memory_space<hbm>> -> memref<80x128xf32, #tpu.memory_space<hbm>>
      tpu.enqueue_dma source(%dma_start3A_533 : memref<80x128xf32, #tpu.memory_space<hbm>>) target(%dma_start3A_531 : memref<80x128xf32, #tpu.memory_space<vmem>>) target_semaphore(%arg15 : memref<!tpu.dma_semaphore, #tpu.memory_space<semaphore_mem>>)
    } else {
    }
    %add3A_97 = arith.constant 80 : i32
    %add3A_98 = arith.addi %arg1, %add3A_97 : i32
    %add3A_99 = arith.constant 3904 : i32
    %add3A_100 = arith.addi %arg1, %add3A_99 : i32
    %select_n3A_101 = arith.select %eq3A_0, %add3A_98, %add3A_100 : i32
    %lt3A_102 = arith.cmpi slt, %select_n3A_101, %select_n3A : i32
    %ge3A_103 = arith.cmpi sge, %select_n3A_101, %select_n3A_45 : i32
    %select_n3A_104 = arith.select %eq3A_0, %lt3A_102, %ge3A_103 : i1
    %convert_element_type3A_105 = arith.extui %select_n3A_104 : i1 to i32
    %cond3A_106 = arith.constant 0 : i32
    %cond3A_107 = arith.cmpi ne, %convert_element_type3A_105, %cond3A_106 : i32
    scf.if %cond3A_107 {
      %add3A_497 = arith.constant 80 : i32
      %add3A_498 = arith.addi %arg1, %add3A_497 : i32
      %add3A_499 = arith.constant 3904 : i32
      %add3A_500 = arith.addi %arg1, %add3A_499 : i32
      %select_n3A_501 = arith.select %eq3A_0, %add3A_498, %add3A_500 : i32
      %dma_start3A_502 = arith.constant 5 : i32
      %dma_start3A_503 = arith.constant 0 : i32
      %dma_start3A_504 = arith.constant 0 : i32
      %dma_start3A_505 = tpu.memref_slice %arg7[%dma_start3A_502, %dma_start3A_503, %dma_start3A_504] : memref<8x1x80xi32, #tpu.memory_space<vmem>> -> memref<1x1x80xi32, #tpu.memory_space<vmem>>
      %dma_start3A_506 = tpu.memref_squeeze %dma_start3A_505 : memref<1x1x80xi32, #tpu.memory_space<vmem>> -> memref<1x80xi32, #tpu.memory_space<vmem>>
      %dma_start3A_507 = arith.constant 0 : i32
      %dma_start3A_508 = arith.constant 0 : i32
      %dma_start3A_509 = tpu.memref_slice %arg3[%select_n3A_501, %dma_start3A_507, %dma_start3A_508] : memref<4000x1x80xi32, #tpu.memory_space<hbm>> -> memref<1x1x80xi32, #tpu.memory_space<hbm>>
      %dma_start3A_510 = tpu.memref_squeeze %dma_start3A_509 : memref<1x1x80xi32, #tpu.memory_space<hbm>> -> memref<1x80xi32, #tpu.memory_space<hbm>>
      %dma_start3A_511 = arith.constant 0 : i32
      %dma_start3A_512 = arith.constant 0 : i32
      %dma_start3A_513 = tpu.memref_slice %arg7[%dma_start3A_502, %dma_start3A_511, %dma_start3A_512] : memref<8x1x80xi32, #tpu.memory_space<vmem>> -> memref<1x1x80xi32, #tpu.memory_space<vmem>>
      %dma_start3A_514 = tpu.memref_squeeze %dma_start3A_513 : memref<1x1x80xi32, #tpu.memory_space<vmem>> -> memref<1x80xi32, #tpu.memory_space<vmem>>
      %dma_start3A_515 = arith.constant 0 : i32
      %dma_start3A_516 = arith.constant 0 : i32
      %dma_start3A_517 = tpu.memref_slice %arg3[%select_n3A_501, %dma_start3A_515, %dma_start3A_516] : memref<4000x1x80xi32, #tpu.memory_space<hbm>> -> memref<1x1x80xi32, #tpu.memory_space<hbm>>
      %dma_start3A_518 = tpu.memref_squeeze %dma_start3A_517 : memref<1x1x80xi32, #tpu.memory_space<hbm>> -> memref<1x80xi32, #tpu.memory_space<hbm>>
      tpu.enqueue_dma source(%dma_start3A_518 : memref<1x80xi32, #tpu.memory_space<hbm>>) target(%dma_start3A_514 : memref<1x80xi32, #tpu.memory_space<vmem>>) target_semaphore(%arg16 : memref<!tpu.dma_semaphore, #tpu.memory_space<semaphore_mem>>)
      %mul3A_519 = arith.constant 80 : i32
      %mul3A_520 = arith.muli %select_n3A_501, %mul3A_519 : i32
      %dma_start3A_521 = arith.constant 5 : i32
      %dma_start3A_522 = arith.constant 0 : i32
      %dma_start3A_523 = arith.constant 0 : i32
      %dma_start3A_524 = tpu.memref_slice %arg8[%dma_start3A_521, %dma_start3A_522, %dma_start3A_523] : memref<8x80x128xf32, #tpu.memory_space<vmem>> -> memref<1x80x128xf32, #tpu.memory_space<vmem>>
      %dma_start3A_525 = tpu.memref_squeeze %dma_start3A_524 : memref<1x80x128xf32, #tpu.memory_space<vmem>> -> memref<80x128xf32, #tpu.memory_space<vmem>>
      %dma_start3A_526 = arith.constant 0 : i32
      %dma_start3A_527 = tpu.memref_slice %arg2[%mul3A_520, %dma_start3A_526] : memref<320000x128xf32, #tpu.memory_space<hbm>> -> memref<80x128xf32, #tpu.memory_space<hbm>>
      %dma_start3A_528 = arith.constant 0 : i32
      %dma_start3A_529 = arith.constant 0 : i32
      %dma_start3A_530 = tpu.memref_slice %arg8[%dma_start3A_521, %dma_start3A_528, %dma_start3A_529] : memref<8x80x128xf32, #tpu.memory_space<vmem>> -> memref<1x80x128xf32, #tpu.memory_space<vmem>>
      %dma_start3A_531 = tpu.memref_squeeze %dma_start3A_530 : memref<1x80x128xf32, #tpu.memory_space<vmem>> -> memref<80x128xf32, #tpu.memory_space<vmem>>
      %dma_start3A_532 = arith.constant 0 : i32
      %dma_start3A_533 = tpu.memref_slice %arg2[%mul3A_520, %dma_start3A_532] : memref<320000x128xf32, #tpu.memory_space<hbm>> -> memref<80x128xf32, #tpu.memory_space<hbm>>
      tpu.enqueue_dma source(%dma_start3A_533 : memref<80x128xf32, #tpu.memory_space<hbm>>) target(%dma_start3A_531 : memref<80x128xf32, #tpu.memory_space<vmem>>) target_semaphore(%arg16 : memref<!tpu.dma_semaphore, #tpu.memory_space<semaphore_mem>>)
    } else {
    }
    %add3A_108 = arith.constant 96 : i32
    %add3A_109 = arith.addi %arg1, %add3A_108 : i32
    %add3A_110 = arith.constant 3888 : i32
    %add3A_111 = arith.addi %arg1, %add3A_110 : i32
    %select_n3A_112 = arith.select %eq3A_0, %add3A_109, %add3A_111 : i32
    %lt3A_113 = arith.cmpi slt, %select_n3A_112, %select_n3A : i32
    %ge3A_114 = arith.cmpi sge, %select_n3A_112, %select_n3A_45 : i32
    %select_n3A_115 = arith.select %eq3A_0, %lt3A_113, %ge3A_114 : i1
    %convert_element_type3A_116 = arith.extui %select_n3A_115 : i1 to i32
    %cond3A_117 = arith.constant 0 : i32
    %cond3A_118 = arith.cmpi ne, %convert_element_type3A_116, %cond3A_117 : i32
    scf.if %cond3A_118 {
      %add3A_497 = arith.constant 96 : i32
      %add3A_498 = arith.addi %arg1, %add3A_497 : i32
      %add3A_499 = arith.constant 3888 : i32
      %add3A_500 = arith.addi %arg1, %add3A_499 : i32
      %select_n3A_501 = arith.select %eq3A_0, %add3A_498, %add3A_500 : i32
      %dma_start3A_502 = arith.constant 6 : i32
      %dma_start3A_503 = arith.constant 0 : i32
      %dma_start3A_504 = arith.constant 0 : i32
      %dma_start3A_505 = tpu.memref_slice %arg7[%dma_start3A_502, %dma_start3A_503, %dma_start3A_504] : memref<8x1x80xi32, #tpu.memory_space<vmem>> -> memref<1x1x80xi32, #tpu.memory_space<vmem>>
      %dma_start3A_506 = tpu.memref_squeeze %dma_start3A_505 : memref<1x1x80xi32, #tpu.memory_space<vmem>> -> memref<1x80xi32, #tpu.memory_space<vmem>>
      %dma_start3A_507 = arith.constant 0 : i32
      %dma_start3A_508 = arith.constant 0 : i32
      %dma_start3A_509 = tpu.memref_slice %arg3[%select_n3A_501, %dma_start3A_507, %dma_start3A_508] : memref<4000x1x80xi32, #tpu.memory_space<hbm>> -> memref<1x1x80xi32, #tpu.memory_space<hbm>>
      %dma_start3A_510 = tpu.memref_squeeze %dma_start3A_509 : memref<1x1x80xi32, #tpu.memory_space<hbm>> -> memref<1x80xi32, #tpu.memory_space<hbm>>
      %dma_start3A_511 = arith.constant 0 : i32
      %dma_start3A_512 = arith.constant 0 : i32
      %dma_start3A_513 = tpu.memref_slice %arg7[%dma_start3A_502, %dma_start3A_511, %dma_start3A_512] : memref<8x1x80xi32, #tpu.memory_space<vmem>> -> memref<1x1x80xi32, #tpu.memory_space<vmem>>
      %dma_start3A_514 = tpu.memref_squeeze %dma_start3A_513 : memref<1x1x80xi32, #tpu.memory_space<vmem>> -> memref<1x80xi32, #tpu.memory_space<vmem>>
      %dma_start3A_515 = arith.constant 0 : i32
      %dma_start3A_516 = arith.constant 0 : i32
      %dma_start3A_517 = tpu.memref_slice %arg3[%select_n3A_501, %dma_start3A_515, %dma_start3A_516] : memref<4000x1x80xi32, #tpu.memory_space<hbm>> -> memref<1x1x80xi32, #tpu.memory_space<hbm>>
      %dma_start3A_518 = tpu.memref_squeeze %dma_start3A_517 : memref<1x1x80xi32, #tpu.memory_space<hbm>> -> memref<1x80xi32, #tpu.memory_space<hbm>>
      tpu.enqueue_dma source(%dma_start3A_518 : memref<1x80xi32, #tpu.memory_space<hbm>>) target(%dma_start3A_514 : memref<1x80xi32, #tpu.memory_space<vmem>>) target_semaphore(%arg17 : memref<!tpu.dma_semaphore, #tpu.memory_space<semaphore_mem>>)
      %mul3A_519 = arith.constant 80 : i32
      %mul3A_520 = arith.muli %select_n3A_501, %mul3A_519 : i32
      %dma_start3A_521 = arith.constant 6 : i32
      %dma_start3A_522 = arith.constant 0 : i32
      %dma_start3A_523 = arith.constant 0 : i32
      %dma_start3A_524 = tpu.memref_slice %arg8[%dma_start3A_521, %dma_start3A_522, %dma_start3A_523] : memref<8x80x128xf32, #tpu.memory_space<vmem>> -> memref<1x80x128xf32, #tpu.memory_space<vmem>>
      %dma_start3A_525 = tpu.memref_squeeze %dma_start3A_524 : memref<1x80x128xf32, #tpu.memory_space<vmem>> -> memref<80x128xf32, #tpu.memory_space<vmem>>
      %dma_start3A_526 = arith.constant 0 : i32
      %dma_start3A_527 = tpu.memref_slice %arg2[%mul3A_520, %dma_start3A_526] : memref<320000x128xf32, #tpu.memory_space<hbm>> -> memref<80x128xf32, #tpu.memory_space<hbm>>
      %dma_start3A_528 = arith.constant 0 : i32
      %dma_start3A_529 = arith.constant 0 : i32
      %dma_start3A_530 = tpu.memref_slice %arg8[%dma_start3A_521, %dma_start3A_528, %dma_start3A_529] : memref<8x80x128xf32, #tpu.memory_space<vmem>> -> memref<1x80x128xf32, #tpu.memory_space<vmem>>
      %dma_start3A_531 = tpu.memref_squeeze %dma_start3A_530 : memref<1x80x128xf32, #tpu.memory_space<vmem>> -> memref<80x128xf32, #tpu.memory_space<vmem>>
      %dma_start3A_532 = arith.constant 0 : i32
      %dma_start3A_533 = tpu.memref_slice %arg2[%mul3A_520, %dma_start3A_532] : memref<320000x128xf32, #tpu.memory_space<hbm>> -> memref<80x128xf32, #tpu.memory_space<hbm>>
      tpu.enqueue_dma source(%dma_start3A_533 : memref<80x128xf32, #tpu.memory_space<hbm>>) target(%dma_start3A_531 : memref<80x128xf32, #tpu.memory_space<vmem>>) target_semaphore(%arg17 : memref<!tpu.dma_semaphore, #tpu.memory_space<semaphore_mem>>)
    } else {
    }
    %add3A_119 = arith.constant 112 : i32
    %add3A_120 = arith.addi %arg1, %add3A_119 : i32
    %add3A_121 = arith.constant 3872 : i32
    %add3A_122 = arith.addi %arg1, %add3A_121 : i32
    %select_n3A_123 = arith.select %eq3A_0, %add3A_120, %add3A_122 : i32
    %lt3A_124 = arith.cmpi slt, %select_n3A_123, %select_n3A : i32
    %ge3A_125 = arith.cmpi sge, %select_n3A_123, %select_n3A_45 : i32
    %select_n3A_126 = arith.select %eq3A_0, %lt3A_124, %ge3A_125 : i1
    %convert_element_type3A_127 = arith.extui %select_n3A_126 : i1 to i32
    %cond3A_128 = arith.constant 0 : i32
    %cond3A_129 = arith.cmpi ne, %convert_element_type3A_127, %cond3A_128 : i32
    scf.if %cond3A_129 {
      %add3A_497 = arith.constant 112 : i32
      %add3A_498 = arith.addi %arg1, %add3A_497 : i32
      %add3A_499 = arith.constant 3872 : i32
      %add3A_500 = arith.addi %arg1, %add3A_499 : i32
      %select_n3A_501 = arith.select %eq3A_0, %add3A_498, %add3A_500 : i32
      %dma_start3A_502 = arith.constant 7 : i32
      %dma_start3A_503 = arith.constant 0 : i32
      %dma_start3A_504 = arith.constant 0 : i32
      %dma_start3A_505 = tpu.memref_slice %arg7[%dma_start3A_502, %dma_start3A_503, %dma_start3A_504] : memref<8x1x80xi32, #tpu.memory_space<vmem>> -> memref<1x1x80xi32, #tpu.memory_space<vmem>>
      %dma_start3A_506 = tpu.memref_squeeze %dma_start3A_505 : memref<1x1x80xi32, #tpu.memory_space<vmem>> -> memref<1x80xi32, #tpu.memory_space<vmem>>
      %dma_start3A_507 = arith.constant 0 : i32
      %dma_start3A_508 = arith.constant 0 : i32
      %dma_start3A_509 = tpu.memref_slice %arg3[%select_n3A_501, %dma_start3A_507, %dma_start3A_508] : memref<4000x1x80xi32, #tpu.memory_space<hbm>> -> memref<1x1x80xi32, #tpu.memory_space<hbm>>
      %dma_start3A_510 = tpu.memref_squeeze %dma_start3A_509 : memref<1x1x80xi32, #tpu.memory_space<hbm>> -> memref<1x80xi32, #tpu.memory_space<hbm>>
      %dma_start3A_511 = arith.constant 0 : i32
      %dma_start3A_512 = arith.constant 0 : i32
      %dma_start3A_513 = tpu.memref_slice %arg7[%dma_start3A_502, %dma_start3A_511, %dma_start3A_512] : memref<8x1x80xi32, #tpu.memory_space<vmem>> -> memref<1x1x80xi32, #tpu.memory_space<vmem>>
      %dma_start3A_514 = tpu.memref_squeeze %dma_start3A_513 : memref<1x1x80xi32, #tpu.memory_space<vmem>> -> memref<1x80xi32, #tpu.memory_space<vmem>>
      %dma_start3A_515 = arith.constant 0 : i32
      %dma_start3A_516 = arith.constant 0 : i32
      %dma_start3A_517 = tpu.memref_slice %arg3[%select_n3A_501, %dma_start3A_515, %dma_start3A_516] : memref<4000x1x80xi32, #tpu.memory_space<hbm>> -> memref<1x1x80xi32, #tpu.memory_space<hbm>>
      %dma_start3A_518 = tpu.memref_squeeze %dma_start3A_517 : memref<1x1x80xi32, #tpu.memory_space<hbm>> -> memref<1x80xi32, #tpu.memory_space<hbm>>
      tpu.enqueue_dma source(%dma_start3A_518 : memref<1x80xi32, #tpu.memory_space<hbm>>) target(%dma_start3A_514 : memref<1x80xi32, #tpu.memory_space<vmem>>) target_semaphore(%arg18 : memref<!tpu.dma_semaphore, #tpu.memory_space<semaphore_mem>>)
      %mul3A_519 = arith.constant 80 : i32
      %mul3A_520 = arith.muli %select_n3A_501, %mul3A_519 : i32
      %dma_start3A_521 = arith.constant 7 : i32
      %dma_start3A_522 = arith.constant 0 : i32
      %dma_start3A_523 = arith.constant 0 : i32
      %dma_start3A_524 = tpu.memref_slice %arg8[%dma_start3A_521, %dma_start3A_522, %dma_start3A_523] : memref<8x80x128xf32, #tpu.memory_space<vmem>> -> memref<1x80x128xf32, #tpu.memory_space<vmem>>
      %dma_start3A_525 = tpu.memref_squeeze %dma_start3A_524 : memref<1x80x128xf32, #tpu.memory_space<vmem>> -> memref<80x128xf32, #tpu.memory_space<vmem>>
      %dma_start3A_526 = arith.constant 0 : i32
      %dma_start3A_527 = tpu.memref_slice %arg2[%mul3A_520, %dma_start3A_526] : memref<320000x128xf32, #tpu.memory_space<hbm>> -> memref<80x128xf32, #tpu.memory_space<hbm>>
      %dma_start3A_528 = arith.constant 0 : i32
      %dma_start3A_529 = arith.constant 0 : i32
      %dma_start3A_530 = tpu.memref_slice %arg8[%dma_start3A_521, %dma_start3A_528, %dma_start3A_529] : memref<8x80x128xf32, #tpu.memory_space<vmem>> -> memref<1x80x128xf32, #tpu.memory_space<vmem>>
      %dma_start3A_531 = tpu.memref_squeeze %dma_start3A_530 : memref<1x80x128xf32, #tpu.memory_space<vmem>> -> memref<80x128xf32, #tpu.memory_space<vmem>>
      %dma_start3A_532 = arith.constant 0 : i32
      %dma_start3A_533 = tpu.memref_slice %arg2[%mul3A_520, %dma_start3A_532] : memref<320000x128xf32, #tpu.memory_space<hbm>> -> memref<80x128xf32, #tpu.memory_space<hbm>>
      tpu.enqueue_dma source(%dma_start3A_533 : memref<80x128xf32, #tpu.memory_space<hbm>>) target(%dma_start3A_531 : memref<80x128xf32, #tpu.memory_space<vmem>>) target_semaphore(%arg18 : memref<!tpu.dma_semaphore, #tpu.memory_space<semaphore_mem>>)
    } else {
    }
    %scan3A = arith.constant 0 : i32
    %scan3A_130 = arith.constant 0 : i32
    %scan3A_131 = arith.constant 16 : i32
    %scan3A_132 = arith.addi %scan3A_130, %scan3A_131 : i32
    %scan3A_133 = arith.constant 1 : i32
    scf.for %scan3A_497 = %scan3A_130 to %scan3A_132 step %scan3A_133  : i32 {
      %broadcast_in_dim3A = arith.constant 0.000000e+00 : f32
      %broadcast_in_dim3A_498 = vector.broadcast %broadcast_in_dim3A : f32 to vector<16xf32>
      %swap3A = arith.index_cast %scan3A_497 : i32 to index
      %swap3A_499 = arith.constant 0 : index
      %swap3A_500 = tpu.vector_load %arg9[%swap3A, %swap3A_499] {strides = array<i32>} : memref<16x128xf32, #tpu.memory_space<vmem>>, vector<1x16xf32>,
      %swap3A_501 = vector.shape_cast %swap3A_500 : vector<1x16xf32> to vector<16xf32>
      %swap3A_502 = vector.shape_cast %broadcast_in_dim3A_498 : vector<16xf32> to vector<1x16xf32>
      tpu.vector_store %arg9[%swap3A, %swap3A_499], %swap3A_502 {strides = array<i32>} : memref<16x128xf32, #tpu.memory_space<vmem>>, vector<1x16xf32>,
      %broadcast_in_dim3A_503 = arith.constant 0.000000e+00 : f32
      %broadcast_in_dim3A_504 = vector.broadcast %broadcast_in_dim3A_503 : f32 to vector<16xf32>
      %swap3A_505 = arith.index_cast %scan3A_497 : i32 to index
      %swap3A_506 = arith.constant 16 : index
      %swap3A_507 = tpu.vector_load %arg9[%swap3A_505, %swap3A_506] {strides = array<i32>} : memref<16x128xf32, #tpu.memory_space<vmem>>, vector<1x16xf32>,
      %swap3A_508 = vector.shape_cast %swap3A_507 : vector<1x16xf32> to vector<16xf32>
      %swap3A_509 = vector.shape_cast %broadcast_in_dim3A_504 : vector<16xf32> to vector<1x16xf32>
      tpu.vector_store %arg9[%swap3A_505, %swap3A_506], %swap3A_509 {strides = array<i32>} : memref<16x128xf32, #tpu.memory_space<vmem>>, vector<1x16xf32>,
      %broadcast_in_dim3A_510 = arith.constant 0.000000e+00 : f32
      %broadcast_in_dim3A_511 = vector.broadcast %broadcast_in_dim3A_510 : f32 to vector<16xf32>
      %swap3A_512 = arith.index_cast %scan3A_497 : i32 to index
      %swap3A_513 = arith.constant 32 : index
      %swap3A_514 = tpu.vector_load %arg9[%swap3A_512, %swap3A_513] {strides = array<i32>} : memref<16x128xf32, #tpu.memory_space<vmem>>, vector<1x16xf32>,
      %swap3A_515 = vector.shape_cast %swap3A_514 : vector<1x16xf32> to vector<16xf32>
      %swap3A_516 = vector.shape_cast %broadcast_in_dim3A_511 : vector<16xf32> to vector<1x16xf32>
      tpu.vector_store %arg9[%swap3A_512, %swap3A_513], %swap3A_516 {strides = array<i32>} : memref<16x128xf32, #tpu.memory_space<vmem>>, vector<1x16xf32>,
      %broadcast_in_dim3A_517 = arith.constant 0.000000e+00 : f32
      %broadcast_in_dim3A_518 = vector.broadcast %broadcast_in_dim3A_517 : f32 to vector<16xf32>
      %swap3A_519 = arith.index_cast %scan3A_497 : i32 to index
      %swap3A_520 = arith.constant 48 : index
      %swap3A_521 = tpu.vector_load %arg9[%swap3A_519, %swap3A_520] {strides = array<i32>} : memref<16x128xf32, #tpu.memory_space<vmem>>, vector<1x16xf32>,
      %swap3A_522 = vector.shape_cast %swap3A_521 : vector<1x16xf32> to vector<16xf32>
      %swap3A_523 = vector.shape_cast %broadcast_in_dim3A_518 : vector<16xf32> to vector<1x16xf32>
      tpu.vector_store %arg9[%swap3A_519, %swap3A_520], %swap3A_523 {strides = array<i32>} : memref<16x128xf32, #tpu.memory_space<vmem>>, vector<1x16xf32>,
      %broadcast_in_dim3A_524 = arith.constant 0.000000e+00 : f32
      %broadcast_in_dim3A_525 = vector.broadcast %broadcast_in_dim3A_524 : f32 to vector<16xf32>
      %swap3A_526 = arith.index_cast %scan3A_497 : i32 to index
      %swap3A_527 = arith.constant 64 : index
      %swap3A_528 = tpu.vector_load %arg9[%swap3A_526, %swap3A_527] {strides = array<i32>} : memref<16x128xf32, #tpu.memory_space<vmem>>, vector<1x16xf32>,
      %swap3A_529 = vector.shape_cast %swap3A_528 : vector<1x16xf32> to vector<16xf32>
      %swap3A_530 = vector.shape_cast %broadcast_in_dim3A_525 : vector<16xf32> to vector<1x16xf32>
      tpu.vector_store %arg9[%swap3A_526, %swap3A_527], %swap3A_530 {strides = array<i32>} : memref<16x128xf32, #tpu.memory_space<vmem>>, vector<1x16xf32>,
      %broadcast_in_dim3A_531 = arith.constant 0.000000e+00 : f32
      %broadcast_in_dim3A_532 = vector.broadcast %broadcast_in_dim3A_531 : f32 to vector<16xf32>
      %swap3A_533 = arith.index_cast %scan3A_497 : i32 to index
      %swap3A_534 = arith.constant 80 : index
      %swap3A_535 = tpu.vector_load %arg9[%swap3A_533, %swap3A_534] {strides = array<i32>} : memref<16x128xf32, #tpu.memory_space<vmem>>, vector<1x16xf32>,
      %swap3A_536 = vector.shape_cast %swap3A_535 : vector<1x16xf32> to vector<16xf32>
      %swap3A_537 = vector.shape_cast %broadcast_in_dim3A_532 : vector<16xf32> to vector<1x16xf32>
      tpu.vector_store %arg9[%swap3A_533, %swap3A_534], %swap3A_537 {strides = array<i32>} : memref<16x128xf32, #tpu.memory_space<vmem>>, vector<1x16xf32>,
      %broadcast_in_dim3A_538 = arith.constant 0.000000e+00 : f32
      %broadcast_in_dim3A_539 = vector.broadcast %broadcast_in_dim3A_538 : f32 to vector<16xf32>
      %swap3A_540 = arith.index_cast %scan3A_497 : i32 to index
      %swap3A_541 = arith.constant 96 : index
      %swap3A_542 = tpu.vector_load %arg9[%swap3A_540, %swap3A_541] {strides = array<i32>} : memref<16x128xf32, #tpu.memory_space<vmem>>, vector<1x16xf32>,
      %swap3A_543 = vector.shape_cast %swap3A_542 : vector<1x16xf32> to vector<16xf32>
      %swap3A_544 = vector.shape_cast %broadcast_in_dim3A_539 : vector<16xf32> to vector<1x16xf32>
      tpu.vector_store %arg9[%swap3A_540, %swap3A_541], %swap3A_544 {strides = array<i32>} : memref<16x128xf32, #tpu.memory_space<vmem>>, vector<1x16xf32>,
      %broadcast_in_dim3A_545 = arith.constant 0.000000e+00 : f32
      %broadcast_in_dim3A_546 = vector.broadcast %broadcast_in_dim3A_545 : f32 to vector<16xf32>
      %swap3A_547 = arith.index_cast %scan3A_497 : i32 to index
      %swap3A_548 = arith.constant 112 : index
      %swap3A_549 = tpu.vector_load %arg9[%swap3A_547, %swap3A_548] {strides = array<i32>} : memref<16x128xf32, #tpu.memory_space<vmem>>, vector<1x16xf32>,
      %swap3A_550 = vector.shape_cast %swap3A_549 : vector<1x16xf32> to vector<16xf32>
      %swap3A_551 = vector.shape_cast %broadcast_in_dim3A_546 : vector<16xf32> to vector<1x16xf32>
      tpu.vector_store %arg9[%swap3A_547, %swap3A_548], %swap3A_551 {strides = array<i32>} : memref<16x128xf32, #tpu.memory_space<vmem>>, vector<1x16xf32>,
    }
    %scan3A_134 = arith.constant 16 : i32
    %add3A_135 = arith.constant 0 : i32
    %add3A_136 = arith.addi %arg1, %add3A_135 : i32
    %mul3A = arith.constant 16 : i32
    %mul3A_137 = arith.muli %add3A_136, %mul3A : i32
    %dma_start3A = arith.constant 0 : i32
    %dma_start3A_138 = tpu.memref_slice %arg6[%mul3A_137, %dma_start3A] : memref<5008x128xf32, #tpu.memory_space<vmem_shared>> -> memref<16x128xf32, #tpu.memory_space<vmem_shared>>
    %dma_start3A_139 = arith.constant 0 : i32
    %dma_start3A_140 = tpu.memref_slice %arg6[%mul3A_137, %dma_start3A_139] : memref<5008x128xf32, #tpu.memory_space<vmem_shared>> -> memref<16x128xf32, #tpu.memory_space<vmem_shared>>
    tpu.enqueue_dma source(%arg9 : memref<16x128xf32, #tpu.memory_space<vmem>>) target(%dma_start3A_140 : memref<16x128xf32, #tpu.memory_space<vmem_shared>>) target_semaphore(%arg27 : memref<!tpu.dma_semaphore, #tpu.memory_space<semaphore_mem>>)
    %add3A_141 = arith.constant 16 : i32
    %add3A_142 = arith.addi %arg1, %add3A_141 : i32
    %mul3A_143 = arith.constant 16 : i32
    %mul3A_144 = arith.muli %add3A_142, %mul3A_143 : i32
    %dma_start3A_145 = arith.constant 0 : i32
    %dma_start3A_146 = tpu.memref_slice %arg6[%mul3A_144, %dma_start3A_145] : memref<5008x128xf32, #tpu.memory_space<vmem_shared>> -> memref<16x128xf32, #tpu.memory_space<vmem_shared>>
    %dma_start3A_147 = arith.constant 0 : i32
    %dma_start3A_148 = tpu.memref_slice %arg6[%mul3A_144, %dma_start3A_147] : memref<5008x128xf32, #tpu.memory_space<vmem_shared>> -> memref<16x128xf32, #tpu.memory_space<vmem_shared>>
    tpu.enqueue_dma source(%arg9 : memref<16x128xf32, #tpu.memory_space<vmem>>) target(%dma_start3A_148 : memref<16x128xf32, #tpu.memory_space<vmem_shared>>) target_semaphore(%arg27 : memref<!tpu.dma_semaphore, #tpu.memory_space<semaphore_mem>>)
    %add3A_149 = arith.constant 32 : i32
    %add3A_150 = arith.addi %arg1, %add3A_149 : i32
    %mul3A_151 = arith.constant 16 : i32
    %mul3A_152 = arith.muli %add3A_150, %mul3A_151 : i32
    %dma_start3A_153 = arith.constant 0 : i32
    %dma_start3A_154 = tpu.memref_slice %arg6[%mul3A_152, %dma_start3A_153] : memref<5008x128xf32, #tpu.memory_space<vmem_shared>> -> memref<16x128xf32, #tpu.memory_space<vmem_shared>>
    %dma_start3A_155 = arith.constant 0 : i32
    %dma_start3A_156 = tpu.memref_slice %arg6[%mul3A_152, %dma_start3A_155] : memref<5008x128xf32, #tpu.memory_space<vmem_shared>> -> memref<16x128xf32, #tpu.memory_space<vmem_shared>>
    tpu.enqueue_dma source(%arg9 : memref<16x128xf32, #tpu.memory_space<vmem>>) target(%dma_start3A_156 : memref<16x128xf32, #tpu.memory_space<vmem_shared>>) target_semaphore(%arg27 : memref<!tpu.dma_semaphore, #tpu.memory_space<semaphore_mem>>)
    %add3A_157 = arith.constant 48 : i32
    %add3A_158 = arith.addi %arg1, %add3A_157 : i32
    %mul3A_159 = arith.constant 16 : i32
    %mul3A_160 = arith.muli %add3A_158, %mul3A_159 : i32
    %dma_start3A_161 = arith.constant 0 : i32
    %dma_start3A_162 = tpu.memref_slice %arg6[%mul3A_160, %dma_start3A_161] : memref<5008x128xf32, #tpu.memory_space<vmem_shared>> -> memref<16x128xf32, #tpu.memory_space<vmem_shared>>
    %dma_start3A_163 = arith.constant 0 : i32
    %dma_start3A_164 = tpu.memref_slice %arg6[%mul3A_160, %dma_start3A_163] : memref<5008x128xf32, #tpu.memory_space<vmem_shared>> -> memref<16x128xf32, #tpu.memory_space<vmem_shared>>
    tpu.enqueue_dma source(%arg9 : memref<16x128xf32, #tpu.memory_space<vmem>>) target(%dma_start3A_164 : memref<16x128xf32, #tpu.memory_space<vmem_shared>>) target_semaphore(%arg27 : memref<!tpu.dma_semaphore, #tpu.memory_space<semaphore_mem>>)
    %add3A_165 = arith.constant 64 : i32
    %add3A_166 = arith.addi %arg1, %add3A_165 : i32
    %mul3A_167 = arith.constant 16 : i32
    %mul3A_168 = arith.muli %add3A_166, %mul3A_167 : i32
    %dma_start3A_169 = arith.constant 0 : i32
    %dma_start3A_170 = tpu.memref_slice %arg6[%mul3A_168, %dma_start3A_169] : memref<5008x128xf32, #tpu.memory_space<vmem_shared>> -> memref<16x128xf32, #tpu.memory_space<vmem_shared>>
    %dma_start3A_171 = arith.constant 0 : i32
    %dma_start3A_172 = tpu.memref_slice %arg6[%mul3A_168, %dma_start3A_171] : memref<5008x128xf32, #tpu.memory_space<vmem_shared>> -> memref<16x128xf32, #tpu.memory_space<vmem_shared>>
    tpu.enqueue_dma source(%arg9 : memref<16x128xf32, #tpu.memory_space<vmem>>) target(%dma_start3A_172 : memref<16x128xf32, #tpu.memory_space<vmem_shared>>) target_semaphore(%arg27 : memref<!tpu.dma_semaphore, #tpu.memory_space<semaphore_mem>>)
    %add3A_173 = arith.constant 80 : i32
    %add3A_174 = arith.addi %arg1, %add3A_173 : i32
    %mul3A_175 = arith.constant 16 : i32
    %mul3A_176 = arith.muli %add3A_174, %mul3A_175 : i32
    %dma_start3A_177 = arith.constant 0 : i32
    %dma_start3A_178 = tpu.memref_slice %arg6[%mul3A_176, %dma_start3A_177] : memref<5008x128xf32, #tpu.memory_space<vmem_shared>> -> memref<16x128xf32, #tpu.memory_space<vmem_shared>>
    %dma_start3A_179 = arith.constant 0 : i32
    %dma_start3A_180 = tpu.memref_slice %arg6[%mul3A_176, %dma_start3A_179] : memref<5008x128xf32, #tpu.memory_space<vmem_shared>> -> memref<16x128xf32, #tpu.memory_space<vmem_shared>>
    tpu.enqueue_dma source(%arg9 : memref<16x128xf32, #tpu.memory_space<vmem>>) target(%dma_start3A_180 : memref<16x128xf32, #tpu.memory_space<vmem_shared>>) target_semaphore(%arg27 : memref<!tpu.dma_semaphore, #tpu.memory_space<semaphore_mem>>)
    %add3A_181 = arith.constant 96 : i32
    %add3A_182 = arith.addi %arg1, %add3A_181 : i32
    %mul3A_183 = arith.constant 16 : i32
    %mul3A_184 = arith.muli %add3A_182, %mul3A_183 : i32
    %dma_start3A_185 = arith.constant 0 : i32
    %dma_start3A_186 = tpu.memref_slice %arg6[%mul3A_184, %dma_start3A_185] : memref<5008x128xf32, #tpu.memory_space<vmem_shared>> -> memref<16x128xf32, #tpu.memory_space<vmem_shared>>
    %dma_start3A_187 = arith.constant 0 : i32
    %dma_start3A_188 = tpu.memref_slice %arg6[%mul3A_184, %dma_start3A_187] : memref<5008x128xf32, #tpu.memory_space<vmem_shared>> -> memref<16x128xf32, #tpu.memory_space<vmem_shared>>
    tpu.enqueue_dma source(%arg9 : memref<16x128xf32, #tpu.memory_space<vmem>>) target(%dma_start3A_188 : memref<16x128xf32, #tpu.memory_space<vmem_shared>>) target_semaphore(%arg27 : memref<!tpu.dma_semaphore, #tpu.memory_space<semaphore_mem>>)
    %add3A_189 = arith.constant 112 : i32
    %add3A_190 = arith.addi %arg1, %add3A_189 : i32
    %mul3A_191 = arith.constant 16 : i32
    %mul3A_192 = arith.muli %add3A_190, %mul3A_191 : i32
    %dma_start3A_193 = arith.constant 0 : i32
    %dma_start3A_194 = tpu.memref_slice %arg6[%mul3A_192, %dma_start3A_193] : memref<5008x128xf32, #tpu.memory_space<vmem_shared>> -> memref<16x128xf32, #tpu.memory_space<vmem_shared>>
    %dma_start3A_195 = arith.constant 0 : i32
    %dma_start3A_196 = tpu.memref_slice %arg6[%mul3A_192, %dma_start3A_195] : memref<5008x128xf32, #tpu.memory_space<vmem_shared>> -> memref<16x128xf32, #tpu.memory_space<vmem_shared>>
    tpu.enqueue_dma source(%arg9 : memref<16x128xf32, #tpu.memory_space<vmem>>) target(%dma_start3A_196 : memref<16x128xf32, #tpu.memory_space<vmem_shared>>) target_semaphore(%arg27 : memref<!tpu.dma_semaphore, #tpu.memory_space<semaphore_mem>>)
    %add3A_197 = arith.constant 128 : i32
    %add3A_198 = arith.addi %arg1, %add3A_197 : i32
    %mul3A_199 = arith.constant 16 : i32
    %mul3A_200 = arith.muli %add3A_198, %mul3A_199 : i32
    %dma_start3A_201 = arith.constant 0 : i32
    %dma_start3A_202 = tpu.memref_slice %arg6[%mul3A_200, %dma_start3A_201] : memref<5008x128xf32, #tpu.memory_space<vmem_shared>> -> memref<16x128xf32, #tpu.memory_space<vmem_shared>>
    %dma_start3A_203 = arith.constant 0 : i32
    %dma_start3A_204 = tpu.memref_slice %arg6[%mul3A_200, %dma_start3A_203] : memref<5008x128xf32, #tpu.memory_space<vmem_shared>> -> memref<16x128xf32, #tpu.memory_space<vmem_shared>>
    tpu.enqueue_dma source(%arg9 : memref<16x128xf32, #tpu.memory_space<vmem>>) target(%dma_start3A_204 : memref<16x128xf32, #tpu.memory_space<vmem_shared>>) target_semaphore(%arg27 : memref<!tpu.dma_semaphore, #tpu.memory_space<semaphore_mem>>)
    %add3A_205 = arith.constant 144 : i32
    %add3A_206 = arith.addi %arg1, %add3A_205 : i32
    %mul3A_207 = arith.constant 16 : i32
    %mul3A_208 = arith.muli %add3A_206, %mul3A_207 : i32
    %dma_start3A_209 = arith.constant 0 : i32
    %dma_start3A_210 = tpu.memref_slice %arg6[%mul3A_208, %dma_start3A_209] : memref<5008x128xf32, #tpu.memory_space<vmem_shared>> -> memref<16x128xf32, #tpu.memory_space<vmem_shared>>
    %dma_start3A_211 = arith.constant 0 : i32
    %dma_start3A_212 = tpu.memref_slice %arg6[%mul3A_208, %dma_start3A_211] : memref<5008x128xf32, #tpu.memory_space<vmem_shared>> -> memref<16x128xf32, #tpu.memory_space<vmem_shared>>
    tpu.enqueue_dma source(%arg9 : memref<16x128xf32, #tpu.memory_space<vmem>>) target(%dma_start3A_212 : memref<16x128xf32, #tpu.memory_space<vmem_shared>>) target_semaphore(%arg27 : memref<!tpu.dma_semaphore, #tpu.memory_space<semaphore_mem>>)
    %add3A_213 = arith.constant 160 : i32
    %add3A_214 = arith.addi %arg1, %add3A_213 : i32
    %mul3A_215 = arith.constant 16 : i32
    %mul3A_216 = arith.muli %add3A_214, %mul3A_215 : i32
    %dma_start3A_217 = arith.constant 0 : i32
    %dma_start3A_218 = tpu.memref_slice %arg6[%mul3A_216, %dma_start3A_217] : memref<5008x128xf32, #tpu.memory_space<vmem_shared>> -> memref<16x128xf32, #tpu.memory_space<vmem_shared>>
    %dma_start3A_219 = arith.constant 0 : i32
    %dma_start3A_220 = tpu.memref_slice %arg6[%mul3A_216, %dma_start3A_219] : memref<5008x128xf32, #tpu.memory_space<vmem_shared>> -> memref<16x128xf32, #tpu.memory_space<vmem_shared>>
    tpu.enqueue_dma source(%arg9 : memref<16x128xf32, #tpu.memory_space<vmem>>) target(%dma_start3A_220 : memref<16x128xf32, #tpu.memory_space<vmem_shared>>) target_semaphore(%arg27 : memref<!tpu.dma_semaphore, #tpu.memory_space<semaphore_mem>>)
    %add3A_221 = arith.constant 176 : i32
    %add3A_222 = arith.addi %arg1, %add3A_221 : i32
    %mul3A_223 = arith.constant 16 : i32
    %mul3A_224 = arith.muli %add3A_222, %mul3A_223 : i32
    %dma_start3A_225 = arith.constant 0 : i32
    %dma_start3A_226 = tpu.memref_slice %arg6[%mul3A_224, %dma_start3A_225] : memref<5008x128xf32, #tpu.memory_space<vmem_shared>> -> memref<16x128xf32, #tpu.memory_space<vmem_shared>>
    %dma_start3A_227 = arith.constant 0 : i32
    %dma_start3A_228 = tpu.memref_slice %arg6[%mul3A_224, %dma_start3A_227] : memref<5008x128xf32, #tpu.memory_space<vmem_shared>> -> memref<16x128xf32, #tpu.memory_space<vmem_shared>>
    tpu.enqueue_dma source(%arg9 : memref<16x128xf32, #tpu.memory_space<vmem>>) target(%dma_start3A_228 : memref<16x128xf32, #tpu.memory_space<vmem_shared>>) target_semaphore(%arg27 : memref<!tpu.dma_semaphore, #tpu.memory_space<semaphore_mem>>)
    %add3A_229 = arith.constant 192 : i32
    %add3A_230 = arith.addi %arg1, %add3A_229 : i32
    %mul3A_231 = arith.constant 16 : i32
    %mul3A_232 = arith.muli %add3A_230, %mul3A_231 : i32
    %dma_start3A_233 = arith.constant 0 : i32
    %dma_start3A_234 = tpu.memref_slice %arg6[%mul3A_232, %dma_start3A_233] : memref<5008x128xf32, #tpu.memory_space<vmem_shared>> -> memref<16x128xf32, #tpu.memory_space<vmem_shared>>
    %dma_start3A_235 = arith.constant 0 : i32
    %dma_start3A_236 = tpu.memref_slice %arg6[%mul3A_232, %dma_start3A_235] : memref<5008x128xf32, #tpu.memory_space<vmem_shared>> -> memref<16x128xf32, #tpu.memory_space<vmem_shared>>
    tpu.enqueue_dma source(%arg9 : memref<16x128xf32, #tpu.memory_space<vmem>>) target(%dma_start3A_236 : memref<16x128xf32, #tpu.memory_space<vmem_shared>>) target_semaphore(%arg27 : memref<!tpu.dma_semaphore, #tpu.memory_space<semaphore_mem>>)
    %add3A_237 = arith.constant 208 : i32
    %add3A_238 = arith.addi %arg1, %add3A_237 : i32
    %mul3A_239 = arith.constant 16 : i32
    %mul3A_240 = arith.muli %add3A_238, %mul3A_239 : i32
    %dma_start3A_241 = arith.constant 0 : i32
    %dma_start3A_242 = tpu.memref_slice %arg6[%mul3A_240, %dma_start3A_241] : memref<5008x128xf32, #tpu.memory_space<vmem_shared>> -> memref<16x128xf32, #tpu.memory_space<vmem_shared>>
    %dma_start3A_243 = arith.constant 0 : i32
    %dma_start3A_244 = tpu.memref_slice %arg6[%mul3A_240, %dma_start3A_243] : memref<5008x128xf32, #tpu.memory_space<vmem_shared>> -> memref<16x128xf32, #tpu.memory_space<vmem_shared>>
    tpu.enqueue_dma source(%arg9 : memref<16x128xf32, #tpu.memory_space<vmem>>) target(%dma_start3A_244 : memref<16x128xf32, #tpu.memory_space<vmem_shared>>) target_semaphore(%arg27 : memref<!tpu.dma_semaphore, #tpu.memory_space<semaphore_mem>>)
    %add3A_245 = arith.constant 224 : i32
    %add3A_246 = arith.addi %arg1, %add3A_245 : i32
    %mul3A_247 = arith.constant 16 : i32
    %mul3A_248 = arith.muli %add3A_246, %mul3A_247 : i32
    %dma_start3A_249 = arith.constant 0 : i32
    %dma_start3A_250 = tpu.memref_slice %arg6[%mul3A_248, %dma_start3A_249] : memref<5008x128xf32, #tpu.memory_space<vmem_shared>> -> memref<16x128xf32, #tpu.memory_space<vmem_shared>>
    %dma_start3A_251 = arith.constant 0 : i32
    %dma_start3A_252 = tpu.memref_slice %arg6[%mul3A_248, %dma_start3A_251] : memref<5008x128xf32, #tpu.memory_space<vmem_shared>> -> memref<16x128xf32, #tpu.memory_space<vmem_shared>>
    tpu.enqueue_dma source(%arg9 : memref<16x128xf32, #tpu.memory_space<vmem>>) target(%dma_start3A_252 : memref<16x128xf32, #tpu.memory_space<vmem_shared>>) target_semaphore(%arg27 : memref<!tpu.dma_semaphore, #tpu.memory_space<semaphore_mem>>)
    %add3A_253 = arith.constant 240 : i32
    %add3A_254 = arith.addi %arg1, %add3A_253 : i32
    %mul3A_255 = arith.constant 16 : i32
    %mul3A_256 = arith.muli %add3A_254, %mul3A_255 : i32
    %dma_start3A_257 = arith.constant 0 : i32
    %dma_start3A_258 = tpu.memref_slice %arg6[%mul3A_256, %dma_start3A_257] : memref<5008x128xf32, #tpu.memory_space<vmem_shared>> -> memref<16x128xf32, #tpu.memory_space<vmem_shared>>
    %dma_start3A_259 = arith.constant 0 : i32
    %dma_start3A_260 = tpu.memref_slice %arg6[%mul3A_256, %dma_start3A_259] : memref<5008x128xf32, #tpu.memory_space<vmem_shared>> -> memref<16x128xf32, #tpu.memory_space<vmem_shared>>
    tpu.enqueue_dma source(%arg9 : memref<16x128xf32, #tpu.memory_space<vmem>>) target(%dma_start3A_260 : memref<16x128xf32, #tpu.memory_space<vmem_shared>>) target_semaphore(%arg27 : memref<!tpu.dma_semaphore, #tpu.memory_space<semaphore_mem>>)
    %add3A_261 = arith.constant 256 : i32
    %add3A_262 = arith.addi %arg1, %add3A_261 : i32
    %mul3A_263 = arith.constant 16 : i32
    %mul3A_264 = arith.muli %add3A_262, %mul3A_263 : i32
    %dma_start3A_265 = arith.constant 0 : i32
    %dma_start3A_266 = tpu.memref_slice %arg6[%mul3A_264, %dma_start3A_265] : memref<5008x128xf32, #tpu.memory_space<vmem_shared>> -> memref<16x128xf32, #tpu.memory_space<vmem_shared>>
    %dma_start3A_267 = arith.constant 0 : i32
    %dma_start3A_268 = tpu.memref_slice %arg6[%mul3A_264, %dma_start3A_267] : memref<5008x128xf32, #tpu.memory_space<vmem_shared>> -> memref<16x128xf32, #tpu.memory_space<vmem_shared>>
    tpu.enqueue_dma source(%arg9 : memref<16x128xf32, #tpu.memory_space<vmem>>) target(%dma_start3A_268 : memref<16x128xf32, #tpu.memory_space<vmem_shared>>) target_semaphore(%arg27 : memref<!tpu.dma_semaphore, #tpu.memory_space<semaphore_mem>>)
    %add3A_269 = arith.constant 272 : i32
    %add3A_270 = arith.addi %arg1, %add3A_269 : i32
    %mul3A_271 = arith.constant 16 : i32
    %mul3A_272 = arith.muli %add3A_270, %mul3A_271 : i32
    %dma_start3A_273 = arith.constant 0 : i32
    %dma_start3A_274 = tpu.memref_slice %arg6[%mul3A_272, %dma_start3A_273] : memref<5008x128xf32, #tpu.memory_space<vmem_shared>> -> memref<16x128xf32, #tpu.memory_space<vmem_shared>>
    %dma_start3A_275 = arith.constant 0 : i32
    %dma_start3A_276 = tpu.memref_slice %arg6[%mul3A_272, %dma_start3A_275] : memref<5008x128xf32, #tpu.memory_space<vmem_shared>> -> memref<16x128xf32, #tpu.memory_space<vmem_shared>>
    tpu.enqueue_dma source(%arg9 : memref<16x128xf32, #tpu.memory_space<vmem>>) target(%dma_start3A_276 : memref<16x128xf32, #tpu.memory_space<vmem_shared>>) target_semaphore(%arg27 : memref<!tpu.dma_semaphore, #tpu.memory_space<semaphore_mem>>)
    %add3A_277 = arith.constant 288 : i32
    %add3A_278 = arith.addi %arg1, %add3A_277 : i32
    %mul3A_279 = arith.constant 16 : i32
    %mul3A_280 = arith.muli %add3A_278, %mul3A_279 : i32
    %dma_start3A_281 = arith.constant 0 : i32
    %dma_start3A_282 = tpu.memref_slice %arg6[%mul3A_280, %dma_start3A_281] : memref<5008x128xf32, #tpu.memory_space<vmem_shared>> -> memref<16x128xf32, #tpu.memory_space<vmem_shared>>
    %dma_start3A_283 = arith.constant 0 : i32
    %dma_start3A_284 = tpu.memref_slice %arg6[%mul3A_280, %dma_start3A_283] : memref<5008x128xf32, #tpu.memory_space<vmem_shared>> -> memref<16x128xf32, #tpu.memory_space<vmem_shared>>
    tpu.enqueue_dma source(%arg9 : memref<16x128xf32, #tpu.memory_space<vmem>>) target(%dma_start3A_284 : memref<16x128xf32, #tpu.memory_space<vmem_shared>>) target_semaphore(%arg27 : memref<!tpu.dma_semaphore, #tpu.memory_space<semaphore_mem>>)
    %add3A_285 = arith.constant 304 : i32
    %add3A_286 = arith.addi %arg1, %add3A_285 : i32
    %lt3A_287 = arith.constant 313 : i32
    %lt3A_288 = arith.cmpi slt, %add3A_286, %lt3A_287 : i32
    %convert_element_type3A_289 = arith.extui %lt3A_288 : i1 to i32
    %cond3A_290 = arith.constant 0 : i32
    %cond3A_291 = arith.cmpi ne, %convert_element_type3A_289, %cond3A_290 : i32
    scf.if %cond3A_291 {
      %mul3A_497 = arith.constant 16 : i32
      %mul3A_498 = arith.muli %add3A_286, %mul3A_497 : i32
      %dma_start3A_499 = arith.constant 0 : i32
      %dma_start3A_500 = tpu.memref_slice %arg6[%mul3A_498, %dma_start3A_499] : memref<5008x128xf32, #tpu.memory_space<vmem_shared>> -> memref<16x128xf32, #tpu.memory_space<vmem_shared>>
      %dma_start3A_501 = arith.constant 0 : i32
      %dma_start3A_502 = tpu.memref_slice %arg6[%mul3A_498, %dma_start3A_501] : memref<5008x128xf32, #tpu.memory_space<vmem_shared>> -> memref<16x128xf32, #tpu.memory_space<vmem_shared>>
      tpu.enqueue_dma source(%arg9 : memref<16x128xf32, #tpu.memory_space<vmem>>) target(%dma_start3A_502 : memref<16x128xf32, #tpu.memory_space<vmem_shared>>) target_semaphore(%arg27 : memref<!tpu.dma_semaphore, #tpu.memory_space<semaphore_mem>>)
    } else {
    }
    %scan3A_292 = arith.constant 0 : i32
    %scan3A_293 = arith.constant 0 : i32
    %scan3A_294 = arith.constant 19 : i32
    %scan3A_295 = arith.addi %scan3A_293, %scan3A_294 : i32
    %scan3A_296 = arith.constant 1 : i32
    scf.for %scan3A_497 = %scan3A_293 to %scan3A_295 step %scan3A_296  : i32 {
      %dma_wait3A = arith.constant 0 : i32
      %dma_wait3A_498 = arith.constant 0 : i32
      %dma_wait3A_499 = tpu.memref_slice %arg6[%dma_wait3A, %dma_wait3A_498] : memref<5008x128xf32, #tpu.memory_space<vmem_shared>> -> memref<16x128xf32, #tpu.memory_space<vmem_shared>>
      %dma_wait3A_500 = arith.constant 0 : i32
      %dma_wait3A_501 = arith.constant 0 : i32
      %dma_wait3A_502 = tpu.memref_slice %arg6[%dma_wait3A_500, %dma_wait3A_501] : memref<5008x128xf32, #tpu.memory_space<vmem_shared>> -> memref<16x128xf32, #tpu.memory_space<vmem_shared>>
      tpu.wait_dma2 semaphore(%arg27 : memref<!tpu.dma_semaphore, #tpu.memory_space<semaphore_mem>>) src(%arg9 : memref<16x128xf32, #tpu.memory_space<vmem>>) dst(%dma_wait3A_502 : memref<16x128xf32, #tpu.memory_space<vmem_shared>>)
    }
    %scan3A_297 = arith.constant 19 : i32
    %add3A_298 = arith.constant 304 : i32
    %add3A_299 = arith.addi %arg1, %add3A_298 : i32
    %lt3A_300 = arith.constant 313 : i32
    %lt3A_301 = arith.cmpi slt, %add3A_299, %lt3A_300 : i32
    %convert_element_type3A_302 = arith.extui %lt3A_301 : i1 to i32
    %cond3A_303 = arith.constant 0 : i32
    %cond3A_304 = arith.cmpi ne, %convert_element_type3A_302, %cond3A_303 : i32
    scf.if %cond3A_304 {
      %dma_wait3A = arith.constant 0 : i32
      %dma_wait3A_497 = arith.constant 0 : i32
      %dma_wait3A_498 = tpu.memref_slice %arg6[%dma_wait3A, %dma_wait3A_497] : memref<5008x128xf32, #tpu.memory_space<vmem_shared>> -> memref<16x128xf32, #tpu.memory_space<vmem_shared>>
      %dma_wait3A_499 = arith.constant 0 : i32
      %dma_wait3A_500 = arith.constant 0 : i32
      %dma_wait3A_501 = tpu.memref_slice %arg6[%dma_wait3A_499, %dma_wait3A_500] : memref<5008x128xf32, #tpu.memory_space<vmem_shared>> -> memref<16x128xf32, #tpu.memory_space<vmem_shared>>
      tpu.wait_dma2 semaphore(%arg27 : memref<!tpu.dma_semaphore, #tpu.memory_space<semaphore_mem>>) src(%arg9 : memref<16x128xf32, #tpu.memory_space<vmem>>) dst(%dma_wait3A_501 : memref<16x128xf32, #tpu.memory_space<vmem_shared>>)
    } else {
    }
    %barrier3A = arith.constant 0 : index
    tpu.barrier barrier_id(%barrier3A)
    %scan3A_305 = arith.constant 0 : i32
    %scan3A_306 = arith.constant 0 : i32
    %scan3A_307 = arith.constant 32 : i32
    %scan3A_308 = arith.addi %scan3A_306, %scan3A_307 : i32
    %scan3A_309 = arith.constant 1 : i32
    scf.for %scan3A_497 = %scan3A_306 to %scan3A_308 step %scan3A_309  : i32 {
      %mul3A_498 = arith.constant 8 : i32
      %mul3A_499 = arith.muli %scan3A_497, %mul3A_498 : i32
      %add3A_500 = arith.constant 0 : i32
      %add3A_501 = arith.addi %mul3A_499, %add3A_500 : i32
      %mul3A_502 = arith.constant 16 : i32
      %mul3A_503 = arith.muli %mul3A_502, %add3A_501 : i32
      %add3A_504 = arith.addi %arg1, %mul3A_503 : i32
      %sub3A_505 = arith.constant 249 : i32
      %sub3A_506 = arith.subi %sub3A_505, %add3A_501 : i32
      %mul3A_507 = arith.constant 16 : i32
      %mul3A_508 = arith.muli %mul3A_507, %sub3A_506 : i32
      %add3A_509 = arith.addi %arg1, %mul3A_508 : i32
      %select_n3A_510 = arith.select %eq3A_0, %add3A_504, %add3A_509 : i32
      %lt3A_511 = arith.cmpi slt, %select_n3A_510, %select_n3A : i32
      %ge3A_512 = arith.cmpi sge, %select_n3A_510, %select_n3A_45 : i32
      %select_n3A_513 = arith.select %eq3A_0, %lt3A_511, %ge3A_512 : i1
      %convert_element_type3A_514 = arith.extui %select_n3A_513 : i1 to i32
      %cond3A_515 = arith.constant 0 : i32
      %cond3A_516 = arith.cmpi ne, %convert_element_type3A_514, %cond3A_515 : i32
      scf.if %cond3A_516 {
        %dma_wait3A = arith.constant 0 : i32
        %dma_wait3A_818 = arith.constant 0 : i32
        %dma_wait3A_819 = arith.constant 0 : i32
        %dma_wait3A_820 = arith.constant 0 : i32
        %dma_wait3A_821 = tpu.memref_slice %arg7[%dma_wait3A_818, %dma_wait3A_819, %dma_wait3A_820] : memref<8x1x80xi32, #tpu.memory_space<vmem>> -> memref<1x1x80xi32, #tpu.memory_space<vmem>>
        %dma_wait3A_822 = tpu.memref_squeeze %dma_wait3A_821 : memref<1x1x80xi32, #tpu.memory_space<vmem>> -> memref<1x80xi32, #tpu.memory_space<vmem>>
        %dma_wait3A_823 = arith.constant 0 : i32
        %dma_wait3A_824 = arith.constant 0 : i32
        %dma_wait3A_825 = tpu.memref_slice %arg3[%dma_wait3A, %dma_wait3A_823, %dma_wait3A_824] : memref<4000x1x80xi32, #tpu.memory_space<hbm>> -> memref<1x1x80xi32, #tpu.memory_space<hbm>>
        %dma_wait3A_826 = tpu.memref_squeeze %dma_wait3A_825 : memref<1x1x80xi32, #tpu.memory_space<hbm>> -> memref<1x80xi32, #tpu.memory_space<hbm>>
        %dma_wait3A_827 = arith.constant 0 : i32
        %dma_wait3A_828 = arith.constant 0 : i32
        %dma_wait3A_829 = tpu.memref_slice %arg7[%dma_wait3A_818, %dma_wait3A_827, %dma_wait3A_828] : memref<8x1x80xi32, #tpu.memory_space<vmem>> -> memref<1x1x80xi32, #tpu.memory_space<vmem>>
        %dma_wait3A_830 = tpu.memref_squeeze %dma_wait3A_829 : memref<1x1x80xi32, #tpu.memory_space<vmem>> -> memref<1x80xi32, #tpu.memory_space<vmem>>
        %dma_wait3A_831 = arith.constant 0 : i32
        %dma_wait3A_832 = arith.constant 0 : i32
        %dma_wait3A_833 = tpu.memref_slice %arg3[%dma_wait3A, %dma_wait3A_831, %dma_wait3A_832] : memref<4000x1x80xi32, #tpu.memory_space<hbm>> -> memref<1x1x80xi32, #tpu.memory_space<hbm>>
        %dma_wait3A_834 = tpu.memref_squeeze %dma_wait3A_833 : memref<1x1x80xi32, #tpu.memory_space<hbm>> -> memref<1x80xi32, #tpu.memory_space<hbm>>
        tpu.wait_dma2 semaphore(%arg11 : memref<!tpu.dma_semaphore, #tpu.memory_space<semaphore_mem>>) src(%dma_wait3A_834 : memref<1x80xi32, #tpu.memory_space<hbm>>) dst(%dma_wait3A_830 : memref<1x80xi32, #tpu.memory_space<vmem>>)
        %dma_wait3A_835 = arith.constant 0 : i32
        %dma_wait3A_836 = arith.constant 0 : i32
        %dma_wait3A_837 = arith.constant 0 : i32
        %dma_wait3A_838 = tpu.memref_slice %arg8[%dma_wait3A_835, %dma_wait3A_836, %dma_wait3A_837] : memref<8x80x128xf32, #tpu.memory_space<vmem>> -> memref<1x80x128xf32, #tpu.memory_space<vmem>>
        %dma_wait3A_839 = tpu.memref_squeeze %dma_wait3A_838 : memref<1x80x128xf32, #tpu.memory_space<vmem>> -> memref<80x128xf32, #tpu.memory_space<vmem>>
        %dma_wait3A_840 = arith.constant 0 : i32
        %dma_wait3A_841 = arith.constant 0 : i32
        %dma_wait3A_842 = tpu.memref_slice %arg2[%dma_wait3A_840, %dma_wait3A_841] : memref<320000x128xf32, #tpu.memory_space<hbm>> -> memref<80x128xf32, #tpu.memory_space<hbm>>
        %dma_wait3A_843 = arith.constant 0 : i32
        %dma_wait3A_844 = arith.constant 0 : i32
        %dma_wait3A_845 = tpu.memref_slice %arg8[%dma_wait3A_835, %dma_wait3A_843, %dma_wait3A_844] : memref<8x80x128xf32, #tpu.memory_space<vmem>> -> memref<1x80x128xf32, #tpu.memory_space<vmem>>
        %dma_wait3A_846 = tpu.memref_squeeze %dma_wait3A_845 : memref<1x80x128xf32, #tpu.memory_space<vmem>> -> memref<80x128xf32, #tpu.memory_space<vmem>>
        %dma_wait3A_847 = arith.constant 0 : i32
        %dma_wait3A_848 = arith.constant 0 : i32
        %dma_wait3A_849 = tpu.memref_slice %arg2[%dma_wait3A_847, %dma_wait3A_848] : memref<320000x128xf32, #tpu.memory_space<hbm>> -> memref<80x128xf32, #tpu.memory_space<hbm>>
        tpu.wait_dma2 semaphore(%arg11 : memref<!tpu.dma_semaphore, #tpu.memory_space<semaphore_mem>>) src(%dma_wait3A_849 : memref<80x128xf32, #tpu.memory_space<hbm>>) dst(%dma_wait3A_846 : memref<80x128xf32, #tpu.memory_space<vmem>>)
        %mul3A_850 = arith.constant 5000 : i32
        %mul3A_851 = arith.muli %arg0, %mul3A_850 : i32
        %broadcast_in_dim3A = vector.broadcast %mul3A_851 : i32 to vector<16xi32>
        %get3A_852 = arith.constant 0 : i32
        %get3A_853 = arith.constant 0 : i32
        %get3A_854 = arith.index_cast %get3A_852 : i32 to index
        %get3A_855 = arith.index_cast %get3A_853 : i32 to index
        %get3A_856 = arith.constant 0 : index
        %get3A_857 = tpu.vector_load %arg7[%get3A_854, %get3A_855, %get3A_856] {strides = array<i32>} : memref<8x1x80xi32, #tpu.memory_space<vmem>>, vector<1x1x16xi32>,
        %get3A_858 = vector.shape_cast %get3A_857 : vector<1x1x16xi32> to vector<16xi32>
        %sub3A_859 = arith.subi %get3A_858, %broadcast_in_dim3A : vector<16xi32>
        %lt3A_860 = arith.constant 0 : i32
        %lt3A_861 = vector.broadcast %lt3A_860 : i32 to vector<16xi32>
        %lt3A_862 = arith.cmpi slt, %sub3A_859, %lt3A_861 : vector<16xi32>
        %jit3A_863 = arith.constant 5000 : i32
        %broadcast_in_dim3A_864 = vector.broadcast %jit3A_863 : i32 to vector<16xi32>
        %select_n3A_865 = arith.select %lt3A_862, %broadcast_in_dim3A_864, %sub3A_859 : vector<16xi1>, vector<16xi32>
        %min3A = arith.constant 5000 : i32
        %min3A_866 = vector.broadcast %min3A : i32 to vector<16xi32>
        %min3A_867 = arith.minsi %select_n3A_865, %min3A_866 : vector<16xi32>
        %swap3A = arith.constant 0 : i32
        %swap3A_868 = arith.constant 0 : i32
        %swap3A_869 = arith.index_cast %swap3A : i32 to index
        %swap3A_870 = arith.index_cast %swap3A_868 : i32 to index
        %swap3A_871 = arith.constant 0 : index
        %swap3A_872 = tpu.vector_load %arg7[%swap3A_869, %swap3A_870, %swap3A_871] {strides = array<i32>} : memref<8x1x80xi32, #tpu.memory_space<vmem>>, vector<1x1x16xi32>,
        %swap3A_873 = vector.shape_cast %swap3A_872 : vector<1x1x16xi32> to vector<16xi32>
        %swap3A_874 = vector.shape_cast %min3A_867 : vector<16xi32> to vector<1x1x16xi32>
        tpu.vector_store %arg7[%swap3A_869, %swap3A_870, %swap3A_871], %swap3A_874 {strides = array<i32>} : memref<8x1x80xi32, #tpu.memory_space<vmem>>, vector<1x1x16xi32>,
        %get3A_875 = arith.constant 0 : i32
        %get3A_876 = arith.constant 0 : i32
        %get3A_877 = arith.index_cast %get3A_875 : i32 to index
        %get3A_878 = arith.index_cast %get3A_876 : i32 to index
        %get3A_879 = arith.constant 16 : index
        %get3A_880 = tpu.vector_load %arg7[%get3A_877, %get3A_878, %get3A_879] {strides = array<i32>} : memref<8x1x80xi32, #tpu.memory_space<vmem>>, vector<1x1x16xi32>,
        %get3A_881 = vector.shape_cast %get3A_880 : vector<1x1x16xi32> to vector<16xi32>
        %sub3A_882 = arith.subi %get3A_881, %broadcast_in_dim3A : vector<16xi32>
        %lt3A_883 = arith.constant 0 : i32
        %lt3A_884 = vector.broadcast %lt3A_883 : i32 to vector<16xi32>
        %lt3A_885 = arith.cmpi slt, %sub3A_882, %lt3A_884 : vector<16xi32>
        %jit3A_886 = arith.constant 5000 : i32
        %broadcast_in_dim3A_887 = vector.broadcast %jit3A_886 : i32 to vector<16xi32>
        %select_n3A_888 = arith.select %lt3A_885, %broadcast_in_dim3A_887, %sub3A_882 : vector<16xi1>, vector<16xi32>
        %min3A_889 = arith.constant 5000 : i32
        %min3A_890 = vector.broadcast %min3A_889 : i32 to vector<16xi32>
        %min3A_891 = arith.minsi %select_n3A_888, %min3A_890 : vector<16xi32>
        %swap3A_892 = arith.constant 0 : i32
        %swap3A_893 = arith.constant 0 : i32
        %swap3A_894 = arith.index_cast %swap3A_892 : i32 to index
        %swap3A_895 = arith.index_cast %swap3A_893 : i32 to index
        %swap3A_896 = arith.constant 16 : index
        %swap3A_897 = tpu.vector_load %arg7[%swap3A_894, %swap3A_895, %swap3A_896] {strides = array<i32>} : memref<8x1x80xi32, #tpu.memory_space<vmem>>, vector<1x1x16xi32>,
        %swap3A_898 = vector.shape_cast %swap3A_897 : vector<1x1x16xi32> to vector<16xi32>
        %swap3A_899 = vector.shape_cast %min3A_891 : vector<16xi32> to vector<1x1x16xi32>
        tpu.vector_store %arg7[%swap3A_894, %swap3A_895, %swap3A_896], %swap3A_899 {strides = array<i32>} : memref<8x1x80xi32, #tpu.memory_space<vmem>>, vector<1x1x16xi32>,
        %get3A_900 = arith.constant 0 : i32
        %get3A_901 = arith.constant 0 : i32
        %get3A_902 = arith.index_cast %get3A_900 : i32 to index
        %get3A_903 = arith.index_cast %get3A_901 : i32 to index
        %get3A_904 = arith.constant 32 : index
        %get3A_905 = tpu.vector_load %arg7[%get3A_902, %get3A_903, %get3A_904] {strides = array<i32>} : memref<8x1x80xi32, #tpu.memory_space<vmem>>, vector<1x1x16xi32>,
        %get3A_906 = vector.shape_cast %get3A_905 : vector<1x1x16xi32> to vector<16xi32>
        %sub3A_907 = arith.subi %get3A_906, %broadcast_in_dim3A : vector<16xi32>
        %lt3A_908 = arith.constant 0 : i32
        %lt3A_909 = vector.broadcast %lt3A_908 : i32 to vector<16xi32>
        %lt3A_910 = arith.cmpi slt, %sub3A_907, %lt3A_909 : vector<16xi32>
        %jit3A_911 = arith.constant 5000 : i32
        %broadcast_in_dim3A_912 = vector.broadcast %jit3A_911 : i32 to vector<16xi32>
        %select_n3A_913 = arith.select %lt3A_910, %broadcast_in_dim3A_912, %sub3A_907 : vector<16xi1>, vector<16xi32>
        %min3A_914 = arith.constant 5000 : i32
        %min3A_915 = vector.broadcast %min3A_914 : i32 to vector<16xi32>
        %min3A_916 = arith.minsi %select_n3A_913, %min3A_915 : vector<16xi32>
        %swap3A_917 = arith.constant 0 : i32
        %swap3A_918 = arith.constant 0 : i32
        %swap3A_919 = arith.index_cast %swap3A_917 : i32 to index
        %swap3A_920 = arith.index_cast %swap3A_918 : i32 to index
        %swap3A_921 = arith.constant 32 : index
        %swap3A_922 = tpu.vector_load %arg7[%swap3A_919, %swap3A_920, %swap3A_921] {strides = array<i32>} : memref<8x1x80xi32, #tpu.memory_space<vmem>>, vector<1x1x16xi32>,
        %swap3A_923 = vector.shape_cast %swap3A_922 : vector<1x1x16xi32> to vector<16xi32>
        %swap3A_924 = vector.shape_cast %min3A_916 : vector<16xi32> to vector<1x1x16xi32>
        tpu.vector_store %arg7[%swap3A_919, %swap3A_920, %swap3A_921], %swap3A_924 {strides = array<i32>} : memref<8x1x80xi32, #tpu.memory_space<vmem>>, vector<1x1x16xi32>,
        %get3A_925 = arith.constant 0 : i32
        %get3A_926 = arith.constant 0 : i32
        %get3A_927 = arith.index_cast %get3A_925 : i32 to index
        %get3A_928 = arith.index_cast %get3A_926 : i32 to index
        %get3A_929 = arith.constant 48 : index
        %get3A_930 = tpu.vector_load %arg7[%get3A_927, %get3A_928, %get3A_929] {strides = array<i32>} : memref<8x1x80xi32, #tpu.memory_space<vmem>>, vector<1x1x16xi32>,
        %get3A_931 = vector.shape_cast %get3A_930 : vector<1x1x16xi32> to vector<16xi32>
        %sub3A_932 = arith.subi %get3A_931, %broadcast_in_dim3A : vector<16xi32>
        %lt3A_933 = arith.constant 0 : i32
        %lt3A_934 = vector.broadcast %lt3A_933 : i32 to vector<16xi32>
        %lt3A_935 = arith.cmpi slt, %sub3A_932, %lt3A_934 : vector<16xi32>
        %jit3A_936 = arith.constant 5000 : i32
        %broadcast_in_dim3A_937 = vector.broadcast %jit3A_936 : i32 to vector<16xi32>
        %select_n3A_938 = arith.select %lt3A_935, %broadcast_in_dim3A_937, %sub3A_932 : vector<16xi1>, vector<16xi32>
        %min3A_939 = arith.constant 5000 : i32
        %min3A_940 = vector.broadcast %min3A_939 : i32 to vector<16xi32>
        %min3A_941 = arith.minsi %select_n3A_938, %min3A_940 : vector<16xi32>
        %swap3A_942 = arith.constant 0 : i32
        %swap3A_943 = arith.constant 0 : i32
        %swap3A_944 = arith.index_cast %swap3A_942 : i32 to index
        %swap3A_945 = arith.index_cast %swap3A_943 : i32 to index
        %swap3A_946 = arith.constant 48 : index
        %swap3A_947 = tpu.vector_load %arg7[%swap3A_944, %swap3A_945, %swap3A_946] {strides = array<i32>} : memref<8x1x80xi32, #tpu.memory_space<vmem>>, vector<1x1x16xi32>,
        %swap3A_948 = vector.shape_cast %swap3A_947 : vector<1x1x16xi32> to vector<16xi32>
        %swap3A_949 = vector.shape_cast %min3A_941 : vector<16xi32> to vector<1x1x16xi32>
        tpu.vector_store %arg7[%swap3A_944, %swap3A_945, %swap3A_946], %swap3A_949 {strides = array<i32>} : memref<8x1x80xi32, #tpu.memory_space<vmem>>, vector<1x1x16xi32>,
        %get3A_950 = arith.constant 0 : i32
        %get3A_951 = arith.constant 0 : i32
        %get3A_952 = arith.index_cast %get3A_950 : i32 to index
        %get3A_953 = arith.index_cast %get3A_951 : i32 to index
        %get3A_954 = arith.constant 64 : index
        %get3A_955 = tpu.vector_load %arg7[%get3A_952, %get3A_953, %get3A_954] {strides = array<i32>} : memref<8x1x80xi32, #tpu.memory_space<vmem>>, vector<1x1x16xi32>,
        %get3A_956 = vector.shape_cast %get3A_955 : vector<1x1x16xi32> to vector<16xi32>
        %sub3A_957 = arith.subi %get3A_956, %broadcast_in_dim3A : vector<16xi32>
        %lt3A_958 = arith.constant 0 : i32
        %lt3A_959 = vector.broadcast %lt3A_958 : i32 to vector<16xi32>
        %lt3A_960 = arith.cmpi slt, %sub3A_957, %lt3A_959 : vector<16xi32>
        %jit3A_961 = arith.constant 5000 : i32
        %broadcast_in_dim3A_962 = vector.broadcast %jit3A_961 : i32 to vector<16xi32>
        %select_n3A_963 = arith.select %lt3A_960, %broadcast_in_dim3A_962, %sub3A_957 : vector<16xi1>, vector<16xi32>
        %min3A_964 = arith.constant 5000 : i32
        %min3A_965 = vector.broadcast %min3A_964 : i32 to vector<16xi32>
        %min3A_966 = arith.minsi %select_n3A_963, %min3A_965 : vector<16xi32>
        %swap3A_967 = arith.constant 0 : i32
        %swap3A_968 = arith.constant 0 : i32
        %swap3A_969 = arith.index_cast %swap3A_967 : i32 to index
        %swap3A_970 = arith.index_cast %swap3A_968 : i32 to index
        %swap3A_971 = arith.constant 64 : index
        %swap3A_972 = tpu.vector_load %arg7[%swap3A_969, %swap3A_970, %swap3A_971] {strides = array<i32>} : memref<8x1x80xi32, #tpu.memory_space<vmem>>, vector<1x1x16xi32>,
        %swap3A_973 = vector.shape_cast %swap3A_972 : vector<1x1x16xi32> to vector<16xi32>
        %swap3A_974 = vector.shape_cast %min3A_966 : vector<16xi32> to vector<1x1x16xi32>
        tpu.vector_store %arg7[%swap3A_969, %swap3A_970, %swap3A_971], %swap3A_974 {strides = array<i32>} : memref<8x1x80xi32, #tpu.memory_space<vmem>>, vector<1x1x16xi32>,
        %dma_start3A_975 = arith.constant 0 : i32
        %dma_start3A_976 = arith.constant 0 : i32
        %dma_start3A_977 = arith.constant 0 : i32
        %dma_start3A_978 = arith.constant 0 : i32
        %dma_start3A_979 = arith.constant 0 : i32
        %dma_start3A_980 = tpu.memref_slice %arg8[%dma_start3A_975, %dma_start3A_978, %dma_start3A_979] : memref<8x80x128xf32, #tpu.memory_space<vmem>> -> memref<1x80x128xf32, #tpu.memory_space<vmem>>
        %dma_start3A_981 = tpu.memref_squeeze %dma_start3A_980 : memref<1x80x128xf32, #tpu.memory_space<vmem>> -> memref<80x128xf32, #tpu.memory_space<vmem>>
        %dma_start3A_982 = arith.constant 0 : i32
        %dma_start3A_983 = tpu.memref_slice %arg7[%dma_start3A_976, %dma_start3A_977, %dma_start3A_982] : memref<8x1x80xi32, #tpu.memory_space<vmem>> -> memref<1x1x80xi32, #tpu.memory_space<vmem>>
        %dma_start3A_984 = tpu.memref_squeeze %dma_start3A_983 : memref<1x1x80xi32, #tpu.memory_space<vmem>> -> memref<80xi32, #tpu.memory_space<vmem>>
        %dma_start3A_985 = arith.constant 0 : i32
        %dma_start3A_986 = arith.constant 0 : i32
        %dma_start3A_987 = tpu.memref_slice %arg6[%dma_start3A_985, %dma_start3A_986] : memref<5008x128xf32, #tpu.memory_space<vmem_shared>> -> memref<5008x128xf32, #tpu.memory_space<vmem_shared>>
        tpu.enqueue_indirect_dma source(%dma_start3A_981 : memref<80x128xf32, #tpu.memory_space<vmem>>) target(%dma_start3A_987 : memref<5008x128xf32, #tpu.memory_space<vmem_shared>>) offsets(%dma_start3A_984 : memref<80xi32, #tpu.memory_space<vmem>>) semaphore(%arg19 : memref<!tpu.dma_semaphore, #tpu.memory_space<semaphore_mem>>) {add = true}
      } else {
      }
      %mul3A_517 = arith.constant 8 : i32
      %mul3A_518 = arith.muli %scan3A_497, %mul3A_517 : i32
      %add3A_519 = arith.constant 1 : i32
      %add3A_520 = arith.addi %mul3A_518, %add3A_519 : i32
      %mul3A_521 = arith.constant 16 : i32
      %mul3A_522 = arith.muli %mul3A_521, %add3A_520 : i32
      %add3A_523 = arith.addi %arg1, %mul3A_522 : i32
      %sub3A_524 = arith.constant 249 : i32
      %sub3A_525 = arith.subi %sub3A_524, %add3A_520 : i32
      %mul3A_526 = arith.constant 16 : i32
      %mul3A_527 = arith.muli %mul3A_526, %sub3A_525 : i32
      %add3A_528 = arith.addi %arg1, %mul3A_527 : i32
      %select_n3A_529 = arith.select %eq3A_0, %add3A_523, %add3A_528 : i32
      %lt3A_530 = arith.cmpi slt, %select_n3A_529, %select_n3A : i32
      %ge3A_531 = arith.cmpi sge, %select_n3A_529, %select_n3A_45 : i32
      %select_n3A_532 = arith.select %eq3A_0, %lt3A_530, %ge3A_531 : i1
      %convert_element_type3A_533 = arith.extui %select_n3A_532 : i1 to i32
      %cond3A_534 = arith.constant 0 : i32
      %cond3A_535 = arith.cmpi ne, %convert_element_type3A_533, %cond3A_534 : i32
      scf.if %cond3A_535 {
        %dma_wait3A = arith.constant 0 : i32
        %dma_wait3A_818 = arith.constant 1 : i32
        %dma_wait3A_819 = arith.constant 0 : i32
        %dma_wait3A_820 = arith.constant 0 : i32
        %dma_wait3A_821 = tpu.memref_slice %arg7[%dma_wait3A_818, %dma_wait3A_819, %dma_wait3A_820] : memref<8x1x80xi32, #tpu.memory_space<vmem>> -> memref<1x1x80xi32, #tpu.memory_space<vmem>>
        %dma_wait3A_822 = tpu.memref_squeeze %dma_wait3A_821 : memref<1x1x80xi32, #tpu.memory_space<vmem>> -> memref<1x80xi32, #tpu.memory_space<vmem>>
        %dma_wait3A_823 = arith.constant 0 : i32
        %dma_wait3A_824 = arith.constant 0 : i32
        %dma_wait3A_825 = tpu.memref_slice %arg3[%dma_wait3A, %dma_wait3A_823, %dma_wait3A_824] : memref<4000x1x80xi32, #tpu.memory_space<hbm>> -> memref<1x1x80xi32, #tpu.memory_space<hbm>>
        %dma_wait3A_826 = tpu.memref_squeeze %dma_wait3A_825 : memref<1x1x80xi32, #tpu.memory_space<hbm>> -> memref<1x80xi32, #tpu.memory_space<hbm>>
        %dma_wait3A_827 = arith.constant 0 : i32
        %dma_wait3A_828 = arith.constant 0 : i32
        %dma_wait3A_829 = tpu.memref_slice %arg7[%dma_wait3A_818, %dma_wait3A_827, %dma_wait3A_828] : memref<8x1x80xi32, #tpu.memory_space<vmem>> -> memref<1x1x80xi32, #tpu.memory_space<vmem>>
        %dma_wait3A_830 = tpu.memref_squeeze %dma_wait3A_829 : memref<1x1x80xi32, #tpu.memory_space<vmem>> -> memref<1x80xi32, #tpu.memory_space<vmem>>
        %dma_wait3A_831 = arith.constant 0 : i32
        %dma_wait3A_832 = arith.constant 0 : i32
        %dma_wait3A_833 = tpu.memref_slice %arg3[%dma_wait3A, %dma_wait3A_831, %dma_wait3A_832] : memref<4000x1x80xi32, #tpu.memory_space<hbm>> -> memref<1x1x80xi32, #tpu.memory_space<hbm>>
        %dma_wait3A_834 = tpu.memref_squeeze %dma_wait3A_833 : memref<1x1x80xi32, #tpu.memory_space<hbm>> -> memref<1x80xi32, #tpu.memory_space<hbm>>
        tpu.wait_dma2 semaphore(%arg12 : memref<!tpu.dma_semaphore, #tpu.memory_space<semaphore_mem>>) src(%dma_wait3A_834 : memref<1x80xi32, #tpu.memory_space<hbm>>) dst(%dma_wait3A_830 : memref<1x80xi32, #tpu.memory_space<vmem>>)
        %dma_wait3A_835 = arith.constant 1 : i32
        %dma_wait3A_836 = arith.constant 0 : i32
        %dma_wait3A_837 = arith.constant 0 : i32
        %dma_wait3A_838 = tpu.memref_slice %arg8[%dma_wait3A_835, %dma_wait3A_836, %dma_wait3A_837] : memref<8x80x128xf32, #tpu.memory_space<vmem>> -> memref<1x80x128xf32, #tpu.memory_space<vmem>>
        %dma_wait3A_839 = tpu.memref_squeeze %dma_wait3A_838 : memref<1x80x128xf32, #tpu.memory_space<vmem>> -> memref<80x128xf32, #tpu.memory_space<vmem>>
        %dma_wait3A_840 = arith.constant 0 : i32
        %dma_wait3A_841 = arith.constant 0 : i32
        %dma_wait3A_842 = tpu.memref_slice %arg2[%dma_wait3A_840, %dma_wait3A_841] : memref<320000x128xf32, #tpu.memory_space<hbm>> -> memref<80x128xf32, #tpu.memory_space<hbm>>
        %dma_wait3A_843 = arith.constant 0 : i32
        %dma_wait3A_844 = arith.constant 0 : i32
        %dma_wait3A_845 = tpu.memref_slice %arg8[%dma_wait3A_835, %dma_wait3A_843, %dma_wait3A_844] : memref<8x80x128xf32, #tpu.memory_space<vmem>> -> memref<1x80x128xf32, #tpu.memory_space<vmem>>
        %dma_wait3A_846 = tpu.memref_squeeze %dma_wait3A_845 : memref<1x80x128xf32, #tpu.memory_space<vmem>> -> memref<80x128xf32, #tpu.memory_space<vmem>>
        %dma_wait3A_847 = arith.constant 0 : i32
        %dma_wait3A_848 = arith.constant 0 : i32
        %dma_wait3A_849 = tpu.memref_slice %arg2[%dma_wait3A_847, %dma_wait3A_848] : memref<320000x128xf32, #tpu.memory_space<hbm>> -> memref<80x128xf32, #tpu.memory_space<hbm>>
        tpu.wait_dma2 semaphore(%arg12 : memref<!tpu.dma_semaphore, #tpu.memory_space<semaphore_mem>>) src(%dma_wait3A_849 : memref<80x128xf32, #tpu.memory_space<hbm>>) dst(%dma_wait3A_846 : memref<80x128xf32, #tpu.memory_space<vmem>>)
        %mul3A_850 = arith.constant 5000 : i32
        %mul3A_851 = arith.muli %arg0, %mul3A_850 : i32
        %broadcast_in_dim3A = vector.broadcast %mul3A_851 : i32 to vector<16xi32>
        %get3A_852 = arith.constant 1 : i32
        %get3A_853 = arith.constant 0 : i32
        %get3A_854 = arith.index_cast %get3A_852 : i32 to index
        %get3A_855 = arith.index_cast %get3A_853 : i32 to index
        %get3A_856 = arith.constant 0 : index
        %get3A_857 = tpu.vector_load %arg7[%get3A_854, %get3A_855, %get3A_856] {strides = array<i32>} : memref<8x1x80xi32, #tpu.memory_space<vmem>>, vector<1x1x16xi32>,
        %get3A_858 = vector.shape_cast %get3A_857 : vector<1x1x16xi32> to vector<16xi32>
        %sub3A_859 = arith.subi %get3A_858, %broadcast_in_dim3A : vector<16xi32>
        %lt3A_860 = arith.constant 0 : i32
        %lt3A_861 = vector.broadcast %lt3A_860 : i32 to vector<16xi32>
        %lt3A_862 = arith.cmpi slt, %sub3A_859, %lt3A_861 : vector<16xi32>
        %jit3A_863 = arith.constant 5000 : i32
        %broadcast_in_dim3A_864 = vector.broadcast %jit3A_863 : i32 to vector<16xi32>
        %select_n3A_865 = arith.select %lt3A_862, %broadcast_in_dim3A_864, %sub3A_859 : vector<16xi1>, vector<16xi32>
        %min3A = arith.constant 5000 : i32
        %min3A_866 = vector.broadcast %min3A : i32 to vector<16xi32>
        %min3A_867 = arith.minsi %select_n3A_865, %min3A_866 : vector<16xi32>
        %swap3A = arith.constant 1 : i32
        %swap3A_868 = arith.constant 0 : i32
        %swap3A_869 = arith.index_cast %swap3A : i32 to index
        %swap3A_870 = arith.index_cast %swap3A_868 : i32 to index
        %swap3A_871 = arith.constant 0 : index
        %swap3A_872 = tpu.vector_load %arg7[%swap3A_869, %swap3A_870, %swap3A_871] {strides = array<i32>} : memref<8x1x80xi32, #tpu.memory_space<vmem>>, vector<1x1x16xi32>,
        %swap3A_873 = vector.shape_cast %swap3A_872 : vector<1x1x16xi32> to vector<16xi32>
        %swap3A_874 = vector.shape_cast %min3A_867 : vector<16xi32> to vector<1x1x16xi32>
        tpu.vector_store %arg7[%swap3A_869, %swap3A_870, %swap3A_871], %swap3A_874 {strides = array<i32>} : memref<8x1x80xi32, #tpu.memory_space<vmem>>, vector<1x1x16xi32>,
        %get3A_875 = arith.constant 1 : i32
        %get3A_876 = arith.constant 0 : i32
        %get3A_877 = arith.index_cast %get3A_875 : i32 to index
        %get3A_878 = arith.index_cast %get3A_876 : i32 to index
        %get3A_879 = arith.constant 16 : index
        %get3A_880 = tpu.vector_load %arg7[%get3A_877, %get3A_878, %get3A_879] {strides = array<i32>} : memref<8x1x80xi32, #tpu.memory_space<vmem>>, vector<1x1x16xi32>,
        %get3A_881 = vector.shape_cast %get3A_880 : vector<1x1x16xi32> to vector<16xi32>
        %sub3A_882 = arith.subi %get3A_881, %broadcast_in_dim3A : vector<16xi32>
        %lt3A_883 = arith.constant 0 : i32
        %lt3A_884 = vector.broadcast %lt3A_883 : i32 to vector<16xi32>
        %lt3A_885 = arith.cmpi slt, %sub3A_882, %lt3A_884 : vector<16xi32>
        %jit3A_886 = arith.constant 5000 : i32
        %broadcast_in_dim3A_887 = vector.broadcast %jit3A_886 : i32 to vector<16xi32>
        %select_n3A_888 = arith.select %lt3A_885, %broadcast_in_dim3A_887, %sub3A_882 : vector<16xi1>, vector<16xi32>
        %min3A_889 = arith.constant 5000 : i32
        %min3A_890 = vector.broadcast %min3A_889 : i32 to vector<16xi32>
        %min3A_891 = arith.minsi %select_n3A_888, %min3A_890 : vector<16xi32>
        %swap3A_892 = arith.constant 1 : i32
        %swap3A_893 = arith.constant 0 : i32
        %swap3A_894 = arith.index_cast %swap3A_892 : i32 to index
        %swap3A_895 = arith.index_cast %swap3A_893 : i32 to index
        %swap3A_896 = arith.constant 16 : index
        %swap3A_897 = tpu.vector_load %arg7[%swap3A_894, %swap3A_895, %swap3A_896] {strides = array<i32>} : memref<8x1x80xi32, #tpu.memory_space<vmem>>, vector<1x1x16xi32>,
        %swap3A_898 = vector.shape_cast %swap3A_897 : vector<1x1x16xi32> to vector<16xi32>
        %swap3A_899 = vector.shape_cast %min3A_891 : vector<16xi32> to vector<1x1x16xi32>
        tpu.vector_store %arg7[%swap3A_894, %swap3A_895, %swap3A_896], %swap3A_899 {strides = array<i32>} : memref<8x1x80xi32, #tpu.memory_space<vmem>>, vector<1x1x16xi32>,
        %get3A_900 = arith.constant 1 : i32
        %get3A_901 = arith.constant 0 : i32
        %get3A_902 = arith.index_cast %get3A_900 : i32 to index
        %get3A_903 = arith.index_cast %get3A_901 : i32 to index
        %get3A_904 = arith.constant 32 : index
        %get3A_905 = tpu.vector_load %arg7[%get3A_902, %get3A_903, %get3A_904] {strides = array<i32>} : memref<8x1x80xi32, #tpu.memory_space<vmem>>, vector<1x1x16xi32>,
        %get3A_906 = vector.shape_cast %get3A_905 : vector<1x1x16xi32> to vector<16xi32>
        %sub3A_907 = arith.subi %get3A_906, %broadcast_in_dim3A : vector<16xi32>
        %lt3A_908 = arith.constant 0 : i32
        %lt3A_909 = vector.broadcast %lt3A_908 : i32 to vector<16xi32>
        %lt3A_910 = arith.cmpi slt, %sub3A_907, %lt3A_909 : vector<16xi32>
        %jit3A_911 = arith.constant 5000 : i32
        %broadcast_in_dim3A_912 = vector.broadcast %jit3A_911 : i32 to vector<16xi32>
        %select_n3A_913 = arith.select %lt3A_910, %broadcast_in_dim3A_912, %sub3A_907 : vector<16xi1>, vector<16xi32>
        %min3A_914 = arith.constant 5000 : i32
        %min3A_915 = vector.broadcast %min3A_914 : i32 to vector<16xi32>
        %min3A_916 = arith.minsi %select_n3A_913, %min3A_915 : vector<16xi32>
        %swap3A_917 = arith.constant 1 : i32
        %swap3A_918 = arith.constant 0 : i32
        %swap3A_919 = arith.index_cast %swap3A_917 : i32 to index
        %swap3A_920 = arith.index_cast %swap3A_918 : i32 to index
        %swap3A_921 = arith.constant 32 : index
        %swap3A_922 = tpu.vector_load %arg7[%swap3A_919, %swap3A_920, %swap3A_921] {strides = array<i32>} : memref<8x1x80xi32, #tpu.memory_space<vmem>>, vector<1x1x16xi32>,
        %swap3A_923 = vector.shape_cast %swap3A_922 : vector<1x1x16xi32> to vector<16xi32>
        %swap3A_924 = vector.shape_cast %min3A_916 : vector<16xi32> to vector<1x1x16xi32>
        tpu.vector_store %arg7[%swap3A_919, %swap3A_920, %swap3A_921], %swap3A_924 {strides = array<i32>} : memref<8x1x80xi32, #tpu.memory_space<vmem>>, vector<1x1x16xi32>,
        %get3A_925 = arith.constant 1 : i32
        %get3A_926 = arith.constant 0 : i32
        %get3A_927 = arith.index_cast %get3A_925 : i32 to index
        %get3A_928 = arith.index_cast %get3A_926 : i32 to index
        %get3A_929 = arith.constant 48 : index
        %get3A_930 = tpu.vector_load %arg7[%get3A_927, %get3A_928, %get3A_929] {strides = array<i32>} : memref<8x1x80xi32, #tpu.memory_space<vmem>>, vector<1x1x16xi32>,
        %get3A_931 = vector.shape_cast %get3A_930 : vector<1x1x16xi32> to vector<16xi32>
        %sub3A_932 = arith.subi %get3A_931, %broadcast_in_dim3A : vector<16xi32>
        %lt3A_933 = arith.constant 0 : i32
        %lt3A_934 = vector.broadcast %lt3A_933 : i32 to vector<16xi32>
        %lt3A_935 = arith.cmpi slt, %sub3A_932, %lt3A_934 : vector<16xi32>
        %jit3A_936 = arith.constant 5000 : i32
        %broadcast_in_dim3A_937 = vector.broadcast %jit3A_936 : i32 to vector<16xi32>
        %select_n3A_938 = arith.select %lt3A_935, %broadcast_in_dim3A_937, %sub3A_932 : vector<16xi1>, vector<16xi32>
        %min3A_939 = arith.constant 5000 : i32
        %min3A_940 = vector.broadcast %min3A_939 : i32 to vector<16xi32>
        %min3A_941 = arith.minsi %select_n3A_938, %min3A_940 : vector<16xi32>
        %swap3A_942 = arith.constant 1 : i32
        %swap3A_943 = arith.constant 0 : i32
        %swap3A_944 = arith.index_cast %swap3A_942 : i32 to index
        %swap3A_945 = arith.index_cast %swap3A_943 : i32 to index
        %swap3A_946 = arith.constant 48 : index
        %swap3A_947 = tpu.vector_load %arg7[%swap3A_944, %swap3A_945, %swap3A_946] {strides = array<i32>} : memref<8x1x80xi32, #tpu.memory_space<vmem>>, vector<1x1x16xi32>,
        %swap3A_948 = vector.shape_cast %swap3A_947 : vector<1x1x16xi32> to vector<16xi32>
        %swap3A_949 = vector.shape_cast %min3A_941 : vector<16xi32> to vector<1x1x16xi32>
        tpu.vector_store %arg7[%swap3A_944, %swap3A_945, %swap3A_946], %swap3A_949 {strides = array<i32>} : memref<8x1x80xi32, #tpu.memory_space<vmem>>, vector<1x1x16xi32>,
        %get3A_950 = arith.constant 1 : i32
        %get3A_951 = arith.constant 0 : i32
        %get3A_952 = arith.index_cast %get3A_950 : i32 to index
        %get3A_953 = arith.index_cast %get3A_951 : i32 to index
        %get3A_954 = arith.constant 64 : index
        %get3A_955 = tpu.vector_load %arg7[%get3A_952, %get3A_953, %get3A_954] {strides = array<i32>} : memref<8x1x80xi32, #tpu.memory_space<vmem>>, vector<1x1x16xi32>,
        %get3A_956 = vector.shape_cast %get3A_955 : vector<1x1x16xi32> to vector<16xi32>
        %sub3A_957 = arith.subi %get3A_956, %broadcast_in_dim3A : vector<16xi32>
        %lt3A_958 = arith.constant 0 : i32
        %lt3A_959 = vector.broadcast %lt3A_958 : i32 to vector<16xi32>
        %lt3A_960 = arith.cmpi slt, %sub3A_957, %lt3A_959 : vector<16xi32>
        %jit3A_961 = arith.constant 5000 : i32
        %broadcast_in_dim3A_962 = vector.broadcast %jit3A_961 : i32 to vector<16xi32>
        %select_n3A_963 = arith.select %lt3A_960, %broadcast_in_dim3A_962, %sub3A_957 : vector<16xi1>, vector<16xi32>
        %min3A_964 = arith.constant 5000 : i32
        %min3A_965 = vector.broadcast %min3A_964 : i32 to vector<16xi32>
        %min3A_966 = arith.minsi %select_n3A_963, %min3A_965 : vector<16xi32>
        %swap3A_967 = arith.constant 1 : i32
        %swap3A_968 = arith.constant 0 : i32
        %swap3A_969 = arith.index_cast %swap3A_967 : i32 to index
        %swap3A_970 = arith.index_cast %swap3A_968 : i32 to index
        %swap3A_971 = arith.constant 64 : index
        %swap3A_972 = tpu.vector_load %arg7[%swap3A_969, %swap3A_970, %swap3A_971] {strides = array<i32>} : memref<8x1x80xi32, #tpu.memory_space<vmem>>, vector<1x1x16xi32>,
        %swap3A_973 = vector.shape_cast %swap3A_972 : vector<1x1x16xi32> to vector<16xi32>
        %swap3A_974 = vector.shape_cast %min3A_966 : vector<16xi32> to vector<1x1x16xi32>
        tpu.vector_store %arg7[%swap3A_969, %swap3A_970, %swap3A_971], %swap3A_974 {strides = array<i32>} : memref<8x1x80xi32, #tpu.memory_space<vmem>>, vector<1x1x16xi32>,
        %dma_start3A_975 = arith.constant 1 : i32
        %dma_start3A_976 = arith.constant 1 : i32
        %dma_start3A_977 = arith.constant 0 : i32
        %dma_start3A_978 = arith.constant 0 : i32
        %dma_start3A_979 = arith.constant 0 : i32
        %dma_start3A_980 = tpu.memref_slice %arg8[%dma_start3A_975, %dma_start3A_978, %dma_start3A_979] : memref<8x80x128xf32, #tpu.memory_space<vmem>> -> memref<1x80x128xf32, #tpu.memory_space<vmem>>
        %dma_start3A_981 = tpu.memref_squeeze %dma_start3A_980 : memref<1x80x128xf32, #tpu.memory_space<vmem>> -> memref<80x128xf32, #tpu.memory_space<vmem>>
        %dma_start3A_982 = arith.constant 0 : i32
        %dma_start3A_983 = tpu.memref_slice %arg7[%dma_start3A_976, %dma_start3A_977, %dma_start3A_982] : memref<8x1x80xi32, #tpu.memory_space<vmem>> -> memref<1x1x80xi32, #tpu.memory_space<vmem>>
        %dma_start3A_984 = tpu.memref_squeeze %dma_start3A_983 : memref<1x1x80xi32, #tpu.memory_space<vmem>> -> memref<80xi32, #tpu.memory_space<vmem>>
        %dma_start3A_985 = arith.constant 0 : i32
        %dma_start3A_986 = arith.constant 0 : i32
        %dma_start3A_987 = tpu.memref_slice %arg6[%dma_start3A_985, %dma_start3A_986] : memref<5008x128xf32, #tpu.memory_space<vmem_shared>> -> memref<5008x128xf32, #tpu.memory_space<vmem_shared>>
        tpu.enqueue_indirect_dma source(%dma_start3A_981 : memref<80x128xf32, #tpu.memory_space<vmem>>) target(%dma_start3A_987 : memref<5008x128xf32, #tpu.memory_space<vmem_shared>>) offsets(%dma_start3A_984 : memref<80xi32, #tpu.memory_space<vmem>>) semaphore(%arg20 : memref<!tpu.dma_semaphore, #tpu.memory_space<semaphore_mem>>) {add = true}
      } else {
      }
      %mul3A_536 = arith.constant 8 : i32
      %mul3A_537 = arith.muli %scan3A_497, %mul3A_536 : i32
      %add3A_538 = arith.constant 2 : i32
      %add3A_539 = arith.addi %mul3A_537, %add3A_538 : i32
      %mul3A_540 = arith.constant 16 : i32
      %mul3A_541 = arith.muli %mul3A_540, %add3A_539 : i32
      %add3A_542 = arith.addi %arg1, %mul3A_541 : i32
      %sub3A_543 = arith.constant 249 : i32
      %sub3A_544 = arith.subi %sub3A_543, %add3A_539 : i32
      %mul3A_545 = arith.constant 16 : i32
      %mul3A_546 = arith.muli %mul3A_545, %sub3A_544 : i32
      %add3A_547 = arith.addi %arg1, %mul3A_546 : i32
      %select_n3A_548 = arith.select %eq3A_0, %add3A_542, %add3A_547 : i32
      %lt3A_549 = arith.cmpi slt, %select_n3A_548, %select_n3A : i32
      %ge3A_550 = arith.cmpi sge, %select_n3A_548, %select_n3A_45 : i32
      %select_n3A_551 = arith.select %eq3A_0, %lt3A_549, %ge3A_550 : i1
      %convert_element_type3A_552 = arith.extui %select_n3A_551 : i1 to i32
      %cond3A_553 = arith.constant 0 : i32
      %cond3A_554 = arith.cmpi ne, %convert_element_type3A_552, %cond3A_553 : i32
      scf.if %cond3A_554 {
        %dma_wait3A = arith.constant 0 : i32
        %dma_wait3A_818 = arith.constant 2 : i32
        %dma_wait3A_819 = arith.constant 0 : i32
        %dma_wait3A_820 = arith.constant 0 : i32
        %dma_wait3A_821 = tpu.memref_slice %arg7[%dma_wait3A_818, %dma_wait3A_819, %dma_wait3A_820] : memref<8x1x80xi32, #tpu.memory_space<vmem>> -> memref<1x1x80xi32, #tpu.memory_space<vmem>>
        %dma_wait3A_822 = tpu.memref_squeeze %dma_wait3A_821 : memref<1x1x80xi32, #tpu.memory_space<vmem>> -> memref<1x80xi32, #tpu.memory_space<vmem>>
        %dma_wait3A_823 = arith.constant 0 : i32
        %dma_wait3A_824 = arith.constant 0 : i32
        %dma_wait3A_825 = tpu.memref_slice %arg3[%dma_wait3A, %dma_wait3A_823, %dma_wait3A_824] : memref<4000x1x80xi32, #tpu.memory_space<hbm>> -> memref<1x1x80xi32, #tpu.memory_space<hbm>>
        %dma_wait3A_826 = tpu.memref_squeeze %dma_wait3A_825 : memref<1x1x80xi32, #tpu.memory_space<hbm>> -> memref<1x80xi32, #tpu.memory_space<hbm>>
        %dma_wait3A_827 = arith.constant 0 : i32
        %dma_wait3A_828 = arith.constant 0 : i32
        %dma_wait3A_829 = tpu.memref_slice %arg7[%dma_wait3A_818, %dma_wait3A_827, %dma_wait3A_828] : memref<8x1x80xi32, #tpu.memory_space<vmem>> -> memref<1x1x80xi32, #tpu.memory_space<vmem>>
        %dma_wait3A_830 = tpu.memref_squeeze %dma_wait3A_829 : memref<1x1x80xi32, #tpu.memory_space<vmem>> -> memref<1x80xi32, #tpu.memory_space<vmem>>
        %dma_wait3A_831 = arith.constant 0 : i32
        %dma_wait3A_832 = arith.constant 0 : i32
        %dma_wait3A_833 = tpu.memref_slice %arg3[%dma_wait3A, %dma_wait3A_831, %dma_wait3A_832] : memref<4000x1x80xi32, #tpu.memory_space<hbm>> -> memref<1x1x80xi32, #tpu.memory_space<hbm>>
        %dma_wait3A_834 = tpu.memref_squeeze %dma_wait3A_833 : memref<1x1x80xi32, #tpu.memory_space<hbm>> -> memref<1x80xi32, #tpu.memory_space<hbm>>
        tpu.wait_dma2 semaphore(%arg13 : memref<!tpu.dma_semaphore, #tpu.memory_space<semaphore_mem>>) src(%dma_wait3A_834 : memref<1x80xi32, #tpu.memory_space<hbm>>) dst(%dma_wait3A_830 : memref<1x80xi32, #tpu.memory_space<vmem>>)
        %dma_wait3A_835 = arith.constant 2 : i32
        %dma_wait3A_836 = arith.constant 0 : i32
        %dma_wait3A_837 = arith.constant 0 : i32
        %dma_wait3A_838 = tpu.memref_slice %arg8[%dma_wait3A_835, %dma_wait3A_836, %dma_wait3A_837] : memref<8x80x128xf32, #tpu.memory_space<vmem>> -> memref<1x80x128xf32, #tpu.memory_space<vmem>>
        %dma_wait3A_839 = tpu.memref_squeeze %dma_wait3A_838 : memref<1x80x128xf32, #tpu.memory_space<vmem>> -> memref<80x128xf32, #tpu.memory_space<vmem>>
        %dma_wait3A_840 = arith.constant 0 : i32
        %dma_wait3A_841 = arith.constant 0 : i32
        %dma_wait3A_842 = tpu.memref_slice %arg2[%dma_wait3A_840, %dma_wait3A_841] : memref<320000x128xf32, #tpu.memory_space<hbm>> -> memref<80x128xf32, #tpu.memory_space<hbm>>
        %dma_wait3A_843 = arith.constant 0 : i32
        %dma_wait3A_844 = arith.constant 0 : i32
        %dma_wait3A_845 = tpu.memref_slice %arg8[%dma_wait3A_835, %dma_wait3A_843, %dma_wait3A_844] : memref<8x80x128xf32, #tpu.memory_space<vmem>> -> memref<1x80x128xf32, #tpu.memory_space<vmem>>
        %dma_wait3A_846 = tpu.memref_squeeze %dma_wait3A_845 : memref<1x80x128xf32, #tpu.memory_space<vmem>> -> memref<80x128xf32, #tpu.memory_space<vmem>>
        %dma_wait3A_847 = arith.constant 0 : i32
        %dma_wait3A_848 = arith.constant 0 : i32
        %dma_wait3A_849 = tpu.memref_slice %arg2[%dma_wait3A_847, %dma_wait3A_848] : memref<320000x128xf32, #tpu.memory_space<hbm>> -> memref<80x128xf32, #tpu.memory_space<hbm>>
        tpu.wait_dma2 semaphore(%arg13 : memref<!tpu.dma_semaphore, #tpu.memory_space<semaphore_mem>>) src(%dma_wait3A_849 : memref<80x128xf32, #tpu.memory_space<hbm>>) dst(%dma_wait3A_846 : memref<80x128xf32, #tpu.memory_space<vmem>>)
        %mul3A_850 = arith.constant 5000 : i32
        %mul3A_851 = arith.muli %arg0, %mul3A_850 : i32
        %broadcast_in_dim3A = vector.broadcast %mul3A_851 : i32 to vector<16xi32>
        %get3A_852 = arith.constant 2 : i32
        %get3A_853 = arith.constant 0 : i32
        %get3A_854 = arith.index_cast %get3A_852 : i32 to index
        %get3A_855 = arith.index_cast %get3A_853 : i32 to index
        %get3A_856 = arith.constant 0 : index
        %get3A_857 = tpu.vector_load %arg7[%get3A_854, %get3A_855, %get3A_856] {strides = array<i32>} : memref<8x1x80xi32, #tpu.memory_space<vmem>>, vector<1x1x16xi32>,
        %get3A_858 = vector.shape_cast %get3A_857 : vector<1x1x16xi32> to vector<16xi32>
        %sub3A_859 = arith.subi %get3A_858, %broadcast_in_dim3A : vector<16xi32>
        %lt3A_860 = arith.constant 0 : i32
        %lt3A_861 = vector.broadcast %lt3A_860 : i32 to vector<16xi32>
        %lt3A_862 = arith.cmpi slt, %sub3A_859, %lt3A_861 : vector<16xi32>
        %jit3A_863 = arith.constant 5000 : i32
        %broadcast_in_dim3A_864 = vector.broadcast %jit3A_863 : i32 to vector<16xi32>
        %select_n3A_865 = arith.select %lt3A_862, %broadcast_in_dim3A_864, %sub3A_859 : vector<16xi1>, vector<16xi32>
        %min3A = arith.constant 5000 : i32
        %min3A_866 = vector.broadcast %min3A : i32 to vector<16xi32>
        %min3A_867 = arith.minsi %select_n3A_865, %min3A_866 : vector<16xi32>
        %swap3A = arith.constant 2 : i32
        %swap3A_868 = arith.constant 0 : i32
        %swap3A_869 = arith.index_cast %swap3A : i32 to index
        %swap3A_870 = arith.index_cast %swap3A_868 : i32 to index
        %swap3A_871 = arith.constant 0 : index
        %swap3A_872 = tpu.vector_load %arg7[%swap3A_869, %swap3A_870, %swap3A_871] {strides = array<i32>} : memref<8x1x80xi32, #tpu.memory_space<vmem>>, vector<1x1x16xi32>,
        %swap3A_873 = vector.shape_cast %swap3A_872 : vector<1x1x16xi32> to vector<16xi32>
        %swap3A_874 = vector.shape_cast %min3A_867 : vector<16xi32> to vector<1x1x16xi32>
        tpu.vector_store %arg7[%swap3A_869, %swap3A_870, %swap3A_871], %swap3A_874 {strides = array<i32>} : memref<8x1x80xi32, #tpu.memory_space<vmem>>, vector<1x1x16xi32>,
        %get3A_875 = arith.constant 2 : i32
        %get3A_876 = arith.constant 0 : i32
        %get3A_877 = arith.index_cast %get3A_875 : i32 to index
        %get3A_878 = arith.index_cast %get3A_876 : i32 to index
        %get3A_879 = arith.constant 16 : index
        %get3A_880 = tpu.vector_load %arg7[%get3A_877, %get3A_878, %get3A_879] {strides = array<i32>} : memref<8x1x80xi32, #tpu.memory_space<vmem>>, vector<1x1x16xi32>,
        %get3A_881 = vector.shape_cast %get3A_880 : vector<1x1x16xi32> to vector<16xi32>
        %sub3A_882 = arith.subi %get3A_881, %broadcast_in_dim3A : vector<16xi32>
        %lt3A_883 = arith.constant 0 : i32
        %lt3A_884 = vector.broadcast %lt3A_883 : i32 to vector<16xi32>
        %lt3A_885 = arith.cmpi slt, %sub3A_882, %lt3A_884 : vector<16xi32>
        %jit3A_886 = arith.constant 5000 : i32
        %broadcast_in_dim3A_887 = vector.broadcast %jit3A_886 : i32 to vector<16xi32>
        %select_n3A_888 = arith.select %lt3A_885, %broadcast_in_dim3A_887, %sub3A_882 : vector<16xi1>, vector<16xi32>
        %min3A_889 = arith.constant 5000 : i32
        %min3A_890 = vector.broadcast %min3A_889 : i32 to vector<16xi32>
        %min3A_891 = arith.minsi %select_n3A_888, %min3A_890 : vector<16xi32>
        %swap3A_892 = arith.constant 2 : i32
        %swap3A_893 = arith.constant 0 : i32
        %swap3A_894 = arith.index_cast %swap3A_892 : i32 to index
        %swap3A_895 = arith.index_cast %swap3A_893 : i32 to index
        %swap3A_896 = arith.constant 16 : index
        %swap3A_897 = tpu.vector_load %arg7[%swap3A_894, %swap3A_895, %swap3A_896] {strides = array<i32>} : memref<8x1x80xi32, #tpu.memory_space<vmem>>, vector<1x1x16xi32>,
        %swap3A_898 = vector.shape_cast %swap3A_897 : vector<1x1x16xi32> to vector<16xi32>
        %swap3A_899 = vector.shape_cast %min3A_891 : vector<16xi32> to vector<1x1x16xi32>
        tpu.vector_store %arg7[%swap3A_894, %swap3A_895, %swap3A_896], %swap3A_899 {strides = array<i32>} : memref<8x1x80xi32, #tpu.memory_space<vmem>>, vector<1x1x16xi32>,
        %get3A_900 = arith.constant 2 : i32
        %get3A_901 = arith.constant 0 : i32
        %get3A_902 = arith.index_cast %get3A_900 : i32 to index
        %get3A_903 = arith.index_cast %get3A_901 : i32 to index
        %get3A_904 = arith.constant 32 : index
        %get3A_905 = tpu.vector_load %arg7[%get3A_902, %get3A_903, %get3A_904] {strides = array<i32>} : memref<8x1x80xi32, #tpu.memory_space<vmem>>, vector<1x1x16xi32>,
        %get3A_906 = vector.shape_cast %get3A_905 : vector<1x1x16xi32> to vector<16xi32>
        %sub3A_907 = arith.subi %get3A_906, %broadcast_in_dim3A : vector<16xi32>
        %lt3A_908 = arith.constant 0 : i32
        %lt3A_909 = vector.broadcast %lt3A_908 : i32 to vector<16xi32>
        %lt3A_910 = arith.cmpi slt, %sub3A_907, %lt3A_909 : vector<16xi32>
        %jit3A_911 = arith.constant 5000 : i32
        %broadcast_in_dim3A_912 = vector.broadcast %jit3A_911 : i32 to vector<16xi32>
        %select_n3A_913 = arith.select %lt3A_910, %broadcast_in_dim3A_912, %sub3A_907 : vector<16xi1>, vector<16xi32>
        %min3A_914 = arith.constant 5000 : i32
        %min3A_915 = vector.broadcast %min3A_914 : i32 to vector<16xi32>
        %min3A_916 = arith.minsi %select_n3A_913, %min3A_915 : vector<16xi32>
        %swap3A_917 = arith.constant 2 : i32
        %swap3A_918 = arith.constant 0 : i32
        %swap3A_919 = arith.index_cast %swap3A_917 : i32 to index
        %swap3A_920 = arith.index_cast %swap3A_918 : i32 to index
        %swap3A_921 = arith.constant 32 : index
        %swap3A_922 = tpu.vector_load %arg7[%swap3A_919, %swap3A_920, %swap3A_921] {strides = array<i32>} : memref<8x1x80xi32, #tpu.memory_space<vmem>>, vector<1x1x16xi32>,
        %swap3A_923 = vector.shape_cast %swap3A_922 : vector<1x1x16xi32> to vector<16xi32>
        %swap3A_924 = vector.shape_cast %min3A_916 : vector<16xi32> to vector<1x1x16xi32>
        tpu.vector_store %arg7[%swap3A_919, %swap3A_920, %swap3A_921], %swap3A_924 {strides = array<i32>} : memref<8x1x80xi32, #tpu.memory_space<vmem>>, vector<1x1x16xi32>,
        %get3A_925 = arith.constant 2 : i32
        %get3A_926 = arith.constant 0 : i32
        %get3A_927 = arith.index_cast %get3A_925 : i32 to index
        %get3A_928 = arith.index_cast %get3A_926 : i32 to index
        %get3A_929 = arith.constant 48 : index
        %get3A_930 = tpu.vector_load %arg7[%get3A_927, %get3A_928, %get3A_929] {strides = array<i32>} : memref<8x1x80xi32, #tpu.memory_space<vmem>>, vector<1x1x16xi32>,
        %get3A_931 = vector.shape_cast %get3A_930 : vector<1x1x16xi32> to vector<16xi32>
        %sub3A_932 = arith.subi %get3A_931, %broadcast_in_dim3A : vector<16xi32>
        %lt3A_933 = arith.constant 0 : i32
        %lt3A_934 = vector.broadcast %lt3A_933 : i32 to vector<16xi32>
        %lt3A_935 = arith.cmpi slt, %sub3A_932, %lt3A_934 : vector<16xi32>
        %jit3A_936 = arith.constant 5000 : i32
        %broadcast_in_dim3A_937 = vector.broadcast %jit3A_936 : i32 to vector<16xi32>
        %select_n3A_938 = arith.select %lt3A_935, %broadcast_in_dim3A_937, %sub3A_932 : vector<16xi1>, vector<16xi32>
        %min3A_939 = arith.constant 5000 : i32
        %min3A_940 = vector.broadcast %min3A_939 : i32 to vector<16xi32>
        %min3A_941 = arith.minsi %select_n3A_938, %min3A_940 : vector<16xi32>
        %swap3A_942 = arith.constant 2 : i32
        %swap3A_943 = arith.constant 0 : i32
        %swap3A_944 = arith.index_cast %swap3A_942 : i32 to index
        %swap3A_945 = arith.index_cast %swap3A_943 : i32 to index
        %swap3A_946 = arith.constant 48 : index
        %swap3A_947 = tpu.vector_load %arg7[%swap3A_944, %swap3A_945, %swap3A_946] {strides = array<i32>} : memref<8x1x80xi32, #tpu.memory_space<vmem>>, vector<1x1x16xi32>,
        %swap3A_948 = vector.shape_cast %swap3A_947 : vector<1x1x16xi32> to vector<16xi32>
        %swap3A_949 = vector.shape_cast %min3A_941 : vector<16xi32> to vector<1x1x16xi32>
        tpu.vector_store %arg7[%swap3A_944, %swap3A_945, %swap3A_946], %swap3A_949 {strides = array<i32>} : memref<8x1x80xi32, #tpu.memory_space<vmem>>, vector<1x1x16xi32>,
        %get3A_950 = arith.constant 2 : i32
        %get3A_951 = arith.constant 0 : i32
        %get3A_952 = arith.index_cast %get3A_950 : i32 to index
        %get3A_953 = arith.index_cast %get3A_951 : i32 to index
        %get3A_954 = arith.constant 64 : index
        %get3A_955 = tpu.vector_load %arg7[%get3A_952, %get3A_953, %get3A_954] {strides = array<i32>} : memref<8x1x80xi32, #tpu.memory_space<vmem>>, vector<1x1x16xi32>,
        %get3A_956 = vector.shape_cast %get3A_955 : vector<1x1x16xi32> to vector<16xi32>
        %sub3A_957 = arith.subi %get3A_956, %broadcast_in_dim3A : vector<16xi32>
        %lt3A_958 = arith.constant 0 : i32
        %lt3A_959 = vector.broadcast %lt3A_958 : i32 to vector<16xi32>
        %lt3A_960 = arith.cmpi slt, %sub3A_957, %lt3A_959 : vector<16xi32>
        %jit3A_961 = arith.constant 5000 : i32
        %broadcast_in_dim3A_962 = vector.broadcast %jit3A_961 : i32 to vector<16xi32>
        %select_n3A_963 = arith.select %lt3A_960, %broadcast_in_dim3A_962, %sub3A_957 : vector<16xi1>, vector<16xi32>
        %min3A_964 = arith.constant 5000 : i32
        %min3A_965 = vector.broadcast %min3A_964 : i32 to vector<16xi32>
        %min3A_966 = arith.minsi %select_n3A_963, %min3A_965 : vector<16xi32>
        %swap3A_967 = arith.constant 2 : i32
        %swap3A_968 = arith.constant 0 : i32
        %swap3A_969 = arith.index_cast %swap3A_967 : i32 to index
        %swap3A_970 = arith.index_cast %swap3A_968 : i32 to index
        %swap3A_971 = arith.constant 64 : index
        %swap3A_972 = tpu.vector_load %arg7[%swap3A_969, %swap3A_970, %swap3A_971] {strides = array<i32>} : memref<8x1x80xi32, #tpu.memory_space<vmem>>, vector<1x1x16xi32>,
        %swap3A_973 = vector.shape_cast %swap3A_972 : vector<1x1x16xi32> to vector<16xi32>
        %swap3A_974 = vector.shape_cast %min3A_966 : vector<16xi32> to vector<1x1x16xi32>
        tpu.vector_store %arg7[%swap3A_969, %swap3A_970, %swap3A_971], %swap3A_974 {strides = array<i32>} : memref<8x1x80xi32, #tpu.memory_space<vmem>>, vector<1x1x16xi32>,
        %dma_start3A_975 = arith.constant 2 : i32
        %dma_start3A_976 = arith.constant 2 : i32
        %dma_start3A_977 = arith.constant 0 : i32
        %dma_start3A_978 = arith.constant 0 : i32
        %dma_start3A_979 = arith.constant 0 : i32
        %dma_start3A_980 = tpu.memref_slice %arg8[%dma_start3A_975, %dma_start3A_978, %dma_start3A_979] : memref<8x80x128xf32, #tpu.memory_space<vmem>> -> memref<1x80x128xf32, #tpu.memory_space<vmem>>
        %dma_start3A_981 = tpu.memref_squeeze %dma_start3A_980 : memref<1x80x128xf32, #tpu.memory_space<vmem>> -> memref<80x128xf32, #tpu.memory_space<vmem>>
        %dma_start3A_982 = arith.constant 0 : i32
        %dma_start3A_983 = tpu.memref_slice %arg7[%dma_start3A_976, %dma_start3A_977, %dma_start3A_982] : memref<8x1x80xi32, #tpu.memory_space<vmem>> -> memref<1x1x80xi32, #tpu.memory_space<vmem>>
        %dma_start3A_984 = tpu.memref_squeeze %dma_start3A_983 : memref<1x1x80xi32, #tpu.memory_space<vmem>> -> memref<80xi32, #tpu.memory_space<vmem>>
        %dma_start3A_985 = arith.constant 0 : i32
        %dma_start3A_986 = arith.constant 0 : i32
        %dma_start3A_987 = tpu.memref_slice %arg6[%dma_start3A_985, %dma_start3A_986] : memref<5008x128xf32, #tpu.memory_space<vmem_shared>> -> memref<5008x128xf32, #tpu.memory_space<vmem_shared>>
        tpu.enqueue_indirect_dma source(%dma_start3A_981 : memref<80x128xf32, #tpu.memory_space<vmem>>) target(%dma_start3A_987 : memref<5008x128xf32, #tpu.memory_space<vmem_shared>>) offsets(%dma_start3A_984 : memref<80xi32, #tpu.memory_space<vmem>>) semaphore(%arg21 : memref<!tpu.dma_semaphore, #tpu.memory_space<semaphore_mem>>) {add = true}
      } else {
      }
      %mul3A_555 = arith.constant 8 : i32
      %mul3A_556 = arith.muli %scan3A_497, %mul3A_555 : i32
      %add3A_557 = arith.constant 3 : i32
      %add3A_558 = arith.addi %mul3A_556, %add3A_557 : i32
      %mul3A_559 = arith.constant 16 : i32
      %mul3A_560 = arith.muli %mul3A_559, %add3A_558 : i32
      %add3A_561 = arith.addi %arg1, %mul3A_560 : i32
      %sub3A_562 = arith.constant 249 : i32
      %sub3A_563 = arith.subi %sub3A_562, %add3A_558 : i32
      %mul3A_564 = arith.constant 16 : i32
      %mul3A_565 = arith.muli %mul3A_564, %sub3A_563 : i32
      %add3A_566 = arith.addi %arg1, %mul3A_565 : i32
      %select_n3A_567 = arith.select %eq3A_0, %add3A_561, %add3A_566 : i32
      %lt3A_568 = arith.cmpi slt, %select_n3A_567, %select_n3A : i32
      %ge3A_569 = arith.cmpi sge, %select_n3A_567, %select_n3A_45 : i32
      %select_n3A_570 = arith.select %eq3A_0, %lt3A_568, %ge3A_569 : i1
      %convert_element_type3A_571 = arith.extui %select_n3A_570 : i1 to i32
      %cond3A_572 = arith.constant 0 : i32
      %cond3A_573 = arith.cmpi ne, %convert_element_type3A_571, %cond3A_572 : i32
      scf.if %cond3A_573 {
        %dma_wait3A = arith.constant 0 : i32
        %dma_wait3A_818 = arith.constant 3 : i32
        %dma_wait3A_819 = arith.constant 0 : i32
        %dma_wait3A_820 = arith.constant 0 : i32
        %dma_wait3A_821 = tpu.memref_slice %arg7[%dma_wait3A_818, %dma_wait3A_819, %dma_wait3A_820] : memref<8x1x80xi32, #tpu.memory_space<vmem>> -> memref<1x1x80xi32, #tpu.memory_space<vmem>>
        %dma_wait3A_822 = tpu.memref_squeeze %dma_wait3A_821 : memref<1x1x80xi32, #tpu.memory_space<vmem>> -> memref<1x80xi32, #tpu.memory_space<vmem>>
        %dma_wait3A_823 = arith.constant 0 : i32
        %dma_wait3A_824 = arith.constant 0 : i32
        %dma_wait3A_825 = tpu.memref_slice %arg3[%dma_wait3A, %dma_wait3A_823, %dma_wait3A_824] : memref<4000x1x80xi32, #tpu.memory_space<hbm>> -> memref<1x1x80xi32, #tpu.memory_space<hbm>>
        %dma_wait3A_826 = tpu.memref_squeeze %dma_wait3A_825 : memref<1x1x80xi32, #tpu.memory_space<hbm>> -> memref<1x80xi32, #tpu.memory_space<hbm>>
        %dma_wait3A_827 = arith.constant 0 : i32
        %dma_wait3A_828 = arith.constant 0 : i32
        %dma_wait3A_829 = tpu.memref_slice %arg7[%dma_wait3A_818, %dma_wait3A_827, %dma_wait3A_828] : memref<8x1x80xi32, #tpu.memory_space<vmem>> -> memref<1x1x80xi32, #tpu.memory_space<vmem>>
        %dma_wait3A_830 = tpu.memref_squeeze %dma_wait3A_829 : memref<1x1x80xi32, #tpu.memory_space<vmem>> -> memref<1x80xi32, #tpu.memory_space<vmem>>
        %dma_wait3A_831 = arith.constant 0 : i32
        %dma_wait3A_832 = arith.constant 0 : i32
        %dma_wait3A_833 = tpu.memref_slice %arg3[%dma_wait3A, %dma_wait3A_831, %dma_wait3A_832] : memref<4000x1x80xi32, #tpu.memory_space<hbm>> -> memref<1x1x80xi32, #tpu.memory_space<hbm>>
        %dma_wait3A_834 = tpu.memref_squeeze %dma_wait3A_833 : memref<1x1x80xi32, #tpu.memory_space<hbm>> -> memref<1x80xi32, #tpu.memory_space<hbm>>
        tpu.wait_dma2 semaphore(%arg14 : memref<!tpu.dma_semaphore, #tpu.memory_space<semaphore_mem>>) src(%dma_wait3A_834 : memref<1x80xi32, #tpu.memory_space<hbm>>) dst(%dma_wait3A_830 : memref<1x80xi32, #tpu.memory_space<vmem>>)
        %dma_wait3A_835 = arith.constant 3 : i32
        %dma_wait3A_836 = arith.constant 0 : i32
        %dma_wait3A_837 = arith.constant 0 : i32
        %dma_wait3A_838 = tpu.memref_slice %arg8[%dma_wait3A_835, %dma_wait3A_836, %dma_wait3A_837] : memref<8x80x128xf32, #tpu.memory_space<vmem>> -> memref<1x80x128xf32, #tpu.memory_space<vmem>>
        %dma_wait3A_839 = tpu.memref_squeeze %dma_wait3A_838 : memref<1x80x128xf32, #tpu.memory_space<vmem>> -> memref<80x128xf32, #tpu.memory_space<vmem>>
        %dma_wait3A_840 = arith.constant 0 : i32
        %dma_wait3A_841 = arith.constant 0 : i32
        %dma_wait3A_842 = tpu.memref_slice %arg2[%dma_wait3A_840, %dma_wait3A_841] : memref<320000x128xf32, #tpu.memory_space<hbm>> -> memref<80x128xf32, #tpu.memory_space<hbm>>
        %dma_wait3A_843 = arith.constant 0 : i32
        %dma_wait3A_844 = arith.constant 0 : i32
        %dma_wait3A_845 = tpu.memref_slice %arg8[%dma_wait3A_835, %dma_wait3A_843, %dma_wait3A_844] : memref<8x80x128xf32, #tpu.memory_space<vmem>> -> memref<1x80x128xf32, #tpu.memory_space<vmem>>
        %dma_wait3A_846 = tpu.memref_squeeze %dma_wait3A_845 : memref<1x80x128xf32, #tpu.memory_space<vmem>> -> memref<80x128xf32, #tpu.memory_space<vmem>>
        %dma_wait3A_847 = arith.constant 0 : i32
        %dma_wait3A_848 = arith.constant 0 : i32
        %dma_wait3A_849 = tpu.memref_slice %arg2[%dma_wait3A_847, %dma_wait3A_848] : memref<320000x128xf32, #tpu.memory_space<hbm>> -> memref<80x128xf32, #tpu.memory_space<hbm>>
        tpu.wait_dma2 semaphore(%arg14 : memref<!tpu.dma_semaphore, #tpu.memory_space<semaphore_mem>>) src(%dma_wait3A_849 : memref<80x128xf32, #tpu.memory_space<hbm>>) dst(%dma_wait3A_846 : memref<80x128xf32, #tpu.memory_space<vmem>>)
        %mul3A_850 = arith.constant 5000 : i32
        %mul3A_851 = arith.muli %arg0, %mul3A_850 : i32
        %broadcast_in_dim3A = vector.broadcast %mul3A_851 : i32 to vector<16xi32>
        %get3A_852 = arith.constant 3 : i32
        %get3A_853 = arith.constant 0 : i32
        %get3A_854 = arith.index_cast %get3A_852 : i32 to index
        %get3A_855 = arith.index_cast %get3A_853 : i32 to index
        %get3A_856 = arith.constant 0 : index
        %get3A_857 = tpu.vector_load %arg7[%get3A_854, %get3A_855, %get3A_856] {strides = array<i32>} : memref<8x1x80xi32, #tpu.memory_space<vmem>>, vector<1x1x16xi32>,
        %get3A_858 = vector.shape_cast %get3A_857 : vector<1x1x16xi32> to vector<16xi32>
        %sub3A_859 = arith.subi %get3A_858, %broadcast_in_dim3A : vector<16xi32>
        %lt3A_860 = arith.constant 0 : i32
        %lt3A_861 = vector.broadcast %lt3A_860 : i32 to vector<16xi32>
        %lt3A_862 = arith.cmpi slt, %sub3A_859, %lt3A_861 : vector<16xi32>
        %jit3A_863 = arith.constant 5000 : i32
        %broadcast_in_dim3A_864 = vector.broadcast %jit3A_863 : i32 to vector<16xi32>
        %select_n3A_865 = arith.select %lt3A_862, %broadcast_in_dim3A_864, %sub3A_859 : vector<16xi1>, vector<16xi32>
        %min3A = arith.constant 5000 : i32
        %min3A_866 = vector.broadcast %min3A : i32 to vector<16xi32>
        %min3A_867 = arith.minsi %select_n3A_865, %min3A_866 : vector<16xi32>
        %swap3A = arith.constant 3 : i32
        %swap3A_868 = arith.constant 0 : i32
        %swap3A_869 = arith.index_cast %swap3A : i32 to index
        %swap3A_870 = arith.index_cast %swap3A_868 : i32 to index
        %swap3A_871 = arith.constant 0 : index
        %swap3A_872 = tpu.vector_load %arg7[%swap3A_869, %swap3A_870, %swap3A_871] {strides = array<i32>} : memref<8x1x80xi32, #tpu.memory_space<vmem>>, vector<1x1x16xi32>,
        %swap3A_873 = vector.shape_cast %swap3A_872 : vector<1x1x16xi32> to vector<16xi32>
        %swap3A_874 = vector.shape_cast %min3A_867 : vector<16xi32> to vector<1x1x16xi32>
        tpu.vector_store %arg7[%swap3A_869, %swap3A_870, %swap3A_871], %swap3A_874 {strides = array<i32>} : memref<8x1x80xi32, #tpu.memory_space<vmem>>, vector<1x1x16xi32>,
        %get3A_875 = arith.constant 3 : i32
        %get3A_876 = arith.constant 0 : i32
        %get3A_877 = arith.index_cast %get3A_875 : i32 to index
        %get3A_878 = arith.index_cast %get3A_876 : i32 to index
        %get3A_879 = arith.constant 16 : index
        %get3A_880 = tpu.vector_load %arg7[%get3A_877, %get3A_878, %get3A_879] {strides = array<i32>} : memref<8x1x80xi32, #tpu.memory_space<vmem>>, vector<1x1x16xi32>,
        %get3A_881 = vector.shape_cast %get3A_880 : vector<1x1x16xi32> to vector<16xi32>
        %sub3A_882 = arith.subi %get3A_881, %broadcast_in_dim3A : vector<16xi32>
        %lt3A_883 = arith.constant 0 : i32
        %lt3A_884 = vector.broadcast %lt3A_883 : i32 to vector<16xi32>
        %lt3A_885 = arith.cmpi slt, %sub3A_882, %lt3A_884 : vector<16xi32>
        %jit3A_886 = arith.constant 5000 : i32
        %broadcast_in_dim3A_887 = vector.broadcast %jit3A_886 : i32 to vector<16xi32>
        %select_n3A_888 = arith.select %lt3A_885, %broadcast_in_dim3A_887, %sub3A_882 : vector<16xi1>, vector<16xi32>
        %min3A_889 = arith.constant 5000 : i32
        %min3A_890 = vector.broadcast %min3A_889 : i32 to vector<16xi32>
        %min3A_891 = arith.minsi %select_n3A_888, %min3A_890 : vector<16xi32>
        %swap3A_892 = arith.constant 3 : i32
        %swap3A_893 = arith.constant 0 : i32
        %swap3A_894 = arith.index_cast %swap3A_892 : i32 to index
        %swap3A_895 = arith.index_cast %swap3A_893 : i32 to index
        %swap3A_896 = arith.constant 16 : index
        %swap3A_897 = tpu.vector_load %arg7[%swap3A_894, %swap3A_895, %swap3A_896] {strides = array<i32>} : memref<8x1x80xi32, #tpu.memory_space<vmem>>, vector<1x1x16xi32>,
        %swap3A_898 = vector.shape_cast %swap3A_897 : vector<1x1x16xi32> to vector<16xi32>
        %swap3A_899 = vector.shape_cast %min3A_891 : vector<16xi32> to vector<1x1x16xi32>
        tpu.vector_store %arg7[%swap3A_894, %swap3A_895, %swap3A_896], %swap3A_899 {strides = array<i32>} : memref<8x1x80xi32, #tpu.memory_space<vmem>>, vector<1x1x16xi32>,
        %get3A_900 = arith.constant 3 : i32
        %get3A_901 = arith.constant 0 : i32
        %get3A_902 = arith.index_cast %get3A_900 : i32 to index
        %get3A_903 = arith.index_cast %get3A_901 : i32 to index
        %get3A_904 = arith.constant 32 : index
        %get3A_905 = tpu.vector_load %arg7[%get3A_902, %get3A_903, %get3A_904] {strides = array<i32>} : memref<8x1x80xi32, #tpu.memory_space<vmem>>, vector<1x1x16xi32>,
        %get3A_906 = vector.shape_cast %get3A_905 : vector<1x1x16xi32> to vector<16xi32>
        %sub3A_907 = arith.subi %get3A_906, %broadcast_in_dim3A : vector<16xi32>
        %lt3A_908 = arith.constant 0 : i32
        %lt3A_909 = vector.broadcast %lt3A_908 : i32 to vector<16xi32>
        %lt3A_910 = arith.cmpi slt, %sub3A_907, %lt3A_909 : vector<16xi32>
        %jit3A_911 = arith.constant 5000 : i32
        %broadcast_in_dim3A_912 = vector.broadcast %jit3A_911 : i32 to vector<16xi32>
        %select_n3A_913 = arith.select %lt3A_910, %broadcast_in_dim3A_912, %sub3A_907 : vector<16xi1>, vector<16xi32>
        %min3A_914 = arith.constant 5000 : i32
        %min3A_915 = vector.broadcast %min3A_914 : i32 to vector<16xi32>
        %min3A_916 = arith.minsi %select_n3A_913, %min3A_915 : vector<16xi32>
        %swap3A_917 = arith.constant 3 : i32
        %swap3A_918 = arith.constant 0 : i32
        %swap3A_919 = arith.index_cast %swap3A_917 : i32 to index
        %swap3A_920 = arith.index_cast %swap3A_918 : i32 to index
        %swap3A_921 = arith.constant 32 : index
        %swap3A_922 = tpu.vector_load %arg7[%swap3A_919, %swap3A_920, %swap3A_921] {strides = array<i32>} : memref<8x1x80xi32, #tpu.memory_space<vmem>>, vector<1x1x16xi32>,
        %swap3A_923 = vector.shape_cast %swap3A_922 : vector<1x1x16xi32> to vector<16xi32>
        %swap3A_924 = vector.shape_cast %min3A_916 : vector<16xi32> to vector<1x1x16xi32>
        tpu.vector_store %arg7[%swap3A_919, %swap3A_920, %swap3A_921], %swap3A_924 {strides = array<i32>} : memref<8x1x80xi32, #tpu.memory_space<vmem>>, vector<1x1x16xi32>,
        %get3A_925 = arith.constant 3 : i32
        %get3A_926 = arith.constant 0 : i32
        %get3A_927 = arith.index_cast %get3A_925 : i32 to index
        %get3A_928 = arith.index_cast %get3A_926 : i32 to index
        %get3A_929 = arith.constant 48 : index
        %get3A_930 = tpu.vector_load %arg7[%get3A_927, %get3A_928, %get3A_929] {strides = array<i32>} : memref<8x1x80xi32, #tpu.memory_space<vmem>>, vector<1x1x16xi32>,
        %get3A_931 = vector.shape_cast %get3A_930 : vector<1x1x16xi32> to vector<16xi32>
        %sub3A_932 = arith.subi %get3A_931, %broadcast_in_dim3A : vector<16xi32>
        %lt3A_933 = arith.constant 0 : i32
        %lt3A_934 = vector.broadcast %lt3A_933 : i32 to vector<16xi32>
        %lt3A_935 = arith.cmpi slt, %sub3A_932, %lt3A_934 : vector<16xi32>
        %jit3A_936 = arith.constant 5000 : i32
        %broadcast_in_dim3A_937 = vector.broadcast %jit3A_936 : i32 to vector<16xi32>
        %select_n3A_938 = arith.select %lt3A_935, %broadcast_in_dim3A_937, %sub3A_932 : vector<16xi1>, vector<16xi32>
        %min3A_939 = arith.constant 5000 : i32
        %min3A_940 = vector.broadcast %min3A_939 : i32 to vector<16xi32>
        %min3A_941 = arith.minsi %select_n3A_938, %min3A_940 : vector<16xi32>
        %swap3A_942 = arith.constant 3 : i32
        %swap3A_943 = arith.constant 0 : i32
        %swap3A_944 = arith.index_cast %swap3A_942 : i32 to index
        %swap3A_945 = arith.index_cast %swap3A_943 : i32 to index
        %swap3A_946 = arith.constant 48 : index
        %swap3A_947 = tpu.vector_load %arg7[%swap3A_944, %swap3A_945, %swap3A_946] {strides = array<i32>} : memref<8x1x80xi32, #tpu.memory_space<vmem>>, vector<1x1x16xi32>,
        %swap3A_948 = vector.shape_cast %swap3A_947 : vector<1x1x16xi32> to vector<16xi32>
        %swap3A_949 = vector.shape_cast %min3A_941 : vector<16xi32> to vector<1x1x16xi32>
        tpu.vector_store %arg7[%swap3A_944, %swap3A_945, %swap3A_946], %swap3A_949 {strides = array<i32>} : memref<8x1x80xi32, #tpu.memory_space<vmem>>, vector<1x1x16xi32>,
        %get3A_950 = arith.constant 3 : i32
        %get3A_951 = arith.constant 0 : i32
        %get3A_952 = arith.index_cast %get3A_950 : i32 to index
        %get3A_953 = arith.index_cast %get3A_951 : i32 to index
        %get3A_954 = arith.constant 64 : index
        %get3A_955 = tpu.vector_load %arg7[%get3A_952, %get3A_953, %get3A_954] {strides = array<i32>} : memref<8x1x80xi32, #tpu.memory_space<vmem>>, vector<1x1x16xi32>,
        %get3A_956 = vector.shape_cast %get3A_955 : vector<1x1x16xi32> to vector<16xi32>
        %sub3A_957 = arith.subi %get3A_956, %broadcast_in_dim3A : vector<16xi32>
        %lt3A_958 = arith.constant 0 : i32
        %lt3A_959 = vector.broadcast %lt3A_958 : i32 to vector<16xi32>
        %lt3A_960 = arith.cmpi slt, %sub3A_957, %lt3A_959 : vector<16xi32>
        %jit3A_961 = arith.constant 5000 : i32
        %broadcast_in_dim3A_962 = vector.broadcast %jit3A_961 : i32 to vector<16xi32>
        %select_n3A_963 = arith.select %lt3A_960, %broadcast_in_dim3A_962, %sub3A_957 : vector<16xi1>, vector<16xi32>
        %min3A_964 = arith.constant 5000 : i32
        %min3A_965 = vector.broadcast %min3A_964 : i32 to vector<16xi32>
        %min3A_966 = arith.minsi %select_n3A_963, %min3A_965 : vector<16xi32>
        %swap3A_967 = arith.constant 3 : i32
        %swap3A_968 = arith.constant 0 : i32
        %swap3A_969 = arith.index_cast %swap3A_967 : i32 to index
        %swap3A_970 = arith.index_cast %swap3A_968 : i32 to index
        %swap3A_971 = arith.constant 64 : index
        %swap3A_972 = tpu.vector_load %arg7[%swap3A_969, %swap3A_970, %swap3A_971] {strides = array<i32>} : memref<8x1x80xi32, #tpu.memory_space<vmem>>, vector<1x1x16xi32>,
        %swap3A_973 = vector.shape_cast %swap3A_972 : vector<1x1x16xi32> to vector<16xi32>
        %swap3A_974 = vector.shape_cast %min3A_966 : vector<16xi32> to vector<1x1x16xi32>
        tpu.vector_store %arg7[%swap3A_969, %swap3A_970, %swap3A_971], %swap3A_974 {strides = array<i32>} : memref<8x1x80xi32, #tpu.memory_space<vmem>>, vector<1x1x16xi32>,
        %dma_start3A_975 = arith.constant 3 : i32
        %dma_start3A_976 = arith.constant 3 : i32
        %dma_start3A_977 = arith.constant 0 : i32
        %dma_start3A_978 = arith.constant 0 : i32
        %dma_start3A_979 = arith.constant 0 : i32
        %dma_start3A_980 = tpu.memref_slice %arg8[%dma_start3A_975, %dma_start3A_978, %dma_start3A_979] : memref<8x80x128xf32, #tpu.memory_space<vmem>> -> memref<1x80x128xf32, #tpu.memory_space<vmem>>
        %dma_start3A_981 = tpu.memref_squeeze %dma_start3A_980 : memref<1x80x128xf32, #tpu.memory_space<vmem>> -> memref<80x128xf32, #tpu.memory_space<vmem>>
        %dma_start3A_982 = arith.constant 0 : i32
        %dma_start3A_983 = tpu.memref_slice %arg7[%dma_start3A_976, %dma_start3A_977, %dma_start3A_982] : memref<8x1x80xi32, #tpu.memory_space<vmem>> -> memref<1x1x80xi32, #tpu.memory_space<vmem>>
        %dma_start3A_984 = tpu.memref_squeeze %dma_start3A_983 : memref<1x1x80xi32, #tpu.memory_space<vmem>> -> memref<80xi32, #tpu.memory_space<vmem>>
        %dma_start3A_985 = arith.constant 0 : i32
        %dma_start3A_986 = arith.constant 0 : i32
        %dma_start3A_987 = tpu.memref_slice %arg6[%dma_start3A_985, %dma_start3A_986] : memref<5008x128xf32, #tpu.memory_space<vmem_shared>> -> memref<5008x128xf32, #tpu.memory_space<vmem_shared>>
        tpu.enqueue_indirect_dma source(%dma_start3A_981 : memref<80x128xf32, #tpu.memory_space<vmem>>) target(%dma_start3A_987 : memref<5008x128xf32, #tpu.memory_space<vmem_shared>>) offsets(%dma_start3A_984 : memref<80xi32, #tpu.memory_space<vmem>>) semaphore(%arg22 : memref<!tpu.dma_semaphore, #tpu.memory_space<semaphore_mem>>) {add = true}
      } else {
      }
      %mul3A_574 = arith.constant 8 : i32
      %mul3A_575 = arith.muli %scan3A_497, %mul3A_574 : i32
      %add3A_576 = arith.constant 4 : i32
      %add3A_577 = arith.addi %mul3A_575, %add3A_576 : i32
      %mul3A_578 = arith.constant 16 : i32
      %mul3A_579 = arith.muli %mul3A_578, %add3A_577 : i32
      %add3A_580 = arith.addi %arg1, %mul3A_579 : i32
      %sub3A_581 = arith.constant 249 : i32
      %sub3A_582 = arith.subi %sub3A_581, %add3A_577 : i32
      %mul3A_583 = arith.constant 16 : i32
      %mul3A_584 = arith.muli %mul3A_583, %sub3A_582 : i32
      %add3A_585 = arith.addi %arg1, %mul3A_584 : i32
      %select_n3A_586 = arith.select %eq3A_0, %add3A_580, %add3A_585 : i32
      %lt3A_587 = arith.cmpi slt, %select_n3A_586, %select_n3A : i32
      %ge3A_588 = arith.cmpi sge, %select_n3A_586, %select_n3A_45 : i32
      %select_n3A_589 = arith.select %eq3A_0, %lt3A_587, %ge3A_588 : i1
      %convert_element_type3A_590 = arith.extui %select_n3A_589 : i1 to i32
      %cond3A_591 = arith.constant 0 : i32
      %cond3A_592 = arith.cmpi ne, %convert_element_type3A_590, %cond3A_591 : i32
      scf.if %cond3A_592 {
        %dma_wait3A = arith.constant 0 : i32
        %dma_wait3A_818 = arith.constant 4 : i32
        %dma_wait3A_819 = arith.constant 0 : i32
        %dma_wait3A_820 = arith.constant 0 : i32
        %dma_wait3A_821 = tpu.memref_slice %arg7[%dma_wait3A_818, %dma_wait3A_819, %dma_wait3A_820] : memref<8x1x80xi32, #tpu.memory_space<vmem>> -> memref<1x1x80xi32, #tpu.memory_space<vmem>>
        %dma_wait3A_822 = tpu.memref_squeeze %dma_wait3A_821 : memref<1x1x80xi32, #tpu.memory_space<vmem>> -> memref<1x80xi32, #tpu.memory_space<vmem>>
        %dma_wait3A_823 = arith.constant 0 : i32
        %dma_wait3A_824 = arith.constant 0 : i32
        %dma_wait3A_825 = tpu.memref_slice %arg3[%dma_wait3A, %dma_wait3A_823, %dma_wait3A_824] : memref<4000x1x80xi32, #tpu.memory_space<hbm>> -> memref<1x1x80xi32, #tpu.memory_space<hbm>>
        %dma_wait3A_826 = tpu.memref_squeeze %dma_wait3A_825 : memref<1x1x80xi32, #tpu.memory_space<hbm>> -> memref<1x80xi32, #tpu.memory_space<hbm>>
        %dma_wait3A_827 = arith.constant 0 : i32
        %dma_wait3A_828 = arith.constant 0 : i32
        %dma_wait3A_829 = tpu.memref_slice %arg7[%dma_wait3A_818, %dma_wait3A_827, %dma_wait3A_828] : memref<8x1x80xi32, #tpu.memory_space<vmem>> -> memref<1x1x80xi32, #tpu.memory_space<vmem>>
        %dma_wait3A_830 = tpu.memref_squeeze %dma_wait3A_829 : memref<1x1x80xi32, #tpu.memory_space<vmem>> -> memref<1x80xi32, #tpu.memory_space<vmem>>
        %dma_wait3A_831 = arith.constant 0 : i32
        %dma_wait3A_832 = arith.constant 0 : i32
        %dma_wait3A_833 = tpu.memref_slice %arg3[%dma_wait3A, %dma_wait3A_831, %dma_wait3A_832] : memref<4000x1x80xi32, #tpu.memory_space<hbm>> -> memref<1x1x80xi32, #tpu.memory_space<hbm>>
        %dma_wait3A_834 = tpu.memref_squeeze %dma_wait3A_833 : memref<1x1x80xi32, #tpu.memory_space<hbm>> -> memref<1x80xi32, #tpu.memory_space<hbm>>
        tpu.wait_dma2 semaphore(%arg15 : memref<!tpu.dma_semaphore, #tpu.memory_space<semaphore_mem>>) src(%dma_wait3A_834 : memref<1x80xi32, #tpu.memory_space<hbm>>) dst(%dma_wait3A_830 : memref<1x80xi32, #tpu.memory_space<vmem>>)
        %dma_wait3A_835 = arith.constant 4 : i32
        %dma_wait3A_836 = arith.constant 0 : i32
        %dma_wait3A_837 = arith.constant 0 : i32
        %dma_wait3A_838 = tpu.memref_slice %arg8[%dma_wait3A_835, %dma_wait3A_836, %dma_wait3A_837] : memref<8x80x128xf32, #tpu.memory_space<vmem>> -> memref<1x80x128xf32, #tpu.memory_space<vmem>>
        %dma_wait3A_839 = tpu.memref_squeeze %dma_wait3A_838 : memref<1x80x128xf32, #tpu.memory_space<vmem>> -> memref<80x128xf32, #tpu.memory_space<vmem>>
        %dma_wait3A_840 = arith.constant 0 : i32
        %dma_wait3A_841 = arith.constant 0 : i32
        %dma_wait3A_842 = tpu.memref_slice %arg2[%dma_wait3A_840, %dma_wait3A_841] : memref<320000x128xf32, #tpu.memory_space<hbm>> -> memref<80x128xf32, #tpu.memory_space<hbm>>
        %dma_wait3A_843 = arith.constant 0 : i32
        %dma_wait3A_844 = arith.constant 0 : i32
        %dma_wait3A_845 = tpu.memref_slice %arg8[%dma_wait3A_835, %dma_wait3A_843, %dma_wait3A_844] : memref<8x80x128xf32, #tpu.memory_space<vmem>> -> memref<1x80x128xf32, #tpu.memory_space<vmem>>
        %dma_wait3A_846 = tpu.memref_squeeze %dma_wait3A_845 : memref<1x80x128xf32, #tpu.memory_space<vmem>> -> memref<80x128xf32, #tpu.memory_space<vmem>>
        %dma_wait3A_847 = arith.constant 0 : i32
        %dma_wait3A_848 = arith.constant 0 : i32
        %dma_wait3A_849 = tpu.memref_slice %arg2[%dma_wait3A_847, %dma_wait3A_848] : memref<320000x128xf32, #tpu.memory_space<hbm>> -> memref<80x128xf32, #tpu.memory_space<hbm>>
        tpu.wait_dma2 semaphore(%arg15 : memref<!tpu.dma_semaphore, #tpu.memory_space<semaphore_mem>>) src(%dma_wait3A_849 : memref<80x128xf32, #tpu.memory_space<hbm>>) dst(%dma_wait3A_846 : memref<80x128xf32, #tpu.memory_space<vmem>>)
        %mul3A_850 = arith.constant 5000 : i32
        %mul3A_851 = arith.muli %arg0, %mul3A_850 : i32
        %broadcast_in_dim3A = vector.broadcast %mul3A_851 : i32 to vector<16xi32>
        %get3A_852 = arith.constant 4 : i32
        %get3A_853 = arith.constant 0 : i32
        %get3A_854 = arith.index_cast %get3A_852 : i32 to index
        %get3A_855 = arith.index_cast %get3A_853 : i32 to index
        %get3A_856 = arith.constant 0 : index
        %get3A_857 = tpu.vector_load %arg7[%get3A_854, %get3A_855, %get3A_856] {strides = array<i32>} : memref<8x1x80xi32, #tpu.memory_space<vmem>>, vector<1x1x16xi32>,
        %get3A_858 = vector.shape_cast %get3A_857 : vector<1x1x16xi32> to vector<16xi32>
        %sub3A_859 = arith.subi %get3A_858, %broadcast_in_dim3A : vector<16xi32>
        %lt3A_860 = arith.constant 0 : i32
        %lt3A_861 = vector.broadcast %lt3A_860 : i32 to vector<16xi32>
        %lt3A_862 = arith.cmpi slt, %sub3A_859, %lt3A_861 : vector<16xi32>
        %jit3A_863 = arith.constant 5000 : i32
        %broadcast_in_dim3A_864 = vector.broadcast %jit3A_863 : i32 to vector<16xi32>
        %select_n3A_865 = arith.select %lt3A_862, %broadcast_in_dim3A_864, %sub3A_859 : vector<16xi1>, vector<16xi32>
        %min3A = arith.constant 5000 : i32
        %min3A_866 = vector.broadcast %min3A : i32 to vector<16xi32>
        %min3A_867 = arith.minsi %select_n3A_865, %min3A_866 : vector<16xi32>
        %swap3A = arith.constant 4 : i32
        %swap3A_868 = arith.constant 0 : i32
        %swap3A_869 = arith.index_cast %swap3A : i32 to index
        %swap3A_870 = arith.index_cast %swap3A_868 : i32 to index
        %swap3A_871 = arith.constant 0 : index
        %swap3A_872 = tpu.vector_load %arg7[%swap3A_869, %swap3A_870, %swap3A_871] {strides = array<i32>} : memref<8x1x80xi32, #tpu.memory_space<vmem>>, vector<1x1x16xi32>,
        %swap3A_873 = vector.shape_cast %swap3A_872 : vector<1x1x16xi32> to vector<16xi32>
        %swap3A_874 = vector.shape_cast %min3A_867 : vector<16xi32> to vector<1x1x16xi32>
        tpu.vector_store %arg7[%swap3A_869, %swap3A_870, %swap3A_871], %swap3A_874 {strides = array<i32>} : memref<8x1x80xi32, #tpu.memory_space<vmem>>, vector<1x1x16xi32>,
        %get3A_875 = arith.constant 4 : i32
        %get3A_876 = arith.constant 0 : i32
        %get3A_877 = arith.index_cast %get3A_875 : i32 to index
        %get3A_878 = arith.index_cast %get3A_876 : i32 to index
        %get3A_879 = arith.constant 16 : index
        %get3A_880 = tpu.vector_load %arg7[%get3A_877, %get3A_878, %get3A_879] {strides = array<i32>} : memref<8x1x80xi32, #tpu.memory_space<vmem>>, vector<1x1x16xi32>,
        %get3A_881 = vector.shape_cast %get3A_880 : vector<1x1x16xi32> to vector<16xi32>
        %sub3A_882 = arith.subi %get3A_881, %broadcast_in_dim3A : vector<16xi32>
        %lt3A_883 = arith.constant 0 : i32
        %lt3A_884 = vector.broadcast %lt3A_883 : i32 to vector<16xi32>
        %lt3A_885 = arith.cmpi slt, %sub3A_882, %lt3A_884 : vector<16xi32>
        %jit3A_886 = arith.constant 5000 : i32
        %broadcast_in_dim3A_887 = vector.broadcast %jit3A_886 : i32 to vector<16xi32>
        %select_n3A_888 = arith.select %lt3A_885, %broadcast_in_dim3A_887, %sub3A_882 : vector<16xi1>, vector<16xi32>
        %min3A_889 = arith.constant 5000 : i32
        %min3A_890 = vector.broadcast %min3A_889 : i32 to vector<16xi32>
        %min3A_891 = arith.minsi %select_n3A_888, %min3A_890 : vector<16xi32>
        %swap3A_892 = arith.constant 4 : i32
        %swap3A_893 = arith.constant 0 : i32
        %swap3A_894 = arith.index_cast %swap3A_892 : i32 to index
        %swap3A_895 = arith.index_cast %swap3A_893 : i32 to index
        %swap3A_896 = arith.constant 16 : index
        %swap3A_897 = tpu.vector_load %arg7[%swap3A_894, %swap3A_895, %swap3A_896] {strides = array<i32>} : memref<8x1x80xi32, #tpu.memory_space<vmem>>, vector<1x1x16xi32>,
        %swap3A_898 = vector.shape_cast %swap3A_897 : vector<1x1x16xi32> to vector<16xi32>
        %swap3A_899 = vector.shape_cast %min3A_891 : vector<16xi32> to vector<1x1x16xi32>
        tpu.vector_store %arg7[%swap3A_894, %swap3A_895, %swap3A_896], %swap3A_899 {strides = array<i32>} : memref<8x1x80xi32, #tpu.memory_space<vmem>>, vector<1x1x16xi32>,
        %get3A_900 = arith.constant 4 : i32
        %get3A_901 = arith.constant 0 : i32
        %get3A_902 = arith.index_cast %get3A_900 : i32 to index
        %get3A_903 = arith.index_cast %get3A_901 : i32 to index
        %get3A_904 = arith.constant 32 : index
        %get3A_905 = tpu.vector_load %arg7[%get3A_902, %get3A_903, %get3A_904] {strides = array<i32>} : memref<8x1x80xi32, #tpu.memory_space<vmem>>, vector<1x1x16xi32>,
        %get3A_906 = vector.shape_cast %get3A_905 : vector<1x1x16xi32> to vector<16xi32>
        %sub3A_907 = arith.subi %get3A_906, %broadcast_in_dim3A : vector<16xi32>
        %lt3A_908 = arith.constant 0 : i32
        %lt3A_909 = vector.broadcast %lt3A_908 : i32 to vector<16xi32>
        %lt3A_910 = arith.cmpi slt, %sub3A_907, %lt3A_909 : vector<16xi32>
        %jit3A_911 = arith.constant 5000 : i32
        %broadcast_in_dim3A_912 = vector.broadcast %jit3A_911 : i32 to vector<16xi32>
        %select_n3A_913 = arith.select %lt3A_910, %broadcast_in_dim3A_912, %sub3A_907 : vector<16xi1>, vector<16xi32>
        %min3A_914 = arith.constant 5000 : i32
        %min3A_915 = vector.broadcast %min3A_914 : i32 to vector<16xi32>
        %min3A_916 = arith.minsi %select_n3A_913, %min3A_915 : vector<16xi32>
        %swap3A_917 = arith.constant 4 : i32
        %swap3A_918 = arith.constant 0 : i32
        %swap3A_919 = arith.index_cast %swap3A_917 : i32 to index
        %swap3A_920 = arith.index_cast %swap3A_918 : i32 to index
        %swap3A_921 = arith.constant 32 : index
        %swap3A_922 = tpu.vector_load %arg7[%swap3A_919, %swap3A_920, %swap3A_921] {strides = array<i32>} : memref<8x1x80xi32, #tpu.memory_space<vmem>>, vector<1x1x16xi32>,
        %swap3A_923 = vector.shape_cast %swap3A_922 : vector<1x1x16xi32> to vector<16xi32>
        %swap3A_924 = vector.shape_cast %min3A_916 : vector<16xi32> to vector<1x1x16xi32>
        tpu.vector_store %arg7[%swap3A_919, %swap3A_920, %swap3A_921], %swap3A_924 {strides = array<i32>} : memref<8x1x80xi32, #tpu.memory_space<vmem>>, vector<1x1x16xi32>,
        %get3A_925 = arith.constant 4 : i32
        %get3A_926 = arith.constant 0 : i32
        %get3A_927 = arith.index_cast %get3A_925 : i32 to index
        %get3A_928 = arith.index_cast %get3A_926 : i32 to index
        %get3A_929 = arith.constant 48 : index
        %get3A_930 = tpu.vector_load %arg7[%get3A_927, %get3A_928, %get3A_929] {strides = array<i32>} : memref<8x1x80xi32, #tpu.memory_space<vmem>>, vector<1x1x16xi32>,
        %get3A_931 = vector.shape_cast %get3A_930 : vector<1x1x16xi32> to vector<16xi32>
        %sub3A_932 = arith.subi %get3A_931, %broadcast_in_dim3A : vector<16xi32>
        %lt3A_933 = arith.constant 0 : i32
        %lt3A_934 = vector.broadcast %lt3A_933 : i32 to vector<16xi32>
        %lt3A_935 = arith.cmpi slt, %sub3A_932, %lt3A_934 : vector<16xi32>
        %jit3A_936 = arith.constant 5000 : i32
        %broadcast_in_dim3A_937 = vector.broadcast %jit3A_936 : i32 to vector<16xi32>
        %select_n3A_938 = arith.select %lt3A_935, %broadcast_in_dim3A_937, %sub3A_932 : vector<16xi1>, vector<16xi32>
        %min3A_939 = arith.constant 5000 : i32
        %min3A_940 = vector.broadcast %min3A_939 : i32 to vector<16xi32>
        %min3A_941 = arith.minsi %select_n3A_938, %min3A_940 : vector<16xi32>
        %swap3A_942 = arith.constant 4 : i32
        %swap3A_943 = arith.constant 0 : i32
        %swap3A_944 = arith.index_cast %swap3A_942 : i32 to index
        %swap3A_945 = arith.index_cast %swap3A_943 : i32 to index
        %swap3A_946 = arith.constant 48 : index
        %swap3A_947 = tpu.vector_load %arg7[%swap3A_944, %swap3A_945, %swap3A_946] {strides = array<i32>} : memref<8x1x80xi32, #tpu.memory_space<vmem>>, vector<1x1x16xi32>,
        %swap3A_948 = vector.shape_cast %swap3A_947 : vector<1x1x16xi32> to vector<16xi32>
        %swap3A_949 = vector.shape_cast %min3A_941 : vector<16xi32> to vector<1x1x16xi32>
        tpu.vector_store %arg7[%swap3A_944, %swap3A_945, %swap3A_946], %swap3A_949 {strides = array<i32>} : memref<8x1x80xi32, #tpu.memory_space<vmem>>, vector<1x1x16xi32>,
        %get3A_950 = arith.constant 4 : i32
        %get3A_951 = arith.constant 0 : i32
        %get3A_952 = arith.index_cast %get3A_950 : i32 to index
        %get3A_953 = arith.index_cast %get3A_951 : i32 to index
        %get3A_954 = arith.constant 64 : index
        %get3A_955 = tpu.vector_load %arg7[%get3A_952, %get3A_953, %get3A_954] {strides = array<i32>} : memref<8x1x80xi32, #tpu.memory_space<vmem>>, vector<1x1x16xi32>,
        %get3A_956 = vector.shape_cast %get3A_955 : vector<1x1x16xi32> to vector<16xi32>
        %sub3A_957 = arith.subi %get3A_956, %broadcast_in_dim3A : vector<16xi32>
        %lt3A_958 = arith.constant 0 : i32
        %lt3A_959 = vector.broadcast %lt3A_958 : i32 to vector<16xi32>
        %lt3A_960 = arith.cmpi slt, %sub3A_957, %lt3A_959 : vector<16xi32>
        %jit3A_961 = arith.constant 5000 : i32
        %broadcast_in_dim3A_962 = vector.broadcast %jit3A_961 : i32 to vector<16xi32>
        %select_n3A_963 = arith.select %lt3A_960, %broadcast_in_dim3A_962, %sub3A_957 : vector<16xi1>, vector<16xi32>
        %min3A_964 = arith.constant 5000 : i32
        %min3A_965 = vector.broadcast %min3A_964 : i32 to vector<16xi32>
        %min3A_966 = arith.minsi %select_n3A_963, %min3A_965 : vector<16xi32>
        %swap3A_967 = arith.constant 4 : i32
        %swap3A_968 = arith.constant 0 : i32
        %swap3A_969 = arith.index_cast %swap3A_967 : i32 to index
        %swap3A_970 = arith.index_cast %swap3A_968 : i32 to index
        %swap3A_971 = arith.constant 64 : index
        %swap3A_972 = tpu.vector_load %arg7[%swap3A_969, %swap3A_970, %swap3A_971] {strides = array<i32>} : memref<8x1x80xi32, #tpu.memory_space<vmem>>, vector<1x1x16xi32>,
        %swap3A_973 = vector.shape_cast %swap3A_972 : vector<1x1x16xi32> to vector<16xi32>
        %swap3A_974 = vector.shape_cast %min3A_966 : vector<16xi32> to vector<1x1x16xi32>
        tpu.vector_store %arg7[%swap3A_969, %swap3A_970, %swap3A_971], %swap3A_974 {strides = array<i32>} : memref<8x1x80xi32, #tpu.memory_space<vmem>>, vector<1x1x16xi32>,
        %dma_start3A_975 = arith.constant 4 : i32
        %dma_start3A_976 = arith.constant 4 : i32
        %dma_start3A_977 = arith.constant 0 : i32
        %dma_start3A_978 = arith.constant 0 : i32
        %dma_start3A_979 = arith.constant 0 : i32
        %dma_start3A_980 = tpu.memref_slice %arg8[%dma_start3A_975, %dma_start3A_978, %dma_start3A_979] : memref<8x80x128xf32, #tpu.memory_space<vmem>> -> memref<1x80x128xf32, #tpu.memory_space<vmem>>
        %dma_start3A_981 = tpu.memref_squeeze %dma_start3A_980 : memref<1x80x128xf32, #tpu.memory_space<vmem>> -> memref<80x128xf32, #tpu.memory_space<vmem>>
        %dma_start3A_982 = arith.constant 0 : i32
        %dma_start3A_983 = tpu.memref_slice %arg7[%dma_start3A_976, %dma_start3A_977, %dma_start3A_982] : memref<8x1x80xi32, #tpu.memory_space<vmem>> -> memref<1x1x80xi32, #tpu.memory_space<vmem>>
        %dma_start3A_984 = tpu.memref_squeeze %dma_start3A_983 : memref<1x1x80xi32, #tpu.memory_space<vmem>> -> memref<80xi32, #tpu.memory_space<vmem>>
        %dma_start3A_985 = arith.constant 0 : i32
        %dma_start3A_986 = arith.constant 0 : i32
        %dma_start3A_987 = tpu.memref_slice %arg6[%dma_start3A_985, %dma_start3A_986] : memref<5008x128xf32, #tpu.memory_space<vmem_shared>> -> memref<5008x128xf32, #tpu.memory_space<vmem_shared>>
        tpu.enqueue_indirect_dma source(%dma_start3A_981 : memref<80x128xf32, #tpu.memory_space<vmem>>) target(%dma_start3A_987 : memref<5008x128xf32, #tpu.memory_space<vmem_shared>>) offsets(%dma_start3A_984 : memref<80xi32, #tpu.memory_space<vmem>>) semaphore(%arg23 : memref<!tpu.dma_semaphore, #tpu.memory_space<semaphore_mem>>) {add = true}
      } else {
      }
      %mul3A_593 = arith.constant 8 : i32
      %mul3A_594 = arith.muli %scan3A_497, %mul3A_593 : i32
      %add3A_595 = arith.constant 5 : i32
      %add3A_596 = arith.addi %mul3A_594, %add3A_595 : i32
      %mul3A_597 = arith.constant 16 : i32
      %mul3A_598 = arith.muli %mul3A_597, %add3A_596 : i32
      %add3A_599 = arith.addi %arg1, %mul3A_598 : i32
      %sub3A_600 = arith.constant 249 : i32
      %sub3A_601 = arith.subi %sub3A_600, %add3A_596 : i32
      %mul3A_602 = arith.constant 16 : i32
      %mul3A_603 = arith.muli %mul3A_602, %sub3A_601 : i32
      %add3A_604 = arith.addi %arg1, %mul3A_603 : i32
      %select_n3A_605 = arith.select %eq3A_0, %add3A_599, %add3A_604 : i32
      %lt3A_606 = arith.cmpi slt, %select_n3A_605, %select_n3A : i32
      %ge3A_607 = arith.cmpi sge, %select_n3A_605, %select_n3A_45 : i32
      %select_n3A_608 = arith.select %eq3A_0, %lt3A_606, %ge3A_607 : i1
      %convert_element_type3A_609 = arith.extui %select_n3A_608 : i1 to i32
      %cond3A_610 = arith.constant 0 : i32
      %cond3A_611 = arith.cmpi ne, %convert_element_type3A_609, %cond3A_610 : i32
      scf.if %cond3A_611 {
        %dma_wait3A = arith.constant 0 : i32
        %dma_wait3A_818 = arith.constant 5 : i32
        %dma_wait3A_819 = arith.constant 0 : i32
        %dma_wait3A_820 = arith.constant 0 : i32
        %dma_wait3A_821 = tpu.memref_slice %arg7[%dma_wait3A_818, %dma_wait3A_819, %dma_wait3A_820] : memref<8x1x80xi32, #tpu.memory_space<vmem>> -> memref<1x1x80xi32, #tpu.memory_space<vmem>>
        %dma_wait3A_822 = tpu.memref_squeeze %dma_wait3A_821 : memref<1x1x80xi32, #tpu.memory_space<vmem>> -> memref<1x80xi32, #tpu.memory_space<vmem>>
        %dma_wait3A_823 = arith.constant 0 : i32
        %dma_wait3A_824 = arith.constant 0 : i32
        %dma_wait3A_825 = tpu.memref_slice %arg3[%dma_wait3A, %dma_wait3A_823, %dma_wait3A_824] : memref<4000x1x80xi32, #tpu.memory_space<hbm>> -> memref<1x1x80xi32, #tpu.memory_space<hbm>>
        %dma_wait3A_826 = tpu.memref_squeeze %dma_wait3A_825 : memref<1x1x80xi32, #tpu.memory_space<hbm>> -> memref<1x80xi32, #tpu.memory_space<hbm>>
        %dma_wait3A_827 = arith.constant 0 : i32
        %dma_wait3A_828 = arith.constant 0 : i32
        %dma_wait3A_829 = tpu.memref_slice %arg7[%dma_wait3A_818, %dma_wait3A_827, %dma_wait3A_828] : memref<8x1x80xi32, #tpu.memory_space<vmem>> -> memref<1x1x80xi32, #tpu.memory_space<vmem>>
        %dma_wait3A_830 = tpu.memref_squeeze %dma_wait3A_829 : memref<1x1x80xi32, #tpu.memory_space<vmem>> -> memref<1x80xi32, #tpu.memory_space<vmem>>
        %dma_wait3A_831 = arith.constant 0 : i32
        %dma_wait3A_832 = arith.constant 0 : i32
        %dma_wait3A_833 = tpu.memref_slice %arg3[%dma_wait3A, %dma_wait3A_831, %dma_wait3A_832] : memref<4000x1x80xi32, #tpu.memory_space<hbm>> -> memref<1x1x80xi32, #tpu.memory_space<hbm>>
        %dma_wait3A_834 = tpu.memref_squeeze %dma_wait3A_833 : memref<1x1x80xi32, #tpu.memory_space<hbm>> -> memref<1x80xi32, #tpu.memory_space<hbm>>
        tpu.wait_dma2 semaphore(%arg16 : memref<!tpu.dma_semaphore, #tpu.memory_space<semaphore_mem>>) src(%dma_wait3A_834 : memref<1x80xi32, #tpu.memory_space<hbm>>) dst(%dma_wait3A_830 : memref<1x80xi32, #tpu.memory_space<vmem>>)
        %dma_wait3A_835 = arith.constant 5 : i32
        %dma_wait3A_836 = arith.constant 0 : i32
        %dma_wait3A_837 = arith.constant 0 : i32
        %dma_wait3A_838 = tpu.memref_slice %arg8[%dma_wait3A_835, %dma_wait3A_836, %dma_wait3A_837] : memref<8x80x128xf32, #tpu.memory_space<vmem>> -> memref<1x80x128xf32, #tpu.memory_space<vmem>>
        %dma_wait3A_839 = tpu.memref_squeeze %dma_wait3A_838 : memref<1x80x128xf32, #tpu.memory_space<vmem>> -> memref<80x128xf32, #tpu.memory_space<vmem>>
        %dma_wait3A_840 = arith.constant 0 : i32
        %dma_wait3A_841 = arith.constant 0 : i32
        %dma_wait3A_842 = tpu.memref_slice %arg2[%dma_wait3A_840, %dma_wait3A_841] : memref<320000x128xf32, #tpu.memory_space<hbm>> -> memref<80x128xf32, #tpu.memory_space<hbm>>
        %dma_wait3A_843 = arith.constant 0 : i32
        %dma_wait3A_844 = arith.constant 0 : i32
        %dma_wait3A_845 = tpu.memref_slice %arg8[%dma_wait3A_835, %dma_wait3A_843, %dma_wait3A_844] : memref<8x80x128xf32, #tpu.memory_space<vmem>> -> memref<1x80x128xf32, #tpu.memory_space<vmem>>
        %dma_wait3A_846 = tpu.memref_squeeze %dma_wait3A_845 : memref<1x80x128xf32, #tpu.memory_space<vmem>> -> memref<80x128xf32, #tpu.memory_space<vmem>>
        %dma_wait3A_847 = arith.constant 0 : i32
        %dma_wait3A_848 = arith.constant 0 : i32
        %dma_wait3A_849 = tpu.memref_slice %arg2[%dma_wait3A_847, %dma_wait3A_848] : memref<320000x128xf32, #tpu.memory_space<hbm>> -> memref<80x128xf32, #tpu.memory_space<hbm>>
        tpu.wait_dma2 semaphore(%arg16 : memref<!tpu.dma_semaphore, #tpu.memory_space<semaphore_mem>>) src(%dma_wait3A_849 : memref<80x128xf32, #tpu.memory_space<hbm>>) dst(%dma_wait3A_846 : memref<80x128xf32, #tpu.memory_space<vmem>>)
        %mul3A_850 = arith.constant 5000 : i32
        %mul3A_851 = arith.muli %arg0, %mul3A_850 : i32
        %broadcast_in_dim3A = vector.broadcast %mul3A_851 : i32 to vector<16xi32>
        %get3A_852 = arith.constant 5 : i32
        %get3A_853 = arith.constant 0 : i32
        %get3A_854 = arith.index_cast %get3A_852 : i32 to index
        %get3A_855 = arith.index_cast %get3A_853 : i32 to index
        %get3A_856 = arith.constant 0 : index
        %get3A_857 = tpu.vector_load %arg7[%get3A_854, %get3A_855, %get3A_856] {strides = array<i32>} : memref<8x1x80xi32, #tpu.memory_space<vmem>>, vector<1x1x16xi32>,
        %get3A_858 = vector.shape_cast %get3A_857 : vector<1x1x16xi32> to vector<16xi32>
        %sub3A_859 = arith.subi %get3A_858, %broadcast_in_dim3A : vector<16xi32>
        %lt3A_860 = arith.constant 0 : i32
        %lt3A_861 = vector.broadcast %lt3A_860 : i32 to vector<16xi32>
        %lt3A_862 = arith.cmpi slt, %sub3A_859, %lt3A_861 : vector<16xi32>
        %jit3A_863 = arith.constant 5000 : i32
        %broadcast_in_dim3A_864 = vector.broadcast %jit3A_863 : i32 to vector<16xi32>
        %select_n3A_865 = arith.select %lt3A_862, %broadcast_in_dim3A_864, %sub3A_859 : vector<16xi1>, vector<16xi32>
        %min3A = arith.constant 5000 : i32
        %min3A_866 = vector.broadcast %min3A : i32 to vector<16xi32>
        %min3A_867 = arith.minsi %select_n3A_865, %min3A_866 : vector<16xi32>
        %swap3A = arith.constant 5 : i32
        %swap3A_868 = arith.constant 0 : i32
        %swap3A_869 = arith.index_cast %swap3A : i32 to index
        %swap3A_870 = arith.index_cast %swap3A_868 : i32 to index
        %swap3A_871 = arith.constant 0 : index
        %swap3A_872 = tpu.vector_load %arg7[%swap3A_869, %swap3A_870, %swap3A_871] {strides = array<i32>} : memref<8x1x80xi32, #tpu.memory_space<vmem>>, vector<1x1x16xi32>,
        %swap3A_873 = vector.shape_cast %swap3A_872 : vector<1x1x16xi32> to vector<16xi32>
        %swap3A_874 = vector.shape_cast %min3A_867 : vector<16xi32> to vector<1x1x16xi32>
        tpu.vector_store %arg7[%swap3A_869, %swap3A_870, %swap3A_871], %swap3A_874 {strides = array<i32>} : memref<8x1x80xi32, #tpu.memory_space<vmem>>, vector<1x1x16xi32>,
        %get3A_875 = arith.constant 5 : i32
        %get3A_876 = arith.constant 0 : i32
        %get3A_877 = arith.index_cast %get3A_875 : i32 to index
        %get3A_878 = arith.index_cast %get3A_876 : i32 to index
        %get3A_879 = arith.constant 16 : index
        %get3A_880 = tpu.vector_load %arg7[%get3A_877, %get3A_878, %get3A_879] {strides = array<i32>} : memref<8x1x80xi32, #tpu.memory_space<vmem>>, vector<1x1x16xi32>,
        %get3A_881 = vector.shape_cast %get3A_880 : vector<1x1x16xi32> to vector<16xi32>
        %sub3A_882 = arith.subi %get3A_881, %broadcast_in_dim3A : vector<16xi32>
        %lt3A_883 = arith.constant 0 : i32
        %lt3A_884 = vector.broadcast %lt3A_883 : i32 to vector<16xi32>
        %lt3A_885 = arith.cmpi slt, %sub3A_882, %lt3A_884 : vector<16xi32>
        %jit3A_886 = arith.constant 5000 : i32
        %broadcast_in_dim3A_887 = vector.broadcast %jit3A_886 : i32 to vector<16xi32>
        %select_n3A_888 = arith.select %lt3A_885, %broadcast_in_dim3A_887, %sub3A_882 : vector<16xi1>, vector<16xi32>
        %min3A_889 = arith.constant 5000 : i32
        %min3A_890 = vector.broadcast %min3A_889 : i32 to vector<16xi32>
        %min3A_891 = arith.minsi %select_n3A_888, %min3A_890 : vector<16xi32>
        %swap3A_892 = arith.constant 5 : i32
        %swap3A_893 = arith.constant 0 : i32
        %swap3A_894 = arith.index_cast %swap3A_892 : i32 to index
        %swap3A_895 = arith.index_cast %swap3A_893 : i32 to index
        %swap3A_896 = arith.constant 16 : index
        %swap3A_897 = tpu.vector_load %arg7[%swap3A_894, %swap3A_895, %swap3A_896] {strides = array<i32>} : memref<8x1x80xi32, #tpu.memory_space<vmem>>, vector<1x1x16xi32>,
        %swap3A_898 = vector.shape_cast %swap3A_897 : vector<1x1x16xi32> to vector<16xi32>
        %swap3A_899 = vector.shape_cast %min3A_891 : vector<16xi32> to vector<1x1x16xi32>
        tpu.vector_store %arg7[%swap3A_894, %swap3A_895, %swap3A_896], %swap3A_899 {strides = array<i32>} : memref<8x1x80xi32, #tpu.memory_space<vmem>>, vector<1x1x16xi32>,
        %get3A_900 = arith.constant 5 : i32
        %get3A_901 = arith.constant 0 : i32
        %get3A_902 = arith.index_cast %get3A_900 : i32 to index
        %get3A_903 = arith.index_cast %get3A_901 : i32 to index
        %get3A_904 = arith.constant 32 : index
        %get3A_905 = tpu.vector_load %arg7[%get3A_902, %get3A_903, %get3A_904] {strides = array<i32>} : memref<8x1x80xi32, #tpu.memory_space<vmem>>, vector<1x1x16xi32>,
        %get3A_906 = vector.shape_cast %get3A_905 : vector<1x1x16xi32> to vector<16xi32>
        %sub3A_907 = arith.subi %get3A_906, %broadcast_in_dim3A : vector<16xi32>
        %lt3A_908 = arith.constant 0 : i32
        %lt3A_909 = vector.broadcast %lt3A_908 : i32 to vector<16xi32>
        %lt3A_910 = arith.cmpi slt, %sub3A_907, %lt3A_909 : vector<16xi32>
        %jit3A_911 = arith.constant 5000 : i32
        %broadcast_in_dim3A_912 = vector.broadcast %jit3A_911 : i32 to vector<16xi32>
        %select_n3A_913 = arith.select %lt3A_910, %broadcast_in_dim3A_912, %sub3A_907 : vector<16xi1>, vector<16xi32>
        %min3A_914 = arith.constant 5000 : i32
        %min3A_915 = vector.broadcast %min3A_914 : i32 to vector<16xi32>
        %min3A_916 = arith.minsi %select_n3A_913, %min3A_915 : vector<16xi32>
        %swap3A_917 = arith.constant 5 : i32
        %swap3A_918 = arith.constant 0 : i32
        %swap3A_919 = arith.index_cast %swap3A_917 : i32 to index
        %swap3A_920 = arith.index_cast %swap3A_918 : i32 to index
        %swap3A_921 = arith.constant 32 : index
        %swap3A_922 = tpu.vector_load %arg7[%swap3A_919, %swap3A_920, %swap3A_921] {strides = array<i32>} : memref<8x1x80xi32, #tpu.memory_space<vmem>>, vector<1x1x16xi32>,
        %swap3A_923 = vector.shape_cast %swap3A_922 : vector<1x1x16xi32> to vector<16xi32>
        %swap3A_924 = vector.shape_cast %min3A_916 : vector<16xi32> to vector<1x1x16xi32>
        tpu.vector_store %arg7[%swap3A_919, %swap3A_920, %swap3A_921], %swap3A_924 {strides = array<i32>} : memref<8x1x80xi32, #tpu.memory_space<vmem>>, vector<1x1x16xi32>,
        %get3A_925 = arith.constant 5 : i32
        %get3A_926 = arith.constant 0 : i32
        %get3A_927 = arith.index_cast %get3A_925 : i32 to index
        %get3A_928 = arith.index_cast %get3A_926 : i32 to index
        %get3A_929 = arith.constant 48 : index
        %get3A_930 = tpu.vector_load %arg7[%get3A_927, %get3A_928, %get3A_929] {strides = array<i32>} : memref<8x1x80xi32, #tpu.memory_space<vmem>>, vector<1x1x16xi32>,
        %get3A_931 = vector.shape_cast %get3A_930 : vector<1x1x16xi32> to vector<16xi32>
        %sub3A_932 = arith.subi %get3A_931, %broadcast_in_dim3A : vector<16xi32>
        %lt3A_933 = arith.constant 0 : i32
        %lt3A_934 = vector.broadcast %lt3A_933 : i32 to vector<16xi32>
        %lt3A_935 = arith.cmpi slt, %sub3A_932, %lt3A_934 : vector<16xi32>
        %jit3A_936 = arith.constant 5000 : i32
        %broadcast_in_dim3A_937 = vector.broadcast %jit3A_936 : i32 to vector<16xi32>
        %select_n3A_938 = arith.select %lt3A_935, %broadcast_in_dim3A_937, %sub3A_932 : vector<16xi1>, vector<16xi32>
        %min3A_939 = arith.constant 5000 : i32
        %min3A_940 = vector.broadcast %min3A_939 : i32 to vector<16xi32>
        %min3A_941 = arith.minsi %select_n3A_938, %min3A_940 : vector<16xi32>
        %swap3A_942 = arith.constant 5 : i32
        %swap3A_943 = arith.constant 0 : i32
        %swap3A_944 = arith.index_cast %swap3A_942 : i32 to index
        %swap3A_945 = arith.index_cast %swap3A_943 : i32 to index
        %swap3A_946 = arith.constant 48 : index
        %swap3A_947 = tpu.vector_load %arg7[%swap3A_944, %swap3A_945, %swap3A_946] {strides = array<i32>} : memref<8x1x80xi32, #tpu.memory_space<vmem>>, vector<1x1x16xi32>,
        %swap3A_948 = vector.shape_cast %swap3A_947 : vector<1x1x16xi32> to vector<16xi32>
        %swap3A_949 = vector.shape_cast %min3A_941 : vector<16xi32> to vector<1x1x16xi32>
        tpu.vector_store %arg7[%swap3A_944, %swap3A_945, %swap3A_946], %swap3A_949 {strides = array<i32>} : memref<8x1x80xi32, #tpu.memory_space<vmem>>, vector<1x1x16xi32>,
        %get3A_950 = arith.constant 5 : i32
        %get3A_951 = arith.constant 0 : i32
        %get3A_952 = arith.index_cast %get3A_950 : i32 to index
        %get3A_953 = arith.index_cast %get3A_951 : i32 to index
        %get3A_954 = arith.constant 64 : index
        %get3A_955 = tpu.vector_load %arg7[%get3A_952, %get3A_953, %get3A_954] {strides = array<i32>} : memref<8x1x80xi32, #tpu.memory_space<vmem>>, vector<1x1x16xi32>,
        %get3A_956 = vector.shape_cast %get3A_955 : vector<1x1x16xi32> to vector<16xi32>
        %sub3A_957 = arith.subi %get3A_956, %broadcast_in_dim3A : vector<16xi32>
        %lt3A_958 = arith.constant 0 : i32
        %lt3A_959 = vector.broadcast %lt3A_958 : i32 to vector<16xi32>
        %lt3A_960 = arith.cmpi slt, %sub3A_957, %lt3A_959 : vector<16xi32>
        %jit3A_961 = arith.constant 5000 : i32
        %broadcast_in_dim3A_962 = vector.broadcast %jit3A_961 : i32 to vector<16xi32>
        %select_n3A_963 = arith.select %lt3A_960, %broadcast_in_dim3A_962, %sub3A_957 : vector<16xi1>, vector<16xi32>
        %min3A_964 = arith.constant 5000 : i32
        %min3A_965 = vector.broadcast %min3A_964 : i32 to vector<16xi32>
        %min3A_966 = arith.minsi %select_n3A_963, %min3A_965 : vector<16xi32>
        %swap3A_967 = arith.constant 5 : i32
        %swap3A_968 = arith.constant 0 : i32
        %swap3A_969 = arith.index_cast %swap3A_967 : i32 to index
        %swap3A_970 = arith.index_cast %swap3A_968 : i32 to index
        %swap3A_971 = arith.constant 64 : index
        %swap3A_972 = tpu.vector_load %arg7[%swap3A_969, %swap3A_970, %swap3A_971] {strides = array<i32>} : memref<8x1x80xi32, #tpu.memory_space<vmem>>, vector<1x1x16xi32>,
        %swap3A_973 = vector.shape_cast %swap3A_972 : vector<1x1x16xi32> to vector<16xi32>
        %swap3A_974 = vector.shape_cast %min3A_966 : vector<16xi32> to vector<1x1x16xi32>
        tpu.vector_store %arg7[%swap3A_969, %swap3A_970, %swap3A_971], %swap3A_974 {strides = array<i32>} : memref<8x1x80xi32, #tpu.memory_space<vmem>>, vector<1x1x16xi32>,
        %dma_start3A_975 = arith.constant 5 : i32
        %dma_start3A_976 = arith.constant 5 : i32
        %dma_start3A_977 = arith.constant 0 : i32
        %dma_start3A_978 = arith.constant 0 : i32
        %dma_start3A_979 = arith.constant 0 : i32
        %dma_start3A_980 = tpu.memref_slice %arg8[%dma_start3A_975, %dma_start3A_978, %dma_start3A_979] : memref<8x80x128xf32, #tpu.memory_space<vmem>> -> memref<1x80x128xf32, #tpu.memory_space<vmem>>
        %dma_start3A_981 = tpu.memref_squeeze %dma_start3A_980 : memref<1x80x128xf32, #tpu.memory_space<vmem>> -> memref<80x128xf32, #tpu.memory_space<vmem>>
        %dma_start3A_982 = arith.constant 0 : i32
        %dma_start3A_983 = tpu.memref_slice %arg7[%dma_start3A_976, %dma_start3A_977, %dma_start3A_982] : memref<8x1x80xi32, #tpu.memory_space<vmem>> -> memref<1x1x80xi32, #tpu.memory_space<vmem>>
        %dma_start3A_984 = tpu.memref_squeeze %dma_start3A_983 : memref<1x1x80xi32, #tpu.memory_space<vmem>> -> memref<80xi32, #tpu.memory_space<vmem>>
        %dma_start3A_985 = arith.constant 0 : i32
        %dma_start3A_986 = arith.constant 0 : i32
        %dma_start3A_987 = tpu.memref_slice %arg6[%dma_start3A_985, %dma_start3A_986] : memref<5008x128xf32, #tpu.memory_space<vmem_shared>> -> memref<5008x128xf32, #tpu.memory_space<vmem_shared>>
        tpu.enqueue_indirect_dma source(%dma_start3A_981 : memref<80x128xf32, #tpu.memory_space<vmem>>) target(%dma_start3A_987 : memref<5008x128xf32, #tpu.memory_space<vmem_shared>>) offsets(%dma_start3A_984 : memref<80xi32, #tpu.memory_space<vmem>>) semaphore(%arg24 : memref<!tpu.dma_semaphore, #tpu.memory_space<semaphore_mem>>) {add = true}
      } else {
      }
      %mul3A_612 = arith.constant 8 : i32
      %mul3A_613 = arith.muli %scan3A_497, %mul3A_612 : i32
      %add3A_614 = arith.constant 6 : i32
      %add3A_615 = arith.addi %mul3A_613, %add3A_614 : i32
      %mul3A_616 = arith.constant 16 : i32
      %mul3A_617 = arith.muli %mul3A_616, %add3A_615 : i32
      %add3A_618 = arith.addi %arg1, %mul3A_617 : i32
      %sub3A_619 = arith.constant 249 : i32
      %sub3A_620 = arith.subi %sub3A_619, %add3A_615 : i32
      %mul3A_621 = arith.constant 16 : i32
      %mul3A_622 = arith.muli %mul3A_621, %sub3A_620 : i32
      %add3A_623 = arith.addi %arg1, %mul3A_622 : i32
      %select_n3A_624 = arith.select %eq3A_0, %add3A_618, %add3A_623 : i32
      %lt3A_625 = arith.cmpi slt, %select_n3A_624, %select_n3A : i32
      %ge3A_626 = arith.cmpi sge, %select_n3A_624, %select_n3A_45 : i32
      %select_n3A_627 = arith.select %eq3A_0, %lt3A_625, %ge3A_626 : i1
      %convert_element_type3A_628 = arith.extui %select_n3A_627 : i1 to i32
      %cond3A_629 = arith.constant 0 : i32
      %cond3A_630 = arith.cmpi ne, %convert_element_type3A_628, %cond3A_629 : i32
      scf.if %cond3A_630 {
        %dma_wait3A = arith.constant 0 : i32
        %dma_wait3A_818 = arith.constant 6 : i32
        %dma_wait3A_819 = arith.constant 0 : i32
        %dma_wait3A_820 = arith.constant 0 : i32
        %dma_wait3A_821 = tpu.memref_slice %arg7[%dma_wait3A_818, %dma_wait3A_819, %dma_wait3A_820] : memref<8x1x80xi32, #tpu.memory_space<vmem>> -> memref<1x1x80xi32, #tpu.memory_space<vmem>>
        %dma_wait3A_822 = tpu.memref_squeeze %dma_wait3A_821 : memref<1x1x80xi32, #tpu.memory_space<vmem>> -> memref<1x80xi32, #tpu.memory_space<vmem>>
        %dma_wait3A_823 = arith.constant 0 : i32
        %dma_wait3A_824 = arith.constant 0 : i32
        %dma_wait3A_825 = tpu.memref_slice %arg3[%dma_wait3A, %dma_wait3A_823, %dma_wait3A_824] : memref<4000x1x80xi32, #tpu.memory_space<hbm>> -> memref<1x1x80xi32, #tpu.memory_space<hbm>>
        %dma_wait3A_826 = tpu.memref_squeeze %dma_wait3A_825 : memref<1x1x80xi32, #tpu.memory_space<hbm>> -> memref<1x80xi32, #tpu.memory_space<hbm>>
        %dma_wait3A_827 = arith.constant 0 : i32
        %dma_wait3A_828 = arith.constant 0 : i32
        %dma_wait3A_829 = tpu.memref_slice %arg7[%dma_wait3A_818, %dma_wait3A_827, %dma_wait3A_828] : memref<8x1x80xi32, #tpu.memory_space<vmem>> -> memref<1x1x80xi32, #tpu.memory_space<vmem>>
        %dma_wait3A_830 = tpu.memref_squeeze %dma_wait3A_829 : memref<1x1x80xi32, #tpu.memory_space<vmem>> -> memref<1x80xi32, #tpu.memory_space<vmem>>
        %dma_wait3A_831 = arith.constant 0 : i32
        %dma_wait3A_832 = arith.constant 0 : i32
        %dma_wait3A_833 = tpu.memref_slice %arg3[%dma_wait3A, %dma_wait3A_831, %dma_wait3A_832] : memref<4000x1x80xi32, #tpu.memory_space<hbm>> -> memref<1x1x80xi32, #tpu.memory_space<hbm>>
        %dma_wait3A_834 = tpu.memref_squeeze %dma_wait3A_833 : memref<1x1x80xi32, #tpu.memory_space<hbm>> -> memref<1x80xi32, #tpu.memory_space<hbm>>
        tpu.wait_dma2 semaphore(%arg17 : memref<!tpu.dma_semaphore, #tpu.memory_space<semaphore_mem>>) src(%dma_wait3A_834 : memref<1x80xi32, #tpu.memory_space<hbm>>) dst(%dma_wait3A_830 : memref<1x80xi32, #tpu.memory_space<vmem>>)
        %dma_wait3A_835 = arith.constant 6 : i32
        %dma_wait3A_836 = arith.constant 0 : i32
        %dma_wait3A_837 = arith.constant 0 : i32
        %dma_wait3A_838 = tpu.memref_slice %arg8[%dma_wait3A_835, %dma_wait3A_836, %dma_wait3A_837] : memref<8x80x128xf32, #tpu.memory_space<vmem>> -> memref<1x80x128xf32, #tpu.memory_space<vmem>>
        %dma_wait3A_839 = tpu.memref_squeeze %dma_wait3A_838 : memref<1x80x128xf32, #tpu.memory_space<vmem>> -> memref<80x128xf32, #tpu.memory_space<vmem>>
        %dma_wait3A_840 = arith.constant 0 : i32
        %dma_wait3A_841 = arith.constant 0 : i32
        %dma_wait3A_842 = tpu.memref_slice %arg2[%dma_wait3A_840, %dma_wait3A_841] : memref<320000x128xf32, #tpu.memory_space<hbm>> -> memref<80x128xf32, #tpu.memory_space<hbm>>
        %dma_wait3A_843 = arith.constant 0 : i32
        %dma_wait3A_844 = arith.constant 0 : i32
        %dma_wait3A_845 = tpu.memref_slice %arg8[%dma_wait3A_835, %dma_wait3A_843, %dma_wait3A_844] : memref<8x80x128xf32, #tpu.memory_space<vmem>> -> memref<1x80x128xf32, #tpu.memory_space<vmem>>
        %dma_wait3A_846 = tpu.memref_squeeze %dma_wait3A_845 : memref<1x80x128xf32, #tpu.memory_space<vmem>> -> memref<80x128xf32, #tpu.memory_space<vmem>>
        %dma_wait3A_847 = arith.constant 0 : i32
        %dma_wait3A_848 = arith.constant 0 : i32
        %dma_wait3A_849 = tpu.memref_slice %arg2[%dma_wait3A_847, %dma_wait3A_848] : memref<320000x128xf32, #tpu.memory_space<hbm>> -> memref<80x128xf32, #tpu.memory_space<hbm>>
        tpu.wait_dma2 semaphore(%arg17 : memref<!tpu.dma_semaphore, #tpu.memory_space<semaphore_mem>>) src(%dma_wait3A_849 : memref<80x128xf32, #tpu.memory_space<hbm>>) dst(%dma_wait3A_846 : memref<80x128xf32, #tpu.memory_space<vmem>>)
        %mul3A_850 = arith.constant 5000 : i32
        %mul3A_851 = arith.muli %arg0, %mul3A_850 : i32
        %broadcast_in_dim3A = vector.broadcast %mul3A_851 : i32 to vector<16xi32>
        %get3A_852 = arith.constant 6 : i32
        %get3A_853 = arith.constant 0 : i32
        %get3A_854 = arith.index_cast %get3A_852 : i32 to index
        %get3A_855 = arith.index_cast %get3A_853 : i32 to index
        %get3A_856 = arith.constant 0 : index
        %get3A_857 = tpu.vector_load %arg7[%get3A_854, %get3A_855, %get3A_856] {strides = array<i32>} : memref<8x1x80xi32, #tpu.memory_space<vmem>>, vector<1x1x16xi32>,
        %get3A_858 = vector.shape_cast %get3A_857 : vector<1x1x16xi32> to vector<16xi32>
        %sub3A_859 = arith.subi %get3A_858, %broadcast_in_dim3A : vector<16xi32>
        %lt3A_860 = arith.constant 0 : i32
        %lt3A_861 = vector.broadcast %lt3A_860 : i32 to vector<16xi32>
        %lt3A_862 = arith.cmpi slt, %sub3A_859, %lt3A_861 : vector<16xi32>
        %jit3A_863 = arith.constant 5000 : i32
        %broadcast_in_dim3A_864 = vector.broadcast %jit3A_863 : i32 to vector<16xi32>
        %select_n3A_865 = arith.select %lt3A_862, %broadcast_in_dim3A_864, %sub3A_859 : vector<16xi1>, vector<16xi32>
        %min3A = arith.constant 5000 : i32
        %min3A_866 = vector.broadcast %min3A : i32 to vector<16xi32>
        %min3A_867 = arith.minsi %select_n3A_865, %min3A_866 : vector<16xi32>
        %swap3A = arith.constant 6 : i32
        %swap3A_868 = arith.constant 0 : i32
        %swap3A_869 = arith.index_cast %swap3A : i32 to index
        %swap3A_870 = arith.index_cast %swap3A_868 : i32 to index
        %swap3A_871 = arith.constant 0 : index
        %swap3A_872 = tpu.vector_load %arg7[%swap3A_869, %swap3A_870, %swap3A_871] {strides = array<i32>} : memref<8x1x80xi32, #tpu.memory_space<vmem>>, vector<1x1x16xi32>,
        %swap3A_873 = vector.shape_cast %swap3A_872 : vector<1x1x16xi32> to vector<16xi32>
        %swap3A_874 = vector.shape_cast %min3A_867 : vector<16xi32> to vector<1x1x16xi32>
        tpu.vector_store %arg7[%swap3A_869, %swap3A_870, %swap3A_871], %swap3A_874 {strides = array<i32>} : memref<8x1x80xi32, #tpu.memory_space<vmem>>, vector<1x1x16xi32>,
        %get3A_875 = arith.constant 6 : i32
        %get3A_876 = arith.constant 0 : i32
        %get3A_877 = arith.index_cast %get3A_875 : i32 to index
        %get3A_878 = arith.index_cast %get3A_876 : i32 to index
        %get3A_879 = arith.constant 16 : index
        %get3A_880 = tpu.vector_load %arg7[%get3A_877, %get3A_878, %get3A_879] {strides = array<i32>} : memref<8x1x80xi32, #tpu.memory_space<vmem>>, vector<1x1x16xi32>,
        %get3A_881 = vector.shape_cast %get3A_880 : vector<1x1x16xi32> to vector<16xi32>
        %sub3A_882 = arith.subi %get3A_881, %broadcast_in_dim3A : vector<16xi32>
        %lt3A_883 = arith.constant 0 : i32
        %lt3A_884 = vector.broadcast %lt3A_883 : i32 to vector<16xi32>
        %lt3A_885 = arith.cmpi slt, %sub3A_882, %lt3A_884 : vector<16xi32>
        %jit3A_886 = arith.constant 5000 : i32
        %broadcast_in_dim3A_887 = vector.broadcast %jit3A_886 : i32 to vector<16xi32>
        %select_n3A_888 = arith.select %lt3A_885, %broadcast_in_dim3A_887, %sub3A_882 : vector<16xi1>, vector<16xi32>
        %min3A_889 = arith.constant 5000 : i32
        %min3A_890 = vector.broadcast %min3A_889 : i32 to vector<16xi32>
        %min3A_891 = arith.minsi %select_n3A_888, %min3A_890 : vector<16xi32>
        %swap3A_892 = arith.constant 6 : i32
        %swap3A_893 = arith.constant 0 : i32
        %swap3A_894 = arith.index_cast %swap3A_892 : i32 to index
        %swap3A_895 = arith.index_cast %swap3A_893 : i32 to index
        %swap3A_896 = arith.constant 16 : index
        %swap3A_897 = tpu.vector_load %arg7[%swap3A_894, %swap3A_895, %swap3A_896] {strides = array<i32>} : memref<8x1x80xi32, #tpu.memory_space<vmem>>, vector<1x1x16xi32>,
        %swap3A_898 = vector.shape_cast %swap3A_897 : vector<1x1x16xi32> to vector<16xi32>
        %swap3A_899 = vector.shape_cast %min3A_891 : vector<16xi32> to vector<1x1x16xi32>
        tpu.vector_store %arg7[%swap3A_894, %swap3A_895, %swap3A_896], %swap3A_899 {strides = array<i32>} : memref<8x1x80xi32, #tpu.memory_space<vmem>>, vector<1x1x16xi32>,
        %get3A_900 = arith.constant 6 : i32
        %get3A_901 = arith.constant 0 : i32
        %get3A_902 = arith.index_cast %get3A_900 : i32 to index
        %get3A_903 = arith.index_cast %get3A_901 : i32 to index
        %get3A_904 = arith.constant 32 : index
        %get3A_905 = tpu.vector_load %arg7[%get3A_902, %get3A_903, %get3A_904] {strides = array<i32>} : memref<8x1x80xi32, #tpu.memory_space<vmem>>, vector<1x1x16xi32>,
        %get3A_906 = vector.shape_cast %get3A_905 : vector<1x1x16xi32> to vector<16xi32>
        %sub3A_907 = arith.subi %get3A_906, %broadcast_in_dim3A : vector<16xi32>
        %lt3A_908 = arith.constant 0 : i32
        %lt3A_909 = vector.broadcast %lt3A_908 : i32 to vector<16xi32>
        %lt3A_910 = arith.cmpi slt, %sub3A_907, %lt3A_909 : vector<16xi32>
        %jit3A_911 = arith.constant 5000 : i32
        %broadcast_in_dim3A_912 = vector.broadcast %jit3A_911 : i32 to vector<16xi32>
        %select_n3A_913 = arith.select %lt3A_910, %broadcast_in_dim3A_912, %sub3A_907 : vector<16xi1>, vector<16xi32>
        %min3A_914 = arith.constant 5000 : i32
        %min3A_915 = vector.broadcast %min3A_914 : i32 to vector<16xi32>
        %min3A_916 = arith.minsi %select_n3A_913, %min3A_915 : vector<16xi32>
        %swap3A_917 = arith.constant 6 : i32
        %swap3A_918 = arith.constant 0 : i32
        %swap3A_919 = arith.index_cast %swap3A_917 : i32 to index
        %swap3A_920 = arith.index_cast %swap3A_918 : i32 to index
        %swap3A_921 = arith.constant 32 : index
        %swap3A_922 = tpu.vector_load %arg7[%swap3A_919, %swap3A_920, %swap3A_921] {strides = array<i32>} : memref<8x1x80xi32, #tpu.memory_space<vmem>>, vector<1x1x16xi32>,
        %swap3A_923 = vector.shape_cast %swap3A_922 : vector<1x1x16xi32> to vector<16xi32>
        %swap3A_924 = vector.shape_cast %min3A_916 : vector<16xi32> to vector<1x1x16xi32>
        tpu.vector_store %arg7[%swap3A_919, %swap3A_920, %swap3A_921], %swap3A_924 {strides = array<i32>} : memref<8x1x80xi32, #tpu.memory_space<vmem>>, vector<1x1x16xi32>,
        %get3A_925 = arith.constant 6 : i32
        %get3A_926 = arith.constant 0 : i32
        %get3A_927 = arith.index_cast %get3A_925 : i32 to index
        %get3A_928 = arith.index_cast %get3A_926 : i32 to index
        %get3A_929 = arith.constant 48 : index
        %get3A_930 = tpu.vector_load %arg7[%get3A_927, %get3A_928, %get3A_929] {strides = array<i32>} : memref<8x1x80xi32, #tpu.memory_space<vmem>>, vector<1x1x16xi32>,
        %get3A_931 = vector.shape_cast %get3A_930 : vector<1x1x16xi32> to vector<16xi32>
        %sub3A_932 = arith.subi %get3A_931, %broadcast_in_dim3A : vector<16xi32>
        %lt3A_933 = arith.constant 0 : i32
        %lt3A_934 = vector.broadcast %lt3A_933 : i32 to vector<16xi32>
        %lt3A_935 = arith.cmpi slt, %sub3A_932, %lt3A_934 : vector<16xi32>
        %jit3A_936 = arith.constant 5000 : i32
        %broadcast_in_dim3A_937 = vector.broadcast %jit3A_936 : i32 to vector<16xi32>
        %select_n3A_938 = arith.select %lt3A_935, %broadcast_in_dim3A_937, %sub3A_932 : vector<16xi1>, vector<16xi32>
        %min3A_939 = arith.constant 5000 : i32
        %min3A_940 = vector.broadcast %min3A_939 : i32 to vector<16xi32>
        %min3A_941 = arith.minsi %select_n3A_938, %min3A_940 : vector<16xi32>
        %swap3A_942 = arith.constant 6 : i32
        %swap3A_943 = arith.constant 0 : i32
        %swap3A_944 = arith.index_cast %swap3A_942 : i32 to index
        %swap3A_945 = arith.index_cast %swap3A_943 : i32 to index
        %swap3A_946 = arith.constant 48 : index
        %swap3A_947 = tpu.vector_load %arg7[%swap3A_944, %swap3A_945, %swap3A_946] {strides = array<i32>} : memref<8x1x80xi32, #tpu.memory_space<vmem>>, vector<1x1x16xi32>,
        %swap3A_948 = vector.shape_cast %swap3A_947 : vector<1x1x16xi32> to vector<16xi32>
        %swap3A_949 = vector.shape_cast %min3A_941 : vector<16xi32> to vector<1x1x16xi32>
        tpu.vector_store %arg7[%swap3A_944, %swap3A_945, %swap3A_946], %swap3A_949 {strides = array<i32>} : memref<8x1x80xi32, #tpu.memory_space<vmem>>, vector<1x1x16xi32>,
        %get3A_950 = arith.constant 6 : i32
        %get3A_951 = arith.constant 0 : i32
        %get3A_952 = arith.index_cast %get3A_950 : i32 to index
        %get3A_953 = arith.index_cast %get3A_951 : i32 to index
        %get3A_954 = arith.constant 64 : index
        %get3A_955 = tpu.vector_load %arg7[%get3A_952, %get3A_953, %get3A_954] {strides = array<i32>} : memref<8x1x80xi32, #tpu.memory_space<vmem>>, vector<1x1x16xi32>,
        %get3A_956 = vector.shape_cast %get3A_955 : vector<1x1x16xi32> to vector<16xi32>
        %sub3A_957 = arith.subi %get3A_956, %broadcast_in_dim3A : vector<16xi32>
        %lt3A_958 = arith.constant 0 : i32
        %lt3A_959 = vector.broadcast %lt3A_958 : i32 to vector<16xi32>
        %lt3A_960 = arith.cmpi slt, %sub3A_957, %lt3A_959 : vector<16xi32>
        %jit3A_961 = arith.constant 5000 : i32
        %broadcast_in_dim3A_962 = vector.broadcast %jit3A_961 : i32 to vector<16xi32>
        %select_n3A_963 = arith.select %lt3A_960, %broadcast_in_dim3A_962, %sub3A_957 : vector<16xi1>, vector<16xi32>
        %min3A_964 = arith.constant 5000 : i32
        %min3A_965 = vector.broadcast %min3A_964 : i32 to vector<16xi32>
        %min3A_966 = arith.minsi %select_n3A_963, %min3A_965 : vector<16xi32>
        %swap3A_967 = arith.constant 6 : i32
        %swap3A_968 = arith.constant 0 : i32
        %swap3A_969 = arith.index_cast %swap3A_967 : i32 to index
        %swap3A_970 = arith.index_cast %swap3A_968 : i32 to index
        %swap3A_971 = arith.constant 64 : index
        %swap3A_972 = tpu.vector_load %arg7[%swap3A_969, %swap3A_970, %swap3A_971] {strides = array<i32>} : memref<8x1x80xi32, #tpu.memory_space<vmem>>, vector<1x1x16xi32>,
        %swap3A_973 = vector.shape_cast %swap3A_972 : vector<1x1x16xi32> to vector<16xi32>
        %swap3A_974 = vector.shape_cast %min3A_966 : vector<16xi32> to vector<1x1x16xi32>
        tpu.vector_store %arg7[%swap3A_969, %swap3A_970, %swap3A_971], %swap3A_974 {strides = array<i32>} : memref<8x1x80xi32, #tpu.memory_space<vmem>>, vector<1x1x16xi32>,
        %dma_start3A_975 = arith.constant 6 : i32
        %dma_start3A_976 = arith.constant 6 : i32
        %dma_start3A_977 = arith.constant 0 : i32
        %dma_start3A_978 = arith.constant 0 : i32
        %dma_start3A_979 = arith.constant 0 : i32
        %dma_start3A_980 = tpu.memref_slice %arg8[%dma_start3A_975, %dma_start3A_978, %dma_start3A_979] : memref<8x80x128xf32, #tpu.memory_space<vmem>> -> memref<1x80x128xf32, #tpu.memory_space<vmem>>
        %dma_start3A_981 = tpu.memref_squeeze %dma_start3A_980 : memref<1x80x128xf32, #tpu.memory_space<vmem>> -> memref<80x128xf32, #tpu.memory_space<vmem>>
        %dma_start3A_982 = arith.constant 0 : i32
        %dma_start3A_983 = tpu.memref_slice %arg7[%dma_start3A_976, %dma_start3A_977, %dma_start3A_982] : memref<8x1x80xi32, #tpu.memory_space<vmem>> -> memref<1x1x80xi32, #tpu.memory_space<vmem>>
        %dma_start3A_984 = tpu.memref_squeeze %dma_start3A_983 : memref<1x1x80xi32, #tpu.memory_space<vmem>> -> memref<80xi32, #tpu.memory_space<vmem>>
        %dma_start3A_985 = arith.constant 0 : i32
        %dma_start3A_986 = arith.constant 0 : i32
        %dma_start3A_987 = tpu.memref_slice %arg6[%dma_start3A_985, %dma_start3A_986] : memref<5008x128xf32, #tpu.memory_space<vmem_shared>> -> memref<5008x128xf32, #tpu.memory_space<vmem_shared>>
        tpu.enqueue_indirect_dma source(%dma_start3A_981 : memref<80x128xf32, #tpu.memory_space<vmem>>) target(%dma_start3A_987 : memref<5008x128xf32, #tpu.memory_space<vmem_shared>>) offsets(%dma_start3A_984 : memref<80xi32, #tpu.memory_space<vmem>>) semaphore(%arg25 : memref<!tpu.dma_semaphore, #tpu.memory_space<semaphore_mem>>) {add = true}
      } else {
      }
      %mul3A_631 = arith.constant 8 : i32
      %mul3A_632 = arith.muli %scan3A_497, %mul3A_631 : i32
      %add3A_633 = arith.constant 7 : i32
      %add3A_634 = arith.addi %mul3A_632, %add3A_633 : i32
      %mul3A_635 = arith.constant 16 : i32
      %mul3A_636 = arith.muli %mul3A_635, %add3A_634 : i32
      %add3A_637 = arith.addi %arg1, %mul3A_636 : i32
      %sub3A_638 = arith.constant 249 : i32
      %sub3A_639 = arith.subi %sub3A_638, %add3A_634 : i32
      %mul3A_640 = arith.constant 16 : i32
      %mul3A_641 = arith.muli %mul3A_640, %sub3A_639 : i32
      %add3A_642 = arith.addi %arg1, %mul3A_641 : i32
      %select_n3A_643 = arith.select %eq3A_0, %add3A_637, %add3A_642 : i32
      %lt3A_644 = arith.cmpi slt, %select_n3A_643, %select_n3A : i32
      %ge3A_645 = arith.cmpi sge, %select_n3A_643, %select_n3A_45 : i32
      %select_n3A_646 = arith.select %eq3A_0, %lt3A_644, %ge3A_645 : i1
      %convert_element_type3A_647 = arith.extui %select_n3A_646 : i1 to i32
      %cond3A_648 = arith.constant 0 : i32
      %cond3A_649 = arith.cmpi ne, %convert_element_type3A_647, %cond3A_648 : i32
      scf.if %cond3A_649 {
        %dma_wait3A = arith.constant 0 : i32
        %dma_wait3A_818 = arith.constant 7 : i32
        %dma_wait3A_819 = arith.constant 0 : i32
        %dma_wait3A_820 = arith.constant 0 : i32
        %dma_wait3A_821 = tpu.memref_slice %arg7[%dma_wait3A_818, %dma_wait3A_819, %dma_wait3A_820] : memref<8x1x80xi32, #tpu.memory_space<vmem>> -> memref<1x1x80xi32, #tpu.memory_space<vmem>>
        %dma_wait3A_822 = tpu.memref_squeeze %dma_wait3A_821 : memref<1x1x80xi32, #tpu.memory_space<vmem>> -> memref<1x80xi32, #tpu.memory_space<vmem>>
        %dma_wait3A_823 = arith.constant 0 : i32
        %dma_wait3A_824 = arith.constant 0 : i32
        %dma_wait3A_825 = tpu.memref_slice %arg3[%dma_wait3A, %dma_wait3A_823, %dma_wait3A_824] : memref<4000x1x80xi32, #tpu.memory_space<hbm>> -> memref<1x1x80xi32, #tpu.memory_space<hbm>>
        %dma_wait3A_826 = tpu.memref_squeeze %dma_wait3A_825 : memref<1x1x80xi32, #tpu.memory_space<hbm>> -> memref<1x80xi32, #tpu.memory_space<hbm>>
        %dma_wait3A_827 = arith.constant 0 : i32
        %dma_wait3A_828 = arith.constant 0 : i32
        %dma_wait3A_829 = tpu.memref_slice %arg7[%dma_wait3A_818, %dma_wait3A_827, %dma_wait3A_828] : memref<8x1x80xi32, #tpu.memory_space<vmem>> -> memref<1x1x80xi32, #tpu.memory_space<vmem>>
        %dma_wait3A_830 = tpu.memref_squeeze %dma_wait3A_829 : memref<1x1x80xi32, #tpu.memory_space<vmem>> -> memref<1x80xi32, #tpu.memory_space<vmem>>
        %dma_wait3A_831 = arith.constant 0 : i32
        %dma_wait3A_832 = arith.constant 0 : i32
        %dma_wait3A_833 = tpu.memref_slice %arg3[%dma_wait3A, %dma_wait3A_831, %dma_wait3A_832] : memref<4000x1x80xi32, #tpu.memory_space<hbm>> -> memref<1x1x80xi32, #tpu.memory_space<hbm>>
        %dma_wait3A_834 = tpu.memref_squeeze %dma_wait3A_833 : memref<1x1x80xi32, #tpu.memory_space<hbm>> -> memref<1x80xi32, #tpu.memory_space<hbm>>
        tpu.wait_dma2 semaphore(%arg18 : memref<!tpu.dma_semaphore, #tpu.memory_space<semaphore_mem>>) src(%dma_wait3A_834 : memref<1x80xi32, #tpu.memory_space<hbm>>) dst(%dma_wait3A_830 : memref<1x80xi32, #tpu.memory_space<vmem>>)
        %dma_wait3A_835 = arith.constant 7 : i32
        %dma_wait3A_836 = arith.constant 0 : i32
        %dma_wait3A_837 = arith.constant 0 : i32
        %dma_wait3A_838 = tpu.memref_slice %arg8[%dma_wait3A_835, %dma_wait3A_836, %dma_wait3A_837] : memref<8x80x128xf32, #tpu.memory_space<vmem>> -> memref<1x80x128xf32, #tpu.memory_space<vmem>>
        %dma_wait3A_839 = tpu.memref_squeeze %dma_wait3A_838 : memref<1x80x128xf32, #tpu.memory_space<vmem>> -> memref<80x128xf32, #tpu.memory_space<vmem>>
        %dma_wait3A_840 = arith.constant 0 : i32
        %dma_wait3A_841 = arith.constant 0 : i32
        %dma_wait3A_842 = tpu.memref_slice %arg2[%dma_wait3A_840, %dma_wait3A_841] : memref<320000x128xf32, #tpu.memory_space<hbm>> -> memref<80x128xf32, #tpu.memory_space<hbm>>
        %dma_wait3A_843 = arith.constant 0 : i32
        %dma_wait3A_844 = arith.constant 0 : i32
        %dma_wait3A_845 = tpu.memref_slice %arg8[%dma_wait3A_835, %dma_wait3A_843, %dma_wait3A_844] : memref<8x80x128xf32, #tpu.memory_space<vmem>> -> memref<1x80x128xf32, #tpu.memory_space<vmem>>
        %dma_wait3A_846 = tpu.memref_squeeze %dma_wait3A_845 : memref<1x80x128xf32, #tpu.memory_space<vmem>> -> memref<80x128xf32, #tpu.memory_space<vmem>>
        %dma_wait3A_847 = arith.constant 0 : i32
        %dma_wait3A_848 = arith.constant 0 : i32
        %dma_wait3A_849 = tpu.memref_slice %arg2[%dma_wait3A_847, %dma_wait3A_848] : memref<320000x128xf32, #tpu.memory_space<hbm>> -> memref<80x128xf32, #tpu.memory_space<hbm>>
        tpu.wait_dma2 semaphore(%arg18 : memref<!tpu.dma_semaphore, #tpu.memory_space<semaphore_mem>>) src(%dma_wait3A_849 : memref<80x128xf32, #tpu.memory_space<hbm>>) dst(%dma_wait3A_846 : memref<80x128xf32, #tpu.memory_space<vmem>>)
        %mul3A_850 = arith.constant 5000 : i32
        %mul3A_851 = arith.muli %arg0, %mul3A_850 : i32
        %broadcast_in_dim3A = vector.broadcast %mul3A_851 : i32 to vector<16xi32>
        %get3A_852 = arith.constant 7 : i32
        %get3A_853 = arith.constant 0 : i32
        %get3A_854 = arith.index_cast %get3A_852 : i32 to index
        %get3A_855 = arith.index_cast %get3A_853 : i32 to index
        %get3A_856 = arith.constant 0 : index
        %get3A_857 = tpu.vector_load %arg7[%get3A_854, %get3A_855, %get3A_856] {strides = array<i32>} : memref<8x1x80xi32, #tpu.memory_space<vmem>>, vector<1x1x16xi32>,
        %get3A_858 = vector.shape_cast %get3A_857 : vector<1x1x16xi32> to vector<16xi32>
        %sub3A_859 = arith.subi %get3A_858, %broadcast_in_dim3A : vector<16xi32>
        %lt3A_860 = arith.constant 0 : i32
        %lt3A_861 = vector.broadcast %lt3A_860 : i32 to vector<16xi32>
        %lt3A_862 = arith.cmpi slt, %sub3A_859, %lt3A_861 : vector<16xi32>
        %jit3A_863 = arith.constant 5000 : i32
        %broadcast_in_dim3A_864 = vector.broadcast %jit3A_863 : i32 to vector<16xi32>
        %select_n3A_865 = arith.select %lt3A_862, %broadcast_in_dim3A_864, %sub3A_859 : vector<16xi1>, vector<16xi32>
        %min3A = arith.constant 5000 : i32
        %min3A_866 = vector.broadcast %min3A : i32 to vector<16xi32>
        %min3A_867 = arith.minsi %select_n3A_865, %min3A_866 : vector<16xi32>
        %swap3A = arith.constant 7 : i32
        %swap3A_868 = arith.constant 0 : i32
        %swap3A_869 = arith.index_cast %swap3A : i32 to index
        %swap3A_870 = arith.index_cast %swap3A_868 : i32 to index
        %swap3A_871 = arith.constant 0 : index
        %swap3A_872 = tpu.vector_load %arg7[%swap3A_869, %swap3A_870, %swap3A_871] {strides = array<i32>} : memref<8x1x80xi32, #tpu.memory_space<vmem>>, vector<1x1x16xi32>,
        %swap3A_873 = vector.shape_cast %swap3A_872 : vector<1x1x16xi32> to vector<16xi32>
        %swap3A_874 = vector.shape_cast %min3A_867 : vector<16xi32> to vector<1x1x16xi32>
        tpu.vector_store %arg7[%swap3A_869, %swap3A_870, %swap3A_871], %swap3A_874 {strides = array<i32>} : memref<8x1x80xi32, #tpu.memory_space<vmem>>, vector<1x1x16xi32>,
        %get3A_875 = arith.constant 7 : i32
        %get3A_876 = arith.constant 0 : i32
        %get3A_877 = arith.index_cast %get3A_875 : i32 to index
        %get3A_878 = arith.index_cast %get3A_876 : i32 to index
        %get3A_879 = arith.constant 16 : index
        %get3A_880 = tpu.vector_load %arg7[%get3A_877, %get3A_878, %get3A_879] {strides = array<i32>} : memref<8x1x80xi32, #tpu.memory_space<vmem>>, vector<1x1x16xi32>,
        %get3A_881 = vector.shape_cast %get3A_880 : vector<1x1x16xi32> to vector<16xi32>
        %sub3A_882 = arith.subi %get3A_881, %broadcast_in_dim3A : vector<16xi32>
        %lt3A_883 = arith.constant 0 : i32
        %lt3A_884 = vector.broadcast %lt3A_883 : i32 to vector<16xi32>
        %lt3A_885 = arith.cmpi slt, %sub3A_882, %lt3A_884 : vector<16xi32>
        %jit3A_886 = arith.constant 5000 : i32
        %broadcast_in_dim3A_887 = vector.broadcast %jit3A_886 : i32 to vector<16xi32>
        %select_n3A_888 = arith.select %lt3A_885, %broadcast_in_dim3A_887, %sub3A_882 : vector<16xi1>, vector<16xi32>
        %min3A_889 = arith.constant 5000 : i32
        %min3A_890 = vector.broadcast %min3A_889 : i32 to vector<16xi32>
        %min3A_891 = arith.minsi %select_n3A_888, %min3A_890 : vector<16xi32>
        %swap3A_892 = arith.constant 7 : i32
        %swap3A_893 = arith.constant 0 : i32
        %swap3A_894 = arith.index_cast %swap3A_892 : i32 to index
        %swap3A_895 = arith.index_cast %swap3A_893 : i32 to index
        %swap3A_896 = arith.constant 16 : index
        %swap3A_897 = tpu.vector_load %arg7[%swap3A_894, %swap3A_895, %swap3A_896] {strides = array<i32>} : memref<8x1x80xi32, #tpu.memory_space<vmem>>, vector<1x1x16xi32>,
        %swap3A_898 = vector.shape_cast %swap3A_897 : vector<1x1x16xi32> to vector<16xi32>
        %swap3A_899 = vector.shape_cast %min3A_891 : vector<16xi32> to vector<1x1x16xi32>
        tpu.vector_store %arg7[%swap3A_894, %swap3A_895, %swap3A_896], %swap3A_899 {strides = array<i32>} : memref<8x1x80xi32, #tpu.memory_space<vmem>>, vector<1x1x16xi32>,
        %get3A_900 = arith.constant 7 : i32
        %get3A_901 = arith.constant 0 : i32
        %get3A_902 = arith.index_cast %get3A_900 : i32 to index
        %get3A_903 = arith.index_cast %get3A_901 : i32 to index
        %get3A_904 = arith.constant 32 : index
        %get3A_905 = tpu.vector_load %arg7[%get3A_902, %get3A_903, %get3A_904] {strides = array<i32>} : memref<8x1x80xi32, #tpu.memory_space<vmem>>, vector<1x1x16xi32>,
        %get3A_906 = vector.shape_cast %get3A_905 : vector<1x1x16xi32> to vector<16xi32>
        %sub3A_907 = arith.subi %get3A_906, %broadcast_in_dim3A : vector<16xi32>
        %lt3A_908 = arith.constant 0 : i32
        %lt3A_909 = vector.broadcast %lt3A_908 : i32 to vector<16xi32>
        %lt3A_910 = arith.cmpi slt, %sub3A_907, %lt3A_909 : vector<16xi32>
        %jit3A_911 = arith.constant 5000 : i32
        %broadcast_in_dim3A_912 = vector.broadcast %jit3A_911 : i32 to vector<16xi32>
        %select_n3A_913 = arith.select %lt3A_910, %broadcast_in_dim3A_912, %sub3A_907 : vector<16xi1>, vector<16xi32>
        %min3A_914 = arith.constant 5000 : i32
        %min3A_915 = vector.broadcast %min3A_914 : i32 to vector<16xi32>
        %min3A_916 = arith.minsi %select_n3A_913, %min3A_915 : vector<16xi32>
        %swap3A_917 = arith.constant 7 : i32
        %swap3A_918 = arith.constant 0 : i32
        %swap3A_919 = arith.index_cast %swap3A_917 : i32 to index
        %swap3A_920 = arith.index_cast %swap3A_918 : i32 to index
        %swap3A_921 = arith.constant 32 : index
        %swap3A_922 = tpu.vector_load %arg7[%swap3A_919, %swap3A_920, %swap3A_921] {strides = array<i32>} : memref<8x1x80xi32, #tpu.memory_space<vmem>>, vector<1x1x16xi32>,
        %swap3A_923 = vector.shape_cast %swap3A_922 : vector<1x1x16xi32> to vector<16xi32>
        %swap3A_924 = vector.shape_cast %min3A_916 : vector<16xi32> to vector<1x1x16xi32>
        tpu.vector_store %arg7[%swap3A_919, %swap3A_920, %swap3A_921], %swap3A_924 {strides = array<i32>} : memref<8x1x80xi32, #tpu.memory_space<vmem>>, vector<1x1x16xi32>,
        %get3A_925 = arith.constant 7 : i32
        %get3A_926 = arith.constant 0 : i32
        %get3A_927 = arith.index_cast %get3A_925 : i32 to index
        %get3A_928 = arith.index_cast %get3A_926 : i32 to index
        %get3A_929 = arith.constant 48 : index
        %get3A_930 = tpu.vector_load %arg7[%get3A_927, %get3A_928, %get3A_929] {strides = array<i32>} : memref<8x1x80xi32, #tpu.memory_space<vmem>>, vector<1x1x16xi32>,
        %get3A_931 = vector.shape_cast %get3A_930 : vector<1x1x16xi32> to vector<16xi32>
        %sub3A_932 = arith.subi %get3A_931, %broadcast_in_dim3A : vector<16xi32>
        %lt3A_933 = arith.constant 0 : i32
        %lt3A_934 = vector.broadcast %lt3A_933 : i32 to vector<16xi32>
        %lt3A_935 = arith.cmpi slt, %sub3A_932, %lt3A_934 : vector<16xi32>
        %jit3A_936 = arith.constant 5000 : i32
        %broadcast_in_dim3A_937 = vector.broadcast %jit3A_936 : i32 to vector<16xi32>
        %select_n3A_938 = arith.select %lt3A_935, %broadcast_in_dim3A_937, %sub3A_932 : vector<16xi1>, vector<16xi32>
        %min3A_939 = arith.constant 5000 : i32
        %min3A_940 = vector.broadcast %min3A_939 : i32 to vector<16xi32>
        %min3A_941 = arith.minsi %select_n3A_938, %min3A_940 : vector<16xi32>
        %swap3A_942 = arith.constant 7 : i32
        %swap3A_943 = arith.constant 0 : i32
        %swap3A_944 = arith.index_cast %swap3A_942 : i32 to index
        %swap3A_945 = arith.index_cast %swap3A_943 : i32 to index
        %swap3A_946 = arith.constant 48 : index
        %swap3A_947 = tpu.vector_load %arg7[%swap3A_944, %swap3A_945, %swap3A_946] {strides = array<i32>} : memref<8x1x80xi32, #tpu.memory_space<vmem>>, vector<1x1x16xi32>,
        %swap3A_948 = vector.shape_cast %swap3A_947 : vector<1x1x16xi32> to vector<16xi32>
        %swap3A_949 = vector.shape_cast %min3A_941 : vector<16xi32> to vector<1x1x16xi32>
        tpu.vector_store %arg7[%swap3A_944, %swap3A_945, %swap3A_946], %swap3A_949 {strides = array<i32>} : memref<8x1x80xi32, #tpu.memory_space<vmem>>, vector<1x1x16xi32>,
        %get3A_950 = arith.constant 7 : i32
        %get3A_951 = arith.constant 0 : i32
        %get3A_952 = arith.index_cast %get3A_950 : i32 to index
        %get3A_953 = arith.index_cast %get3A_951 : i32 to index
        %get3A_954 = arith.constant 64 : index
        %get3A_955 = tpu.vector_load %arg7[%get3A_952, %get3A_953, %get3A_954] {strides = array<i32>} : memref<8x1x80xi32, #tpu.memory_space<vmem>>, vector<1x1x16xi32>,
        %get3A_956 = vector.shape_cast %get3A_955 : vector<1x1x16xi32> to vector<16xi32>
        %sub3A_957 = arith.subi %get3A_956, %broadcast_in_dim3A : vector<16xi32>
        %lt3A_958 = arith.constant 0 : i32
        %lt3A_959 = vector.broadcast %lt3A_958 : i32 to vector<16xi32>
        %lt3A_960 = arith.cmpi slt, %sub3A_957, %lt3A_959 : vector<16xi32>
        %jit3A_961 = arith.constant 5000 : i32
        %broadcast_in_dim3A_962 = vector.broadcast %jit3A_961 : i32 to vector<16xi32>
        %select_n3A_963 = arith.select %lt3A_960, %broadcast_in_dim3A_962, %sub3A_957 : vector<16xi1>, vector<16xi32>
        %min3A_964 = arith.constant 5000 : i32
        %min3A_965 = vector.broadcast %min3A_964 : i32 to vector<16xi32>
        %min3A_966 = arith.minsi %select_n3A_963, %min3A_965 : vector<16xi32>
        %swap3A_967 = arith.constant 7 : i32
        %swap3A_968 = arith.constant 0 : i32
        %swap3A_969 = arith.index_cast %swap3A_967 : i32 to index
        %swap3A_970 = arith.index_cast %swap3A_968 : i32 to index
        %swap3A_971 = arith.constant 64 : index
        %swap3A_972 = tpu.vector_load %arg7[%swap3A_969, %swap3A_970, %swap3A_971] {strides = array<i32>} : memref<8x1x80xi32, #tpu.memory_space<vmem>>, vector<1x1x16xi32>,
        %swap3A_973 = vector.shape_cast %swap3A_972 : vector<1x1x16xi32> to vector<16xi32>
        %swap3A_974 = vector.shape_cast %min3A_966 : vector<16xi32> to vector<1x1x16xi32>
        tpu.vector_store %arg7[%swap3A_969, %swap3A_970, %swap3A_971], %swap3A_974 {strides = array<i32>} : memref<8x1x80xi32, #tpu.memory_space<vmem>>, vector<1x1x16xi32>,
        %dma_start3A_975 = arith.constant 7 : i32
        %dma_start3A_976 = arith.constant 7 : i32
        %dma_start3A_977 = arith.constant 0 : i32
        %dma_start3A_978 = arith.constant 0 : i32
        %dma_start3A_979 = arith.constant 0 : i32
        %dma_start3A_980 = tpu.memref_slice %arg8[%dma_start3A_975, %dma_start3A_978, %dma_start3A_979] : memref<8x80x128xf32, #tpu.memory_space<vmem>> -> memref<1x80x128xf32, #tpu.memory_space<vmem>>
        %dma_start3A_981 = tpu.memref_squeeze %dma_start3A_980 : memref<1x80x128xf32, #tpu.memory_space<vmem>> -> memref<80x128xf32, #tpu.memory_space<vmem>>
        %dma_start3A_982 = arith.constant 0 : i32
        %dma_start3A_983 = tpu.memref_slice %arg7[%dma_start3A_976, %dma_start3A_977, %dma_start3A_982] : memref<8x1x80xi32, #tpu.memory_space<vmem>> -> memref<1x1x80xi32, #tpu.memory_space<vmem>>
        %dma_start3A_984 = tpu.memref_squeeze %dma_start3A_983 : memref<1x1x80xi32, #tpu.memory_space<vmem>> -> memref<80xi32, #tpu.memory_space<vmem>>
        %dma_start3A_985 = arith.constant 0 : i32
        %dma_start3A_986 = arith.constant 0 : i32
        %dma_start3A_987 = tpu.memref_slice %arg6[%dma_start3A_985, %dma_start3A_986] : memref<5008x128xf32, #tpu.memory_space<vmem_shared>> -> memref<5008x128xf32, #tpu.memory_space<vmem_shared>>
        tpu.enqueue_indirect_dma source(%dma_start3A_981 : memref<80x128xf32, #tpu.memory_space<vmem>>) target(%dma_start3A_987 : memref<5008x128xf32, #tpu.memory_space<vmem_shared>>) offsets(%dma_start3A_984 : memref<80xi32, #tpu.memory_space<vmem>>) semaphore(%arg26 : memref<!tpu.dma_semaphore, #tpu.memory_space<semaphore_mem>>) {add = true}
      } else {
      }
      %add3A_650 = arith.constant 1 : i32
      %add3A_651 = arith.addi %scan3A_497, %add3A_650 : i32
      %mul3A_652 = arith.constant 8 : i32
      %mul3A_653 = arith.muli %add3A_651, %mul3A_652 : i32
      %add3A_654 = arith.constant 0 : i32
      %add3A_655 = arith.addi %mul3A_653, %add3A_654 : i32
      %mul3A_656 = arith.constant 16 : i32
      %mul3A_657 = arith.muli %mul3A_656, %add3A_655 : i32
      %add3A_658 = arith.addi %arg1, %mul3A_657 : i32
      %sub3A_659 = arith.constant 249 : i32
      %sub3A_660 = arith.subi %sub3A_659, %add3A_655 : i32
      %mul3A_661 = arith.constant 16 : i32
      %mul3A_662 = arith.muli %mul3A_661, %sub3A_660 : i32
      %add3A_663 = arith.addi %arg1, %mul3A_662 : i32
      %select_n3A_664 = arith.select %eq3A_0, %add3A_658, %add3A_663 : i32
      %lt3A_665 = arith.cmpi slt, %select_n3A_664, %select_n3A : i32
      %ge3A_666 = arith.cmpi sge, %select_n3A_664, %select_n3A_45 : i32
      %select_n3A_667 = arith.select %eq3A_0, %lt3A_665, %ge3A_666 : i1
      %convert_element_type3A_668 = arith.extui %select_n3A_667 : i1 to i32
      %cond3A_669 = arith.constant 0 : i32
      %cond3A_670 = arith.cmpi ne, %convert_element_type3A_668, %cond3A_669 : i32
      scf.if %cond3A_670 {
        %dma_wait3A = arith.constant 0 : i32
        %dma_wait3A_818 = arith.constant 0 : i32
        %dma_wait3A_819 = arith.constant 0 : i32
        %dma_wait3A_820 = arith.constant 0 : i32
        %dma_wait3A_821 = arith.constant 0 : i32
        %dma_wait3A_822 = tpu.memref_slice %arg8[%dma_wait3A, %dma_wait3A_820, %dma_wait3A_821] : memref<8x80x128xf32, #tpu.memory_space<vmem>> -> memref<1x80x128xf32, #tpu.memory_space<vmem>>
        %dma_wait3A_823 = tpu.memref_squeeze %dma_wait3A_822 : memref<1x80x128xf32, #tpu.memory_space<vmem>> -> memref<80x128xf32, #tpu.memory_space<vmem>>
        %dma_wait3A_824 = arith.constant 0 : i32
        %dma_wait3A_825 = tpu.memref_slice %arg7[%dma_wait3A_818, %dma_wait3A_819, %dma_wait3A_824] : memref<8x1x80xi32, #tpu.memory_space<vmem>> -> memref<1x1x80xi32, #tpu.memory_space<vmem>>
        %dma_wait3A_826 = tpu.memref_squeeze %dma_wait3A_825 : memref<1x1x80xi32, #tpu.memory_space<vmem>> -> memref<80xi32, #tpu.memory_space<vmem>>
        %dma_wait3A_827 = arith.constant 0 : i32
        %dma_wait3A_828 = arith.constant 0 : i32
        %dma_wait3A_829 = tpu.memref_slice %arg6[%dma_wait3A_827, %dma_wait3A_828] : memref<5008x128xf32, #tpu.memory_space<vmem_shared>> -> memref<5008x128xf32, #tpu.memory_space<vmem_shared>>
        tpu.wait_indirect_dma semaphore(%arg19 : memref<!tpu.dma_semaphore, #tpu.memory_space<semaphore_mem>>) src(%dma_wait3A_823 : memref<80x128xf32, #tpu.memory_space<vmem>>) dst(%dma_wait3A_829 : memref<5008x128xf32, #tpu.memory_space<vmem_shared>>)
        %mul3A_830 = arith.constant 16 : i32
        %mul3A_831 = arith.muli %mul3A_830, %add3A_655 : i32
        %add3A_832 = arith.addi %arg1, %mul3A_831 : i32
        %sub3A_833 = arith.constant 249 : i32
        %sub3A_834 = arith.subi %sub3A_833, %add3A_655 : i32
        %mul3A_835 = arith.constant 16 : i32
        %mul3A_836 = arith.muli %mul3A_835, %sub3A_834 : i32
        %add3A_837 = arith.addi %arg1, %mul3A_836 : i32
        %select_n3A_838 = arith.select %eq3A_0, %add3A_832, %add3A_837 : i32
        %dma_start3A_839 = arith.constant 0 : i32
        %dma_start3A_840 = arith.constant 0 : i32
        %dma_start3A_841 = arith.constant 0 : i32
        %dma_start3A_842 = tpu.memref_slice %arg7[%dma_start3A_839, %dma_start3A_840, %dma_start3A_841] : memref<8x1x80xi32, #tpu.memory_space<vmem>> -> memref<1x1x80xi32, #tpu.memory_space<vmem>>
        %dma_start3A_843 = tpu.memref_squeeze %dma_start3A_842 : memref<1x1x80xi32, #tpu.memory_space<vmem>> -> memref<1x80xi32, #tpu.memory_space<vmem>>
        %dma_start3A_844 = arith.constant 0 : i32
        %dma_start3A_845 = arith.constant 0 : i32
        %dma_start3A_846 = tpu.memref_slice %arg3[%select_n3A_838, %dma_start3A_844, %dma_start3A_845] : memref<4000x1x80xi32, #tpu.memory_space<hbm>> -> memref<1x1x80xi32, #tpu.memory_space<hbm>>
        %dma_start3A_847 = tpu.memref_squeeze %dma_start3A_846 : memref<1x1x80xi32, #tpu.memory_space<hbm>> -> memref<1x80xi32, #tpu.memory_space<hbm>>
        %dma_start3A_848 = arith.constant 0 : i32
        %dma_start3A_849 = arith.constant 0 : i32
        %dma_start3A_850 = tpu.memref_slice %arg7[%dma_start3A_839, %dma_start3A_848, %dma_start3A_849] : memref<8x1x80xi32, #tpu.memory_space<vmem>> -> memref<1x1x80xi32, #tpu.memory_space<vmem>>
        %dma_start3A_851 = tpu.memref_squeeze %dma_start3A_850 : memref<1x1x80xi32, #tpu.memory_space<vmem>> -> memref<1x80xi32, #tpu.memory_space<vmem>>
        %dma_start3A_852 = arith.constant 0 : i32
        %dma_start3A_853 = arith.constant 0 : i32
        %dma_start3A_854 = tpu.memref_slice %arg3[%select_n3A_838, %dma_start3A_852, %dma_start3A_853] : memref<4000x1x80xi32, #tpu.memory_space<hbm>> -> memref<1x1x80xi32, #tpu.memory_space<hbm>>
        %dma_start3A_855 = tpu.memref_squeeze %dma_start3A_854 : memref<1x1x80xi32, #tpu.memory_space<hbm>> -> memref<1x80xi32, #tpu.memory_space<hbm>>
        tpu.enqueue_dma source(%dma_start3A_855 : memref<1x80xi32, #tpu.memory_space<hbm>>) target(%dma_start3A_851 : memref<1x80xi32, #tpu.memory_space<vmem>>) target_semaphore(%arg11 : memref<!tpu.dma_semaphore, #tpu.memory_space<semaphore_mem>>)
        %mul3A_856 = arith.constant 80 : i32
        %mul3A_857 = arith.muli %select_n3A_838, %mul3A_856 : i32
        %dma_start3A_858 = arith.constant 0 : i32
        %dma_start3A_859 = arith.constant 0 : i32
        %dma_start3A_860 = arith.constant 0 : i32
        %dma_start3A_861 = tpu.memref_slice %arg8[%dma_start3A_858, %dma_start3A_859, %dma_start3A_860] : memref<8x80x128xf32, #tpu.memory_space<vmem>> -> memref<1x80x128xf32, #tpu.memory_space<vmem>>
        %dma_start3A_862 = tpu.memref_squeeze %dma_start3A_861 : memref<1x80x128xf32, #tpu.memory_space<vmem>> -> memref<80x128xf32, #tpu.memory_space<vmem>>
        %dma_start3A_863 = arith.constant 0 : i32
        %dma_start3A_864 = tpu.memref_slice %arg2[%mul3A_857, %dma_start3A_863] : memref<320000x128xf32, #tpu.memory_space<hbm>> -> memref<80x128xf32, #tpu.memory_space<hbm>>
        %dma_start3A_865 = arith.constant 0 : i32
        %dma_start3A_866 = arith.constant 0 : i32
        %dma_start3A_867 = tpu.memref_slice %arg8[%dma_start3A_858, %dma_start3A_865, %dma_start3A_866] : memref<8x80x128xf32, #tpu.memory_space<vmem>> -> memref<1x80x128xf32, #tpu.memory_space<vmem>>
        %dma_start3A_868 = tpu.memref_squeeze %dma_start3A_867 : memref<1x80x128xf32, #tpu.memory_space<vmem>> -> memref<80x128xf32, #tpu.memory_space<vmem>>
        %dma_start3A_869 = arith.constant 0 : i32
        %dma_start3A_870 = tpu.memref_slice %arg2[%mul3A_857, %dma_start3A_869] : memref<320000x128xf32, #tpu.memory_space<hbm>> -> memref<80x128xf32, #tpu.memory_space<hbm>>
        tpu.enqueue_dma source(%dma_start3A_870 : memref<80x128xf32, #tpu.memory_space<hbm>>) target(%dma_start3A_868 : memref<80x128xf32, #tpu.memory_space<vmem>>) target_semaphore(%arg11 : memref<!tpu.dma_semaphore, #tpu.memory_space<semaphore_mem>>)
      } else {
      }
      %add3A_671 = arith.constant 1 : i32
      %add3A_672 = arith.addi %scan3A_497, %add3A_671 : i32
      %mul3A_673 = arith.constant 8 : i32
      %mul3A_674 = arith.muli %add3A_672, %mul3A_673 : i32
      %add3A_675 = arith.constant 1 : i32
      %add3A_676 = arith.addi %mul3A_674, %add3A_675 : i32
      %mul3A_677 = arith.constant 16 : i32
      %mul3A_678 = arith.muli %mul3A_677, %add3A_676 : i32
      %add3A_679 = arith.addi %arg1, %mul3A_678 : i32
      %sub3A_680 = arith.constant 249 : i32
      %sub3A_681 = arith.subi %sub3A_680, %add3A_676 : i32
      %mul3A_682 = arith.constant 16 : i32
      %mul3A_683 = arith.muli %mul3A_682, %sub3A_681 : i32
      %add3A_684 = arith.addi %arg1, %mul3A_683 : i32
      %select_n3A_685 = arith.select %eq3A_0, %add3A_679, %add3A_684 : i32
      %lt3A_686 = arith.cmpi slt, %select_n3A_685, %select_n3A : i32
      %ge3A_687 = arith.cmpi sge, %select_n3A_685, %select_n3A_45 : i32
      %select_n3A_688 = arith.select %eq3A_0, %lt3A_686, %ge3A_687 : i1
      %convert_element_type3A_689 = arith.extui %select_n3A_688 : i1 to i32
      %cond3A_690 = arith.constant 0 : i32
      %cond3A_691 = arith.cmpi ne, %convert_element_type3A_689, %cond3A_690 : i32
      scf.if %cond3A_691 {
        %dma_wait3A = arith.constant 1 : i32
        %dma_wait3A_818 = arith.constant 0 : i32
        %dma_wait3A_819 = arith.constant 0 : i32
        %dma_wait3A_820 = arith.constant 0 : i32
        %dma_wait3A_821 = arith.constant 0 : i32
        %dma_wait3A_822 = tpu.memref_slice %arg8[%dma_wait3A, %dma_wait3A_820, %dma_wait3A_821] : memref<8x80x128xf32, #tpu.memory_space<vmem>> -> memref<1x80x128xf32, #tpu.memory_space<vmem>>
        %dma_wait3A_823 = tpu.memref_squeeze %dma_wait3A_822 : memref<1x80x128xf32, #tpu.memory_space<vmem>> -> memref<80x128xf32, #tpu.memory_space<vmem>>
        %dma_wait3A_824 = arith.constant 0 : i32
        %dma_wait3A_825 = tpu.memref_slice %arg7[%dma_wait3A_818, %dma_wait3A_819, %dma_wait3A_824] : memref<8x1x80xi32, #tpu.memory_space<vmem>> -> memref<1x1x80xi32, #tpu.memory_space<vmem>>
        %dma_wait3A_826 = tpu.memref_squeeze %dma_wait3A_825 : memref<1x1x80xi32, #tpu.memory_space<vmem>> -> memref<80xi32, #tpu.memory_space<vmem>>
        %dma_wait3A_827 = arith.constant 0 : i32
        %dma_wait3A_828 = arith.constant 0 : i32
        %dma_wait3A_829 = tpu.memref_slice %arg6[%dma_wait3A_827, %dma_wait3A_828] : memref<5008x128xf32, #tpu.memory_space<vmem_shared>> -> memref<5008x128xf32, #tpu.memory_space<vmem_shared>>
        tpu.wait_indirect_dma semaphore(%arg20 : memref<!tpu.dma_semaphore, #tpu.memory_space<semaphore_mem>>) src(%dma_wait3A_823 : memref<80x128xf32, #tpu.memory_space<vmem>>) dst(%dma_wait3A_829 : memref<5008x128xf32, #tpu.memory_space<vmem_shared>>)
        %mul3A_830 = arith.constant 16 : i32
        %mul3A_831 = arith.muli %mul3A_830, %add3A_676 : i32
        %add3A_832 = arith.addi %arg1, %mul3A_831 : i32
        %sub3A_833 = arith.constant 249 : i32
        %sub3A_834 = arith.subi %sub3A_833, %add3A_676 : i32
        %mul3A_835 = arith.constant 16 : i32
        %mul3A_836 = arith.muli %mul3A_835, %sub3A_834 : i32
        %add3A_837 = arith.addi %arg1, %mul3A_836 : i32
        %select_n3A_838 = arith.select %eq3A_0, %add3A_832, %add3A_837 : i32
        %dma_start3A_839 = arith.constant 1 : i32
        %dma_start3A_840 = arith.constant 0 : i32
        %dma_start3A_841 = arith.constant 0 : i32
        %dma_start3A_842 = tpu.memref_slice %arg7[%dma_start3A_839, %dma_start3A_840, %dma_start3A_841] : memref<8x1x80xi32, #tpu.memory_space<vmem>> -> memref<1x1x80xi32, #tpu.memory_space<vmem>>
        %dma_start3A_843 = tpu.memref_squeeze %dma_start3A_842 : memref<1x1x80xi32, #tpu.memory_space<vmem>> -> memref<1x80xi32, #tpu.memory_space<vmem>>
        %dma_start3A_844 = arith.constant 0 : i32
        %dma_start3A_845 = arith.constant 0 : i32
        %dma_start3A_846 = tpu.memref_slice %arg3[%select_n3A_838, %dma_start3A_844, %dma_start3A_845] : memref<4000x1x80xi32, #tpu.memory_space<hbm>> -> memref<1x1x80xi32, #tpu.memory_space<hbm>>
        %dma_start3A_847 = tpu.memref_squeeze %dma_start3A_846 : memref<1x1x80xi32, #tpu.memory_space<hbm>> -> memref<1x80xi32, #tpu.memory_space<hbm>>
        %dma_start3A_848 = arith.constant 0 : i32
        %dma_start3A_849 = arith.constant 0 : i32
        %dma_start3A_850 = tpu.memref_slice %arg7[%dma_start3A_839, %dma_start3A_848, %dma_start3A_849] : memref<8x1x80xi32, #tpu.memory_space<vmem>> -> memref<1x1x80xi32, #tpu.memory_space<vmem>>
        %dma_start3A_851 = tpu.memref_squeeze %dma_start3A_850 : memref<1x1x80xi32, #tpu.memory_space<vmem>> -> memref<1x80xi32, #tpu.memory_space<vmem>>
        %dma_start3A_852 = arith.constant 0 : i32
        %dma_start3A_853 = arith.constant 0 : i32
        %dma_start3A_854 = tpu.memref_slice %arg3[%select_n3A_838, %dma_start3A_852, %dma_start3A_853] : memref<4000x1x80xi32, #tpu.memory_space<hbm>> -> memref<1x1x80xi32, #tpu.memory_space<hbm>>
        %dma_start3A_855 = tpu.memref_squeeze %dma_start3A_854 : memref<1x1x80xi32, #tpu.memory_space<hbm>> -> memref<1x80xi32, #tpu.memory_space<hbm>>
        tpu.enqueue_dma source(%dma_start3A_855 : memref<1x80xi32, #tpu.memory_space<hbm>>) target(%dma_start3A_851 : memref<1x80xi32, #tpu.memory_space<vmem>>) target_semaphore(%arg12 : memref<!tpu.dma_semaphore, #tpu.memory_space<semaphore_mem>>)
        %mul3A_856 = arith.constant 80 : i32
        %mul3A_857 = arith.muli %select_n3A_838, %mul3A_856 : i32
        %dma_start3A_858 = arith.constant 1 : i32
        %dma_start3A_859 = arith.constant 0 : i32
        %dma_start3A_860 = arith.constant 0 : i32
        %dma_start3A_861 = tpu.memref_slice %arg8[%dma_start3A_858, %dma_start3A_859, %dma_start3A_860] : memref<8x80x128xf32, #tpu.memory_space<vmem>> -> memref<1x80x128xf32, #tpu.memory_space<vmem>>
        %dma_start3A_862 = tpu.memref_squeeze %dma_start3A_861 : memref<1x80x128xf32, #tpu.memory_space<vmem>> -> memref<80x128xf32, #tpu.memory_space<vmem>>
        %dma_start3A_863 = arith.constant 0 : i32
        %dma_start3A_864 = tpu.memref_slice %arg2[%mul3A_857, %dma_start3A_863] : memref<320000x128xf32, #tpu.memory_space<hbm>> -> memref<80x128xf32, #tpu.memory_space<hbm>>
        %dma_start3A_865 = arith.constant 0 : i32
        %dma_start3A_866 = arith.constant 0 : i32
        %dma_start3A_867 = tpu.memref_slice %arg8[%dma_start3A_858, %dma_start3A_865, %dma_start3A_866] : memref<8x80x128xf32, #tpu.memory_space<vmem>> -> memref<1x80x128xf32, #tpu.memory_space<vmem>>
        %dma_start3A_868 = tpu.memref_squeeze %dma_start3A_867 : memref<1x80x128xf32, #tpu.memory_space<vmem>> -> memref<80x128xf32, #tpu.memory_space<vmem>>
        %dma_start3A_869 = arith.constant 0 : i32
        %dma_start3A_870 = tpu.memref_slice %arg2[%mul3A_857, %dma_start3A_869] : memref<320000x128xf32, #tpu.memory_space<hbm>> -> memref<80x128xf32, #tpu.memory_space<hbm>>
        tpu.enqueue_dma source(%dma_start3A_870 : memref<80x128xf32, #tpu.memory_space<hbm>>) target(%dma_start3A_868 : memref<80x128xf32, #tpu.memory_space<vmem>>) target_semaphore(%arg12 : memref<!tpu.dma_semaphore, #tpu.memory_space<semaphore_mem>>)
      } else {
      }
      %add3A_692 = arith.constant 1 : i32
      %add3A_693 = arith.addi %scan3A_497, %add3A_692 : i32
      %mul3A_694 = arith.constant 8 : i32
      %mul3A_695 = arith.muli %add3A_693, %mul3A_694 : i32
      %add3A_696 = arith.constant 2 : i32
      %add3A_697 = arith.addi %mul3A_695, %add3A_696 : i32
      %mul3A_698 = arith.constant 16 : i32
      %mul3A_699 = arith.muli %mul3A_698, %add3A_697 : i32
      %add3A_700 = arith.addi %arg1, %mul3A_699 : i32
      %sub3A_701 = arith.constant 249 : i32
      %sub3A_702 = arith.subi %sub3A_701, %add3A_697 : i32
      %mul3A_703 = arith.constant 16 : i32
      %mul3A_704 = arith.muli %mul3A_703, %sub3A_702 : i32
      %add3A_705 = arith.addi %arg1, %mul3A_704 : i32
      %select_n3A_706 = arith.select %eq3A_0, %add3A_700, %add3A_705 : i32
      %lt3A_707 = arith.cmpi slt, %select_n3A_706, %select_n3A : i32
      %ge3A_708 = arith.cmpi sge, %select_n3A_706, %select_n3A_45 : i32
      %select_n3A_709 = arith.select %eq3A_0, %lt3A_707, %ge3A_708 : i1
      %convert_element_type3A_710 = arith.extui %select_n3A_709 : i1 to i32
      %cond3A_711 = arith.constant 0 : i32
      %cond3A_712 = arith.cmpi ne, %convert_element_type3A_710, %cond3A_711 : i32
      scf.if %cond3A_712 {
        %dma_wait3A = arith.constant 2 : i32
        %dma_wait3A_818 = arith.constant 0 : i32
        %dma_wait3A_819 = arith.constant 0 : i32
        %dma_wait3A_820 = arith.constant 0 : i32
        %dma_wait3A_821 = arith.constant 0 : i32
        %dma_wait3A_822 = tpu.memref_slice %arg8[%dma_wait3A, %dma_wait3A_820, %dma_wait3A_821] : memref<8x80x128xf32, #tpu.memory_space<vmem>> -> memref<1x80x128xf32, #tpu.memory_space<vmem>>
        %dma_wait3A_823 = tpu.memref_squeeze %dma_wait3A_822 : memref<1x80x128xf32, #tpu.memory_space<vmem>> -> memref<80x128xf32, #tpu.memory_space<vmem>>
        %dma_wait3A_824 = arith.constant 0 : i32
        %dma_wait3A_825 = tpu.memref_slice %arg7[%dma_wait3A_818, %dma_wait3A_819, %dma_wait3A_824] : memref<8x1x80xi32, #tpu.memory_space<vmem>> -> memref<1x1x80xi32, #tpu.memory_space<vmem>>
        %dma_wait3A_826 = tpu.memref_squeeze %dma_wait3A_825 : memref<1x1x80xi32, #tpu.memory_space<vmem>> -> memref<80xi32, #tpu.memory_space<vmem>>
        %dma_wait3A_827 = arith.constant 0 : i32
        %dma_wait3A_828 = arith.constant 0 : i32
        %dma_wait3A_829 = tpu.memref_slice %arg6[%dma_wait3A_827, %dma_wait3A_828] : memref<5008x128xf32, #tpu.memory_space<vmem_shared>> -> memref<5008x128xf32, #tpu.memory_space<vmem_shared>>
        tpu.wait_indirect_dma semaphore(%arg21 : memref<!tpu.dma_semaphore, #tpu.memory_space<semaphore_mem>>) src(%dma_wait3A_823 : memref<80x128xf32, #tpu.memory_space<vmem>>) dst(%dma_wait3A_829 : memref<5008x128xf32, #tpu.memory_space<vmem_shared>>)
        %mul3A_830 = arith.constant 16 : i32
        %mul3A_831 = arith.muli %mul3A_830, %add3A_697 : i32
        %add3A_832 = arith.addi %arg1, %mul3A_831 : i32
        %sub3A_833 = arith.constant 249 : i32
        %sub3A_834 = arith.subi %sub3A_833, %add3A_697 : i32
        %mul3A_835 = arith.constant 16 : i32
        %mul3A_836 = arith.muli %mul3A_835, %sub3A_834 : i32
        %add3A_837 = arith.addi %arg1, %mul3A_836 : i32
        %select_n3A_838 = arith.select %eq3A_0, %add3A_832, %add3A_837 : i32
        %dma_start3A_839 = arith.constant 2 : i32
        %dma_start3A_840 = arith.constant 0 : i32
        %dma_start3A_841 = arith.constant 0 : i32
        %dma_start3A_842 = tpu.memref_slice %arg7[%dma_start3A_839, %dma_start3A_840, %dma_start3A_841] : memref<8x1x80xi32, #tpu.memory_space<vmem>> -> memref<1x1x80xi32, #tpu.memory_space<vmem>>
        %dma_start3A_843 = tpu.memref_squeeze %dma_start3A_842 : memref<1x1x80xi32, #tpu.memory_space<vmem>> -> memref<1x80xi32, #tpu.memory_space<vmem>>
        %dma_start3A_844 = arith.constant 0 : i32
        %dma_start3A_845 = arith.constant 0 : i32
        %dma_start3A_846 = tpu.memref_slice %arg3[%select_n3A_838, %dma_start3A_844, %dma_start3A_845] : memref<4000x1x80xi32, #tpu.memory_space<hbm>> -> memref<1x1x80xi32, #tpu.memory_space<hbm>>
        %dma_start3A_847 = tpu.memref_squeeze %dma_start3A_846 : memref<1x1x80xi32, #tpu.memory_space<hbm>> -> memref<1x80xi32, #tpu.memory_space<hbm>>
        %dma_start3A_848 = arith.constant 0 : i32
        %dma_start3A_849 = arith.constant 0 : i32
        %dma_start3A_850 = tpu.memref_slice %arg7[%dma_start3A_839, %dma_start3A_848, %dma_start3A_849] : memref<8x1x80xi32, #tpu.memory_space<vmem>> -> memref<1x1x80xi32, #tpu.memory_space<vmem>>
        %dma_start3A_851 = tpu.memref_squeeze %dma_start3A_850 : memref<1x1x80xi32, #tpu.memory_space<vmem>> -> memref<1x80xi32, #tpu.memory_space<vmem>>
        %dma_start3A_852 = arith.constant 0 : i32
        %dma_start3A_853 = arith.constant 0 : i32
        %dma_start3A_854 = tpu.memref_slice %arg3[%select_n3A_838, %dma_start3A_852, %dma_start3A_853] : memref<4000x1x80xi32, #tpu.memory_space<hbm>> -> memref<1x1x80xi32, #tpu.memory_space<hbm>>
        %dma_start3A_855 = tpu.memref_squeeze %dma_start3A_854 : memref<1x1x80xi32, #tpu.memory_space<hbm>> -> memref<1x80xi32, #tpu.memory_space<hbm>>
        tpu.enqueue_dma source(%dma_start3A_855 : memref<1x80xi32, #tpu.memory_space<hbm>>) target(%dma_start3A_851 : memref<1x80xi32, #tpu.memory_space<vmem>>) target_semaphore(%arg13 : memref<!tpu.dma_semaphore, #tpu.memory_space<semaphore_mem>>)
        %mul3A_856 = arith.constant 80 : i32
        %mul3A_857 = arith.muli %select_n3A_838, %mul3A_856 : i32
        %dma_start3A_858 = arith.constant 2 : i32
        %dma_start3A_859 = arith.constant 0 : i32
        %dma_start3A_860 = arith.constant 0 : i32
        %dma_start3A_861 = tpu.memref_slice %arg8[%dma_start3A_858, %dma_start3A_859, %dma_start3A_860] : memref<8x80x128xf32, #tpu.memory_space<vmem>> -> memref<1x80x128xf32, #tpu.memory_space<vmem>>
        %dma_start3A_862 = tpu.memref_squeeze %dma_start3A_861 : memref<1x80x128xf32, #tpu.memory_space<vmem>> -> memref<80x128xf32, #tpu.memory_space<vmem>>
        %dma_start3A_863 = arith.constant 0 : i32
        %dma_start3A_864 = tpu.memref_slice %arg2[%mul3A_857, %dma_start3A_863] : memref<320000x128xf32, #tpu.memory_space<hbm>> -> memref<80x128xf32, #tpu.memory_space<hbm>>
        %dma_start3A_865 = arith.constant 0 : i32
        %dma_start3A_866 = arith.constant 0 : i32
        %dma_start3A_867 = tpu.memref_slice %arg8[%dma_start3A_858, %dma_start3A_865, %dma_start3A_866] : memref<8x80x128xf32, #tpu.memory_space<vmem>> -> memref<1x80x128xf32, #tpu.memory_space<vmem>>
        %dma_start3A_868 = tpu.memref_squeeze %dma_start3A_867 : memref<1x80x128xf32, #tpu.memory_space<vmem>> -> memref<80x128xf32, #tpu.memory_space<vmem>>
        %dma_start3A_869 = arith.constant 0 : i32
        %dma_start3A_870 = tpu.memref_slice %arg2[%mul3A_857, %dma_start3A_869] : memref<320000x128xf32, #tpu.memory_space<hbm>> -> memref<80x128xf32, #tpu.memory_space<hbm>>
        tpu.enqueue_dma source(%dma_start3A_870 : memref<80x128xf32, #tpu.memory_space<hbm>>) target(%dma_start3A_868 : memref<80x128xf32, #tpu.memory_space<vmem>>) target_semaphore(%arg13 : memref<!tpu.dma_semaphore, #tpu.memory_space<semaphore_mem>>)
      } else {
      }
      %add3A_713 = arith.constant 1 : i32
      %add3A_714 = arith.addi %scan3A_497, %add3A_713 : i32
      %mul3A_715 = arith.constant 8 : i32
      %mul3A_716 = arith.muli %add3A_714, %mul3A_715 : i32
      %add3A_717 = arith.constant 3 : i32
      %add3A_718 = arith.addi %mul3A_716, %add3A_717 : i32
      %mul3A_719 = arith.constant 16 : i32
      %mul3A_720 = arith.muli %mul3A_719, %add3A_718 : i32
      %add3A_721 = arith.addi %arg1, %mul3A_720 : i32
      %sub3A_722 = arith.constant 249 : i32
      %sub3A_723 = arith.subi %sub3A_722, %add3A_718 : i32
      %mul3A_724 = arith.constant 16 : i32
      %mul3A_725 = arith.muli %mul3A_724, %sub3A_723 : i32
      %add3A_726 = arith.addi %arg1, %mul3A_725 : i32
      %select_n3A_727 = arith.select %eq3A_0, %add3A_721, %add3A_726 : i32
      %lt3A_728 = arith.cmpi slt, %select_n3A_727, %select_n3A : i32
      %ge3A_729 = arith.cmpi sge, %select_n3A_727, %select_n3A_45 : i32
      %select_n3A_730 = arith.select %eq3A_0, %lt3A_728, %ge3A_729 : i1
      %convert_element_type3A_731 = arith.extui %select_n3A_730 : i1 to i32
      %cond3A_732 = arith.constant 0 : i32
      %cond3A_733 = arith.cmpi ne, %convert_element_type3A_731, %cond3A_732 : i32
      scf.if %cond3A_733 {
        %dma_wait3A = arith.constant 3 : i32
        %dma_wait3A_818 = arith.constant 0 : i32
        %dma_wait3A_819 = arith.constant 0 : i32
        %dma_wait3A_820 = arith.constant 0 : i32
        %dma_wait3A_821 = arith.constant 0 : i32
        %dma_wait3A_822 = tpu.memref_slice %arg8[%dma_wait3A, %dma_wait3A_820, %dma_wait3A_821] : memref<8x80x128xf32, #tpu.memory_space<vmem>> -> memref<1x80x128xf32, #tpu.memory_space<vmem>>
        %dma_wait3A_823 = tpu.memref_squeeze %dma_wait3A_822 : memref<1x80x128xf32, #tpu.memory_space<vmem>> -> memref<80x128xf32, #tpu.memory_space<vmem>>
        %dma_wait3A_824 = arith.constant 0 : i32
        %dma_wait3A_825 = tpu.memref_slice %arg7[%dma_wait3A_818, %dma_wait3A_819, %dma_wait3A_824] : memref<8x1x80xi32, #tpu.memory_space<vmem>> -> memref<1x1x80xi32, #tpu.memory_space<vmem>>
        %dma_wait3A_826 = tpu.memref_squeeze %dma_wait3A_825 : memref<1x1x80xi32, #tpu.memory_space<vmem>> -> memref<80xi32, #tpu.memory_space<vmem>>
        %dma_wait3A_827 = arith.constant 0 : i32
        %dma_wait3A_828 = arith.constant 0 : i32
        %dma_wait3A_829 = tpu.memref_slice %arg6[%dma_wait3A_827, %dma_wait3A_828] : memref<5008x128xf32, #tpu.memory_space<vmem_shared>> -> memref<5008x128xf32, #tpu.memory_space<vmem_shared>>
        tpu.wait_indirect_dma semaphore(%arg22 : memref<!tpu.dma_semaphore, #tpu.memory_space<semaphore_mem>>) src(%dma_wait3A_823 : memref<80x128xf32, #tpu.memory_space<vmem>>) dst(%dma_wait3A_829 : memref<5008x128xf32, #tpu.memory_space<vmem_shared>>)
        %mul3A_830 = arith.constant 16 : i32
        %mul3A_831 = arith.muli %mul3A_830, %add3A_718 : i32
        %add3A_832 = arith.addi %arg1, %mul3A_831 : i32
        %sub3A_833 = arith.constant 249 : i32
        %sub3A_834 = arith.subi %sub3A_833, %add3A_718 : i32
        %mul3A_835 = arith.constant 16 : i32
        %mul3A_836 = arith.muli %mul3A_835, %sub3A_834 : i32
        %add3A_837 = arith.addi %arg1, %mul3A_836 : i32
        %select_n3A_838 = arith.select %eq3A_0, %add3A_832, %add3A_837 : i32
        %dma_start3A_839 = arith.constant 3 : i32
        %dma_start3A_840 = arith.constant 0 : i32
        %dma_start3A_841 = arith.constant 0 : i32
        %dma_start3A_842 = tpu.memref_slice %arg7[%dma_start3A_839, %dma_start3A_840, %dma_start3A_841] : memref<8x1x80xi32, #tpu.memory_space<vmem>> -> memref<1x1x80xi32, #tpu.memory_space<vmem>>
        %dma_start3A_843 = tpu.memref_squeeze %dma_start3A_842 : memref<1x1x80xi32, #tpu.memory_space<vmem>> -> memref<1x80xi32, #tpu.memory_space<vmem>>
        %dma_start3A_844 = arith.constant 0 : i32
        %dma_start3A_845 = arith.constant 0 : i32
        %dma_start3A_846 = tpu.memref_slice %arg3[%select_n3A_838, %dma_start3A_844, %dma_start3A_845] : memref<4000x1x80xi32, #tpu.memory_space<hbm>> -> memref<1x1x80xi32, #tpu.memory_space<hbm>>
        %dma_start3A_847 = tpu.memref_squeeze %dma_start3A_846 : memref<1x1x80xi32, #tpu.memory_space<hbm>> -> memref<1x80xi32, #tpu.memory_space<hbm>>
        %dma_start3A_848 = arith.constant 0 : i32
        %dma_start3A_849 = arith.constant 0 : i32
        %dma_start3A_850 = tpu.memref_slice %arg7[%dma_start3A_839, %dma_start3A_848, %dma_start3A_849] : memref<8x1x80xi32, #tpu.memory_space<vmem>> -> memref<1x1x80xi32, #tpu.memory_space<vmem>>
        %dma_start3A_851 = tpu.memref_squeeze %dma_start3A_850 : memref<1x1x80xi32, #tpu.memory_space<vmem>> -> memref<1x80xi32, #tpu.memory_space<vmem>>
        %dma_start3A_852 = arith.constant 0 : i32
        %dma_start3A_853 = arith.constant 0 : i32
        %dma_start3A_854 = tpu.memref_slice %arg3[%select_n3A_838, %dma_start3A_852, %dma_start3A_853] : memref<4000x1x80xi32, #tpu.memory_space<hbm>> -> memref<1x1x80xi32, #tpu.memory_space<hbm>>
        %dma_start3A_855 = tpu.memref_squeeze %dma_start3A_854 : memref<1x1x80xi32, #tpu.memory_space<hbm>> -> memref<1x80xi32, #tpu.memory_space<hbm>>
        tpu.enqueue_dma source(%dma_start3A_855 : memref<1x80xi32, #tpu.memory_space<hbm>>) target(%dma_start3A_851 : memref<1x80xi32, #tpu.memory_space<vmem>>) target_semaphore(%arg14 : memref<!tpu.dma_semaphore, #tpu.memory_space<semaphore_mem>>)
        %mul3A_856 = arith.constant 80 : i32
        %mul3A_857 = arith.muli %select_n3A_838, %mul3A_856 : i32
        %dma_start3A_858 = arith.constant 3 : i32
        %dma_start3A_859 = arith.constant 0 : i32
        %dma_start3A_860 = arith.constant 0 : i32
        %dma_start3A_861 = tpu.memref_slice %arg8[%dma_start3A_858, %dma_start3A_859, %dma_start3A_860] : memref<8x80x128xf32, #tpu.memory_space<vmem>> -> memref<1x80x128xf32, #tpu.memory_space<vmem>>
        %dma_start3A_862 = tpu.memref_squeeze %dma_start3A_861 : memref<1x80x128xf32, #tpu.memory_space<vmem>> -> memref<80x128xf32, #tpu.memory_space<vmem>>
        %dma_start3A_863 = arith.constant 0 : i32
        %dma_start3A_864 = tpu.memref_slice %arg2[%mul3A_857, %dma_start3A_863] : memref<320000x128xf32, #tpu.memory_space<hbm>> -> memref<80x128xf32, #tpu.memory_space<hbm>>
        %dma_start3A_865 = arith.constant 0 : i32
        %dma_start3A_866 = arith.constant 0 : i32
        %dma_start3A_867 = tpu.memref_slice %arg8[%dma_start3A_858, %dma_start3A_865, %dma_start3A_866] : memref<8x80x128xf32, #tpu.memory_space<vmem>> -> memref<1x80x128xf32, #tpu.memory_space<vmem>>
        %dma_start3A_868 = tpu.memref_squeeze %dma_start3A_867 : memref<1x80x128xf32, #tpu.memory_space<vmem>> -> memref<80x128xf32, #tpu.memory_space<vmem>>
        %dma_start3A_869 = arith.constant 0 : i32
        %dma_start3A_870 = tpu.memref_slice %arg2[%mul3A_857, %dma_start3A_869] : memref<320000x128xf32, #tpu.memory_space<hbm>> -> memref<80x128xf32, #tpu.memory_space<hbm>>
        tpu.enqueue_dma source(%dma_start3A_870 : memref<80x128xf32, #tpu.memory_space<hbm>>) target(%dma_start3A_868 : memref<80x128xf32, #tpu.memory_space<vmem>>) target_semaphore(%arg14 : memref<!tpu.dma_semaphore, #tpu.memory_space<semaphore_mem>>)
      } else {
      }
      %add3A_734 = arith.constant 1 : i32
      %add3A_735 = arith.addi %scan3A_497, %add3A_734 : i32
      %mul3A_736 = arith.constant 8 : i32
      %mul3A_737 = arith.muli %add3A_735, %mul3A_736 : i32
      %add3A_738 = arith.constant 4 : i32
      %add3A_739 = arith.addi %mul3A_737, %add3A_738 : i32
      %mul3A_740 = arith.constant 16 : i32
      %mul3A_741 = arith.muli %mul3A_740, %add3A_739 : i32
      %add3A_742 = arith.addi %arg1, %mul3A_741 : i32
      %sub3A_743 = arith.constant 249 : i32
      %sub3A_744 = arith.subi %sub3A_743, %add3A_739 : i32
      %mul3A_745 = arith.constant 16 : i32
      %mul3A_746 = arith.muli %mul3A_745, %sub3A_744 : i32
      %add3A_747 = arith.addi %arg1, %mul3A_746 : i32
      %select_n3A_748 = arith.select %eq3A_0, %add3A_742, %add3A_747 : i32
      %lt3A_749 = arith.cmpi slt, %select_n3A_748, %select_n3A : i32
      %ge3A_750 = arith.cmpi sge, %select_n3A_748, %select_n3A_45 : i32
      %select_n3A_751 = arith.select %eq3A_0, %lt3A_749, %ge3A_750 : i1
      %convert_element_type3A_752 = arith.extui %select_n3A_751 : i1 to i32
      %cond3A_753 = arith.constant 0 : i32
      %cond3A_754 = arith.cmpi ne, %convert_element_type3A_752, %cond3A_753 : i32
      scf.if %cond3A_754 {
        %dma_wait3A = arith.constant 4 : i32
        %dma_wait3A_818 = arith.constant 0 : i32
        %dma_wait3A_819 = arith.constant 0 : i32
        %dma_wait3A_820 = arith.constant 0 : i32
        %dma_wait3A_821 = arith.constant 0 : i32
        %dma_wait3A_822 = tpu.memref_slice %arg8[%dma_wait3A, %dma_wait3A_820, %dma_wait3A_821] : memref<8x80x128xf32, #tpu.memory_space<vmem>> -> memref<1x80x128xf32, #tpu.memory_space<vmem>>
        %dma_wait3A_823 = tpu.memref_squeeze %dma_wait3A_822 : memref<1x80x128xf32, #tpu.memory_space<vmem>> -> memref<80x128xf32, #tpu.memory_space<vmem>>
        %dma_wait3A_824 = arith.constant 0 : i32
        %dma_wait3A_825 = tpu.memref_slice %arg7[%dma_wait3A_818, %dma_wait3A_819, %dma_wait3A_824] : memref<8x1x80xi32, #tpu.memory_space<vmem>> -> memref<1x1x80xi32, #tpu.memory_space<vmem>>
        %dma_wait3A_826 = tpu.memref_squeeze %dma_wait3A_825 : memref<1x1x80xi32, #tpu.memory_space<vmem>> -> memref<80xi32, #tpu.memory_space<vmem>>
        %dma_wait3A_827 = arith.constant 0 : i32
        %dma_wait3A_828 = arith.constant 0 : i32
        %dma_wait3A_829 = tpu.memref_slice %arg6[%dma_wait3A_827, %dma_wait3A_828] : memref<5008x128xf32, #tpu.memory_space<vmem_shared>> -> memref<5008x128xf32, #tpu.memory_space<vmem_shared>>
        tpu.wait_indirect_dma semaphore(%arg23 : memref<!tpu.dma_semaphore, #tpu.memory_space<semaphore_mem>>) src(%dma_wait3A_823 : memref<80x128xf32, #tpu.memory_space<vmem>>) dst(%dma_wait3A_829 : memref<5008x128xf32, #tpu.memory_space<vmem_shared>>)
        %mul3A_830 = arith.constant 16 : i32
        %mul3A_831 = arith.muli %mul3A_830, %add3A_739 : i32
        %add3A_832 = arith.addi %arg1, %mul3A_831 : i32
        %sub3A_833 = arith.constant 249 : i32
        %sub3A_834 = arith.subi %sub3A_833, %add3A_739 : i32
        %mul3A_835 = arith.constant 16 : i32
        %mul3A_836 = arith.muli %mul3A_835, %sub3A_834 : i32
        %add3A_837 = arith.addi %arg1, %mul3A_836 : i32
        %select_n3A_838 = arith.select %eq3A_0, %add3A_832, %add3A_837 : i32
        %dma_start3A_839 = arith.constant 4 : i32
        %dma_start3A_840 = arith.constant 0 : i32
        %dma_start3A_841 = arith.constant 0 : i32
        %dma_start3A_842 = tpu.memref_slice %arg7[%dma_start3A_839, %dma_start3A_840, %dma_start3A_841] : memref<8x1x80xi32, #tpu.memory_space<vmem>> -> memref<1x1x80xi32, #tpu.memory_space<vmem>>
        %dma_start3A_843 = tpu.memref_squeeze %dma_start3A_842 : memref<1x1x80xi32, #tpu.memory_space<vmem>> -> memref<1x80xi32, #tpu.memory_space<vmem>>
        %dma_start3A_844 = arith.constant 0 : i32
        %dma_start3A_845 = arith.constant 0 : i32
        %dma_start3A_846 = tpu.memref_slice %arg3[%select_n3A_838, %dma_start3A_844, %dma_start3A_845] : memref<4000x1x80xi32, #tpu.memory_space<hbm>> -> memref<1x1x80xi32, #tpu.memory_space<hbm>>
        %dma_start3A_847 = tpu.memref_squeeze %dma_start3A_846 : memref<1x1x80xi32, #tpu.memory_space<hbm>> -> memref<1x80xi32, #tpu.memory_space<hbm>>
        %dma_start3A_848 = arith.constant 0 : i32
        %dma_start3A_849 = arith.constant 0 : i32
        %dma_start3A_850 = tpu.memref_slice %arg7[%dma_start3A_839, %dma_start3A_848, %dma_start3A_849] : memref<8x1x80xi32, #tpu.memory_space<vmem>> -> memref<1x1x80xi32, #tpu.memory_space<vmem>>
        %dma_start3A_851 = tpu.memref_squeeze %dma_start3A_850 : memref<1x1x80xi32, #tpu.memory_space<vmem>> -> memref<1x80xi32, #tpu.memory_space<vmem>>
        %dma_start3A_852 = arith.constant 0 : i32
        %dma_start3A_853 = arith.constant 0 : i32
        %dma_start3A_854 = tpu.memref_slice %arg3[%select_n3A_838, %dma_start3A_852, %dma_start3A_853] : memref<4000x1x80xi32, #tpu.memory_space<hbm>> -> memref<1x1x80xi32, #tpu.memory_space<hbm>>
        %dma_start3A_855 = tpu.memref_squeeze %dma_start3A_854 : memref<1x1x80xi32, #tpu.memory_space<hbm>> -> memref<1x80xi32, #tpu.memory_space<hbm>>
        tpu.enqueue_dma source(%dma_start3A_855 : memref<1x80xi32, #tpu.memory_space<hbm>>) target(%dma_start3A_851 : memref<1x80xi32, #tpu.memory_space<vmem>>) target_semaphore(%arg15 : memref<!tpu.dma_semaphore, #tpu.memory_space<semaphore_mem>>)
        %mul3A_856 = arith.constant 80 : i32
        %mul3A_857 = arith.muli %select_n3A_838, %mul3A_856 : i32
        %dma_start3A_858 = arith.constant 4 : i32
        %dma_start3A_859 = arith.constant 0 : i32
        %dma_start3A_860 = arith.constant 0 : i32
        %dma_start3A_861 = tpu.memref_slice %arg8[%dma_start3A_858, %dma_start3A_859, %dma_start3A_860] : memref<8x80x128xf32, #tpu.memory_space<vmem>> -> memref<1x80x128xf32, #tpu.memory_space<vmem>>
        %dma_start3A_862 = tpu.memref_squeeze %dma_start3A_861 : memref<1x80x128xf32, #tpu.memory_space<vmem>> -> memref<80x128xf32, #tpu.memory_space<vmem>>
        %dma_start3A_863 = arith.constant 0 : i32
        %dma_start3A_864 = tpu.memref_slice %arg2[%mul3A_857, %dma_start3A_863] : memref<320000x128xf32, #tpu.memory_space<hbm>> -> memref<80x128xf32, #tpu.memory_space<hbm>>
        %dma_start3A_865 = arith.constant 0 : i32
        %dma_start3A_866 = arith.constant 0 : i32
        %dma_start3A_867 = tpu.memref_slice %arg8[%dma_start3A_858, %dma_start3A_865, %dma_start3A_866] : memref<8x80x128xf32, #tpu.memory_space<vmem>> -> memref<1x80x128xf32, #tpu.memory_space<vmem>>
        %dma_start3A_868 = tpu.memref_squeeze %dma_start3A_867 : memref<1x80x128xf32, #tpu.memory_space<vmem>> -> memref<80x128xf32, #tpu.memory_space<vmem>>
        %dma_start3A_869 = arith.constant 0 : i32
        %dma_start3A_870 = tpu.memref_slice %arg2[%mul3A_857, %dma_start3A_869] : memref<320000x128xf32, #tpu.memory_space<hbm>> -> memref<80x128xf32, #tpu.memory_space<hbm>>
        tpu.enqueue_dma source(%dma_start3A_870 : memref<80x128xf32, #tpu.memory_space<hbm>>) target(%dma_start3A_868 : memref<80x128xf32, #tpu.memory_space<vmem>>) target_semaphore(%arg15 : memref<!tpu.dma_semaphore, #tpu.memory_space<semaphore_mem>>)
      } else {
      }
      %add3A_755 = arith.constant 1 : i32
      %add3A_756 = arith.addi %scan3A_497, %add3A_755 : i32
      %mul3A_757 = arith.constant 8 : i32
      %mul3A_758 = arith.muli %add3A_756, %mul3A_757 : i32
      %add3A_759 = arith.constant 5 : i32
      %add3A_760 = arith.addi %mul3A_758, %add3A_759 : i32
      %mul3A_761 = arith.constant 16 : i32
      %mul3A_762 = arith.muli %mul3A_761, %add3A_760 : i32
      %add3A_763 = arith.addi %arg1, %mul3A_762 : i32
      %sub3A_764 = arith.constant 249 : i32
      %sub3A_765 = arith.subi %sub3A_764, %add3A_760 : i32
      %mul3A_766 = arith.constant 16 : i32
      %mul3A_767 = arith.muli %mul3A_766, %sub3A_765 : i32
      %add3A_768 = arith.addi %arg1, %mul3A_767 : i32
      %select_n3A_769 = arith.select %eq3A_0, %add3A_763, %add3A_768 : i32
      %lt3A_770 = arith.cmpi slt, %select_n3A_769, %select_n3A : i32
      %ge3A_771 = arith.cmpi sge, %select_n3A_769, %select_n3A_45 : i32
      %select_n3A_772 = arith.select %eq3A_0, %lt3A_770, %ge3A_771 : i1
      %convert_element_type3A_773 = arith.extui %select_n3A_772 : i1 to i32
      %cond3A_774 = arith.constant 0 : i32
      %cond3A_775 = arith.cmpi ne, %convert_element_type3A_773, %cond3A_774 : i32
      scf.if %cond3A_775 {
        %dma_wait3A = arith.constant 5 : i32
        %dma_wait3A_818 = arith.constant 0 : i32
        %dma_wait3A_819 = arith.constant 0 : i32
        %dma_wait3A_820 = arith.constant 0 : i32
        %dma_wait3A_821 = arith.constant 0 : i32
        %dma_wait3A_822 = tpu.memref_slice %arg8[%dma_wait3A, %dma_wait3A_820, %dma_wait3A_821] : memref<8x80x128xf32, #tpu.memory_space<vmem>> -> memref<1x80x128xf32, #tpu.memory_space<vmem>>
        %dma_wait3A_823 = tpu.memref_squeeze %dma_wait3A_822 : memref<1x80x128xf32, #tpu.memory_space<vmem>> -> memref<80x128xf32, #tpu.memory_space<vmem>>
        %dma_wait3A_824 = arith.constant 0 : i32
        %dma_wait3A_825 = tpu.memref_slice %arg7[%dma_wait3A_818, %dma_wait3A_819, %dma_wait3A_824] : memref<8x1x80xi32, #tpu.memory_space<vmem>> -> memref<1x1x80xi32, #tpu.memory_space<vmem>>
        %dma_wait3A_826 = tpu.memref_squeeze %dma_wait3A_825 : memref<1x1x80xi32, #tpu.memory_space<vmem>> -> memref<80xi32, #tpu.memory_space<vmem>>
        %dma_wait3A_827 = arith.constant 0 : i32
        %dma_wait3A_828 = arith.constant 0 : i32
        %dma_wait3A_829 = tpu.memref_slice %arg6[%dma_wait3A_827, %dma_wait3A_828] : memref<5008x128xf32, #tpu.memory_space<vmem_shared>> -> memref<5008x128xf32, #tpu.memory_space<vmem_shared>>
        tpu.wait_indirect_dma semaphore(%arg24 : memref<!tpu.dma_semaphore, #tpu.memory_space<semaphore_mem>>) src(%dma_wait3A_823 : memref<80x128xf32, #tpu.memory_space<vmem>>) dst(%dma_wait3A_829 : memref<5008x128xf32, #tpu.memory_space<vmem_shared>>)
        %mul3A_830 = arith.constant 16 : i32
        %mul3A_831 = arith.muli %mul3A_830, %add3A_760 : i32
        %add3A_832 = arith.addi %arg1, %mul3A_831 : i32
        %sub3A_833 = arith.constant 249 : i32
        %sub3A_834 = arith.subi %sub3A_833, %add3A_760 : i32
        %mul3A_835 = arith.constant 16 : i32
        %mul3A_836 = arith.muli %mul3A_835, %sub3A_834 : i32
        %add3A_837 = arith.addi %arg1, %mul3A_836 : i32
        %select_n3A_838 = arith.select %eq3A_0, %add3A_832, %add3A_837 : i32
        %dma_start3A_839 = arith.constant 5 : i32
        %dma_start3A_840 = arith.constant 0 : i32
        %dma_start3A_841 = arith.constant 0 : i32
        %dma_start3A_842 = tpu.memref_slice %arg7[%dma_start3A_839, %dma_start3A_840, %dma_start3A_841] : memref<8x1x80xi32, #tpu.memory_space<vmem>> -> memref<1x1x80xi32, #tpu.memory_space<vmem>>
        %dma_start3A_843 = tpu.memref_squeeze %dma_start3A_842 : memref<1x1x80xi32, #tpu.memory_space<vmem>> -> memref<1x80xi32, #tpu.memory_space<vmem>>
        %dma_start3A_844 = arith.constant 0 : i32
        %dma_start3A_845 = arith.constant 0 : i32
        %dma_start3A_846 = tpu.memref_slice %arg3[%select_n3A_838, %dma_start3A_844, %dma_start3A_845] : memref<4000x1x80xi32, #tpu.memory_space<hbm>> -> memref<1x1x80xi32, #tpu.memory_space<hbm>>
        %dma_start3A_847 = tpu.memref_squeeze %dma_start3A_846 : memref<1x1x80xi32, #tpu.memory_space<hbm>> -> memref<1x80xi32, #tpu.memory_space<hbm>>
        %dma_start3A_848 = arith.constant 0 : i32
        %dma_start3A_849 = arith.constant 0 : i32
        %dma_start3A_850 = tpu.memref_slice %arg7[%dma_start3A_839, %dma_start3A_848, %dma_start3A_849] : memref<8x1x80xi32, #tpu.memory_space<vmem>> -> memref<1x1x80xi32, #tpu.memory_space<vmem>>
        %dma_start3A_851 = tpu.memref_squeeze %dma_start3A_850 : memref<1x1x80xi32, #tpu.memory_space<vmem>> -> memref<1x80xi32, #tpu.memory_space<vmem>>
        %dma_start3A_852 = arith.constant 0 : i32
        %dma_start3A_853 = arith.constant 0 : i32
        %dma_start3A_854 = tpu.memref_slice %arg3[%select_n3A_838, %dma_start3A_852, %dma_start3A_853] : memref<4000x1x80xi32, #tpu.memory_space<hbm>> -> memref<1x1x80xi32, #tpu.memory_space<hbm>>
        %dma_start3A_855 = tpu.memref_squeeze %dma_start3A_854 : memref<1x1x80xi32, #tpu.memory_space<hbm>> -> memref<1x80xi32, #tpu.memory_space<hbm>>
        tpu.enqueue_dma source(%dma_start3A_855 : memref<1x80xi32, #tpu.memory_space<hbm>>) target(%dma_start3A_851 : memref<1x80xi32, #tpu.memory_space<vmem>>) target_semaphore(%arg16 : memref<!tpu.dma_semaphore, #tpu.memory_space<semaphore_mem>>)
        %mul3A_856 = arith.constant 80 : i32
        %mul3A_857 = arith.muli %select_n3A_838, %mul3A_856 : i32
        %dma_start3A_858 = arith.constant 5 : i32
        %dma_start3A_859 = arith.constant 0 : i32
        %dma_start3A_860 = arith.constant 0 : i32
        %dma_start3A_861 = tpu.memref_slice %arg8[%dma_start3A_858, %dma_start3A_859, %dma_start3A_860] : memref<8x80x128xf32, #tpu.memory_space<vmem>> -> memref<1x80x128xf32, #tpu.memory_space<vmem>>
        %dma_start3A_862 = tpu.memref_squeeze %dma_start3A_861 : memref<1x80x128xf32, #tpu.memory_space<vmem>> -> memref<80x128xf32, #tpu.memory_space<vmem>>
        %dma_start3A_863 = arith.constant 0 : i32
        %dma_start3A_864 = tpu.memref_slice %arg2[%mul3A_857, %dma_start3A_863] : memref<320000x128xf32, #tpu.memory_space<hbm>> -> memref<80x128xf32, #tpu.memory_space<hbm>>
        %dma_start3A_865 = arith.constant 0 : i32
        %dma_start3A_866 = arith.constant 0 : i32
        %dma_start3A_867 = tpu.memref_slice %arg8[%dma_start3A_858, %dma_start3A_865, %dma_start3A_866] : memref<8x80x128xf32, #tpu.memory_space<vmem>> -> memref<1x80x128xf32, #tpu.memory_space<vmem>>
        %dma_start3A_868 = tpu.memref_squeeze %dma_start3A_867 : memref<1x80x128xf32, #tpu.memory_space<vmem>> -> memref<80x128xf32, #tpu.memory_space<vmem>>
        %dma_start3A_869 = arith.constant 0 : i32
        %dma_start3A_870 = tpu.memref_slice %arg2[%mul3A_857, %dma_start3A_869] : memref<320000x128xf32, #tpu.memory_space<hbm>> -> memref<80x128xf32, #tpu.memory_space<hbm>>
        tpu.enqueue_dma source(%dma_start3A_870 : memref<80x128xf32, #tpu.memory_space<hbm>>) target(%dma_start3A_868 : memref<80x128xf32, #tpu.memory_space<vmem>>) target_semaphore(%arg16 : memref<!tpu.dma_semaphore, #tpu.memory_space<semaphore_mem>>)
      } else {
      }
      %add3A_776 = arith.constant 1 : i32
      %add3A_777 = arith.addi %scan3A_497, %add3A_776 : i32
      %mul3A_778 = arith.constant 8 : i32
      %mul3A_779 = arith.muli %add3A_777, %mul3A_778 : i32
      %add3A_780 = arith.constant 6 : i32
      %add3A_781 = arith.addi %mul3A_779, %add3A_780 : i32
      %mul3A_782 = arith.constant 16 : i32
      %mul3A_783 = arith.muli %mul3A_782, %add3A_781 : i32
      %add3A_784 = arith.addi %arg1, %mul3A_783 : i32
      %sub3A_785 = arith.constant 249 : i32
      %sub3A_786 = arith.subi %sub3A_785, %add3A_781 : i32
      %mul3A_787 = arith.constant 16 : i32
      %mul3A_788 = arith.muli %mul3A_787, %sub3A_786 : i32
      %add3A_789 = arith.addi %arg1, %mul3A_788 : i32
      %select_n3A_790 = arith.select %eq3A_0, %add3A_784, %add3A_789 : i32
      %lt3A_791 = arith.cmpi slt, %select_n3A_790, %select_n3A : i32
      %ge3A_792 = arith.cmpi sge, %select_n3A_790, %select_n3A_45 : i32
      %select_n3A_793 = arith.select %eq3A_0, %lt3A_791, %ge3A_792 : i1
      %convert_element_type3A_794 = arith.extui %select_n3A_793 : i1 to i32
      %cond3A_795 = arith.constant 0 : i32
      %cond3A_796 = arith.cmpi ne, %convert_element_type3A_794, %cond3A_795 : i32
      scf.if %cond3A_796 {
        %dma_wait3A = arith.constant 6 : i32
        %dma_wait3A_818 = arith.constant 0 : i32
        %dma_wait3A_819 = arith.constant 0 : i32
        %dma_wait3A_820 = arith.constant 0 : i32
        %dma_wait3A_821 = arith.constant 0 : i32
        %dma_wait3A_822 = tpu.memref_slice %arg8[%dma_wait3A, %dma_wait3A_820, %dma_wait3A_821] : memref<8x80x128xf32, #tpu.memory_space<vmem>> -> memref<1x80x128xf32, #tpu.memory_space<vmem>>
        %dma_wait3A_823 = tpu.memref_squeeze %dma_wait3A_822 : memref<1x80x128xf32, #tpu.memory_space<vmem>> -> memref<80x128xf32, #tpu.memory_space<vmem>>
        %dma_wait3A_824 = arith.constant 0 : i32
        %dma_wait3A_825 = tpu.memref_slice %arg7[%dma_wait3A_818, %dma_wait3A_819, %dma_wait3A_824] : memref<8x1x80xi32, #tpu.memory_space<vmem>> -> memref<1x1x80xi32, #tpu.memory_space<vmem>>
        %dma_wait3A_826 = tpu.memref_squeeze %dma_wait3A_825 : memref<1x1x80xi32, #tpu.memory_space<vmem>> -> memref<80xi32, #tpu.memory_space<vmem>>
        %dma_wait3A_827 = arith.constant 0 : i32
        %dma_wait3A_828 = arith.constant 0 : i32
        %dma_wait3A_829 = tpu.memref_slice %arg6[%dma_wait3A_827, %dma_wait3A_828] : memref<5008x128xf32, #tpu.memory_space<vmem_shared>> -> memref<5008x128xf32, #tpu.memory_space<vmem_shared>>
        tpu.wait_indirect_dma semaphore(%arg25 : memref<!tpu.dma_semaphore, #tpu.memory_space<semaphore_mem>>) src(%dma_wait3A_823 : memref<80x128xf32, #tpu.memory_space<vmem>>) dst(%dma_wait3A_829 : memref<5008x128xf32, #tpu.memory_space<vmem_shared>>)
        %mul3A_830 = arith.constant 16 : i32
        %mul3A_831 = arith.muli %mul3A_830, %add3A_781 : i32
        %add3A_832 = arith.addi %arg1, %mul3A_831 : i32
        %sub3A_833 = arith.constant 249 : i32
        %sub3A_834 = arith.subi %sub3A_833, %add3A_781 : i32
        %mul3A_835 = arith.constant 16 : i32
        %mul3A_836 = arith.muli %mul3A_835, %sub3A_834 : i32
        %add3A_837 = arith.addi %arg1, %mul3A_836 : i32
        %select_n3A_838 = arith.select %eq3A_0, %add3A_832, %add3A_837 : i32
        %dma_start3A_839 = arith.constant 6 : i32
        %dma_start3A_840 = arith.constant 0 : i32
        %dma_start3A_841 = arith.constant 0 : i32
        %dma_start3A_842 = tpu.memref_slice %arg7[%dma_start3A_839, %dma_start3A_840, %dma_start3A_841] : memref<8x1x80xi32, #tpu.memory_space<vmem>> -> memref<1x1x80xi32, #tpu.memory_space<vmem>>
        %dma_start3A_843 = tpu.memref_squeeze %dma_start3A_842 : memref<1x1x80xi32, #tpu.memory_space<vmem>> -> memref<1x80xi32, #tpu.memory_space<vmem>>
        %dma_start3A_844 = arith.constant 0 : i32
        %dma_start3A_845 = arith.constant 0 : i32
        %dma_start3A_846 = tpu.memref_slice %arg3[%select_n3A_838, %dma_start3A_844, %dma_start3A_845] : memref<4000x1x80xi32, #tpu.memory_space<hbm>> -> memref<1x1x80xi32, #tpu.memory_space<hbm>>
        %dma_start3A_847 = tpu.memref_squeeze %dma_start3A_846 : memref<1x1x80xi32, #tpu.memory_space<hbm>> -> memref<1x80xi32, #tpu.memory_space<hbm>>
        %dma_start3A_848 = arith.constant 0 : i32
        %dma_start3A_849 = arith.constant 0 : i32
        %dma_start3A_850 = tpu.memref_slice %arg7[%dma_start3A_839, %dma_start3A_848, %dma_start3A_849] : memref<8x1x80xi32, #tpu.memory_space<vmem>> -> memref<1x1x80xi32, #tpu.memory_space<vmem>>
        %dma_start3A_851 = tpu.memref_squeeze %dma_start3A_850 : memref<1x1x80xi32, #tpu.memory_space<vmem>> -> memref<1x80xi32, #tpu.memory_space<vmem>>
        %dma_start3A_852 = arith.constant 0 : i32
        %dma_start3A_853 = arith.constant 0 : i32
        %dma_start3A_854 = tpu.memref_slice %arg3[%select_n3A_838, %dma_start3A_852, %dma_start3A_853] : memref<4000x1x80xi32, #tpu.memory_space<hbm>> -> memref<1x1x80xi32, #tpu.memory_space<hbm>>
        %dma_start3A_855 = tpu.memref_squeeze %dma_start3A_854 : memref<1x1x80xi32, #tpu.memory_space<hbm>> -> memref<1x80xi32, #tpu.memory_space<hbm>>
        tpu.enqueue_dma source(%dma_start3A_855 : memref<1x80xi32, #tpu.memory_space<hbm>>) target(%dma_start3A_851 : memref<1x80xi32, #tpu.memory_space<vmem>>) target_semaphore(%arg17 : memref<!tpu.dma_semaphore, #tpu.memory_space<semaphore_mem>>)
        %mul3A_856 = arith.constant 80 : i32
        %mul3A_857 = arith.muli %select_n3A_838, %mul3A_856 : i32
        %dma_start3A_858 = arith.constant 6 : i32
        %dma_start3A_859 = arith.constant 0 : i32
        %dma_start3A_860 = arith.constant 0 : i32
        %dma_start3A_861 = tpu.memref_slice %arg8[%dma_start3A_858, %dma_start3A_859, %dma_start3A_860] : memref<8x80x128xf32, #tpu.memory_space<vmem>> -> memref<1x80x128xf32, #tpu.memory_space<vmem>>
        %dma_start3A_862 = tpu.memref_squeeze %dma_start3A_861 : memref<1x80x128xf32, #tpu.memory_space<vmem>> -> memref<80x128xf32, #tpu.memory_space<vmem>>
        %dma_start3A_863 = arith.constant 0 : i32
        %dma_start3A_864 = tpu.memref_slice %arg2[%mul3A_857, %dma_start3A_863] : memref<320000x128xf32, #tpu.memory_space<hbm>> -> memref<80x128xf32, #tpu.memory_space<hbm>>
        %dma_start3A_865 = arith.constant 0 : i32
        %dma_start3A_866 = arith.constant 0 : i32
        %dma_start3A_867 = tpu.memref_slice %arg8[%dma_start3A_858, %dma_start3A_865, %dma_start3A_866] : memref<8x80x128xf32, #tpu.memory_space<vmem>> -> memref<1x80x128xf32, #tpu.memory_space<vmem>>
        %dma_start3A_868 = tpu.memref_squeeze %dma_start3A_867 : memref<1x80x128xf32, #tpu.memory_space<vmem>> -> memref<80x128xf32, #tpu.memory_space<vmem>>
        %dma_start3A_869 = arith.constant 0 : i32
        %dma_start3A_870 = tpu.memref_slice %arg2[%mul3A_857, %dma_start3A_869] : memref<320000x128xf32, #tpu.memory_space<hbm>> -> memref<80x128xf32, #tpu.memory_space<hbm>>
        tpu.enqueue_dma source(%dma_start3A_870 : memref<80x128xf32, #tpu.memory_space<hbm>>) target(%dma_start3A_868 : memref<80x128xf32, #tpu.memory_space<vmem>>) target_semaphore(%arg17 : memref<!tpu.dma_semaphore, #tpu.memory_space<semaphore_mem>>)
      } else {
      }
      %add3A_797 = arith.constant 1 : i32
      %add3A_798 = arith.addi %scan3A_497, %add3A_797 : i32
      %mul3A_799 = arith.constant 8 : i32
      %mul3A_800 = arith.muli %add3A_798, %mul3A_799 : i32
      %add3A_801 = arith.constant 7 : i32
      %add3A_802 = arith.addi %mul3A_800, %add3A_801 : i32
      %mul3A_803 = arith.constant 16 : i32
      %mul3A_804 = arith.muli %mul3A_803, %add3A_802 : i32
      %add3A_805 = arith.addi %arg1, %mul3A_804 : i32
      %sub3A_806 = arith.constant 249 : i32
      %sub3A_807 = arith.subi %sub3A_806, %add3A_802 : i32
      %mul3A_808 = arith.constant 16 : i32
      %mul3A_809 = arith.muli %mul3A_808, %sub3A_807 : i32
      %add3A_810 = arith.addi %arg1, %mul3A_809 : i32
      %select_n3A_811 = arith.select %eq3A_0, %add3A_805, %add3A_810 : i32
      %lt3A_812 = arith.cmpi slt, %select_n3A_811, %select_n3A : i32
      %ge3A_813 = arith.cmpi sge, %select_n3A_811, %select_n3A_45 : i32
      %select_n3A_814 = arith.select %eq3A_0, %lt3A_812, %ge3A_813 : i1
      %convert_element_type3A_815 = arith.extui %select_n3A_814 : i1 to i32
      %cond3A_816 = arith.constant 0 : i32
      %cond3A_817 = arith.cmpi ne, %convert_element_type3A_815, %cond3A_816 : i32
      scf.if %cond3A_817 {
        %dma_wait3A = arith.constant 7 : i32
        %dma_wait3A_818 = arith.constant 0 : i32
        %dma_wait3A_819 = arith.constant 0 : i32
        %dma_wait3A_820 = arith.constant 0 : i32
        %dma_wait3A_821 = arith.constant 0 : i32
        %dma_wait3A_822 = tpu.memref_slice %arg8[%dma_wait3A, %dma_wait3A_820, %dma_wait3A_821] : memref<8x80x128xf32, #tpu.memory_space<vmem>> -> memref<1x80x128xf32, #tpu.memory_space<vmem>>
        %dma_wait3A_823 = tpu.memref_squeeze %dma_wait3A_822 : memref<1x80x128xf32, #tpu.memory_space<vmem>> -> memref<80x128xf32, #tpu.memory_space<vmem>>
        %dma_wait3A_824 = arith.constant 0 : i32
        %dma_wait3A_825 = tpu.memref_slice %arg7[%dma_wait3A_818, %dma_wait3A_819, %dma_wait3A_824] : memref<8x1x80xi32, #tpu.memory_space<vmem>> -> memref<1x1x80xi32, #tpu.memory_space<vmem>>
        %dma_wait3A_826 = tpu.memref_squeeze %dma_wait3A_825 : memref<1x1x80xi32, #tpu.memory_space<vmem>> -> memref<80xi32, #tpu.memory_space<vmem>>
        %dma_wait3A_827 = arith.constant 0 : i32
        %dma_wait3A_828 = arith.constant 0 : i32
        %dma_wait3A_829 = tpu.memref_slice %arg6[%dma_wait3A_827, %dma_wait3A_828] : memref<5008x128xf32, #tpu.memory_space<vmem_shared>> -> memref<5008x128xf32, #tpu.memory_space<vmem_shared>>
        tpu.wait_indirect_dma semaphore(%arg26 : memref<!tpu.dma_semaphore, #tpu.memory_space<semaphore_mem>>) src(%dma_wait3A_823 : memref<80x128xf32, #tpu.memory_space<vmem>>) dst(%dma_wait3A_829 : memref<5008x128xf32, #tpu.memory_space<vmem_shared>>)
        %mul3A_830 = arith.constant 16 : i32
        %mul3A_831 = arith.muli %mul3A_830, %add3A_802 : i32
        %add3A_832 = arith.addi %arg1, %mul3A_831 : i32
        %sub3A_833 = arith.constant 249 : i32
        %sub3A_834 = arith.subi %sub3A_833, %add3A_802 : i32
        %mul3A_835 = arith.constant 16 : i32
        %mul3A_836 = arith.muli %mul3A_835, %sub3A_834 : i32
        %add3A_837 = arith.addi %arg1, %mul3A_836 : i32
        %select_n3A_838 = arith.select %eq3A_0, %add3A_832, %add3A_837 : i32
        %dma_start3A_839 = arith.constant 7 : i32
        %dma_start3A_840 = arith.constant 0 : i32
        %dma_start3A_841 = arith.constant 0 : i32
        %dma_start3A_842 = tpu.memref_slice %arg7[%dma_start3A_839, %dma_start3A_840, %dma_start3A_841] : memref<8x1x80xi32, #tpu.memory_space<vmem>> -> memref<1x1x80xi32, #tpu.memory_space<vmem>>
        %dma_start3A_843 = tpu.memref_squeeze %dma_start3A_842 : memref<1x1x80xi32, #tpu.memory_space<vmem>> -> memref<1x80xi32, #tpu.memory_space<vmem>>
        %dma_start3A_844 = arith.constant 0 : i32
        %dma_start3A_845 = arith.constant 0 : i32
        %dma_start3A_846 = tpu.memref_slice %arg3[%select_n3A_838, %dma_start3A_844, %dma_start3A_845] : memref<4000x1x80xi32, #tpu.memory_space<hbm>> -> memref<1x1x80xi32, #tpu.memory_space<hbm>>
        %dma_start3A_847 = tpu.memref_squeeze %dma_start3A_846 : memref<1x1x80xi32, #tpu.memory_space<hbm>> -> memref<1x80xi32, #tpu.memory_space<hbm>>
        %dma_start3A_848 = arith.constant 0 : i32
        %dma_start3A_849 = arith.constant 0 : i32
        %dma_start3A_850 = tpu.memref_slice %arg7[%dma_start3A_839, %dma_start3A_848, %dma_start3A_849] : memref<8x1x80xi32, #tpu.memory_space<vmem>> -> memref<1x1x80xi32, #tpu.memory_space<vmem>>
        %dma_start3A_851 = tpu.memref_squeeze %dma_start3A_850 : memref<1x1x80xi32, #tpu.memory_space<vmem>> -> memref<1x80xi32, #tpu.memory_space<vmem>>
        %dma_start3A_852 = arith.constant 0 : i32
        %dma_start3A_853 = arith.constant 0 : i32
        %dma_start3A_854 = tpu.memref_slice %arg3[%select_n3A_838, %dma_start3A_852, %dma_start3A_853] : memref<4000x1x80xi32, #tpu.memory_space<hbm>> -> memref<1x1x80xi32, #tpu.memory_space<hbm>>
        %dma_start3A_855 = tpu.memref_squeeze %dma_start3A_854 : memref<1x1x80xi32, #tpu.memory_space<hbm>> -> memref<1x80xi32, #tpu.memory_space<hbm>>
        tpu.enqueue_dma source(%dma_start3A_855 : memref<1x80xi32, #tpu.memory_space<hbm>>) target(%dma_start3A_851 : memref<1x80xi32, #tpu.memory_space<vmem>>) target_semaphore(%arg18 : memref<!tpu.dma_semaphore, #tpu.memory_space<semaphore_mem>>)
        %mul3A_856 = arith.constant 80 : i32
        %mul3A_857 = arith.muli %select_n3A_838, %mul3A_856 : i32
        %dma_start3A_858 = arith.constant 7 : i32
        %dma_start3A_859 = arith.constant 0 : i32
        %dma_start3A_860 = arith.constant 0 : i32
        %dma_start3A_861 = tpu.memref_slice %arg8[%dma_start3A_858, %dma_start3A_859, %dma_start3A_860] : memref<8x80x128xf32, #tpu.memory_space<vmem>> -> memref<1x80x128xf32, #tpu.memory_space<vmem>>
        %dma_start3A_862 = tpu.memref_squeeze %dma_start3A_861 : memref<1x80x128xf32, #tpu.memory_space<vmem>> -> memref<80x128xf32, #tpu.memory_space<vmem>>
        %dma_start3A_863 = arith.constant 0 : i32
        %dma_start3A_864 = tpu.memref_slice %arg2[%mul3A_857, %dma_start3A_863] : memref<320000x128xf32, #tpu.memory_space<hbm>> -> memref<80x128xf32, #tpu.memory_space<hbm>>
        %dma_start3A_865 = arith.constant 0 : i32
        %dma_start3A_866 = arith.constant 0 : i32
        %dma_start3A_867 = tpu.memref_slice %arg8[%dma_start3A_858, %dma_start3A_865, %dma_start3A_866] : memref<8x80x128xf32, #tpu.memory_space<vmem>> -> memref<1x80x128xf32, #tpu.memory_space<vmem>>
        %dma_start3A_868 = tpu.memref_squeeze %dma_start3A_867 : memref<1x80x128xf32, #tpu.memory_space<vmem>> -> memref<80x128xf32, #tpu.memory_space<vmem>>
        %dma_start3A_869 = arith.constant 0 : i32
        %dma_start3A_870 = tpu.memref_slice %arg2[%mul3A_857, %dma_start3A_869] : memref<320000x128xf32, #tpu.memory_space<hbm>> -> memref<80x128xf32, #tpu.memory_space<hbm>>
        tpu.enqueue_dma source(%dma_start3A_870 : memref<80x128xf32, #tpu.memory_space<hbm>>) target(%dma_start3A_868 : memref<80x128xf32, #tpu.memory_space<vmem>>) target_semaphore(%arg18 : memref<!tpu.dma_semaphore, #tpu.memory_space<semaphore_mem>>)
      } else {
      }
    }
    %scan3A_310 = arith.constant 32 : i32
    %add3A_311 = arith.constant 0 : i32
    %add3A_312 = arith.addi %arg1, %add3A_311 : i32
    %add3A_313 = arith.constant 3984 : i32
    %add3A_314 = arith.addi %arg1, %add3A_313 : i32
    %select_n3A_315 = arith.select %eq3A_0, %add3A_312, %add3A_314 : i32
    %lt3A_316 = arith.cmpi slt, %select_n3A_315, %select_n3A : i32
    %ge3A_317 = arith.cmpi sge, %select_n3A_315, %select_n3A_45 : i32
    %select_n3A_318 = arith.select %eq3A_0, %lt3A_316, %ge3A_317 : i1
    %convert_element_type3A_319 = arith.extui %select_n3A_318 : i1 to i32
    %cond3A_320 = arith.constant 0 : i32
    %cond3A_321 = arith.cmpi ne, %convert_element_type3A_319, %cond3A_320 : i32
    scf.if %cond3A_321 {
      %dma_wait3A = arith.constant 0 : i32
      %dma_wait3A_497 = arith.constant 0 : i32
      %dma_wait3A_498 = arith.constant 0 : i32
      %dma_wait3A_499 = arith.constant 0 : i32
      %dma_wait3A_500 = arith.constant 0 : i32
      %dma_wait3A_501 = tpu.memref_slice %arg8[%dma_wait3A, %dma_wait3A_499, %dma_wait3A_500] : memref<8x80x128xf32, #tpu.memory_space<vmem>> -> memref<1x80x128xf32, #tpu.memory_space<vmem>>
      %dma_wait3A_502 = tpu.memref_squeeze %dma_wait3A_501 : memref<1x80x128xf32, #tpu.memory_space<vmem>> -> memref<80x128xf32, #tpu.memory_space<vmem>>
      %dma_wait3A_503 = arith.constant 0 : i32
      %dma_wait3A_504 = tpu.memref_slice %arg7[%dma_wait3A_497, %dma_wait3A_498, %dma_wait3A_503] : memref<8x1x80xi32, #tpu.memory_space<vmem>> -> memref<1x1x80xi32, #tpu.memory_space<vmem>>
      %dma_wait3A_505 = tpu.memref_squeeze %dma_wait3A_504 : memref<1x1x80xi32, #tpu.memory_space<vmem>> -> memref<80xi32, #tpu.memory_space<vmem>>
      %dma_wait3A_506 = arith.constant 0 : i32
      %dma_wait3A_507 = arith.constant 0 : i32
      %dma_wait3A_508 = tpu.memref_slice %arg6[%dma_wait3A_506, %dma_wait3A_507] : memref<5008x128xf32, #tpu.memory_space<vmem_shared>> -> memref<5008x128xf32, #tpu.memory_space<vmem_shared>>
      tpu.wait_indirect_dma semaphore(%arg19 : memref<!tpu.dma_semaphore, #tpu.memory_space<semaphore_mem>>) src(%dma_wait3A_502 : memref<80x128xf32, #tpu.memory_space<vmem>>) dst(%dma_wait3A_508 : memref<5008x128xf32, #tpu.memory_space<vmem_shared>>)
    } else {
    }
    %add3A_322 = arith.constant 16 : i32
    %add3A_323 = arith.addi %arg1, %add3A_322 : i32
    %add3A_324 = arith.constant 3968 : i32
    %add3A_325 = arith.addi %arg1, %add3A_324 : i32
    %select_n3A_326 = arith.select %eq3A_0, %add3A_323, %add3A_325 : i32
    %lt3A_327 = arith.cmpi slt, %select_n3A_326, %select_n3A : i32
    %ge3A_328 = arith.cmpi sge, %select_n3A_326, %select_n3A_45 : i32
    %select_n3A_329 = arith.select %eq3A_0, %lt3A_327, %ge3A_328 : i1
    %convert_element_type3A_330 = arith.extui %select_n3A_329 : i1 to i32
    %cond3A_331 = arith.constant 0 : i32
    %cond3A_332 = arith.cmpi ne, %convert_element_type3A_330, %cond3A_331 : i32
    scf.if %cond3A_332 {
      %dma_wait3A = arith.constant 1 : i32
      %dma_wait3A_497 = arith.constant 0 : i32
      %dma_wait3A_498 = arith.constant 0 : i32
      %dma_wait3A_499 = arith.constant 0 : i32
      %dma_wait3A_500 = arith.constant 0 : i32
      %dma_wait3A_501 = tpu.memref_slice %arg8[%dma_wait3A, %dma_wait3A_499, %dma_wait3A_500] : memref<8x80x128xf32, #tpu.memory_space<vmem>> -> memref<1x80x128xf32, #tpu.memory_space<vmem>>
      %dma_wait3A_502 = tpu.memref_squeeze %dma_wait3A_501 : memref<1x80x128xf32, #tpu.memory_space<vmem>> -> memref<80x128xf32, #tpu.memory_space<vmem>>
      %dma_wait3A_503 = arith.constant 0 : i32
      %dma_wait3A_504 = tpu.memref_slice %arg7[%dma_wait3A_497, %dma_wait3A_498, %dma_wait3A_503] : memref<8x1x80xi32, #tpu.memory_space<vmem>> -> memref<1x1x80xi32, #tpu.memory_space<vmem>>
      %dma_wait3A_505 = tpu.memref_squeeze %dma_wait3A_504 : memref<1x1x80xi32, #tpu.memory_space<vmem>> -> memref<80xi32, #tpu.memory_space<vmem>>
      %dma_wait3A_506 = arith.constant 0 : i32
      %dma_wait3A_507 = arith.constant 0 : i32
      %dma_wait3A_508 = tpu.memref_slice %arg6[%dma_wait3A_506, %dma_wait3A_507] : memref<5008x128xf32, #tpu.memory_space<vmem_shared>> -> memref<5008x128xf32, #tpu.memory_space<vmem_shared>>
      tpu.wait_indirect_dma semaphore(%arg20 : memref<!tpu.dma_semaphore, #tpu.memory_space<semaphore_mem>>) src(%dma_wait3A_502 : memref<80x128xf32, #tpu.memory_space<vmem>>) dst(%dma_wait3A_508 : memref<5008x128xf32, #tpu.memory_space<vmem_shared>>)
    } else {
    }
    %add3A_333 = arith.constant 32 : i32
    %add3A_334 = arith.addi %arg1, %add3A_333 : i32
    %add3A_335 = arith.constant 3952 : i32
    %add3A_336 = arith.addi %arg1, %add3A_335 : i32
    %select_n3A_337 = arith.select %eq3A_0, %add3A_334, %add3A_336 : i32
    %lt3A_338 = arith.cmpi slt, %select_n3A_337, %select_n3A : i32
    %ge3A_339 = arith.cmpi sge, %select_n3A_337, %select_n3A_45 : i32
    %select_n3A_340 = arith.select %eq3A_0, %lt3A_338, %ge3A_339 : i1
    %convert_element_type3A_341 = arith.extui %select_n3A_340 : i1 to i32
    %cond3A_342 = arith.constant 0 : i32
    %cond3A_343 = arith.cmpi ne, %convert_element_type3A_341, %cond3A_342 : i32
    scf.if %cond3A_343 {
      %dma_wait3A = arith.constant 2 : i32
      %dma_wait3A_497 = arith.constant 0 : i32
      %dma_wait3A_498 = arith.constant 0 : i32
      %dma_wait3A_499 = arith.constant 0 : i32
      %dma_wait3A_500 = arith.constant 0 : i32
      %dma_wait3A_501 = tpu.memref_slice %arg8[%dma_wait3A, %dma_wait3A_499, %dma_wait3A_500] : memref<8x80x128xf32, #tpu.memory_space<vmem>> -> memref<1x80x128xf32, #tpu.memory_space<vmem>>
      %dma_wait3A_502 = tpu.memref_squeeze %dma_wait3A_501 : memref<1x80x128xf32, #tpu.memory_space<vmem>> -> memref<80x128xf32, #tpu.memory_space<vmem>>
      %dma_wait3A_503 = arith.constant 0 : i32
      %dma_wait3A_504 = tpu.memref_slice %arg7[%dma_wait3A_497, %dma_wait3A_498, %dma_wait3A_503] : memref<8x1x80xi32, #tpu.memory_space<vmem>> -> memref<1x1x80xi32, #tpu.memory_space<vmem>>
      %dma_wait3A_505 = tpu.memref_squeeze %dma_wait3A_504 : memref<1x1x80xi32, #tpu.memory_space<vmem>> -> memref<80xi32, #tpu.memory_space<vmem>>
      %dma_wait3A_506 = arith.constant 0 : i32
      %dma_wait3A_507 = arith.constant 0 : i32
      %dma_wait3A_508 = tpu.memref_slice %arg6[%dma_wait3A_506, %dma_wait3A_507] : memref<5008x128xf32, #tpu.memory_space<vmem_shared>> -> memref<5008x128xf32, #tpu.memory_space<vmem_shared>>
      tpu.wait_indirect_dma semaphore(%arg21 : memref<!tpu.dma_semaphore, #tpu.memory_space<semaphore_mem>>) src(%dma_wait3A_502 : memref<80x128xf32, #tpu.memory_space<vmem>>) dst(%dma_wait3A_508 : memref<5008x128xf32, #tpu.memory_space<vmem_shared>>)
    } else {
    }
    %add3A_344 = arith.constant 48 : i32
    %add3A_345 = arith.addi %arg1, %add3A_344 : i32
    %add3A_346 = arith.constant 3936 : i32
    %add3A_347 = arith.addi %arg1, %add3A_346 : i32
    %select_n3A_348 = arith.select %eq3A_0, %add3A_345, %add3A_347 : i32
    %lt3A_349 = arith.cmpi slt, %select_n3A_348, %select_n3A : i32
    %ge3A_350 = arith.cmpi sge, %select_n3A_348, %select_n3A_45 : i32
    %select_n3A_351 = arith.select %eq3A_0, %lt3A_349, %ge3A_350 : i1
    %convert_element_type3A_352 = arith.extui %select_n3A_351 : i1 to i32
    %cond3A_353 = arith.constant 0 : i32
    %cond3A_354 = arith.cmpi ne, %convert_element_type3A_352, %cond3A_353 : i32
    scf.if %cond3A_354 {
      %dma_wait3A = arith.constant 3 : i32
      %dma_wait3A_497 = arith.constant 0 : i32
      %dma_wait3A_498 = arith.constant 0 : i32
      %dma_wait3A_499 = arith.constant 0 : i32
      %dma_wait3A_500 = arith.constant 0 : i32
      %dma_wait3A_501 = tpu.memref_slice %arg8[%dma_wait3A, %dma_wait3A_499, %dma_wait3A_500] : memref<8x80x128xf32, #tpu.memory_space<vmem>> -> memref<1x80x128xf32, #tpu.memory_space<vmem>>
      %dma_wait3A_502 = tpu.memref_squeeze %dma_wait3A_501 : memref<1x80x128xf32, #tpu.memory_space<vmem>> -> memref<80x128xf32, #tpu.memory_space<vmem>>
      %dma_wait3A_503 = arith.constant 0 : i32
      %dma_wait3A_504 = tpu.memref_slice %arg7[%dma_wait3A_497, %dma_wait3A_498, %dma_wait3A_503] : memref<8x1x80xi32, #tpu.memory_space<vmem>> -> memref<1x1x80xi32, #tpu.memory_space<vmem>>
      %dma_wait3A_505 = tpu.memref_squeeze %dma_wait3A_504 : memref<1x1x80xi32, #tpu.memory_space<vmem>> -> memref<80xi32, #tpu.memory_space<vmem>>
      %dma_wait3A_506 = arith.constant 0 : i32
      %dma_wait3A_507 = arith.constant 0 : i32
      %dma_wait3A_508 = tpu.memref_slice %arg6[%dma_wait3A_506, %dma_wait3A_507] : memref<5008x128xf32, #tpu.memory_space<vmem_shared>> -> memref<5008x128xf32, #tpu.memory_space<vmem_shared>>
      tpu.wait_indirect_dma semaphore(%arg22 : memref<!tpu.dma_semaphore, #tpu.memory_space<semaphore_mem>>) src(%dma_wait3A_502 : memref<80x128xf32, #tpu.memory_space<vmem>>) dst(%dma_wait3A_508 : memref<5008x128xf32, #tpu.memory_space<vmem_shared>>)
    } else {
    }
    %add3A_355 = arith.constant 64 : i32
    %add3A_356 = arith.addi %arg1, %add3A_355 : i32
    %add3A_357 = arith.constant 3920 : i32
    %add3A_358 = arith.addi %arg1, %add3A_357 : i32
    %select_n3A_359 = arith.select %eq3A_0, %add3A_356, %add3A_358 : i32
    %lt3A_360 = arith.cmpi slt, %select_n3A_359, %select_n3A : i32
    %ge3A_361 = arith.cmpi sge, %select_n3A_359, %select_n3A_45 : i32
    %select_n3A_362 = arith.select %eq3A_0, %lt3A_360, %ge3A_361 : i1
    %convert_element_type3A_363 = arith.extui %select_n3A_362 : i1 to i32
    %cond3A_364 = arith.constant 0 : i32
    %cond3A_365 = arith.cmpi ne, %convert_element_type3A_363, %cond3A_364 : i32
    scf.if %cond3A_365 {
      %dma_wait3A = arith.constant 4 : i32
      %dma_wait3A_497 = arith.constant 0 : i32
      %dma_wait3A_498 = arith.constant 0 : i32
      %dma_wait3A_499 = arith.constant 0 : i32
      %dma_wait3A_500 = arith.constant 0 : i32
      %dma_wait3A_501 = tpu.memref_slice %arg8[%dma_wait3A, %dma_wait3A_499, %dma_wait3A_500] : memref<8x80x128xf32, #tpu.memory_space<vmem>> -> memref<1x80x128xf32, #tpu.memory_space<vmem>>
      %dma_wait3A_502 = tpu.memref_squeeze %dma_wait3A_501 : memref<1x80x128xf32, #tpu.memory_space<vmem>> -> memref<80x128xf32, #tpu.memory_space<vmem>>
      %dma_wait3A_503 = arith.constant 0 : i32
      %dma_wait3A_504 = tpu.memref_slice %arg7[%dma_wait3A_497, %dma_wait3A_498, %dma_wait3A_503] : memref<8x1x80xi32, #tpu.memory_space<vmem>> -> memref<1x1x80xi32, #tpu.memory_space<vmem>>
      %dma_wait3A_505 = tpu.memref_squeeze %dma_wait3A_504 : memref<1x1x80xi32, #tpu.memory_space<vmem>> -> memref<80xi32, #tpu.memory_space<vmem>>
      %dma_wait3A_506 = arith.constant 0 : i32
      %dma_wait3A_507 = arith.constant 0 : i32
      %dma_wait3A_508 = tpu.memref_slice %arg6[%dma_wait3A_506, %dma_wait3A_507] : memref<5008x128xf32, #tpu.memory_space<vmem_shared>> -> memref<5008x128xf32, #tpu.memory_space<vmem_shared>>
      tpu.wait_indirect_dma semaphore(%arg23 : memref<!tpu.dma_semaphore, #tpu.memory_space<semaphore_mem>>) src(%dma_wait3A_502 : memref<80x128xf32, #tpu.memory_space<vmem>>) dst(%dma_wait3A_508 : memref<5008x128xf32, #tpu.memory_space<vmem_shared>>)
    } else {
    }
    %add3A_366 = arith.constant 80 : i32
    %add3A_367 = arith.addi %arg1, %add3A_366 : i32
    %add3A_368 = arith.constant 3904 : i32
    %add3A_369 = arith.addi %arg1, %add3A_368 : i32
    %select_n3A_370 = arith.select %eq3A_0, %add3A_367, %add3A_369 : i32
    %lt3A_371 = arith.cmpi slt, %select_n3A_370, %select_n3A : i32
    %ge3A_372 = arith.cmpi sge, %select_n3A_370, %select_n3A_45 : i32
    %select_n3A_373 = arith.select %eq3A_0, %lt3A_371, %ge3A_372 : i1
    %convert_element_type3A_374 = arith.extui %select_n3A_373 : i1 to i32
    %cond3A_375 = arith.constant 0 : i32
    %cond3A_376 = arith.cmpi ne, %convert_element_type3A_374, %cond3A_375 : i32
    scf.if %cond3A_376 {
      %dma_wait3A = arith.constant 5 : i32
      %dma_wait3A_497 = arith.constant 0 : i32
      %dma_wait3A_498 = arith.constant 0 : i32
      %dma_wait3A_499 = arith.constant 0 : i32
      %dma_wait3A_500 = arith.constant 0 : i32
      %dma_wait3A_501 = tpu.memref_slice %arg8[%dma_wait3A, %dma_wait3A_499, %dma_wait3A_500] : memref<8x80x128xf32, #tpu.memory_space<vmem>> -> memref<1x80x128xf32, #tpu.memory_space<vmem>>
      %dma_wait3A_502 = tpu.memref_squeeze %dma_wait3A_501 : memref<1x80x128xf32, #tpu.memory_space<vmem>> -> memref<80x128xf32, #tpu.memory_space<vmem>>
      %dma_wait3A_503 = arith.constant 0 : i32
      %dma_wait3A_504 = tpu.memref_slice %arg7[%dma_wait3A_497, %dma_wait3A_498, %dma_wait3A_503] : memref<8x1x80xi32, #tpu.memory_space<vmem>> -> memref<1x1x80xi32, #tpu.memory_space<vmem>>
      %dma_wait3A_505 = tpu.memref_squeeze %dma_wait3A_504 : memref<1x1x80xi32, #tpu.memory_space<vmem>> -> memref<80xi32, #tpu.memory_space<vmem>>
      %dma_wait3A_506 = arith.constant 0 : i32
      %dma_wait3A_507 = arith.constant 0 : i32
      %dma_wait3A_508 = tpu.memref_slice %arg6[%dma_wait3A_506, %dma_wait3A_507] : memref<5008x128xf32, #tpu.memory_space<vmem_shared>> -> memref<5008x128xf32, #tpu.memory_space<vmem_shared>>
      tpu.wait_indirect_dma semaphore(%arg24 : memref<!tpu.dma_semaphore, #tpu.memory_space<semaphore_mem>>) src(%dma_wait3A_502 : memref<80x128xf32, #tpu.memory_space<vmem>>) dst(%dma_wait3A_508 : memref<5008x128xf32, #tpu.memory_space<vmem_shared>>)
    } else {
    }
    %add3A_377 = arith.constant 96 : i32
    %add3A_378 = arith.addi %arg1, %add3A_377 : i32
    %add3A_379 = arith.constant 3888 : i32
    %add3A_380 = arith.addi %arg1, %add3A_379 : i32
    %select_n3A_381 = arith.select %eq3A_0, %add3A_378, %add3A_380 : i32
    %lt3A_382 = arith.cmpi slt, %select_n3A_381, %select_n3A : i32
    %ge3A_383 = arith.cmpi sge, %select_n3A_381, %select_n3A_45 : i32
    %select_n3A_384 = arith.select %eq3A_0, %lt3A_382, %ge3A_383 : i1
    %convert_element_type3A_385 = arith.extui %select_n3A_384 : i1 to i32
    %cond3A_386 = arith.constant 0 : i32
    %cond3A_387 = arith.cmpi ne, %convert_element_type3A_385, %cond3A_386 : i32
    scf.if %cond3A_387 {
      %dma_wait3A = arith.constant 6 : i32
      %dma_wait3A_497 = arith.constant 0 : i32
      %dma_wait3A_498 = arith.constant 0 : i32
      %dma_wait3A_499 = arith.constant 0 : i32
      %dma_wait3A_500 = arith.constant 0 : i32
      %dma_wait3A_501 = tpu.memref_slice %arg8[%dma_wait3A, %dma_wait3A_499, %dma_wait3A_500] : memref<8x80x128xf32, #tpu.memory_space<vmem>> -> memref<1x80x128xf32, #tpu.memory_space<vmem>>
      %dma_wait3A_502 = tpu.memref_squeeze %dma_wait3A_501 : memref<1x80x128xf32, #tpu.memory_space<vmem>> -> memref<80x128xf32, #tpu.memory_space<vmem>>
      %dma_wait3A_503 = arith.constant 0 : i32
      %dma_wait3A_504 = tpu.memref_slice %arg7[%dma_wait3A_497, %dma_wait3A_498, %dma_wait3A_503] : memref<8x1x80xi32, #tpu.memory_space<vmem>> -> memref<1x1x80xi32, #tpu.memory_space<vmem>>
      %dma_wait3A_505 = tpu.memref_squeeze %dma_wait3A_504 : memref<1x1x80xi32, #tpu.memory_space<vmem>> -> memref<80xi32, #tpu.memory_space<vmem>>
      %dma_wait3A_506 = arith.constant 0 : i32
      %dma_wait3A_507 = arith.constant 0 : i32
      %dma_wait3A_508 = tpu.memref_slice %arg6[%dma_wait3A_506, %dma_wait3A_507] : memref<5008x128xf32, #tpu.memory_space<vmem_shared>> -> memref<5008x128xf32, #tpu.memory_space<vmem_shared>>
      tpu.wait_indirect_dma semaphore(%arg25 : memref<!tpu.dma_semaphore, #tpu.memory_space<semaphore_mem>>) src(%dma_wait3A_502 : memref<80x128xf32, #tpu.memory_space<vmem>>) dst(%dma_wait3A_508 : memref<5008x128xf32, #tpu.memory_space<vmem_shared>>)
    } else {
    }
    %add3A_388 = arith.constant 112 : i32
    %add3A_389 = arith.addi %arg1, %add3A_388 : i32
    %add3A_390 = arith.constant 3872 : i32
    %add3A_391 = arith.addi %arg1, %add3A_390 : i32
    %select_n3A_392 = arith.select %eq3A_0, %add3A_389, %add3A_391 : i32
    %lt3A_393 = arith.cmpi slt, %select_n3A_392, %select_n3A : i32
    %ge3A_394 = arith.cmpi sge, %select_n3A_392, %select_n3A_45 : i32
    %select_n3A_395 = arith.select %eq3A_0, %lt3A_393, %ge3A_394 : i1
    %convert_element_type3A_396 = arith.extui %select_n3A_395 : i1 to i32
    %cond3A_397 = arith.constant 0 : i32
    %cond3A_398 = arith.cmpi ne, %convert_element_type3A_396, %cond3A_397 : i32
    scf.if %cond3A_398 {
      %dma_wait3A = arith.constant 7 : i32
      %dma_wait3A_497 = arith.constant 0 : i32
      %dma_wait3A_498 = arith.constant 0 : i32
      %dma_wait3A_499 = arith.constant 0 : i32
      %dma_wait3A_500 = arith.constant 0 : i32
      %dma_wait3A_501 = tpu.memref_slice %arg8[%dma_wait3A, %dma_wait3A_499, %dma_wait3A_500] : memref<8x80x128xf32, #tpu.memory_space<vmem>> -> memref<1x80x128xf32, #tpu.memory_space<vmem>>
      %dma_wait3A_502 = tpu.memref_squeeze %dma_wait3A_501 : memref<1x80x128xf32, #tpu.memory_space<vmem>> -> memref<80x128xf32, #tpu.memory_space<vmem>>
      %dma_wait3A_503 = arith.constant 0 : i32
      %dma_wait3A_504 = tpu.memref_slice %arg7[%dma_wait3A_497, %dma_wait3A_498, %dma_wait3A_503] : memref<8x1x80xi32, #tpu.memory_space<vmem>> -> memref<1x1x80xi32, #tpu.memory_space<vmem>>
      %dma_wait3A_505 = tpu.memref_squeeze %dma_wait3A_504 : memref<1x1x80xi32, #tpu.memory_space<vmem>> -> memref<80xi32, #tpu.memory_space<vmem>>
      %dma_wait3A_506 = arith.constant 0 : i32
      %dma_wait3A_507 = arith.constant 0 : i32
      %dma_wait3A_508 = tpu.memref_slice %arg6[%dma_wait3A_506, %dma_wait3A_507] : memref<5008x128xf32, #tpu.memory_space<vmem_shared>> -> memref<5008x128xf32, #tpu.memory_space<vmem_shared>>
      tpu.wait_indirect_dma semaphore(%arg26 : memref<!tpu.dma_semaphore, #tpu.memory_space<semaphore_mem>>) src(%dma_wait3A_502 : memref<80x128xf32, #tpu.memory_space<vmem>>) dst(%dma_wait3A_508 : memref<5008x128xf32, #tpu.memory_space<vmem_shared>>)
    } else {
    }
    %barrier3A_399 = arith.constant 0 : index
    tpu.barrier barrier_id(%barrier3A_399)
    %add3A_400 = arith.constant 0 : i32
    %add3A_401 = arith.addi %arg1, %add3A_400 : i32
    %mul3A_402 = arith.constant 40 : i32
    %mul3A_403 = arith.muli %add3A_401, %mul3A_402 : i32
    %mul3A_404 = arith.constant 40 : i32
    %mul3A_405 = arith.muli %add3A_401, %mul3A_404 : i32
    %dma_start3A_406 = arith.constant 0 : i32
    %dma_start3A_407 = tpu.memref_slice %arg5[%arg0, %mul3A_405, %dma_start3A_406] : memref<2x5000x128xf32, #tpu.memory_space<hbm>> -> memref<1x40x128xf32, #tpu.memory_space<hbm>>
    %dma_start3A_408 = tpu.memref_squeeze %dma_start3A_407 : memref<1x40x128xf32, #tpu.memory_space<hbm>> -> memref<40x128xf32, #tpu.memory_space<hbm>>
    %dma_start3A_409 = arith.constant 0 : i32
    %dma_start3A_410 = tpu.memref_slice %arg6[%mul3A_403, %dma_start3A_409] : memref<5008x128xf32, #tpu.memory_space<vmem_shared>> -> memref<40x128xf32, #tpu.memory_space<vmem_shared>>
    tpu.enqueue_dma source(%dma_start3A_410 : memref<40x128xf32, #tpu.memory_space<vmem_shared>>) target(%dma_start3A_408 : memref<40x128xf32, #tpu.memory_space<hbm>>) target_semaphore(%arg27 : memref<!tpu.dma_semaphore, #tpu.memory_space<semaphore_mem>>)
    %add3A_411 = arith.constant 16 : i32
    %add3A_412 = arith.addi %arg1, %add3A_411 : i32
    %mul3A_413 = arith.constant 40 : i32
    %mul3A_414 = arith.muli %add3A_412, %mul3A_413 : i32
    %mul3A_415 = arith.constant 40 : i32
    %mul3A_416 = arith.muli %add3A_412, %mul3A_415 : i32
    %dma_start3A_417 = arith.constant 0 : i32
    %dma_start3A_418 = tpu.memref_slice %arg5[%arg0, %mul3A_416, %dma_start3A_417] : memref<2x5000x128xf32, #tpu.memory_space<hbm>> -> memref<1x40x128xf32, #tpu.memory_space<hbm>>
    %dma_start3A_419 = tpu.memref_squeeze %dma_start3A_418 : memref<1x40x128xf32, #tpu.memory_space<hbm>> -> memref<40x128xf32, #tpu.memory_space<hbm>>
    %dma_start3A_420 = arith.constant 0 : i32
    %dma_start3A_421 = tpu.memref_slice %arg6[%mul3A_414, %dma_start3A_420] : memref<5008x128xf32, #tpu.memory_space<vmem_shared>> -> memref<40x128xf32, #tpu.memory_space<vmem_shared>>
    tpu.enqueue_dma source(%dma_start3A_421 : memref<40x128xf32, #tpu.memory_space<vmem_shared>>) target(%dma_start3A_419 : memref<40x128xf32, #tpu.memory_space<hbm>>) target_semaphore(%arg27 : memref<!tpu.dma_semaphore, #tpu.memory_space<semaphore_mem>>)
    %add3A_422 = arith.constant 32 : i32
    %add3A_423 = arith.addi %arg1, %add3A_422 : i32
    %mul3A_424 = arith.constant 40 : i32
    %mul3A_425 = arith.muli %add3A_423, %mul3A_424 : i32
    %mul3A_426 = arith.constant 40 : i32
    %mul3A_427 = arith.muli %add3A_423, %mul3A_426 : i32
    %dma_start3A_428 = arith.constant 0 : i32
    %dma_start3A_429 = tpu.memref_slice %arg5[%arg0, %mul3A_427, %dma_start3A_428] : memref<2x5000x128xf32, #tpu.memory_space<hbm>> -> memref<1x40x128xf32, #tpu.memory_space<hbm>>
    %dma_start3A_430 = tpu.memref_squeeze %dma_start3A_429 : memref<1x40x128xf32, #tpu.memory_space<hbm>> -> memref<40x128xf32, #tpu.memory_space<hbm>>
    %dma_start3A_431 = arith.constant 0 : i32
    %dma_start3A_432 = tpu.memref_slice %arg6[%mul3A_425, %dma_start3A_431] : memref<5008x128xf32, #tpu.memory_space<vmem_shared>> -> memref<40x128xf32, #tpu.memory_space<vmem_shared>>
    tpu.enqueue_dma source(%dma_start3A_432 : memref<40x128xf32, #tpu.memory_space<vmem_shared>>) target(%dma_start3A_430 : memref<40x128xf32, #tpu.memory_space<hbm>>) target_semaphore(%arg27 : memref<!tpu.dma_semaphore, #tpu.memory_space<semaphore_mem>>)
    %add3A_433 = arith.constant 48 : i32
    %add3A_434 = arith.addi %arg1, %add3A_433 : i32
    %mul3A_435 = arith.constant 40 : i32
    %mul3A_436 = arith.muli %add3A_434, %mul3A_435 : i32
    %mul3A_437 = arith.constant 40 : i32
    %mul3A_438 = arith.muli %add3A_434, %mul3A_437 : i32
    %dma_start3A_439 = arith.constant 0 : i32
    %dma_start3A_440 = tpu.memref_slice %arg5[%arg0, %mul3A_438, %dma_start3A_439] : memref<2x5000x128xf32, #tpu.memory_space<hbm>> -> memref<1x40x128xf32, #tpu.memory_space<hbm>>
    %dma_start3A_441 = tpu.memref_squeeze %dma_start3A_440 : memref<1x40x128xf32, #tpu.memory_space<hbm>> -> memref<40x128xf32, #tpu.memory_space<hbm>>
    %dma_start3A_442 = arith.constant 0 : i32
    %dma_start3A_443 = tpu.memref_slice %arg6[%mul3A_436, %dma_start3A_442] : memref<5008x128xf32, #tpu.memory_space<vmem_shared>> -> memref<40x128xf32, #tpu.memory_space<vmem_shared>>
    tpu.enqueue_dma source(%dma_start3A_443 : memref<40x128xf32, #tpu.memory_space<vmem_shared>>) target(%dma_start3A_441 : memref<40x128xf32, #tpu.memory_space<hbm>>) target_semaphore(%arg27 : memref<!tpu.dma_semaphore, #tpu.memory_space<semaphore_mem>>)
    %add3A_444 = arith.constant 64 : i32
    %add3A_445 = arith.addi %arg1, %add3A_444 : i32
    %mul3A_446 = arith.constant 40 : i32
    %mul3A_447 = arith.muli %add3A_445, %mul3A_446 : i32
    %mul3A_448 = arith.constant 40 : i32
    %mul3A_449 = arith.muli %add3A_445, %mul3A_448 : i32
    %dma_start3A_450 = arith.constant 0 : i32
    %dma_start3A_451 = tpu.memref_slice %arg5[%arg0, %mul3A_449, %dma_start3A_450] : memref<2x5000x128xf32, #tpu.memory_space<hbm>> -> memref<1x40x128xf32, #tpu.memory_space<hbm>>
    %dma_start3A_452 = tpu.memref_squeeze %dma_start3A_451 : memref<1x40x128xf32, #tpu.memory_space<hbm>> -> memref<40x128xf32, #tpu.memory_space<hbm>>
    %dma_start3A_453 = arith.constant 0 : i32
    %dma_start3A_454 = tpu.memref_slice %arg6[%mul3A_447, %dma_start3A_453] : memref<5008x128xf32, #tpu.memory_space<vmem_shared>> -> memref<40x128xf32, #tpu.memory_space<vmem_shared>>
    tpu.enqueue_dma source(%dma_start3A_454 : memref<40x128xf32, #tpu.memory_space<vmem_shared>>) target(%dma_start3A_452 : memref<40x128xf32, #tpu.memory_space<hbm>>) target_semaphore(%arg27 : memref<!tpu.dma_semaphore, #tpu.memory_space<semaphore_mem>>)
    %add3A_455 = arith.constant 80 : i32
    %add3A_456 = arith.addi %arg1, %add3A_455 : i32
    %mul3A_457 = arith.constant 40 : i32
    %mul3A_458 = arith.muli %add3A_456, %mul3A_457 : i32
    %mul3A_459 = arith.constant 40 : i32
    %mul3A_460 = arith.muli %add3A_456, %mul3A_459 : i32
    %dma_start3A_461 = arith.constant 0 : i32
    %dma_start3A_462 = tpu.memref_slice %arg5[%arg0, %mul3A_460, %dma_start3A_461] : memref<2x5000x128xf32, #tpu.memory_space<hbm>> -> memref<1x40x128xf32, #tpu.memory_space<hbm>>
    %dma_start3A_463 = tpu.memref_squeeze %dma_start3A_462 : memref<1x40x128xf32, #tpu.memory_space<hbm>> -> memref<40x128xf32, #tpu.memory_space<hbm>>
    %dma_start3A_464 = arith.constant 0 : i32
    %dma_start3A_465 = tpu.memref_slice %arg6[%mul3A_458, %dma_start3A_464] : memref<5008x128xf32, #tpu.memory_space<vmem_shared>> -> memref<40x128xf32, #tpu.memory_space<vmem_shared>>
    tpu.enqueue_dma source(%dma_start3A_465 : memref<40x128xf32, #tpu.memory_space<vmem_shared>>) target(%dma_start3A_463 : memref<40x128xf32, #tpu.memory_space<hbm>>) target_semaphore(%arg27 : memref<!tpu.dma_semaphore, #tpu.memory_space<semaphore_mem>>)
    %add3A_466 = arith.constant 96 : i32
    %add3A_467 = arith.addi %arg1, %add3A_466 : i32
    %mul3A_468 = arith.constant 40 : i32
    %mul3A_469 = arith.muli %add3A_467, %mul3A_468 : i32
    %mul3A_470 = arith.constant 40 : i32
    %mul3A_471 = arith.muli %add3A_467, %mul3A_470 : i32
    %dma_start3A_472 = arith.constant 0 : i32
    %dma_start3A_473 = tpu.memref_slice %arg5[%arg0, %mul3A_471, %dma_start3A_472] : memref<2x5000x128xf32, #tpu.memory_space<hbm>> -> memref<1x40x128xf32, #tpu.memory_space<hbm>>
    %dma_start3A_474 = tpu.memref_squeeze %dma_start3A_473 : memref<1x40x128xf32, #tpu.memory_space<hbm>> -> memref<40x128xf32, #tpu.memory_space<hbm>>
    %dma_start3A_475 = arith.constant 0 : i32
    %dma_start3A_476 = tpu.memref_slice %arg6[%mul3A_469, %dma_start3A_475] : memref<5008x128xf32, #tpu.memory_space<vmem_shared>> -> memref<40x128xf32, #tpu.memory_space<vmem_shared>>
    tpu.enqueue_dma source(%dma_start3A_476 : memref<40x128xf32, #tpu.memory_space<vmem_shared>>) target(%dma_start3A_474 : memref<40x128xf32, #tpu.memory_space<hbm>>) target_semaphore(%arg27 : memref<!tpu.dma_semaphore, #tpu.memory_space<semaphore_mem>>)
    %add3A_477 = arith.constant 112 : i32
    %add3A_478 = arith.addi %arg1, %add3A_477 : i32
    %lt3A_479 = arith.constant 125 : i32
    %lt3A_480 = arith.cmpi slt, %add3A_478, %lt3A_479 : i32
    %convert_element_type3A_481 = arith.extui %lt3A_480 : i1 to i32
    %cond3A_482 = arith.constant 0 : i32
    %cond3A_483 = arith.cmpi ne, %convert_element_type3A_481, %cond3A_482 : i32
    scf.if %cond3A_483 {
      %mul3A_497 = arith.constant 40 : i32
      %mul3A_498 = arith.muli %add3A_478, %mul3A_497 : i32
      %mul3A_499 = arith.constant 40 : i32
      %mul3A_500 = arith.muli %add3A_478, %mul3A_499 : i32
      %dma_start3A_501 = arith.constant 0 : i32
      %dma_start3A_502 = tpu.memref_slice %arg5[%arg0, %mul3A_500, %dma_start3A_501] : memref<2x5000x128xf32, #tpu.memory_space<hbm>> -> memref<1x40x128xf32, #tpu.memory_space<hbm>>
      %dma_start3A_503 = tpu.memref_squeeze %dma_start3A_502 : memref<1x40x128xf32, #tpu.memory_space<hbm>> -> memref<40x128xf32, #tpu.memory_space<hbm>>
      %dma_start3A_504 = arith.constant 0 : i32
      %dma_start3A_505 = tpu.memref_slice %arg6[%mul3A_498, %dma_start3A_504] : memref<5008x128xf32, #tpu.memory_space<vmem_shared>> -> memref<40x128xf32, #tpu.memory_space<vmem_shared>>
      tpu.enqueue_dma source(%dma_start3A_505 : memref<40x128xf32, #tpu.memory_space<vmem_shared>>) target(%dma_start3A_503 : memref<40x128xf32, #tpu.memory_space<hbm>>) target_semaphore(%arg27 : memref<!tpu.dma_semaphore, #tpu.memory_space<semaphore_mem>>)
    } else {
    }
    %scan3A_484 = arith.constant 0 : i32
    %scan3A_485 = arith.constant 0 : i32
    %scan3A_486 = arith.constant 7 : i32
    %scan3A_487 = arith.addi %scan3A_485, %scan3A_486 : i32
    %scan3A_488 = arith.constant 1 : i32
    scf.for %scan3A_497 = %scan3A_485 to %scan3A_487 step %scan3A_488  : i32 {
      %dma_wait3A = arith.constant 0 : i32
      %dma_wait3A_498 = arith.constant 0 : i32
      %dma_wait3A_499 = arith.constant 0 : i32
      %dma_wait3A_500 = tpu.memref_slice %arg5[%dma_wait3A, %dma_wait3A_498, %dma_wait3A_499] : memref<2x5000x128xf32, #tpu.memory_space<hbm>> -> memref<1x40x128xf32, #tpu.memory_space<hbm>>
      %dma_wait3A_501 = tpu.memref_squeeze %dma_wait3A_500 : memref<1x40x128xf32, #tpu.memory_space<hbm>> -> memref<40x128xf32, #tpu.memory_space<hbm>>
      %dma_wait3A_502 = arith.constant 0 : i32
      %dma_wait3A_503 = arith.constant 0 : i32
      %dma_wait3A_504 = tpu.memref_slice %arg6[%dma_wait3A_502, %dma_wait3A_503] : memref<5008x128xf32, #tpu.memory_space<vmem_shared>> -> memref<40x128xf32, #tpu.memory_space<vmem_shared>>
      tpu.wait_dma2 semaphore(%arg27 : memref<!tpu.dma_semaphore, #tpu.memory_space<semaphore_mem>>) src(%dma_wait3A_504 : memref<40x128xf32, #tpu.memory_space<vmem_shared>>) dst(%dma_wait3A_501 : memref<40x128xf32, #tpu.memory_space<hbm>>)
    }
    %scan3A_489 = arith.constant 7 : i32
    %add3A_490 = arith.constant 112 : i32
    %add3A_491 = arith.addi %arg1, %add3A_490 : i32
    %lt3A_492 = arith.constant 125 : i32
    %lt3A_493 = arith.cmpi slt, %add3A_491, %lt3A_492 : i32
    %convert_element_type3A_494 = arith.extui %lt3A_493 : i1 to i32
    %cond3A_495 = arith.constant 0 : i32
    %cond3A_496 = arith.cmpi ne, %convert_element_type3A_494, %cond3A_495 : i32
    scf.if %cond3A_496 {
      %dma_wait3A = arith.constant 0 : i32
      %dma_wait3A_497 = arith.constant 0 : i32
      %dma_wait3A_498 = arith.constant 0 : i32
      %dma_wait3A_499 = tpu.memref_slice %arg5[%dma_wait3A, %dma_wait3A_497, %dma_wait3A_498] : memref<2x5000x128xf32, #tpu.memory_space<hbm>> -> memref<1x40x128xf32, #tpu.memory_space<hbm>>
      %dma_wait3A_500 = tpu.memref_squeeze %dma_wait3A_499 : memref<1x40x128xf32, #tpu.memory_space<hbm>> -> memref<40x128xf32, #tpu.memory_space<hbm>>
      %dma_wait3A_501 = arith.constant 0 : i32
      %dma_wait3A_502 = arith.constant 0 : i32
      %dma_wait3A_503 = tpu.memref_slice %arg6[%dma_wait3A_501, %dma_wait3A_502] : memref<5008x128xf32, #tpu.memory_space<vmem_shared>> -> memref<40x128xf32, #tpu.memory_space<vmem_shared>>
      tpu.wait_dma2 semaphore(%arg27 : memref<!tpu.dma_semaphore, #tpu.memory_space<semaphore_mem>>) src(%dma_wait3A_503 : memref<40x128xf32, #tpu.memory_space<vmem_shared>>) dst(%dma_wait3A_500 : memref<40x128xf32, #tpu.memory_space<hbm>>)
    } else {
    }
    return
  }
}

</mosaic_0001>

<sc_bundles>
// kernel: kernel.3.cloned.1.call-start
scs
__scs_entry_jumppad:
0x0: {  	(pc) =	sbr.rel $0x88, $3  }
0x1: {  	(tag) =	ssettag $0x0;
	lr =	simm.s32 $0x1  }
0x2: {  	[smem:$0x3F9F] =	sst lr;
	_ =	strace $0xD0000000  }
0x3: {  	_ = 	snop  }
0x4: {  	_ = 	snop  }
0x5: {  	_ = 	snop  }
0x6: {  	_ = 	snop  }
0x7: {  	_ = 	snop  }
__scs_overlays_trampoline_lowered:
0x8: {  	[smem:$0x3FAE] =	sst s0  }
0x9: {  	[smem:$0x3FAF] =	sst s1  }
0xa: {  	[smem:$0x3FB0] =	sst s2  }
0xb: {  	[smem:$0x3FB1] =	sst s3  }
0xc: {  	[smem:$0x3FB2] =	sst s4  }
0xd: {  	[smem:$0x3FB3] =	sst s5  }
0xe: {  	[smem:$0x3FB4] =	sst s6  }
0xf: {  	[smem:$0x3FB5] =	sst s7  }
0x10: {  	[smem:$0x3FB6] =	sst s8  }
0x11: {  	[smem:$0x3FB7] =	sst s9;
	s0 =	simm.s32 @!p0 $0x0  }
0x12: {  	s1 =	sld [smem:$0x3F9D];
	s0 =	simm.s32 @p0 $0x1  }
0x13: {  	[smem:$0x3FB8] =	sst s0;
	s0 =	simm.s32 @!p1 $0x0  }
0x14: {  	s2 =	sld [smem:$0x3F9C];
	s0 =	simm.s32 @p1 $0x1  }
0x15: {  	[smem:$0x3FB9] =	sst s0;
	s0 =	simm.s32 @!p2 $0x0  }
0x16: {  	s3 =	sld [smem:$0x3FDB];
	s0 =	simm.s32 @p2 $0x1  }
0x17: {  	s4 =	simm.s32 $0x1BF5;
	[smem:$0x3FBB] =	sst s0  }
0x18: {  	s0 =	sld [smem:$0x3F9E];
	_ =	swait.ge [sflag:s4], $0x0  }
0x19: {  	s7 =	sld [smem:$0x3F9F]  }
0x1a: {  	s8 =	sadd.s32 $0xFFFFE003, lr  }
0x1b: {  	s9 =	sadd.s32 $0xFFFFFEF7, lr;
	s5 =	simm.s32 $0xFFFFFFFF;
	p2 =	slt.u32 s8, $0xFFFFF086  }
0x1c: {  	p1 =	slt.u32 s9, $0xF7A;
	s5 =	simm.s32 @!p2 $0x0  }
0x1d: {  	s5 =	simm.s32 @p1 $0x1;
	p0 =	seq.s32 s7, s2  }
0x1e: {  	s7 =	smul.u32 @!p0 $0xF7A, s2;
	p2 =	seq.s32 @!p0 s5, $0x0  }
0x1f: {  	s9 =	smul.u32 $0xF7A, s1;
	s8 =	simm.s32 @!p0 $0x1BF5;
	p2 =	por !p2, p0  }
0x20: {  	[sflag:s8] =	ssyncset.s32 @!p0 $0xFFFFF086;
	s6 =	sadd.s32 @!p0 s3, s7;
	s7 =	simm.s32 @!p0 $0x108  }
0x21: {  	s3 =	sadd.s32 s3, s9;
	s6 =	sadd.s32 @!p0 $0x88, s6;
	s7 =	simm.s32 @p2 $0x1082  }
0x22: {  	[simem:s7], [sflag:s8] =	dma.local @!p0 [hbm:s6], $0xF7A  }
0x23: {  	s9 =	sor.u32 $0xD0000000, s2;
	s6 =	simm.s32 $0x108;
	_ =	swait.ge @!p0 [sflag:s8], $0x0  }
0x24: {  	s3 =	sadd.s32 $0x88, s3;
	s6 =	simm.s32 @!p1 $0x1082;
	[sflag:s4] =	ssyncset.s32 $0xFFFFF086  }
0x25: {  	[simem:s6], [sflag:s4] =	dma.local [hbm:s3], $0xF7A  }
0x26: {  	[smem:$0x3F9F] =	sst s1;
	(tag) =	ssettag s2;
	_ =	strace s9  }
0x27: {  	s1 =	sld [smem:$0x3FAF]  }
0x28: {  	s2 =	sld [smem:$0x3FB0]  }
0x29: {  	s4 =	sld [smem:$0x3FB2]  }
0x2a: {  	p0 =	seq.s32 s5, $0x0;
	s5 =	sld [smem:$0x3FB3]  }
0x2b: {  	s6 =	sld [smem:$0x3FB4]  }
0x2c: {  	s7 =	sld [smem:$0x3FB5]  }
0x2d: {  	s3 =	simm.s32 $0x108;
	s8 =	sld [smem:$0x3FB6]  }
0x2e: {  	s3 =	simm.s32 @!p0 $0x1082;
	s9 =	sld [smem:$0x3FB7]  }
0x2f: {  	lr =	sadd.s32 s0, s3;
	s0 =	sld [smem:$0x3FAE]  }
0x30: {  	s3 =	sld [smem:$0x3FB1]  }
0x31: {  	[smem:$0x3FBA] =	sst s10  }
0x32: {  	s10 =	sld [smem:$0x3FB8];
	_ =	sdelay $0x3  }
0x33: {  	p0 =	seq.s32 s10, $0x1;
	s10 =	sld [smem:$0x3FBA];
	_ =	sdelay $0x3  }
0x34: {  	[smem:$0x3FBA] =	sst s10  }
0x35: {  	s10 =	sld [smem:$0x3FB9];
	_ =	sdelay $0x3  }
0x36: {  	p1 =	seq.s32 s10, $0x1;
	s10 =	sld [smem:$0x3FBA];
	_ =	sdelay $0x3  }
0x37: {  	[smem:$0x3FBA] =	sst s10  }
0x38: {  	s10 =	sld [smem:$0x3FBB]  }
0x39: {  	_ = 	snop;
	(pc) =	sbr.ind lr, $3  }
0x3a: {  	_ = 	snop  }
0x3b: {  	_ = 	snop  }
0x3c: {  	p2 =	seq.s32 s10, $0x1;
	s10 =	sld [smem:$0x3FBA]  }
0x3d: {  	_ =	shalt  }
0x3e: {  	_ =	shalt  }
0x3f: {  	_ =	shalt  }
0x40: {  	_ =	shalt  }
0x41: {  	_ =	shalt  }
0x42: {  	_ =	shalt  }
0x43: {  	_ =	shalt  }
0x44: {  	_ =	shalt  }
0x45: {  	_ =	shalt  }
0x46: {  	_ =	shalt  }
0x47: {  	_ =	shalt  }
0x48: {  	_ =	shalt  }
0x49: {  	_ =	shalt  }
0x4a: {  	_ =	shalt  }
0x4b: {  	_ =	shalt  }
0x4c: {  	_ =	shalt  }
0x4d: {  	_ =	shalt  }
0x4e: {  	_ =	shalt  }
0x4f: {  	_ =	shalt  }
0x50: {  	_ =	shalt  }
0x51: {  	_ =	shalt  }
0x52: {  	_ =	shalt  }
0x53: {  	_ =	shalt  }
0x54: {  	_ =	shalt  }
0x55: {  	_ =	shalt  }
0x56: {  	_ =	shalt  }
0x57: {  	_ =	shalt  }
0x58: {  	_ =	shalt  }
0x59: {  	_ =	shalt  }
0x5a: {  	_ =	shalt  }
0x5b: {  	_ =	shalt  }
0x5c: {  	_ =	shalt  }
0x5d: {  	_ =	shalt  }
0x5e: {  	_ =	shalt  }
0x5f: {  	_ =	shalt  }
0x60: {  	_ =	shalt  }
0x61: {  	_ =	shalt  }
0x62: {  	_ =	shalt  }
0x63: {  	_ =	shalt  }
0x64: {  	_ =	shalt  }
0x65: {  	_ =	shalt  }
0x66: {  	_ =	shalt  }
0x67: {  	_ =	shalt  }
0x68: {  	_ =	shalt  }
0x69: {  	_ =	shalt  }
0x6a: {  	_ =	shalt  }
0x6b: {  	_ =	shalt  }
0x6c: {  	_ =	shalt  }
0x6d: {  	_ =	shalt  }
0x6e: {  	_ =	shalt  }
0x6f: {  	_ =	shalt  }
0x70: {  	_ =	shalt  }
0x71: {  	_ =	shalt  }
0x72: {  	_ =	shalt  }
0x73: {  	_ =	shalt  }
0x74: {  	_ =	shalt  }
0x75: {  	_ =	shalt  }
0x76: {  	_ =	shalt  }
0x77: {  	_ =	shalt  }
0x78: {  	_ =	shalt  }
0x79: {  	_ =	shalt  }
0x7a: {  	_ =	shalt  }
0x7b: {  	_ =	shalt  }
0x7c: {  	_ =	shalt  }
0x7d: {  	_ =	shalt  }
0x7e: {  	_ =	shalt  }
0x7f: {  	_ =	shalt  }
0x80: {  	_ =	shalt  }
0x81: {  	_ =	shalt  }
0x82: {  	_ =	shalt  }
0x83: {  	_ =	shalt  }
0x84: {  	_ =	shalt  }
0x85: {  	_ =	shalt  }
0x86: {  	_ =	shalt  }
0x87: {  	_ =	shalt  }
.Lfunc_end0:
.L_simem_size_0:
called_computation_lowered:
.L_overlay_start_0:
0x88: {  	s2 =	sld [smem:$0x3FD9]  }
0x89: {  	s3 =	sld [smem:$0x3FFE];
	_ =	sdelay $0x1  }
0x8a: {  	s1 =	srdreg.scid  }
0x8b: {  	s0 =	sand.u32 $0x1, s1  }
0x8c: {  	s17 =	sshll.u32 s0, $0xA;
	s2 =	sadd.s32 s3, s2  }
0x8d: {  	s2 =	sadd.s32 s2, s17  }
0x8e: {  	[smem:$0x3FC6] =	sst s2  }
0x8f: {  	_ = 	snop  }
0x90: {  	s2 =	sld [smem:$0x3FC9]  }
0x91: {  	s18 =	sld [smem:$0x3FD0];
	(tm) =	ssettm $0x1  }
0x92: {  	s4 =	sld [smem:$0x3FFB];
	_ =	sdelay $0x3  }
0x93: {  	_ =	strace s4  }
0x94: {  	s4 =	sld [smem:$0x3FFC];
	_ =	sdelay $0x3  }
0x95: {  	_ =	strace s4  }
0x96: {  	s4 =	sld [smem:$0x3FFD];
	_ =	sdelay $0x3  }
0x97: {  	_ =	strace s4  }
0x98: {  	_ =	strace $0x8FFFFFFF  }
0x99: {  	s19 =	sld [smem:$0x3FDB];
	_ =	sdelay $0x1  }
0x9a: {  	s5 =	simm.s32 $_scs_section_size  }
0x9b: {  	s6 =	simm.s32 $_size__tile_overlayer_lowered;
	s7 =	simm.s32 $_tile_overlayer_lowered  }
0x9c: {  	s22 =	simm.s32 $0x1BFF;
	s21 =	sshll.u32 s7, $0x1;
	s4 =	sadd.s32 s5, s19  }
0x9d: {  	s8 =	simm.s32 $0x0;
	s20 =	sshll.u32 s6, $0x1;
	s6 =	sadd.s32 s21, s4  }
0x9e: {  	[timem:s8], [sflag:s22] =	dma.local [hbm:s6], s20  }
0x9f: {  	_ =	swait.ge [sflag:s22], s20  }
0xa0: {  	s5 =	ssub.s32 $0x0, s20;
	[sflag:s22] =	ssyncset.done $0x0  }
0xa1: {  	[sflag:s22] =	ssyncadd.s32 s5;
	_ =	sdelay $0x1  }
0xa2: {  	s23 =	simm.s32 $0x1B8B  }
0xa3: {  	_ =	swait.ge [sflag:s23], $0x1  }
0xa4: {  	[sflag:s23] =	ssyncset.done $0x0  }
0xa5: {  	s25 =	simm.s32 $0x1B8E;
	s24 =	sld [smem:$0x3FFE];
	[sflag:s23] =	ssyncadd.s32 $0xFFFFFFFF  }
0xa6: {  	s26 =	simm.s32 $execute0_lowered;
	[smem:$0x3FD2] =	sst s25  }
0xa7: {  	s6 =	sshll.u32 s26, $0x1;
	_ =	strace $0x80000046;
	[dreg:$0x1] =	wrdreg $0xFFFFFFFF  }
0xa8: {  	s28 =	simm.s32 $_size_execute0_lowered;
	s4 =	sadd.s32 s4, s6;
	[dreg:$0x0] =	wrdreg $0x0  }
0xa9: {  	s6 =	sshll.u32 s28, $0x1;
	[dreg:$0x2] =	wrdreg s4  }
0xaa: {  	[dreg:$0x3] =	wrdreg s6  }
0xab: {  	[dreg:$0x4] =	wrdreg $0xC0  }
0xac: {  	_ =	task [dreg:s8], $0x5FFFF  }
0xad: {  	[dreg:$0x1] =	wrdreg $0xFFFFFFFF  }
0xae: {  	[dreg:$0x0] =	wrdreg $0x60  }
0xaf: {  	[dreg:$0x2] =	wrdreg s2  }
0xb0: {  	[dreg:$0x3] =	wrdreg s24  }
0xb1: {  	[dreg:$0x4] =	wrdreg s18  }
0xb2: {  	[dreg:$0x5] =	wrdreg $0x0  }
0xb3: {  	[dreg:$0x6] =	wrdreg $0x9  }
0xb4: {  	_ =	task.clear_ibuf [dreg:s8], $0x7FFFF;
	_ =	strace $0x90000046  }
0xb5: {  	s29 =	simm.s32 $0x9;
	_ =	strace $0x80000048  }
0xb6: {  	_ =	swait.ge [sflag:s29], $0x1  }
0xb7: {  	[sflag:s29] =	ssyncadd.s32 $0xFFFFFFFF  }
0xb8: {  	_ =	strace $0x90000048  }
0xb9: {  	_ =	sfence  }
0xba: {  	s30 =	sld [smem:$0x0];
	_ =	sdelay $0x2  }
0xbb: {  	s31 =	sshll.u32 s1, $0xD;
	s1 =	sshrl.u32 s1, $0x2  }
0xbc: {  	s3 =	sand.u32 $0x4000, s31;
	s1 =	sadd.s32 s1, s30  }
0xbd: {  	s0 =	sor.u32 s3, s0;
	s1 =	sshll.u32 s1, $0x11  }
0xbe: {  	s0 =	sor.u32 s1, s0  }
0xbf: {  	s0 =	sadd.s32 $0x8F2B, s0  }
0xc0: {  	[sflag:s0] =	ssyncadd.remote.s32 $0x1  }
0xc1: {  	_ =	sfence.sel $0xFFFF  }
0xc2: {  	[dreg:$0x0] =	wrdreg $0xFFFFFFFF;
	(pc) =	sbr.abs _section_cstart, $3  }
0xc3: {  	[dreg:$0x1] =	wrdreg $0xFFFFFFFF  }
0xc4: {  	_ =	task.clear_ibuf [dreg:s8], $0x2FFFF;
	_ =	strace $0x9FFFFFFF  }
0xc5: {  	(tm) =	ssettm $0x7FFFFFFF  }
tec
execute0_lowered:
.L_overlay_start_1:
0x0: {  	(tag) =	ssettag $0x1  }
0x1: {  	s1 =	rddreg [dreg:$0x0]  }
0x2: {  	s0 =	rddreg [dreg:$0x1]  }
0x3: {  	s3 =	rddreg [dreg:$0x2]  }
0x4: {  	s2 =	rddreg [dreg:$0x3];
	s4 =	srdreg.scid  }
0x5: {  	s5 =	simm.s32 $0x0;
	s29 =	simm.s32 $0x12;
	s15 =	sand.u32 $0x1, s4  }
0x6: {  	s31 =	simm.s32 $0x1E080;
	s4 =	stileid.u32;
	s6 =	smul.u32 $0x9C400, s15  }
0x7: {  	[smem:$0x7FF] =	sst s5;
	s16 =	sor.u32 $0x10, s4;
	s13 =	smul.u32 $0x1400, s4  }
0x8: {  	s7 =	ssub.s32 $0x2, s15;
	p0 =	seq.s32 s15, $0x0;
	s15 =	smul.u32 $0x1388, s15  }
0x9: {  	s5 =	sadd.s32 $0x200, s0;
	s10 =	sor.u32 $0x20, s4;
	s17 =	smul.u32 $0x1400, s16  }
0xa: {  	s0 =	sadd.s32 $0xFC00, s0;
	s14 =	sor.u32 $0x30, s4;
	s18 =	smul.u32 $0x1400, s10  }
0xb: {  	_ =	strace $0x80000047;
	s11 =	sor.u32 $0x40, s4;
	s19 =	smul.u32 $0x1400, s14  }
0xc: {  	s12 =	sor.u32 $0x50, s4;
	s9 =	sor.u32 $0x60, s4;
	s20 =	smul.u32 $0x1400, s11  }
0xd: {  	[dreg:$0xd] =	wrdreg s0;
	s30 =	sor.u32 $0xF40, s4;
	s21 =	smul.u32 $0x1400, s12  }
0xe: {  	p1 =	sgt.u32 s4, $0x8;
	s8 =	sshrl.u32 s7, $0x1;
	s22 =	smul.u32 $0x1400, s9  }
0xf: {  	s30 =	smov.u32 @p0 s12;
	s7 =	ssub.s32 s7, s8;
	s8 =	sor.u32 $0x70, s4  }
0x10: {  	s13 =	sadd.s32 s13, s6;
	s17 =	sadd.s32 s6, s17;
	s18 =	sadd.s32 s6, s18  }
0x11: {  	s19 =	sadd.s32 s6, s19;
	s23 =	smul.u32 $0x1400, s8;
	s20 =	sadd.s32 s6, s20  }
0x12: {  	s21 =	sadd.s32 s6, s21;
	s22 =	sadd.s32 s6, s22;
	s13 =	sshrl.u32 s13, $0x3  }
0x13: {  	s7 =	smax.u32 s7, $0x1;
	s13 =	sadd.s32 s3, s13;
	s26 =	sshrl.u32 s17, $0x3  }
0x14: {  	s17 =	sshrl.u32 s18, $0x3;
	s18 =	sshrl.u32 s19, $0x3;
	s20 =	sshrl.u32 s20, $0x3  }
0x15: {  	s24 =	sshrl.u32 s21, $0x3;
	s25 =	sshrl.u32 s22, $0x3;
	[smem:$0x7EB] =	sst s7  }
0x16: {  	s7 =	simm.s32 @!p1 $0x0;
	[dreg:$0x5] =	wrdreg s13;
	s13 =	sadd.s32 s3, s26  }
0x17: {  	s23 =	sadd.s32 s6, s23;
	s19 =	sadd.s32 s3, s18;
	[dreg:$0x6] =	wrdreg s13  }
0x18: {  	s6 =	sor.u32 $0xF90, s4;
	s26 =	sadd.s32 s3, s25;
	[dreg:$0x8] =	wrdreg s19  }
0x19: {  	s7 =	simm.s32 @p1 $0x1;
	p1 =	sgt.u32 s4, $0xC;
	[dreg:$0xb] =	wrdreg s26  }
0x1a: {  	s6 =	smov.u32 @p0 s4;
	s13 =	sadd.s32 s3, s17;
	[smem:$0x7EC] =	sst s7  }
0x1b: {  	s7 =	simm.s32 @!p1 $0x0;
	[dreg:$0x7] =	wrdreg s13;
	s13 =	sadd.s32 s3, s20  }
0x1c: {  	s17 =	sshrl.u32 s23, $0x3;
	s7 =	simm.s32 @p1 $0x1;
	[dreg:$0x9] =	wrdreg s13  }
0x1d: {  	s18 =	sshll.u32 s6, $0x4;
	s13 =	sadd.s32 s3, s24;
	[smem:$0x7F4] =	sst s7  }
0x1e: {  	s19 =	smul.u32 $0x500, s6;
	s3 =	sadd.s32 s3, s17;
	[dreg:$0xa] =	wrdreg s13  }
0x1f: {  	s20 =	sadd.s32 s5, s18;
	s17 =	sor.u32 $0xF80, s4;
	[dreg:$0xc] =	wrdreg s3  }
0x20: {  	[dreg:$0xe] =	wrdreg s20;
	s21 =	sadd.s32 s1, s19;
	s17 =	smov.u32 @p0 s16  }
0x21: {  	s19 =	sor.u32 $0xF70, s4;
	s22 =	sshll.u32 s17, $0x4;
	s23 =	smul.u32 $0x500, s17  }
0x22: {  	[dreg:$0xf] =	wrdreg s21;
	s19 =	smov.u32 @p0 s10;
	s0 =	sadd.s32 s5, s22  }
0x23: {  	s24 =	sshll.u32 s19, $0x4;
	[dreg:$0x10] =	wrdreg s0;
	s3 =	sadd.s32 s1, s23  }
0x24: {  	s25 =	smul.u32 $0x500, s19;
	s0 =	sadd.s32 s5, s24;
	[dreg:$0x11] =	wrdreg s3  }
0x25: {  	s22 =	smul.u32 $0x500, s30;
	s23 =	sor.u32 $0xF60, s4;
	[dreg:$0x12] =	wrdreg s0  }
0x26: {  	s26 =	sadd.s32 s1, s25;
	s23 =	smov.u32 @p0 s14;
	s25 =	sor.u32 $0xF50, s4  }
0x27: {  	s25 =	smov.u32 @p0 s11;
	s3 =	sshll.u32 s23, $0x4;
	s13 =	smul.u32 $0x500, s23  }
0x28: {  	[dreg:$0x13] =	wrdreg s26;
	s0 =	sadd.s32 s5, s3;
	s18 =	sshll.u32 s25, $0x4  }
0x29: {  	s20 =	smul.u32 $0x500, s25;
	[dreg:$0x14] =	wrdreg s0;
	s3 =	sadd.s32 s1, s13  }
0x2a: {  	s0 =	sadd.s32 s5, s18;
	s13 =	sadd.s32 s1, s22;
	[dreg:$0x15] =	wrdreg s3  }
0x2b: {  	[dreg:$0x16] =	wrdreg s0;
	s21 =	sadd.s32 s1, s20;
	s0 =	sor.u32 $0xF30, s4  }
0x2c: {  	s3 =	sor.u32 $0xF20, s4;
	s20 =	sshll.u32 s30, $0x4;
	[dreg:$0x19] =	wrdreg s13  }
0x2d: {  	[dreg:$0x17] =	wrdreg s21;
	s0 =	smov.u32 @p0 s9;
	s3 =	smov.u32 @p0 s8  }
0x2e: {  	s18 =	sadd.s32 s5, s20;
	s20 =	sshll.u32 s16, $0xB;
	s16 =	smul.u32 $0x5000, s16  }
0x2f: {  	s21 =	smul.u32 $0x500, s0;
	[dreg:$0x18] =	wrdreg s18;
	s24 =	sshll.u32 s0, $0x4  }
0x30: {  	s26 =	smul.u32 $0x500, s3;
	s22 =	sshll.u32 s3, $0x4;
	s18 =	sadd.s32 s5, s24  }
0x31: {  	s13 =	sadd.s32 s5, s22;
	s16 =	sshrl.u32 s16, $0x2;
	[dreg:$0x1a] =	wrdreg s18  }
0x32: {  	s24 =	sadd.s32 s1, s21;
	[dreg:$0x1c] =	wrdreg s13;
	s26 =	sadd.s32 s1, s26  }
0x33: {  	s18 =	sshll.u32 s4, $0xB;
	s21 =	sshll.u32 s10, $0xB;
	[dreg:$0x1b] =	wrdreg s24  }
0x34: {  	s10 =	smul.u32 $0x5000, s10;
	s16 =	sadd.s32 s16, s2;
	[dreg:$0x1d] =	wrdreg s26  }
0x35: {  	s13 =	sadd.s32 s18, s2;
	s18 =	sadd.s32 s20, s2;
	s22 =	sadd.s32 s21, s2  }
0x36: {  	s24 =	sshll.u32 s14, $0xB;
	s14 =	smul.u32 $0x5000, s14;
	[dreg:$0x1e] =	wrdreg s18  }
0x37: {  	s26 =	sshll.u32 s11, $0xB;
	s11 =	smul.u32 $0x5000, s11;
	[dreg:$0x1f] =	wrdreg s22  }
0x38: {  	s18 =	sadd.s32 s24, s2;
	s21 =	sadd.s32 s26, s2;
	s22 =	sshll.u32 s12, $0xB  }
0x39: {  	s24 =	sshll.u32 s9, $0xB;
	s26 =	smul.u32 $0x5000, s4;
	[smem:$0x7E6] =	sst s18  }
0x3a: {  	s10 =	sshrl.u32 s10, $0x2;
	s12 =	smul.u32 $0x5000, s12;
	[smem:$0x7E7] =	sst s21  }
0x3b: {  	s18 =	sadd.s32 s22, s2;
	s22 =	sadd.s32 s24, s2;
	s10 =	sadd.s32 s10, s2  }
0x3c: {  	s14 =	sshrl.u32 s14, $0x2;
	s11 =	sshrl.u32 s11, $0x2;
	[smem:$0x7E8] =	sst s18  }
0x3d: {  	[smem:$0x7E9] =	sst s22;
	s24 =	sshrl.u32 s26, $0x2;
	s22 =	sshrl.u32 s16, $0x3  }
0x3e: {  	s26 =	sshll.u32 s8, $0xB;
	s16 =	sadd.s32 $0x48000, s13;
	[smem:$0x7EE] =	sst s22  }
0x3f: {  	s14 =	sadd.s32 s14, s2;
	s20 =	sadd.s32 s26, s2;
	[smem:$0x7F7] =	sst s16  }
0x40: {  	s18 =	sadd.s32 s24, s2;
	s24 =	sshrl.u32 s10, $0x3;
	[smem:$0x7EA] =	sst s20  }
0x41: {  	s11 =	sadd.s32 s11, s2;
	s26 =	sshrl.u32 s14, $0x3;
	[smem:$0x7EF] =	sst s24  }
0x42: {  	s9 =	smul.u32 $0x5000, s9;
	s10 =	sshrl.u32 s11, $0x3;
	[smem:$0x7F0] =	sst s26  }
0x43: {  	s12 =	sshrl.u32 s12, $0x2;
	s14 =	sadd.s32 $0x40000, s13;
	[smem:$0x7F1] =	sst s10  }
0x44: {  	s9 =	sshrl.u32 s9, $0x2;
	s22 =	sadd.s32 $0x68000, s13;
	[smem:$0x7F6] =	sst s14  }
0x45: {  	s12 =	sadd.s32 s12, s2;
	s21 =	sshrl.u32 s18, $0x3;
	[smem:$0x7FB] =	sst s22  }
0x46: {  	s9 =	sadd.s32 s9, s2;
	s11 =	sshrl.u32 s12, $0x3;
	[smem:$0x7ED] =	sst s21  }
0x47: {  	s8 =	smul.u32 $0x5000, s8;
	s12 =	sshrl.u32 s9, $0x3;
	[smem:$0x7F2] =	sst s11  }
0x48: {  	s28 =	sadd.s32 $0x98000, s13;
	s18 =	sadd.s32 $0x50000, s13;
	[smem:$0x7F3] =	sst s12  }
0x49: {  	s8 =	sshrl.u32 s8, $0x2;
	s20 =	sadd.s32 $0x58000, s13;
	[smem:$0x7F8] =	sst s18  }
0x4a: {  	s24 =	sadd.s32 $0x70000, s13;
	s26 =	sadd.s32 $0x78000, s13;
	[smem:$0x7F9] =	sst s20  }
0x4b: {  	s22 =	sadd.s32 $0x80000, s13;
	s8 =	sadd.s32 s8, s2;
	[smem:$0x7FC] =	sst s24  }
0x4c: {  	s21 =	sadd.s32 $0x60000, s13;
	[smem:$0x7FD] =	sst s26;
	s24 =	sadd.s32 $0x88000, s13  }
0x4d: {  	s26 =	sadd.s32 $0x90000, s13;
	s7 =	sshrl.u32 @!p1 s8, $0x3;
	[smem:$0x7FA] =	sst s21  }
0x4e: {  	v1 =	vimm.f32 $0.0e+00;
	v0 =	vmov s15;
	s8 =	simm.s32 $0x0;
	[smem:$0x7F5] =	sst s7;
	s7 =	simm.s32 $0x11  }
.LBB2_1:
0x4f: {  	s9 =	simm.s32 $0x0;
	s10 =	rddreg [dreg:$0xd];
	s11 =	simm.s32 $0x1E880  }
0x50: {  	[tilespmem:s11], [sflag:$0x12] =	stream.linear.gather [hbm4b:s10+s9], $0x80, $0x38;
	[tilespmem:$0x1E900] =	vst v63  }
0x51: {  	_ =	swait.ge [sflag:s29], $0x80  }
0x52: {  	[sflag:s29] =	ssyncset.done $0x0  }
0x53: {  	[sflag:s29] =	ssyncadd.s32 $0xFFFFFF80  }
0x54: {  	v2 =	vld [tilespmem:$0x1E880];
	_ =	sdelay $0x4  }
0x55: {  	(v2sf) =	vpush v2, $0x0;
	_ =	sdelay $0xe  }
0x56: {  	s9 =	spop (v2sf)  }
0x57: {  	s10 =	sadd.s32 $0x4F, s9;
	s14 =	smulhi.u32 $0x66666667, s9  }
0x58: {  	s21 =	smulhi.u32 $0x66666667, s10;
	s12 =	sshra.s32 s10, $0x1F  }
0x59: {  	s15 =	sshra.s32 s9, $0x1F;
	s12 =	smul.u32 $0x66666667, s12  }
0x5a: {  	s15 =	smul.u32 $0x66666667, s15  }
0x5b: {  	s11 =	sadd.s32 s12, s21  }
0x5c: {  	s14 =	sadd.s32 s15, s14;
	s12 =	sshrl.u32 s11, $0x1F;
	s11 =	sshra.s32 s11, $0x5  }
0x5d: {  	s16 =	sshrl.u32 s14, $0x1F;
	s14 =	sshra.s32 s14, $0x5;
	s11 =	sadd.s32 s12, s11  }
0x5e: {  	s12 =	sadd.s32 s16, s14;
	s18 =	smul.u32 $0xFFFFFFB0, s11  }
0x5f: {  	s16 =	smul.u32 $0xFFFFFFB0, s12  }
0x60: {  	s20 =	ssub.s32 $0xFFFFFFB1, s9;
	p3 =	slt.s32 s9, $0x1;
	s21 =	ssub.s32 $0x0, s9  }
0x61: {  	p2 =	slt.s32 s10, $0x1;
	p1 =	sne.s32 s18, s20;
	p6 =	sne.s32 s16, s21  }
0x62: {  	s10 =	simm.s32 $0x1;
	p1 =	por !p2, !p1;
	p2 =	por !p3, !p6  }
0x63: {  	s9 =	simm.s32 $0x1;
	p1 =	por !p1, !p1;
	p2 =	por !p2, !p2  }
0x64: {  	s9 =	simm.s32 @!p1 $0x0;
	s10 =	simm.s32 @!p2 $0x0  }
0x65: {  	s9 =	ssub.s32 s11, s9;
	s10 =	ssub.s32 s12, s10  }
0x66: {  	p2 =	slt.s32 s6, s9;
	p1 =	sge.s32 s6, s10  }
0x67: {  	p2 =	por @!p0 p1, p1  }
0x68: {  	s14 =	rddreg [dreg:$0xe];
	s11 =	simm.s32 @p2 $0x0;
	s12 =	simm.s32 @p2 $0x9C80  }
0x69: {  	[tilespmem:s12], [sflag:$0x1] =	stream.linear.gather @p2 [hbm4b:s14+s11], $0x80, $0x38;
	[tilespmem:$0x1E900] =	vst v63  }
0x6a: {  	s15 =	simm.s32 @!p2 $0x0;
	s12 =	simm.s32 @p2 $0xA080;
	s14 =	rddreg [dreg:$0xf]  }
0x6b: {  	[tilespmem:s12], [sflag:$0x1] =	stream.linear.gather @p2 [hbm4b:s14+s11], $0x2800, $0x38;
	[tilespmem:$0x1E900] =	vst v63  }
0x6c: {  	p1 =	sge.s32 s17, s10;
	s15 =	simm.s32 @p2 $0x1;
	p2 =	slt.s32 s17, s9  }
0x6d: {  	[smem:$0x7E2] =	sst s15;
	p2 =	por @!p0 p1, p1  }
0x6e: {  	s14 =	rddreg [dreg:$0x10];
	s11 =	simm.s32 @p2 $0x0;
	s12 =	simm.s32 @p2 $0x9D00  }
0x6f: {  	[tilespmem:s12], [sflag:$0x2] =	stream.linear.gather @p2 [hbm4b:s14+s11], $0x80, $0x38;
	[tilespmem:$0x1E900] =	vst v63  }
0x70: {  	s15 =	simm.s32 @!p2 $0x0;
	s12 =	simm.s32 @p2 $0xC880;
	s14 =	rddreg [dreg:$0x11]  }
0x71: {  	[tilespmem:s12], [sflag:$0x2] =	stream.linear.gather @p2 [hbm4b:s14+s11], $0x2800, $0x38;
	[tilespmem:$0x1E900] =	vst v63  }
0x72: {  	p1 =	sge.s32 s19, s10;
	s15 =	simm.s32 @p2 $0x1;
	p2 =	slt.s32 s19, s9  }
0x73: {  	[smem:$0x7E3] =	sst s15;
	p2 =	por @!p0 p1, p1  }
0x74: {  	s14 =	rddreg [dreg:$0x12];
	s11 =	simm.s32 @p2 $0x0;
	s12 =	simm.s32 @p2 $0x9D80  }
0x75: {  	[tilespmem:s12], [sflag:$0x3] =	stream.linear.gather @p2 [hbm4b:s14+s11], $0x80, $0x38;
	[tilespmem:$0x1E900] =	vst v63  }
0x76: {  	s15 =	simm.s32 @!p2 $0x0;
	s12 =	simm.s32 @p2 $0xF080;
	s14 =	rddreg [dreg:$0x13]  }
0x77: {  	[tilespmem:s12], [sflag:$0x3] =	stream.linear.gather @p2 [hbm4b:s14+s11], $0x2800, $0x38;
	[tilespmem:$0x1E900] =	vst v63  }
0x78: {  	p1 =	sge.s32 s23, s10;
	s15 =	simm.s32 @p2 $0x1;
	p2 =	slt.s32 s23, s9  }
0x79: {  	p3 =	sge.s32 s30, s10;
	[smem:$0x7E4] =	sst s15;
	p2 =	por @!p0 p1, p1  }
0x7a: {  	s14 =	rddreg [dreg:$0x14];
	s11 =	simm.s32 @p2 $0x0;
	s12 =	simm.s32 @p2 $0x9E00  }
0x7b: {  	[tilespmem:s12], [sflag:$0x4] =	stream.linear.gather @p2 [hbm4b:s14+s11], $0x80, $0x38;
	[tilespmem:$0x1E900] =	vst v63  }
0x7c: {  	s15 =	simm.s32 @!p2 $0x0;
	s12 =	simm.s32 @p2 $0x11880;
	s14 =	rddreg [dreg:$0x15]  }
0x7d: {  	[tilespmem:s12], [sflag:$0x4] =	stream.linear.gather @p2 [hbm4b:s14+s11], $0x2800, $0x38;
	[tilespmem:$0x1E900] =	vst v63  }
0x7e: {  	p1 =	sge.s32 s25, s10;
	s15 =	simm.s32 @p2 $0x1;
	p2 =	slt.s32 s25, s9  }
0x7f: {  	p4 =	sge.s32 s0, s10;
	p5 =	sge.s32 s3, s10;
	p2 =	por @!p0 p1, p1  }
0x80: {  	s14 =	rddreg [dreg:$0x16];
	p1 =	slt.s32 s30, s9;
	s11 =	simm.s32 @p2 $0x0  }
0x81: {  	s12 =	simm.s32 @p2 $0x9E80;
	p1 =	por @!p0 p3, p3;
	p3 =	slt.s32 s0, s9  }
0x82: {  	[tilespmem:s12], [sflag:$0x5] =	stream.linear.gather @p2 [hbm4b:s14+s11], $0x80, $0x38;
	[tilespmem:$0x1E900] =	vst v63  }
0x83: {  	s12 =	simm.s32 @p2 $0x14080;
	s14 =	rddreg [dreg:$0x17];
	p3 =	por @!p0 p4, p4  }
0x84: {  	[tilespmem:s12], [sflag:$0x5] =	stream.linear.gather @p2 [hbm4b:s14+s11], $0x2800, $0x38;
	[tilespmem:$0x1E900] =	vst v63  }
0x85: {  	s11 =	simm.s32 @p1 $0x0;
	s12 =	simm.s32 @p1 $0x9F00;
	s14 =	rddreg [dreg:$0x18]  }
0x86: {  	[tilespmem:s12], [sflag:$0x6] =	stream.linear.gather @p1 [hbm4b:s14+s11], $0x80, $0x38;
	[tilespmem:$0x1E900] =	vst v63  }
0x87: {  	p4 =	slt.s32 s3, s9;
	s12 =	simm.s32 @p1 $0x16880;
	s14 =	rddreg [dreg:$0x19]  }
0x88: {  	[tilespmem:s12], [sflag:$0x6] =	stream.linear.gather @p1 [hbm4b:s14+s11], $0x2800, $0x38;
	[tilespmem:$0x1E900] =	vst v63  }
0x89: {  	s11 =	simm.s32 @p3 $0x0;
	s12 =	simm.s32 @p3 $0x9F80;
	s14 =	rddreg [dreg:$0x1a]  }
0x8a: {  	[tilespmem:s12], [sflag:$0x7] =	stream.linear.gather @p3 [hbm4b:s14+s11], $0x80, $0x38;
	[tilespmem:$0x1E900] =	vst v63  }
0x8b: {  	p4 =	por @!p0 p5, p5;
	s12 =	simm.s32 @p3 $0x19080;
	s14 =	rddreg [dreg:$0x1b]  }
0x8c: {  	[tilespmem:s12], [sflag:$0x7] =	stream.linear.gather @p3 [hbm4b:s14+s11], $0x2800, $0x38;
	[tilespmem:$0x1E900] =	vst v63  }
0x8d: {  	s11 =	simm.s32 @p4 $0x0;
	s12 =	simm.s32 @p4 $0xA000;
	s14 =	rddreg [dreg:$0x1c]  }
0x8e: {  	[tilespmem:s12], [sflag:$0x8] =	stream.linear.gather @p4 [hbm4b:s14+s11], $0x80, $0x38;
	[tilespmem:$0x1E900] =	vst v63  }
0x8f: {  	s12 =	simm.s32 @p4 $0x1B880;
	s14 =	rddreg [dreg:$0x1d]  }
0x90: {  	[tilespmem:s12], [sflag:$0x8] =	stream.linear.gather @p4 [hbm4b:s14+s11], $0x2800, $0x38;
	[tilespmem:$0x1E900] =	vst v63  }
0x91: {  	[smem:$0x7E5] =	sst s15;
	s11 =	simm.s32 $0x0;
	s12 =	simm.s32 $0x200  }
.LBB2_2:
0x92: {  	p5 =	sne.s32 s12, $0x1E00;
	[tilespmem:s11+$0x1E0F0] =	vst v1  }
0x93: {  	[tilespmem:s11+$0x1E080] =	vst v1  }
0x94: {  	[tilespmem:s11+$0x1E090] =	vst v1  }
.Ltmp0:
0x95: {  	[tilespmem:s11+$0x1E0A0] =	vst v1;
	(pc) =	sbr.rel @p5 .LBB2_2-.Ltmp0, $4  }
0x96: {  	[tilespmem:s11+$0x1E0B0] =	vst v1  }
0x97: {  	[tilespmem:s11+$0x1E0C0] =	vst v1  }
0x98: {  	[tilespmem:s11+$0x1E0D0] =	vst v1  }
0x99: {  	[tilespmem:s11+$0x1E0E0] =	vst v1;
	s11 =	sshra.s32 s12, $0x2;
	s12 =	sadd.s32 $0x200, s12  }
0x9a: {  	[tilespmem:s11+$0x1E0F0] =	vst v1  }
0x9b: {  	[tilespmem:s11+$0x1E080] =	vst v1  }
0x9c: {  	[tilespmem:s11+$0x1E090] =	vst v1  }
0x9d: {  	[tilespmem:s11+$0x1E0A0] =	vst v1  }
0x9e: {  	[tilespmem:s11+$0x1E0B0] =	vst v1  }
0x9f: {  	[tilespmem:s11+$0x1E0C0] =	vst v1  }
0xa0: {  	[tilespmem:s11+$0x1E0D0] =	vst v1  }
0xa1: {  	[tilespmem:s11+$0x1E0E0] =	vst v1;
	s20 =	rddreg [dreg:$0x1e]  }
0xa2: {  	[spmem:s13] =	stream.linear.scatter [tilespmem:s31], [sflag:$0x11], $0x800, $0x38;
	[tilespmem:$0x1E900] =	vst v63  }
0xa3: {  	s21 =	rddreg [dreg:$0x1f]  }
0xa4: {  	[spmem:s20] =	stream.linear.scatter [tilespmem:s31], [sflag:$0x11], $0x800, $0x38;
	[tilespmem:$0x1E900] =	vst v63  }
0xa5: {  	s12 =	sld [smem:$0x7E6]  }
0xa6: {  	[spmem:s21] =	stream.linear.scatter [tilespmem:s31], [sflag:$0x11], $0x800, $0x38;
	[tilespmem:$0x1E900] =	vst v63  }
0xa7: {  	s14 =	sld [smem:$0x7E7]  }
0xa8: {  	[spmem:s12] =	stream.linear.scatter [tilespmem:s31], [sflag:$0x11], $0x800, $0x38;
	[tilespmem:$0x1E900] =	vst v63  }
0xa9: {  	s15 =	sld [smem:$0x7E8]  }
0xaa: {  	[spmem:s14] =	stream.linear.scatter [tilespmem:s31], [sflag:$0x11], $0x800, $0x38;
	[tilespmem:$0x1E900] =	vst v63  }
0xab: {  	s16 =	sld [smem:$0x7E9]  }
0xac: {  	[spmem:s15] =	stream.linear.scatter [tilespmem:s31], [sflag:$0x11], $0x800, $0x38;
	[tilespmem:$0x1E900] =	vst v63  }
0xad: {  	s18 =	sld [smem:$0x7EA]  }
0xae: {  	[spmem:s16] =	stream.linear.scatter [tilespmem:s31], [sflag:$0x11], $0x800, $0x38;
	[tilespmem:$0x1E900] =	vst v63  }
0xaf: {  	s20 =	sld [smem:$0x7F6]  }
0xb0: {  	[spmem:s18] =	stream.linear.scatter [tilespmem:s31], [sflag:$0x11], $0x800, $0x38;
	[tilespmem:$0x1E900] =	vst v63  }
0xb1: {  	s21 =	sld [smem:$0x7F7]  }
0xb2: {  	[spmem:s20] =	stream.linear.scatter [tilespmem:s31], [sflag:$0x11], $0x800, $0x38;
	[tilespmem:$0x1E900] =	vst v63  }
0xb3: {  	s12 =	sld [smem:$0x7F8]  }
0xb4: {  	[spmem:s21] =	stream.linear.scatter [tilespmem:s31], [sflag:$0x11], $0x800, $0x38;
	[tilespmem:$0x1E900] =	vst v63  }
0xb5: {  	s14 =	sld [smem:$0x7F9]  }
0xb6: {  	[spmem:s12] =	stream.linear.scatter [tilespmem:s31], [sflag:$0x11], $0x800, $0x38;
	[tilespmem:$0x1E900] =	vst v63  }
0xb7: {  	s15 =	sld [smem:$0x7FA]  }
0xb8: {  	[spmem:s14] =	stream.linear.scatter [tilespmem:s31], [sflag:$0x11], $0x800, $0x38;
	[tilespmem:$0x1E900] =	vst v63  }
0xb9: {  	s16 =	sld [smem:$0x7FB]  }
0xba: {  	[spmem:s15] =	stream.linear.scatter [tilespmem:s31], [sflag:$0x11], $0x800, $0x38;
	[tilespmem:$0x1E900] =	vst v63  }
0xbb: {  	s18 =	sld [smem:$0x7FC]  }
0xbc: {  	[spmem:s16] =	stream.linear.scatter [tilespmem:s31], [sflag:$0x11], $0x800, $0x38;
	[tilespmem:$0x1E900] =	vst v63  }
0xbd: {  	s20 =	sld [smem:$0x7FD]  }
0xbe: {  	[spmem:s18] =	stream.linear.scatter [tilespmem:s31], [sflag:$0x11], $0x800, $0x38;
	[tilespmem:$0x1E900] =	vst v63  }
0xbf: {  	_ = 	snop  }
0xc0: {  	[spmem:s20] =	stream.linear.scatter [tilespmem:s31], [sflag:$0x11], $0x800, $0x38;
	[tilespmem:$0x1E900] =	vst v63  }
0xc1: {  	s21 =	sld [smem:$0x7EC]  }
0xc2: {  	[spmem:s22] =	stream.linear.scatter [tilespmem:s31], [sflag:$0x11], $0x800, $0x38;
	[tilespmem:$0x1E900] =	vst v63  }
0xc3: {  	_ = 	snop  }
0xc4: {  	[spmem:s24] =	stream.linear.scatter [tilespmem:s31], [sflag:$0x11], $0x800, $0x38;
	[tilespmem:$0x1E900] =	vst v63  }
0xc5: {  	p5 =	seq.s32 s21, $0x1  }
0xc6: {  	[spmem:s26] =	stream.linear.scatter [tilespmem:s31], [sflag:$0x11], $0x800, $0x38;
	[tilespmem:$0x1E900] =	vst v63  }
0xc7: {  	s11 =	simm.s32 @!p5 $0x1E080  }
0xc8: {  	[spmem:s28] =	stream.linear.scatter @!p5 [tilespmem:s11], [sflag:$0x11], $0x800, $0x38;
	[tilespmem:$0x1E900] =	vst v63  }
0xc9: {  	_ =	swait.ge [sflag:s7], $0x800  }
0xca: {  	[sflag:s7] =	ssyncset.done $0x0  }
0xcb: {  	[sflag:s7] =	ssyncadd.s32 $0xFFFFF800  }
0xcc: {  	_ =	swait.ge [sflag:s7], $0x800  }
0xcd: {  	[sflag:s7] =	ssyncset.done $0x0  }
0xce: {  	[sflag:s7] =	ssyncadd.s32 $0xFFFFF800  }
0xcf: {  	_ =	swait.ge [sflag:s7], $0x800  }
0xd0: {  	[sflag:s7] =	ssyncset.done $0x0  }
0xd1: {  	[sflag:s7] =	ssyncadd.s32 $0xFFFFF800  }
0xd2: {  	_ =	swait.ge [sflag:s7], $0x800  }
0xd3: {  	[sflag:s7] =	ssyncset.done $0x0  }
0xd4: {  	[sflag:s7] =	ssyncadd.s32 $0xFFFFF800  }
0xd5: {  	_ =	swait.ge [sflag:s7], $0x800  }
0xd6: {  	[sflag:s7] =	ssyncset.done $0x0  }
0xd7: {  	[sflag:s7] =	ssyncadd.s32 $0xFFFFF800  }
0xd8: {  	_ =	swait.ge [sflag:s7], $0x800  }
0xd9: {  	[sflag:s7] =	ssyncset.done $0x0  }
0xda: {  	[sflag:s7] =	ssyncadd.s32 $0xFFFFF800  }
0xdb: {  	_ =	swait.ge [sflag:s7], $0x800  }
0xdc: {  	[sflag:s7] =	ssyncset.done $0x0  }
0xdd: {  	[sflag:s7] =	ssyncadd.s32 $0xFFFFF800  }
0xde: {  	_ =	swait.ge [sflag:s7], $0x800  }
0xdf: {  	[sflag:s7] =	ssyncset.done $0x0  }
0xe0: {  	[sflag:s7] =	ssyncadd.s32 $0xFFFFF800  }
0xe1: {  	_ =	swait.ge [sflag:s7], $0x800  }
0xe2: {  	[sflag:s7] =	ssyncset.done $0x0  }
0xe3: {  	[sflag:s7] =	ssyncadd.s32 $0xFFFFF800  }
0xe4: {  	_ =	swait.ge [sflag:s7], $0x800  }
0xe5: {  	[sflag:s7] =	ssyncset.done $0x0  }
0xe6: {  	[sflag:s7] =	ssyncadd.s32 $0xFFFFF800  }
0xe7: {  	_ =	swait.ge [sflag:s7], $0x800  }
0xe8: {  	[sflag:s7] =	ssyncset.done $0x0  }
0xe9: {  	[sflag:s7] =	ssyncadd.s32 $0xFFFFF800  }
0xea: {  	_ =	swait.ge [sflag:s7], $0x800  }
0xeb: {  	[sflag:s7] =	ssyncset.done $0x0  }
0xec: {  	[sflag:s7] =	ssyncadd.s32 $0xFFFFF800  }
0xed: {  	_ =	swait.ge [sflag:s7], $0x800  }
0xee: {  	[sflag:s7] =	ssyncset.done $0x0  }
0xef: {  	[sflag:s7] =	ssyncadd.s32 $0xFFFFF800  }
0xf0: {  	_ =	swait.ge [sflag:s7], $0x800  }
0xf1: {  	[sflag:s7] =	ssyncset.done $0x0  }
0xf2: {  	[sflag:s7] =	ssyncadd.s32 $0xFFFFF800  }
0xf3: {  	_ =	swait.ge [sflag:s7], $0x800  }
0xf4: {  	[sflag:s7] =	ssyncset.done $0x0  }
0xf5: {  	[sflag:s7] =	ssyncadd.s32 $0xFFFFF800  }
0xf6: {  	_ =	swait.ge [sflag:s7], $0x800  }
0xf7: {  	[sflag:s7] =	ssyncset.done $0x0  }
0xf8: {  	[sflag:s7] =	ssyncadd.s32 $0xFFFFF800  }
0xf9: {  	_ =	swait.ge [sflag:s7], $0x800  }
0xfa: {  	[sflag:s7] =	ssyncset.done $0x0  }
0xfb: {  	[sflag:s7] =	ssyncadd.s32 $0xFFFFF800  }
0xfc: {  	_ =	swait.ge [sflag:s7], $0x800  }
0xfd: {  	[sflag:s7] =	ssyncset.done $0x0  }
0xfe: {  	[sflag:s7] =	ssyncadd.s32 $0xFFFFF800  }
0xff: {  	_ =	swait.ge [sflag:s7], $0x800  }
0x100: {  	[sflag:s7] =	ssyncset.done $0x0  }
0x101: {  	s11 =	simm.s32 @!p5 $0x11;
	[sflag:s7] =	ssyncadd.s32 $0xFFFFF800  }
0x102: {  	_ =	swait.ge @!p5 [sflag:s11], $0x800  }
0x103: {  	[sflag:s11] =	ssyncset.done @!p5 $0x0  }
0x104: {  	[sflag:s11] =	ssyncadd.s32 @!p5 $0xFFFFF800  }
0x105: {  	s12 =	simm.s32 $0x0;
	s11 =	simm.s32 $0x0;
	[bflag:$0x0] =	sbarrier.arrive $0xFFFF  }
.LBB2_4:
0x106: {  	s14 =	sadd.s32 s12, s4  }
0x107: {  	s15 =	sadd.s32 s11, s4;
	s16 =	sadd.s32 $0xF90, s14  }
0x108: {  	s16 =	smov.u32 @p0 s15  }
0x109: {  	p5 =	slt.s32 s16, s9;
	p6 =	sge.s32 s16, s10  }
0x10a: {  	p5 =	por @!p0 p6, p6  }
0x10b: {  	s16 =	simm.s32 @p5 $0x1  }
0x10c: {  	_ =	swait.ge @p5 [sflag:s16], $0x80  }
0x10d: {  	[sflag:s16] =	ssyncset.done @p5 $0x0  }
0x10e: {  	[sflag:s16] =	ssyncadd.s32 @p5 $0xFFFFFF80  }
0x10f: {  	_ =	swait.ge @p5 [sflag:s16], $0x2800  }
0x110: {  	[sflag:s16] =	ssyncset.done @p5 $0x0  }
0x111: {  	[sflag:s16] =	ssyncadd.s32 @p5 $0xFFFFD800  }
0x112: {  	v2 =	vld @p5 [tilespmem:$0x9C80]  }
0x113: {  	v3 =	vld @p5 [tilespmem:$0x9C90];
	_ =	sdelay $0x1  }
0x114: {  	v4 =	vld @p5 [tilespmem:$0x9CA0]  }
0x115: {  	v5 =	vld @p5 [tilespmem:$0x9CB0]  }
0x116: {  	v2 =	vsub.s32 @p5 v2, v0  }
0x117: {  	v6 =	vld @p5 [tilespmem:$0x9CC0];
	v3 =	vsub.s32 @p5 v3, v0;
	vm0 =	vlt.s32 @p5 v2, $0x1388  }
0x118: {  	vm1 =	vlt.s32 @p5 v2, $0x0;
	v2 =	vnsel @p5 vm0, $0x1388, v2;
	vm0 =	vlt.s32 @p5 v3, $0x1388  }
0x119: {  	v7 =	vnsel @p5 vm0, $0x1388, v3;
	vm0 =	vlt.s32 @p5 v3, $0x0;
	v3 =	vsub.s32 @p5 v4, v0  }
0x11a: {  	v5 =	vsub.s32 @p5 v5, v0;
	v4 =	vsel @p5 vm0, $0x1388, v7;
	vm0 =	vlt.s32 @p5 v3, $0x1388  }
0x11b: {  	v2 =	vsel @p5 vm1, $0x1388, v2;
	vm1 =	vlt.s32 @p5 v3, $0x0;
	v3 =	vnsel @p5 vm0, $0x1388, v3  }
0x11c: {  	[tilespmem:$0x9C80] =	vst @p5 v2;
	vm0 =	vlt.s32 @p5 v5, $0x1388;
	v2 =	vsel @p5 vm1, $0x1388, v3;
	v3 =	vsub.s32 @p5 v6, v0  }
0x11d: {  	[tilespmem:$0x9C90] =	vst @p5 v4;
	vm1 =	vlt.s32 @p5 v5, $0x0;
	v4 =	vnsel @p5 vm0, $0x1388, v5;
	vm0 =	vlt.s32 @p5 v3, $0x1388  }
0x11e: {  	[tilespmem:$0x9CA0] =	vst @p5 v2;
	v2 =	vsel @p5 vm1, $0x1388, v4;
	vm1 =	vlt.s32 @p5 v3, $0x0;
	v3 =	vnsel @p5 vm0, $0x1388, v3  }
0x11f: {  	[tilespmem:$0x9CB0] =	vst @p5 v2;
	v2 =	vsel @p5 vm1, $0x1388, v3  }
0x120: {  	s18 =	simm.s32 @p5 $0x9C80;
	s20 =	simm.s32 @p5 $0xA080;
	s16 =	simm.s32 @p5 $0x50;
	[tilespmem:$0x9CC0] =	vst @p5 v2  }
0x121: {  	[spmem:s2] =	stream.indirect.scatter.add.f32 @p5 [tilespmem:s20], [sflag:$0x9], $0x80, s18, s16, $0xb8;
	[tilespmem:$0x1E900] =	vst v63  }
0x122: {  	s16 =	sadd.s32 $0x10, s15;
	s18 =	sadd.s32 $0xF80, s14  }
0x123: {  	s18 =	smov.u32 @p0 s16  }
0x124: {  	p5 =	slt.s32 s18, s9;
	p6 =	sge.s32 s18, s10  }
0x125: {  	p5 =	por @!p0 p6, p6  }
0x126: {  	s16 =	simm.s32 @p5 $0x2  }
0x127: {  	_ =	swait.ge @p5 [sflag:s16], $0x80  }
0x128: {  	[sflag:s16] =	ssyncset.done @p5 $0x0  }
0x129: {  	[sflag:s16] =	ssyncadd.s32 @p5 $0xFFFFFF80  }
0x12a: {  	_ =	swait.ge @p5 [sflag:s16], $0x2800  }
0x12b: {  	[sflag:s16] =	ssyncset.done @p5 $0x0  }
0x12c: {  	[sflag:s16] =	ssyncadd.s32 @p5 $0xFFFFD800  }
0x12d: {  	v2 =	vld @p5 [tilespmem:$0x9D00]  }
0x12e: {  	v3 =	vld @p5 [tilespmem:$0x9D10];
	_ =	sdelay $0x1  }
0x12f: {  	v4 =	vld @p5 [tilespmem:$0x9D20]  }
0x130: {  	v5 =	vld @p5 [tilespmem:$0x9D30]  }
0x131: {  	v2 =	vsub.s32 @p5 v2, v0  }
0x132: {  	v6 =	vld @p5 [tilespmem:$0x9D40];
	v3 =	vsub.s32 @p5 v3, v0;
	vm0 =	vlt.s32 @p5 v2, $0x1388  }
0x133: {  	vm1 =	vlt.s32 @p5 v2, $0x0;
	v2 =	vnsel @p5 vm0, $0x1388, v2;
	vm0 =	vlt.s32 @p5 v3, $0x1388  }
0x134: {  	v7 =	vnsel @p5 vm0, $0x1388, v3;
	vm0 =	vlt.s32 @p5 v3, $0x0;
	v3 =	vsub.s32 @p5 v4, v0  }
0x135: {  	v5 =	vsub.s32 @p5 v5, v0;
	v4 =	vsel @p5 vm0, $0x1388, v7;
	vm0 =	vlt.s32 @p5 v3, $0x1388  }
0x136: {  	v2 =	vsel @p5 vm1, $0x1388, v2;
	vm1 =	vlt.s32 @p5 v3, $0x0;
	v3 =	vnsel @p5 vm0, $0x1388, v3  }
0x137: {  	[tilespmem:$0x9D00] =	vst @p5 v2;
	vm0 =	vlt.s32 @p5 v5, $0x1388;
	v2 =	vsel @p5 vm1, $0x1388, v3;
	v3 =	vsub.s32 @p5 v6, v0  }
0x138: {  	[tilespmem:$0x9D10] =	vst @p5 v4;
	vm1 =	vlt.s32 @p5 v5, $0x0;
	v4 =	vnsel @p5 vm0, $0x1388, v5;
	vm0 =	vlt.s32 @p5 v3, $0x1388  }
0x139: {  	[tilespmem:$0x9D20] =	vst @p5 v2;
	v2 =	vsel @p5 vm1, $0x1388, v4;
	vm1 =	vlt.s32 @p5 v3, $0x0;
	v3 =	vnsel @p5 vm0, $0x1388, v3  }
0x13a: {  	[tilespmem:$0x9D30] =	vst @p5 v2;
	v2 =	vsel @p5 vm1, $0x1388, v3  }
0x13b: {  	s18 =	simm.s32 @p5 $0x9D00;
	s20 =	simm.s32 @p5 $0xC880;
	s16 =	simm.s32 @p5 $0x50;
	[tilespmem:$0x9D40] =	vst @p5 v2  }
0x13c: {  	[spmem:s2] =	stream.indirect.scatter.add.f32 @p5 [tilespmem:s20], [sflag:$0xA], $0x80, s18, s16, $0xb8;
	[tilespmem:$0x1E900] =	vst v63  }
0x13d: {  	s16 =	sadd.s32 $0x20, s15;
	s18 =	sadd.s32 $0xF70, s14  }
0x13e: {  	s18 =	smov.u32 @p0 s16  }
0x13f: {  	p5 =	slt.s32 s18, s9;
	p6 =	sge.s32 s18, s10  }
0x140: {  	p5 =	por @!p0 p6, p6  }
0x141: {  	s16 =	simm.s32 @p5 $0x3  }
0x142: {  	_ =	swait.ge @p5 [sflag:s16], $0x80  }
0x143: {  	[sflag:s16] =	ssyncset.done @p5 $0x0  }
0x144: {  	[sflag:s16] =	ssyncadd.s32 @p5 $0xFFFFFF80  }
0x145: {  	_ =	swait.ge @p5 [sflag:s16], $0x2800  }
0x146: {  	[sflag:s16] =	ssyncset.done @p5 $0x0  }
0x147: {  	[sflag:s16] =	ssyncadd.s32 @p5 $0xFFFFD800  }
0x148: {  	v2 =	vld @p5 [tilespmem:$0x9D80]  }
0x149: {  	v3 =	vld @p5 [tilespmem:$0x9D90];
	_ =	sdelay $0x1  }
0x14a: {  	v4 =	vld @p5 [tilespmem:$0x9DA0]  }
0x14b: {  	v5 =	vld @p5 [tilespmem:$0x9DB0]  }
0x14c: {  	v2 =	vsub.s32 @p5 v2, v0  }
0x14d: {  	v6 =	vld @p5 [tilespmem:$0x9DC0];
	v3 =	vsub.s32 @p5 v3, v0;
	vm0 =	vlt.s32 @p5 v2, $0x1388  }
0x14e: {  	vm1 =	vlt.s32 @p5 v2, $0x0;
	v2 =	vnsel @p5 vm0, $0x1388, v2;
	vm0 =	vlt.s32 @p5 v3, $0x1388  }
0x14f: {  	v7 =	vnsel @p5 vm0, $0x1388, v3;
	vm0 =	vlt.s32 @p5 v3, $0x0;
	v3 =	vsub.s32 @p5 v4, v0  }
0x150: {  	v5 =	vsub.s32 @p5 v5, v0;
	v4 =	vsel @p5 vm0, $0x1388, v7;
	vm0 =	vlt.s32 @p5 v3, $0x1388  }
0x151: {  	v2 =	vsel @p5 vm1, $0x1388, v2;
	vm1 =	vlt.s32 @p5 v3, $0x0;
	v3 =	vnsel @p5 vm0, $0x1388, v3  }
0x152: {  	[tilespmem:$0x9D80] =	vst @p5 v2;
	vm0 =	vlt.s32 @p5 v5, $0x1388;
	v2 =	vsel @p5 vm1, $0x1388, v3;
	v3 =	vsub.s32 @p5 v6, v0  }
0x153: {  	[tilespmem:$0x9D90] =	vst @p5 v4;
	vm1 =	vlt.s32 @p5 v5, $0x0;
	v4 =	vnsel @p5 vm0, $0x1388, v5;
	vm0 =	vlt.s32 @p5 v3, $0x1388  }
0x154: {  	[tilespmem:$0x9DA0] =	vst @p5 v2;
	v2 =	vsel @p5 vm1, $0x1388, v4;
	vm1 =	vlt.s32 @p5 v3, $0x0;
	v3 =	vnsel @p5 vm0, $0x1388, v3  }
0x155: {  	[tilespmem:$0x9DB0] =	vst @p5 v2;
	v2 =	vsel @p5 vm1, $0x1388, v3  }
0x156: {  	s18 =	simm.s32 @p5 $0x9D80;
	s20 =	simm.s32 @p5 $0xF080;
	s16 =	simm.s32 @p5 $0x50;
	[tilespmem:$0x9DC0] =	vst @p5 v2  }
0x157: {  	[spmem:s2] =	stream.indirect.scatter.add.f32 @p5 [tilespmem:s20], [sflag:$0xB], $0x80, s18, s16, $0xb8;
	[tilespmem:$0x1E900] =	vst v63  }
0x158: {  	s16 =	sadd.s32 $0x30, s15;
	s18 =	sadd.s32 $0xF60, s14  }
0x159: {  	s18 =	smov.u32 @p0 s16  }
0x15a: {  	p5 =	slt.s32 s18, s9;
	p6 =	sge.s32 s18, s10  }
0x15b: {  	p5 =	por @!p0 p6, p6  }
0x15c: {  	s16 =	simm.s32 @p5 $0x4  }
0x15d: {  	_ =	swait.ge @p5 [sflag:s16], $0x80  }
0x15e: {  	[sflag:s16] =	ssyncset.done @p5 $0x0  }
0x15f: {  	[sflag:s16] =	ssyncadd.s32 @p5 $0xFFFFFF80  }
0x160: {  	_ =	swait.ge @p5 [sflag:s16], $0x2800  }
0x161: {  	[sflag:s16] =	ssyncset.done @p5 $0x0  }
0x162: {  	[sflag:s16] =	ssyncadd.s32 @p5 $0xFFFFD800  }
0x163: {  	v2 =	vld @p5 [tilespmem:$0x9E00]  }
0x164: {  	v3 =	vld @p5 [tilespmem:$0x9E10];
	_ =	sdelay $0x1  }
0x165: {  	v4 =	vld @p5 [tilespmem:$0x9E20]  }
0x166: {  	v5 =	vld @p5 [tilespmem:$0x9E30]  }
0x167: {  	v2 =	vsub.s32 @p5 v2, v0  }
0x168: {  	v6 =	vld @p5 [tilespmem:$0x9E40];
	v3 =	vsub.s32 @p5 v3, v0;
	vm0 =	vlt.s32 @p5 v2, $0x1388  }
0x169: {  	vm1 =	vlt.s32 @p5 v2, $0x0;
	v2 =	vnsel @p5 vm0, $0x1388, v2;
	vm0 =	vlt.s32 @p5 v3, $0x1388  }
0x16a: {  	v7 =	vnsel @p5 vm0, $0x1388, v3;
	vm0 =	vlt.s32 @p5 v3, $0x0;
	v3 =	vsub.s32 @p5 v4, v0  }
0x16b: {  	v5 =	vsub.s32 @p5 v5, v0;
	v4 =	vsel @p5 vm0, $0x1388, v7;
	vm0 =	vlt.s32 @p5 v3, $0x1388  }
0x16c: {  	v2 =	vsel @p5 vm1, $0x1388, v2;
	vm1 =	vlt.s32 @p5 v3, $0x0;
	v3 =	vnsel @p5 vm0, $0x1388, v3  }
0x16d: {  	[tilespmem:$0x9E00] =	vst @p5 v2;
	vm0 =	vlt.s32 @p5 v5, $0x1388;
	v2 =	vsel @p5 vm1, $0x1388, v3;
	v3 =	vsub.s32 @p5 v6, v0  }
0x16e: {  	[tilespmem:$0x9E10] =	vst @p5 v4;
	vm1 =	vlt.s32 @p5 v5, $0x0;
	v4 =	vnsel @p5 vm0, $0x1388, v5;
	vm0 =	vlt.s32 @p5 v3, $0x1388  }
0x16f: {  	[tilespmem:$0x9E20] =	vst @p5 v2;
	v2 =	vsel @p5 vm1, $0x1388, v4;
	vm1 =	vlt.s32 @p5 v3, $0x0;
	v3 =	vnsel @p5 vm0, $0x1388, v3  }
0x170: {  	[tilespmem:$0x9E30] =	vst @p5 v2;
	v2 =	vsel @p5 vm1, $0x1388, v3  }
0x171: {  	s18 =	simm.s32 @p5 $0x9E00;
	s20 =	simm.s32 @p5 $0x11880;
	s16 =	simm.s32 @p5 $0x50;
	[tilespmem:$0x9E40] =	vst @p5 v2  }
0x172: {  	[spmem:s2] =	stream.indirect.scatter.add.f32 @p5 [tilespmem:s20], [sflag:$0xC], $0x80, s18, s16, $0xb8;
	[tilespmem:$0x1E900] =	vst v63  }
0x173: {  	s16 =	sadd.s32 $0x40, s15;
	s18 =	sadd.s32 $0xF50, s14  }
0x174: {  	s18 =	smov.u32 @p0 s16  }
0x175: {  	p5 =	slt.s32 s18, s9;
	p6 =	sge.s32 s18, s10  }
0x176: {  	p5 =	por @!p0 p6, p6  }
0x177: {  	s16 =	simm.s32 @p5 $0x5  }
0x178: {  	_ =	swait.ge @p5 [sflag:s16], $0x80  }
0x179: {  	[sflag:s16] =	ssyncset.done @p5 $0x0  }
0x17a: {  	[sflag:s16] =	ssyncadd.s32 @p5 $0xFFFFFF80  }
0x17b: {  	_ =	swait.ge @p5 [sflag:s16], $0x2800  }
0x17c: {  	[sflag:s16] =	ssyncset.done @p5 $0x0  }
0x17d: {  	[sflag:s16] =	ssyncadd.s32 @p5 $0xFFFFD800  }
0x17e: {  	v2 =	vld @p5 [tilespmem:$0x9E80]  }
0x17f: {  	v3 =	vld @p5 [tilespmem:$0x9E90];
	_ =	sdelay $0x1  }
0x180: {  	v4 =	vld @p5 [tilespmem:$0x9EA0]  }
0x181: {  	v5 =	vld @p5 [tilespmem:$0x9EB0]  }
0x182: {  	v2 =	vsub.s32 @p5 v2, v0  }
0x183: {  	v6 =	vld @p5 [tilespmem:$0x9EC0];
	v3 =	vsub.s32 @p5 v3, v0;
	vm0 =	vlt.s32 @p5 v2, $0x1388  }
0x184: {  	vm1 =	vlt.s32 @p5 v2, $0x0;
	v2 =	vnsel @p5 vm0, $0x1388, v2;
	vm0 =	vlt.s32 @p5 v3, $0x1388  }
0x185: {  	v7 =	vnsel @p5 vm0, $0x1388, v3;
	vm0 =	vlt.s32 @p5 v3, $0x0;
	v3 =	vsub.s32 @p5 v4, v0  }
0x186: {  	v5 =	vsub.s32 @p5 v5, v0;
	v4 =	vsel @p5 vm0, $0x1388, v7;
	vm0 =	vlt.s32 @p5 v3, $0x1388  }
0x187: {  	v2 =	vsel @p5 vm1, $0x1388, v2;
	vm1 =	vlt.s32 @p5 v3, $0x0;
	v3 =	vnsel @p5 vm0, $0x1388, v3  }
0x188: {  	[tilespmem:$0x9E80] =	vst @p5 v2;
	vm0 =	vlt.s32 @p5 v5, $0x1388;
	v2 =	vsel @p5 vm1, $0x1388, v3;
	v3 =	vsub.s32 @p5 v6, v0  }
0x189: {  	[tilespmem:$0x9E90] =	vst @p5 v4;
	vm1 =	vlt.s32 @p5 v5, $0x0;
	v4 =	vnsel @p5 vm0, $0x1388, v5;
	vm0 =	vlt.s32 @p5 v3, $0x1388  }
0x18a: {  	[tilespmem:$0x9EA0] =	vst @p5 v2;
	v2 =	vsel @p5 vm1, $0x1388, v4;
	vm1 =	vlt.s32 @p5 v3, $0x0;
	v3 =	vnsel @p5 vm0, $0x1388, v3  }
0x18b: {  	[tilespmem:$0x9EB0] =	vst @p5 v2;
	v2 =	vsel @p5 vm1, $0x1388, v3  }
0x18c: {  	s18 =	simm.s32 @p5 $0x9E80;
	s20 =	simm.s32 @p5 $0x14080;
	s16 =	simm.s32 @p5 $0x50;
	[tilespmem:$0x9EC0] =	vst @p5 v2  }
0x18d: {  	[spmem:s2] =	stream.indirect.scatter.add.f32 @p5 [tilespmem:s20], [sflag:$0xD], $0x80, s18, s16, $0xb8;
	[tilespmem:$0x1E900] =	vst v63  }
0x18e: {  	s16 =	sadd.s32 $0x50, s15;
	s18 =	sadd.s32 $0xF40, s14  }
0x18f: {  	s18 =	smov.u32 @p0 s16  }
0x190: {  	p5 =	slt.s32 s18, s9;
	p6 =	sge.s32 s18, s10  }
0x191: {  	p5 =	por @!p0 p6, p6  }
0x192: {  	s16 =	simm.s32 @p5 $0x6  }
0x193: {  	_ =	swait.ge @p5 [sflag:s16], $0x80  }
0x194: {  	[sflag:s16] =	ssyncset.done @p5 $0x0  }
0x195: {  	[sflag:s16] =	ssyncadd.s32 @p5 $0xFFFFFF80  }
0x196: {  	_ =	swait.ge @p5 [sflag:s16], $0x2800  }
0x197: {  	[sflag:s16] =	ssyncset.done @p5 $0x0  }
0x198: {  	[sflag:s16] =	ssyncadd.s32 @p5 $0xFFFFD800  }
0x199: {  	v2 =	vld @p5 [tilespmem:$0x9F00]  }
0x19a: {  	v3 =	vld @p5 [tilespmem:$0x9F10];
	_ =	sdelay $0x1  }
0x19b: {  	v4 =	vld @p5 [tilespmem:$0x9F20]  }
0x19c: {  	v5 =	vld @p5 [tilespmem:$0x9F30]  }
0x19d: {  	v2 =	vsub.s32 @p5 v2, v0  }
0x19e: {  	v6 =	vld @p5 [tilespmem:$0x9F40];
	v3 =	vsub.s32 @p5 v3, v0;
	vm0 =	vlt.s32 @p5 v2, $0x1388  }
0x19f: {  	vm1 =	vlt.s32 @p5 v2, $0x0;
	v2 =	vnsel @p5 vm0, $0x1388, v2;
	vm0 =	vlt.s32 @p5 v3, $0x1388  }
0x1a0: {  	v7 =	vnsel @p5 vm0, $0x1388, v3;
	vm0 =	vlt.s32 @p5 v3, $0x0;
	v3 =	vsub.s32 @p5 v4, v0  }
0x1a1: {  	v5 =	vsub.s32 @p5 v5, v0;
	v4 =	vsel @p5 vm0, $0x1388, v7;
	vm0 =	vlt.s32 @p5 v3, $0x1388  }
0x1a2: {  	v2 =	vsel @p5 vm1, $0x1388, v2;
	vm1 =	vlt.s32 @p5 v3, $0x0;
	v3 =	vnsel @p5 vm0, $0x1388, v3  }
0x1a3: {  	[tilespmem:$0x9F00] =	vst @p5 v2;
	vm0 =	vlt.s32 @p5 v5, $0x1388;
	v2 =	vsel @p5 vm1, $0x1388, v3;
	v3 =	vsub.s32 @p5 v6, v0  }
0x1a4: {  	[tilespmem:$0x9F10] =	vst @p5 v4;
	vm1 =	vlt.s32 @p5 v5, $0x0;
	v4 =	vnsel @p5 vm0, $0x1388, v5;
	vm0 =	vlt.s32 @p5 v3, $0x1388  }
0x1a5: {  	[tilespmem:$0x9F20] =	vst @p5 v2;
	v2 =	vsel @p5 vm1, $0x1388, v4;
	vm1 =	vlt.s32 @p5 v3, $0x0;
	v3 =	vnsel @p5 vm0, $0x1388, v3  }
0x1a6: {  	[tilespmem:$0x9F30] =	vst @p5 v2;
	v2 =	vsel @p5 vm1, $0x1388, v3  }
0x1a7: {  	s18 =	simm.s32 @p5 $0x9F00;
	s20 =	simm.s32 @p5 $0x16880;
	s16 =	simm.s32 @p5 $0x50;
	[tilespmem:$0x9F40] =	vst @p5 v2  }
0x1a8: {  	[spmem:s2] =	stream.indirect.scatter.add.f32 @p5 [tilespmem:s20], [sflag:$0xE], $0x80, s18, s16, $0xb8;
	[tilespmem:$0x1E900] =	vst v63  }
0x1a9: {  	s16 =	sadd.s32 $0x60, s15;
	s18 =	sadd.s32 $0xF30, s14  }
0x1aa: {  	s18 =	smov.u32 @p0 s16  }
0x1ab: {  	p5 =	slt.s32 s18, s9;
	p6 =	sge.s32 s18, s10  }
0x1ac: {  	p5 =	por @!p0 p6, p6  }
0x1ad: {  	s16 =	simm.s32 @p5 $0x7  }
0x1ae: {  	_ =	swait.ge @p5 [sflag:s16], $0x80  }
0x1af: {  	[sflag:s16] =	ssyncset.done @p5 $0x0  }
0x1b0: {  	[sflag:s16] =	ssyncadd.s32 @p5 $0xFFFFFF80  }
0x1b1: {  	_ =	swait.ge @p5 [sflag:s16], $0x2800  }
0x1b2: {  	[sflag:s16] =	ssyncset.done @p5 $0x0  }
0x1b3: {  	[sflag:s16] =	ssyncadd.s32 @p5 $0xFFFFD800  }
0x1b4: {  	v2 =	vld @p5 [tilespmem:$0x9F80]  }
0x1b5: {  	v3 =	vld @p5 [tilespmem:$0x9F90];
	_ =	sdelay $0x1  }
0x1b6: {  	v4 =	vld @p5 [tilespmem:$0x9FA0]  }
0x1b7: {  	v5 =	vld @p5 [tilespmem:$0x9FB0]  }
0x1b8: {  	v2 =	vsub.s32 @p5 v2, v0  }
0x1b9: {  	v6 =	vld @p5 [tilespmem:$0x9FC0];
	v3 =	vsub.s32 @p5 v3, v0;
	vm0 =	vlt.s32 @p5 v2, $0x1388  }
0x1ba: {  	vm1 =	vlt.s32 @p5 v2, $0x0;
	v2 =	vnsel @p5 vm0, $0x1388, v2;
	vm0 =	vlt.s32 @p5 v3, $0x1388  }
0x1bb: {  	v7 =	vnsel @p5 vm0, $0x1388, v3;
	vm0 =	vlt.s32 @p5 v3, $0x0;
	v3 =	vsub.s32 @p5 v4, v0  }
0x1bc: {  	v5 =	vsub.s32 @p5 v5, v0;
	v4 =	vsel @p5 vm0, $0x1388, v7;
	vm0 =	vlt.s32 @p5 v3, $0x1388  }
0x1bd: {  	v2 =	vsel @p5 vm1, $0x1388, v2;
	vm1 =	vlt.s32 @p5 v3, $0x0;
	v3 =	vnsel @p5 vm0, $0x1388, v3  }
0x1be: {  	[tilespmem:$0x9F80] =	vst @p5 v2;
	vm0 =	vlt.s32 @p5 v5, $0x1388;
	v2 =	vsel @p5 vm1, $0x1388, v3;
	v3 =	vsub.s32 @p5 v6, v0  }
0x1bf: {  	[tilespmem:$0x9F90] =	vst @p5 v4;
	vm1 =	vlt.s32 @p5 v5, $0x0;
	v4 =	vnsel @p5 vm0, $0x1388, v5;
	vm0 =	vlt.s32 @p5 v3, $0x1388  }
0x1c0: {  	[tilespmem:$0x9FA0] =	vst @p5 v2;
	v2 =	vsel @p5 vm1, $0x1388, v4;
	vm1 =	vlt.s32 @p5 v3, $0x0;
	v3 =	vnsel @p5 vm0, $0x1388, v3  }
0x1c1: {  	[tilespmem:$0x9FB0] =	vst @p5 v2;
	v2 =	vsel @p5 vm1, $0x1388, v3  }
0x1c2: {  	s18 =	simm.s32 @p5 $0x9F80;
	s20 =	simm.s32 @p5 $0x19080;
	s16 =	simm.s32 @p5 $0x50;
	[tilespmem:$0x9FC0] =	vst @p5 v2  }
0x1c3: {  	[spmem:s2] =	stream.indirect.scatter.add.f32 @p5 [tilespmem:s20], [sflag:$0xF], $0x80, s18, s16, $0xb8;
	[tilespmem:$0x1E900] =	vst v63  }
0x1c4: {  	s16 =	sadd.s32 $0x70, s15;
	s18 =	sadd.s32 $0xF20, s14  }
0x1c5: {  	s18 =	smov.u32 @p0 s16  }
0x1c6: {  	p5 =	slt.s32 s18, s9;
	p6 =	sge.s32 s18, s10  }
0x1c7: {  	p5 =	por @!p0 p6, p6  }
0x1c8: {  	s16 =	simm.s32 @p5 $0x8  }
0x1c9: {  	_ =	swait.ge @p5 [sflag:s16], $0x80  }
0x1ca: {  	[sflag:s16] =	ssyncset.done @p5 $0x0  }
0x1cb: {  	[sflag:s16] =	ssyncadd.s32 @p5 $0xFFFFFF80  }
0x1cc: {  	_ =	swait.ge @p5 [sflag:s16], $0x2800  }
0x1cd: {  	[sflag:s16] =	ssyncset.done @p5 $0x0  }
0x1ce: {  	[sflag:s16] =	ssyncadd.s32 @p5 $0xFFFFD800  }
0x1cf: {  	v2 =	vld @p5 [tilespmem:$0xA000]  }
0x1d0: {  	v3 =	vld @p5 [tilespmem:$0xA010];
	_ =	sdelay $0x1  }
0x1d1: {  	v4 =	vld @p5 [tilespmem:$0xA020]  }
0x1d2: {  	v5 =	vld @p5 [tilespmem:$0xA030]  }
0x1d3: {  	v2 =	vsub.s32 @p5 v2, v0  }
0x1d4: {  	v6 =	vld @p5 [tilespmem:$0xA040];
	v3 =	vsub.s32 @p5 v3, v0;
	vm0 =	vlt.s32 @p5 v2, $0x1388  }
0x1d5: {  	vm1 =	vlt.s32 @p5 v2, $0x0;
	v2 =	vnsel @p5 vm0, $0x1388, v2;
	vm0 =	vlt.s32 @p5 v3, $0x1388  }
0x1d6: {  	v7 =	vnsel @p5 vm0, $0x1388, v3;
	vm0 =	vlt.s32 @p5 v3, $0x0;
	v3 =	vsub.s32 @p5 v4, v0  }
0x1d7: {  	v5 =	vsub.s32 @p5 v5, v0;
	v4 =	vsel @p5 vm0, $0x1388, v7;
	vm0 =	vlt.s32 @p5 v3, $0x1388  }
0x1d8: {  	v2 =	vsel @p5 vm1, $0x1388, v2;
	vm1 =	vlt.s32 @p5 v3, $0x0;
	v3 =	vnsel @p5 vm0, $0x1388, v3  }
0x1d9: {  	[tilespmem:$0xA000] =	vst @p5 v2;
	vm0 =	vlt.s32 @p5 v5, $0x1388;
	v2 =	vsel @p5 vm1, $0x1388, v3;
	v3 =	vsub.s32 @p5 v6, v0  }
0x1da: {  	[tilespmem:$0xA010] =	vst @p5 v4;
	vm1 =	vlt.s32 @p5 v5, $0x0;
	v4 =	vnsel @p5 vm0, $0x1388, v5;
	vm0 =	vlt.s32 @p5 v3, $0x1388  }
0x1db: {  	[tilespmem:$0xA020] =	vst @p5 v2;
	v2 =	vsel @p5 vm1, $0x1388, v4;
	vm1 =	vlt.s32 @p5 v3, $0x0;
	v3 =	vnsel @p5 vm0, $0x1388, v3  }
0x1dc: {  	[tilespmem:$0xA030] =	vst @p5 v2;
	v2 =	vsel @p5 vm1, $0x1388, v3  }
0x1dd: {  	s18 =	simm.s32 @p5 $0xA000;
	s20 =	simm.s32 @p5 $0x1B880;
	s16 =	simm.s32 @p5 $0x50;
	[tilespmem:$0xA040] =	vst @p5 v2  }
0x1de: {  	[spmem:s2] =	stream.indirect.scatter.add.f32 @p5 [tilespmem:s20], [sflag:$0x10], $0x80, s18, s16, $0xb8;
	[tilespmem:$0x1E900] =	vst v63  }
0x1df: {  	s16 =	sadd.s32 $0x80, s15;
	s18 =	sadd.s32 $0xF10, s14  }
0x1e0: {  	s18 =	smov.u32 @p0 s16  }
0x1e1: {  	p5 =	slt.s32 s18, s9;
	p6 =	sge.s32 s18, s10  }
0x1e2: {  	p5 =	por @!p0 p6, p6  }
0x1e3: {  	s16 =	simm.s32 @p5 $0x9  }
0x1e4: {  	s20 =	sshll.u32 @p5 s18, $0x4;
	s21 =	simm.s32 @p5 $0x9C80;
	_ =	swait.ge @p5 [sflag:s16], $0x2800  }
0x1e5: {  	s18 =	smul.u32 @p5 $0x2800, s18;
	s20 =	sand.u32 @p5 $0x1FFFF9F0, s20;
	[sflag:s16] =	ssyncset.done @p5 $0x0  }
0x1e6: {  	[sflag:s16] =	ssyncadd.s32 @p5 $0xFFFFD800;
	s16 =	sadd.s32 @p5 s5, s20;
	s20 =	simm.s32 @p5 $0x0  }
0x1e7: {  	[tilespmem:s21], [sflag:$0x1] =	stream.linear.gather @p5 [hbm4b:s16+s20], $0x80, $0x38;
	[tilespmem:$0x1E900] =	vst v63  }
0x1e8: {  	s16 =	sshrl.u32 @p5 s18, $0x3  }
0x1e9: {  	s18 =	simm.s32 @p5 $0xA080;
	s16 =	sadd.s32 @p5 s1, s16  }
0x1ea: {  	[tilespmem:s18], [sflag:$0x1] =	stream.linear.gather @p5 [hbm4b:s16+s20], $0x2800, $0x38;
	[tilespmem:$0x1E900] =	vst v63  }
0x1eb: {  	s16 =	sadd.s32 $0x90, s15;
	s18 =	sadd.s32 $0xF00, s14  }
0x1ec: {  	s18 =	smov.u32 @p0 s16  }
0x1ed: {  	p5 =	slt.s32 s18, s9;
	p6 =	sge.s32 s18, s10  }
0x1ee: {  	p5 =	por @!p0 p6, p6  }
0x1ef: {  	s16 =	simm.s32 @p5 $0xA  }
0x1f0: {  	s20 =	sshll.u32 @p5 s18, $0x4;
	s21 =	simm.s32 @p5 $0x9D00;
	_ =	swait.ge @p5 [sflag:s16], $0x2800  }
0x1f1: {  	s18 =	smul.u32 @p5 $0x2800, s18;
	s20 =	sand.u32 @p5 $0x1FFFF9F0, s20;
	[sflag:s16] =	ssyncset.done @p5 $0x0  }
0x1f2: {  	[sflag:s16] =	ssyncadd.s32 @p5 $0xFFFFD800;
	s16 =	sadd.s32 @p5 s5, s20;
	s20 =	simm.s32 @p5 $0x0  }
0x1f3: {  	[tilespmem:s21], [sflag:$0x2] =	stream.linear.gather @p5 [hbm4b:s16+s20], $0x80, $0x38;
	[tilespmem:$0x1E900] =	vst v63  }
0x1f4: {  	s16 =	sshrl.u32 @p5 s18, $0x3  }
0x1f5: {  	s18 =	simm.s32 @p5 $0xC880;
	s16 =	sadd.s32 @p5 s1, s16  }
0x1f6: {  	[tilespmem:s18], [sflag:$0x2] =	stream.linear.gather @p5 [hbm4b:s16+s20], $0x2800, $0x38;
	[tilespmem:$0x1E900] =	vst v63  }
0x1f7: {  	s16 =	sadd.s32 $0xA0, s15;
	s18 =	sadd.s32 $0xEF0, s14  }
0x1f8: {  	s18 =	smov.u32 @p0 s16  }
0x1f9: {  	p5 =	slt.s32 s18, s9;
	p6 =	sge.s32 s18, s10  }
0x1fa: {  	p5 =	por @!p0 p6, p6  }
0x1fb: {  	s16 =	simm.s32 @p5 $0xB  }
0x1fc: {  	s20 =	sshll.u32 @p5 s18, $0x4;
	s21 =	simm.s32 @p5 $0x9D80;
	_ =	swait.ge @p5 [sflag:s16], $0x2800  }
0x1fd: {  	s18 =	smul.u32 @p5 $0x2800, s18;
	s20 =	sand.u32 @p5 $0x1FFFFFF0, s20;
	[sflag:s16] =	ssyncset.done @p5 $0x0  }
0x1fe: {  	[sflag:s16] =	ssyncadd.s32 @p5 $0xFFFFD800;
	s16 =	sadd.s32 @p5 s5, s20;
	s20 =	simm.s32 @p5 $0x0  }
0x1ff: {  	[tilespmem:s21], [sflag:$0x3] =	stream.linear.gather @p5 [hbm4b:s16+s20], $0x80, $0x38;
	[tilespmem:$0x1E900] =	vst v63  }
0x200: {  	s16 =	sshrl.u32 @p5 s18, $0x3  }
0x201: {  	s18 =	simm.s32 @p5 $0xF080;
	s16 =	sadd.s32 @p5 s1, s16  }
0x202: {  	[tilespmem:s18], [sflag:$0x3] =	stream.linear.gather @p5 [hbm4b:s16+s20], $0x2800, $0x38;
	[tilespmem:$0x1E900] =	vst v63  }
0x203: {  	s16 =	sadd.s32 $0xB0, s15;
	s18 =	sadd.s32 $0xEE0, s14  }
0x204: {  	s18 =	smov.u32 @p0 s16  }
0x205: {  	p5 =	slt.s32 s18, s9;
	p6 =	sge.s32 s18, s10  }
0x206: {  	p5 =	por @!p0 p6, p6  }
0x207: {  	s16 =	simm.s32 @p5 $0xC  }
0x208: {  	s20 =	sshll.u32 @p5 s18, $0x4;
	s21 =	simm.s32 @p5 $0x9E00;
	_ =	swait.ge @p5 [sflag:s16], $0x2800  }
0x209: {  	s18 =	smul.u32 @p5 $0x2800, s18;
	s20 =	sand.u32 @p5 $0x1FFFFFF0, s20;
	[sflag:s16] =	ssyncset.done @p5 $0x0  }
0x20a: {  	[sflag:s16] =	ssyncadd.s32 @p5 $0xFFFFD800;
	s16 =	sadd.s32 @p5 s5, s20;
	s20 =	simm.s32 @p5 $0x0  }
0x20b: {  	[tilespmem:s21], [sflag:$0x4] =	stream.linear.gather @p5 [hbm4b:s16+s20], $0x80, $0x38;
	[tilespmem:$0x1E900] =	vst v63  }
0x20c: {  	s16 =	sshrl.u32 @p5 s18, $0x3  }
0x20d: {  	s18 =	simm.s32 @p5 $0x11880;
	s16 =	sadd.s32 @p5 s1, s16  }
0x20e: {  	[tilespmem:s18], [sflag:$0x4] =	stream.linear.gather @p5 [hbm4b:s16+s20], $0x2800, $0x38;
	[tilespmem:$0x1E900] =	vst v63  }
0x20f: {  	s16 =	sadd.s32 $0xC0, s15;
	s18 =	sadd.s32 $0xED0, s14  }
0x210: {  	s18 =	smov.u32 @p0 s16  }
0x211: {  	p5 =	slt.s32 s18, s9;
	p6 =	sge.s32 s18, s10  }
0x212: {  	p5 =	por @!p0 p6, p6  }
0x213: {  	s16 =	simm.s32 @p5 $0xD  }
0x214: {  	s20 =	sshll.u32 @p5 s18, $0x4;
	s21 =	simm.s32 @p5 $0x9E80;
	_ =	swait.ge @p5 [sflag:s16], $0x2800  }
0x215: {  	s18 =	smul.u32 @p5 $0x2800, s18;
	s20 =	sand.u32 @p5 $0x1FFFFDF0, s20;
	[sflag:s16] =	ssyncset.done @p5 $0x0  }
0x216: {  	[sflag:s16] =	ssyncadd.s32 @p5 $0xFFFFD800;
	s16 =	sadd.s32 @p5 s5, s20;
	s20 =	simm.s32 @p5 $0x0  }
0x217: {  	[tilespmem:s21], [sflag:$0x5] =	stream.linear.gather @p5 [hbm4b:s16+s20], $0x80, $0x38;
	[tilespmem:$0x1E900] =	vst v63  }
0x218: {  	s16 =	sshrl.u32 @p5 s18, $0x3  }
0x219: {  	s18 =	simm.s32 @p5 $0x14080;
	s16 =	sadd.s32 @p5 s1, s16  }
0x21a: {  	[tilespmem:s18], [sflag:$0x5] =	stream.linear.gather @p5 [hbm4b:s16+s20], $0x2800, $0x38;
	[tilespmem:$0x1E900] =	vst v63  }
0x21b: {  	s16 =	sadd.s32 $0xD0, s15;
	s18 =	sadd.s32 $0xEC0, s14  }
0x21c: {  	s18 =	smov.u32 @p0 s16  }
0x21d: {  	p5 =	slt.s32 s18, s9;
	p6 =	sge.s32 s18, s10  }
0x21e: {  	p5 =	por @!p0 p6, p6  }
0x21f: {  	s16 =	simm.s32 @p5 $0xE  }
0x220: {  	s20 =	sshll.u32 @p5 s18, $0x4;
	s21 =	simm.s32 @p5 $0x9F00;
	_ =	swait.ge @p5 [sflag:s16], $0x2800  }
0x221: {  	s18 =	smul.u32 @p5 $0x2800, s18;
	s20 =	sand.u32 @p5 $0x1FFFFDF0, s20;
	[sflag:s16] =	ssyncset.done @p5 $0x0  }
0x222: {  	[sflag:s16] =	ssyncadd.s32 @p5 $0xFFFFD800;
	s16 =	sadd.s32 @p5 s5, s20;
	s20 =	simm.s32 @p5 $0x0  }
0x223: {  	[tilespmem:s21], [sflag:$0x6] =	stream.linear.gather @p5 [hbm4b:s16+s20], $0x80, $0x38;
	[tilespmem:$0x1E900] =	vst v63  }
0x224: {  	s16 =	sshrl.u32 @p5 s18, $0x3  }
0x225: {  	s18 =	simm.s32 @p5 $0x16880;
	s16 =	sadd.s32 @p5 s1, s16  }
0x226: {  	[tilespmem:s18], [sflag:$0x6] =	stream.linear.gather @p5 [hbm4b:s16+s20], $0x2800, $0x38;
	[tilespmem:$0x1E900] =	vst v63  }
0x227: {  	s16 =	sadd.s32 $0xE0, s15;
	s18 =	sadd.s32 $0xEB0, s14  }
0x228: {  	s18 =	smov.u32 @p0 s16  }
0x229: {  	p5 =	slt.s32 s18, s9;
	p6 =	sge.s32 s18, s10  }
0x22a: {  	p5 =	por @!p0 p6, p6  }
0x22b: {  	s16 =	simm.s32 @p5 $0xF  }
0x22c: {  	s20 =	sshll.u32 @p5 s18, $0x4;
	s21 =	simm.s32 @p5 $0x9F80;
	_ =	swait.ge @p5 [sflag:s16], $0x2800  }
0x22d: {  	s18 =	smul.u32 @p5 $0x2800, s18;
	s20 =	sand.u32 @p5 $0x1FFFFFF0, s20;
	[sflag:s16] =	ssyncset.done @p5 $0x0  }
0x22e: {  	[sflag:s16] =	ssyncadd.s32 @p5 $0xFFFFD800;
	s16 =	sadd.s32 @p5 s5, s20;
	s20 =	simm.s32 @p5 $0x0  }
0x22f: {  	[tilespmem:s21], [sflag:$0x7] =	stream.linear.gather @p5 [hbm4b:s16+s20], $0x80, $0x38;
	[tilespmem:$0x1E900] =	vst v63  }
0x230: {  	s15 =	sadd.s32 $0xF0, s15;
	s14 =	sadd.s32 $0xEA0, s14;
	s16 =	sshrl.u32 @p5 s18, $0x3  }
0x231: {  	s14 =	smov.u32 @p0 s15;
	s18 =	simm.s32 @p5 $0x19080;
	s16 =	sadd.s32 @p5 s1, s16  }
0x232: {  	[tilespmem:s18], [sflag:$0x7] =	stream.linear.gather @p5 [hbm4b:s16+s20], $0x2800, $0x38;
	[tilespmem:$0x1E900] =	vst v63  }
0x233: {  	p6 =	sge.s32 s14, s10;
	p5 =	slt.s32 s14, s9  }
0x234: {  	p5 =	por @!p0 p6, p6  }
0x235: {  	s15 =	simm.s32 @p5 $0x10;
	s16 =	sshll.u32 @p5 s14, $0x4;
	s14 =	smul.u32 @p5 $0x2800, s14  }
0x236: {  	s18 =	simm.s32 @p5 $0xA000;
	_ =	swait.ge @p5 [sflag:s15], $0x2800  }
0x237: {  	s16 =	sand.u32 @p5 $0x1FFFFFF0, s16;
	[sflag:s15] =	ssyncset.done @p5 $0x0;
	s14 =	sshrl.u32 @p5 s14, $0x3  }
0x238: {  	[sflag:s15] =	ssyncadd.s32 @p5 $0xFFFFD800;
	s15 =	sadd.s32 @p5 s5, s16;
	s16 =	simm.s32 @p5 $0x0  }
0x239: {  	[tilespmem:s18], [sflag:$0x8] =	stream.linear.gather @p5 [hbm4b:s15+s16], $0x80, $0x38;
	[tilespmem:$0x1E900] =	vst v63  }
0x23a: {  	s12 =	sadd.s32 $0xFFFFFF80, s12;
	s14 =	sadd.s32 @p5 s1, s14;
	s15 =	simm.s32 @p5 $0x1B880  }
0x23b: {  	[tilespmem:s15], [sflag:$0x8] =	stream.linear.gather @p5 [hbm4b:s14+s16], $0x2800, $0x38;
	[tilespmem:$0x1E900] =	vst v63  }
0x23c: {  	p5 =	sne.s32 s12, $0xFFFFF000  }
.Ltmp1:
0x23d: {  	_ = 	snop;
	(pc) =	sbr.rel @p5 .LBB2_4-.Ltmp1, $2  }
0x23e: {  	_ =	sdelay $0x2  }
0x23f: {  	s11 =	sadd.s32 $0x80, s11  }
0x240: {  	s9 =	sld [smem:$0x7E2];
	_ =	sdelay $0x2  }
0x241: {  	p5 =	seq.s32 s9, $0x1  }
0x242: {  	s9 =	simm.s32 @p5 $0x9  }
0x243: {  	_ =	swait.ge @p5 [sflag:s9], $0x2800  }
0x244: {  	s15 =	sld [smem:$0x7E3];
	_ =	sdelay $0x1  }
0x245: {  	[sflag:s9] =	ssyncset.done @p5 $0x0  }
0x246: {  	[sflag:s9] =	ssyncadd.s32 @p5 $0xFFFFD800;
	p5 =	seq.s32 s15, $0x1  }
0x247: {  	s9 =	simm.s32 @p5 $0xA  }
0x248: {  	_ =	swait.ge @p5 [sflag:s9], $0x2800  }
0x249: {  	s16 =	sld [smem:$0x7E4];
	_ =	sdelay $0x1  }
0x24a: {  	[sflag:s9] =	ssyncset.done @p5 $0x0  }
0x24b: {  	[sflag:s9] =	ssyncadd.s32 @p5 $0xFFFFD800;
	p5 =	seq.s32 s16, $0x1  }
0x24c: {  	s9 =	simm.s32 @p5 $0xB  }
0x24d: {  	_ =	swait.ge @p5 [sflag:s9], $0x2800  }
0x24e: {  	s18 =	sld [smem:$0x7E5];
	_ =	sdelay $0x1  }
0x24f: {  	[sflag:s9] =	ssyncset.done @p5 $0x0  }
0x250: {  	[sflag:s9] =	ssyncadd.s32 @p5 $0xFFFFD800;
	p5 =	seq.s32 s18, $0x1  }
0x251: {  	s9 =	simm.s32 @p5 $0xC  }
0x252: {  	_ =	swait.ge @p5 [sflag:s9], $0x2800  }
0x253: {  	[sflag:s9] =	ssyncset.done @p5 $0x0  }
0x254: {  	[sflag:s9] =	ssyncadd.s32 @p5 $0xFFFFD800;
	s9 =	simm.s32 @p2 $0xD  }
0x255: {  	_ =	swait.ge @p2 [sflag:s9], $0x2800  }
0x256: {  	[sflag:s9] =	ssyncset.done @p2 $0x0  }
0x257: {  	[sflag:s9] =	ssyncadd.s32 @p2 $0xFFFFD800;
	s9 =	simm.s32 @p1 $0xE  }
0x258: {  	_ =	swait.ge @p1 [sflag:s9], $0x2800  }
0x259: {  	[sflag:s9] =	ssyncset.done @p1 $0x0  }
0x25a: {  	[sflag:s9] =	ssyncadd.s32 @p1 $0xFFFFD800;
	s9 =	simm.s32 @p3 $0xF  }
0x25b: {  	_ =	swait.ge @p3 [sflag:s9], $0x2800  }
0x25c: {  	[sflag:s9] =	ssyncset.done @p3 $0x0  }
0x25d: {  	[sflag:s9] =	ssyncadd.s32 @p3 $0xFFFFD800;
	s9 =	simm.s32 @p4 $0x10  }
0x25e: {  	_ =	swait.ge @p4 [sflag:s9], $0x2800  }
0x25f: {  	[sflag:s9] =	ssyncset.done @p4 $0x0  }
0x260: {  	[sflag:s9] =	ssyncadd.s32 @p4 $0xFFFFD800  }
0x261: {  	[bflag:$0x0] =	sbarrier.arrive $0xFFFF  }
0x262: {  	s11 =	sld [smem:$0x7ED]  }
0x263: {  	s20 =	sshll.u32 s4, $0x6  }
0x264: {  	s9 =	sor.u32 $0x1C11, s20;
	s10 =	rddreg [dreg:$0x5]  }
0x265: {  	[hbm:s10], [sflag:s9] =	dma.local [spmem:s11], $0x280  }
0x266: {  	s11 =	sld [smem:$0x7EE];
	_ =	sdelay $0x1  }
0x267: {  	s10 =	rddreg [dreg:$0x6]  }
0x268: {  	[hbm:s10], [sflag:s9] =	dma.local [spmem:s11], $0x280  }
0x269: {  	s11 =	sld [smem:$0x7EF];
	_ =	sdelay $0x1  }
0x26a: {  	s10 =	rddreg [dreg:$0x7]  }
0x26b: {  	[hbm:s10], [sflag:s9] =	dma.local [spmem:s11], $0x280  }
0x26c: {  	s11 =	sld [smem:$0x7F0];
	_ =	sdelay $0x1  }
0x26d: {  	s10 =	rddreg [dreg:$0x8]  }
0x26e: {  	[hbm:s10], [sflag:s9] =	dma.local [spmem:s11], $0x280  }
0x26f: {  	s11 =	sld [smem:$0x7F1];
	_ =	sdelay $0x1  }
0x270: {  	s10 =	rddreg [dreg:$0x9]  }
0x271: {  	[hbm:s10], [sflag:s9] =	dma.local [spmem:s11], $0x280  }
0x272: {  	s11 =	sld [smem:$0x7F2];
	_ =	sdelay $0x1  }
0x273: {  	s10 =	rddreg [dreg:$0xa]  }
0x274: {  	[hbm:s10], [sflag:s9] =	dma.local [spmem:s11], $0x280  }
0x275: {  	s11 =	sld [smem:$0x7F3];
	_ =	sdelay $0x1  }
0x276: {  	s10 =	rddreg [dreg:$0xb]  }
0x277: {  	[hbm:s10], [sflag:s9] =	dma.local [spmem:s11], $0x280  }
0x278: {  	s11 =	sld [smem:$0x7F4];
	_ =	sdelay $0x2  }
0x279: {  	p2 =	seq.s32 s11, $0x1;
	s11 =	sld [smem:$0x7F5];
	_ =	sdelay $0x1  }
0x27a: {  	s10 =	rddreg [dreg:$0xc]  }
0x27b: {  	[hbm:s10], [sflag:s9] =	dma.local @!p2 [spmem:s11], $0x280  }
0x27c: {  	_ =	swait.ge [sflag:s7], $0x280  }
0x27d: {  	[sflag:s7] =	ssyncset.done $0x0  }
0x27e: {  	[sflag:s7] =	ssyncadd.s32 $0xFFFFFD80  }
0x27f: {  	_ =	swait.ge [sflag:s7], $0x280  }
0x280: {  	[sflag:s7] =	ssyncset.done $0x0  }
0x281: {  	[sflag:s7] =	ssyncadd.s32 $0xFFFFFD80  }
0x282: {  	_ =	swait.ge [sflag:s7], $0x280  }
0x283: {  	[sflag:s7] =	ssyncset.done $0x0  }
0x284: {  	[sflag:s7] =	ssyncadd.s32 $0xFFFFFD80  }
0x285: {  	_ =	swait.ge [sflag:s7], $0x280  }
0x286: {  	[sflag:s7] =	ssyncset.done $0x0  }
0x287: {  	[sflag:s7] =	ssyncadd.s32 $0xFFFFFD80  }
0x288: {  	_ =	swait.ge [sflag:s7], $0x280  }
0x289: {  	[sflag:s7] =	ssyncset.done $0x0  }
0x28a: {  	[sflag:s7] =	ssyncadd.s32 $0xFFFFFD80  }
0x28b: {  	_ =	swait.ge [sflag:s7], $0x280  }
0x28c: {  	[sflag:s7] =	ssyncset.done $0x0  }
0x28d: {  	[sflag:s7] =	ssyncadd.s32 $0xFFFFFD80  }
0x28e: {  	_ =	swait.ge [sflag:s7], $0x280  }
0x28f: {  	[sflag:s7] =	ssyncset.done $0x0  }
0x290: {  	s9 =	simm.s32 @!p2 $0x11;
	[sflag:s7] =	ssyncadd.s32 $0xFFFFFD80  }
0x291: {  	_ =	swait.ge @!p2 [sflag:s9], $0x280  }
0x292: {  	s21 =	sld [smem:$0x7EB];
	_ =	sdelay $0x1  }
0x293: {  	s8 =	sadd.s32 $0x1, s8  }
0x294: {  	p1 =	sne.s32 s8, s21  }
.Ltmp2:
0x295: {  	_ = 	snop;
	(pc) =	sbr.rel @p1 .LBB2_1-.Ltmp2, $3  }
0x296: {  	_ =	sdelay $0x1  }
0x297: {  	[sflag:s9] =	ssyncset.done @!p2 $0x0  }
0x298: {  	[sflag:s9] =	ssyncadd.s32 @!p2 $0xFFFFFD80  }
0x299: {  	_ =	sfence.sel $0x180000  }
0x29a: {  	[bflag:$0x0] =	sbarrier.arrive $0xFFFF  }
0x29b: {  	_ =	strace $0x90000047  }
0x29c: {  	[bflag:$0x2] =	sbarrier.arrive $0xFFFF  }
0x29d: {  	p0 =	sne.s32 s4, $0x0;
	s0 =	rddreg [dreg:$0x4]  }
0x29e: {  	s0 =	sadd.s32 @!p0 $0x100000, s0  }
0x29f: {  	[sflag:s0] =	ssyncadd.tile.s32 @!p0 $0x1;
	_ =	shalt  }
.Lfunc_end2:
_tile_overlayer_lowered:
.L_overlay_start_2:
0x2a0: {  	(tag) =	ssettag $0x2  }
0x2a1: {  	s0 =	rddreg [dreg:$0x0];
	s2 =	stileid.u32  }
0x2a2: {  	s1 =	rddreg [dreg:$0x1];
	p0 =	sne.s32 s2, $0x0  }
0x2a3: {  	s3 =	rddreg [dreg:$0x2];
	[bflag:$0x3] =	sbarrier.arrive $0xFFFF;
	s2 =	simm.s32 @!p0 $0x1C12  }
0x2a4: {  	[timem:s3], [sflag:s2] =	dma.local @!p0 [hbm:s0], s1  }
0x2a5: {  	s0 =	simm.s32 @!p0 $0x12  }
0x2a6: {  	_ =	swait.ge @!p0 [sflag:s0], s1  }
0x2a7: {  	s1 =	ssub.s32 @!p0 $0x0, s1;
	[sflag:s0] =	ssyncset.done @!p0 $0x0  }
0x2a8: {  	[sflag:s0] =	ssyncadd.s32 @!p0 s1  }
0x2a9: {  	[bflag:$0x3] =	sbarrier.arrive $0xFFFF  }
0x2aa: {  	_ =	shalt  }

</sc_bundles>
